<compile_context>
chip_gen: v7x
topology: tpu7x:2x2x1
jax: 0.10.2.dev20260603
libtpu: 0.0.44.dev20260713+nightly
codegen_flags: <defaults>
</compile_context>

<pallas_src>
import functools

import jax
import jax.numpy as jnp
from jax import lax
from jax.experimental import pallas as pl
from jax.experimental.pallas import tpu as pltpu
from jax.experimental.pallas import tpu_sc as plsc

BATCH = 16384
EMBED = 32
HIDDEN = 64
BLK = 2048
LANES = 128
NBUF = 8


def _sc_gather(user_id, item_id, ut_t, it_t):
    info = plsc.get_sparse_core_info()
    nc, ns = info.num_cores, info.num_subcores
    nw = nc * ns
    b_per_w = BATCH // nw
    mesh = plsc.VectorSubcoreMesh(core_axis_name="c", subcore_axis_name="s")

    @functools.partial(
        pl.kernel,
        mesh=mesh,
        compiler_params=pltpu.CompilerParams(
            disable_bounds_checks=True, needs_layout_passes=False),
        out_type=jax.ShapeDtypeStruct((2 * EMBED * BATCH,), jnp.float32),
        scratch_types=[
            pltpu.VMEM((b_per_w,), jnp.int32),
            pltpu.VMEM((b_per_w,), jnp.int32),
            pltpu.VMEM((2 * EMBED * b_per_w,), jnp.float32),
        ]
        + [pltpu.VMEM((EMBED, LANES), jnp.float32) for _ in range(2 * NBUF)]
        + [pltpu.SemaphoreType.DMA for _ in range(2 * NBUF)],
    )
    def gather_k(uid_hbm, iid_hbm, ut_hbm, it_hbm, xt_hbm,
                 uidx_v, iidx_v, xt_v, *stage_and_sems):
        stage = stage_and_sems[:2 * NBUF]
        sems = stage_and_sems[2 * NBUF:]
        wid = lax.axis_index("s") * nc + lax.axis_index("c")
        base = wid * b_per_w
        pltpu.sync_copy(uid_hbm.at[pl.ds(base, b_per_w)], uidx_v)
        pltpu.sync_copy(iid_hbm.at[pl.ds(base, b_per_w)], iidx_v)

        iota16 = lax.iota(jnp.int32, 16)
        xpos_lo = iota16 * b_per_w
        xpos_hi = (iota16 + 16) * b_per_w

        def fire(tbl, col, buf, sem):
            tile0 = pl.multiple_of((col >> 7) << 7, LANES)
            pltpu.async_copy(tbl.at[:, pl.ds(tile0, LANES)], buf, sem)

        def extract(e, lvec, buf, sem, xoff):
            pltpu.make_async_copy(
                ut_hbm.at[:, pl.ds(0, LANES)], buf, sem).wait()
            lo = plsc.load_gather(buf, [iota16, lvec])
            hi = plsc.load_gather(buf, [iota16 + 16, lvec])
            ecast = jnp.full((16,), e, jnp.int32)
            plsc.store_scatter(xt_v, [xoff + xpos_lo + ecast], lo)
            plsc.store_scatter(xt_v, [xoff + xpos_hi + ecast], hi)

        stage_u, stage_i = stage[:NBUF], stage[NBUF:]
        sems_u, sems_i = sems[:NBUF], sems[NBUF:]
        xoff_i = EMBED * b_per_w

        uv0 = uidx_v[pl.ds(0, 16)]
        iv0 = iidx_v[pl.ds(0, 16)]
        for e in range(NBUF):
            fire(ut_hbm, uv0[e], stage_u[e], sems_u[e])
            fire(it_hbm, iv0[e], stage_i[e], sems_i[e])

        @pl.loop(0, (b_per_w - 16) // 16)
        def _(w):
            e0 = w * 16
            uw = uidx_v[pl.ds(e0, 16)]
            iw = iidx_v[pl.ds(e0, 16)]
            uw2 = uidx_v[pl.ds(e0 + 16, 16)]
            iw2 = iidx_v[pl.ds(e0 + 16, 16)]
            ul = uw & (LANES - 1)
            il = iw & (LANES - 1)
            for i in range(16):
                s = i % NBUF
                e = e0 + i
                extract(e, jnp.full((16,), ul[i], jnp.int32),
                        stage_u[s], sems_u[s], 0)
                ucol = uw[i + NBUF] if i < NBUF else uw2[i - NBUF]
                fire(ut_hbm, ucol, stage_u[s], sems_u[s])
                extract(e, jnp.full((16,), il[i], jnp.int32),
                        stage_i[s], sems_i[s], xoff_i)
                icol = iw[i + NBUF] if i < NBUF else iw2[i - NBUF]
                fire(it_hbm, icol, stage_i[s], sems_i[s])

        e0 = b_per_w - 16
        uw = uidx_v[pl.ds(e0, 16)]
        iw = iidx_v[pl.ds(e0, 16)]
        ul = uw & (LANES - 1)
        il = iw & (LANES - 1)
        for i in range(16):
            s = i % NBUF
            e = e0 + i
            extract(e, jnp.full((16,), ul[i], jnp.int32),
                    stage_u[s], sems_u[s], 0)
            extract(e, jnp.full((16,), il[i], jnp.int32),
                    stage_i[s], sems_i[s], xoff_i)
            if i < NBUF:
                fire(ut_hbm, uw[i + NBUF], stage_u[s], sems_u[s])
                fire(it_hbm, iw[i + NBUF], stage_i[s], sems_i[s])

        for c in range(2 * EMBED):
            pltpu.sync_copy(
                xt_v.at[pl.ds(c * b_per_w, b_per_w)],
                xt_hbm.at[pl.ds(c * BATCH + base, b_per_w)])

    return gather_k(user_id, item_id, ut_t, it_t)


def _mlp_body(xt_ref, w1_ref, b1_ref, w2_ref, b2_ref, out_ref):
    h = jnp.dot(w1_ref[...], xt_ref[...], preferred_element_type=jnp.float32)
    h = jnp.maximum(h + b1_ref[...], 0.0)
    out_ref[...] = (
        jnp.dot(w2_ref[...], h, preferred_element_type=jnp.float32)
        + b2_ref[0, 0]
    )


def _tc_mlp(xt, W1, b1_col, W2, b2_2d):
    grid = (BATCH // BLK,)
    return pl.pallas_call(
        _mlp_body,
        grid=grid,
        in_specs=[
            pl.BlockSpec((2 * EMBED, BLK), lambda i: (0, i)),
            pl.BlockSpec((HIDDEN, 2 * EMBED), lambda i: (0, 0)),
            pl.BlockSpec((HIDDEN, 1), lambda i: (0, 0)),
            pl.BlockSpec((1, HIDDEN), lambda i: (0, 0)),
            pl.BlockSpec((1, 1), lambda i: (0, 0)),
        ],
        out_specs=pl.BlockSpec((1, BLK), lambda i: (0, i)),
        out_shape=jax.ShapeDtypeStruct((1, BATCH), jnp.float32),
    )(xt, W1, b1_col, W2, b2_2d)


def kernel(user_id, item_id, user_table, item_table, W1, b1, W2, b2):
    uid = user_id.astype(jnp.int32)
    iid = item_id.astype(jnp.int32)
    xt_flat = _sc_gather(uid, iid, user_table.T, item_table.T)
    xt = xt_flat.reshape(2 * EMBED, BATCH)
    out = _tc_mlp(xt, W1, b1.reshape(HIDDEN, 1), W2, b2.reshape(1, 1))
    return out.reshape(BATCH)

# --- scband reference (transcript-rebuilt; emitter-appended) ---
"""Pipeline reference for scband-rec-sys-model-85426899517690 (READ-ONLY COPY).

The authoritative reference and input builder live on the scoring server;
editing this copy changes nothing except your own understanding.
"""

import jax, jax.numpy as jnp
import numpy as np

NUM_USERS = 1000000
NUM_ITEMS = 1000000
EMBED_DIM = 32
BATCH = 16384
HIDDEN = 64

def setup_inputs(seed: int = 0) -> dict:
    key = jax.random.key(seed)
    k1, k2, k3, k4, k5, k6 = jax.random.split(key, 6)
    user_id = jax.random.randint(k1, (BATCH,), 0, NUM_USERS, dtype=jnp.int64) if jax.config.jax_enable_x64 else jax.random.randint(k1, (BATCH,), 0, NUM_USERS, dtype=jnp.int32)
    item_id = jax.random.randint(k2, (BATCH,), 0, NUM_ITEMS, dtype=jnp.int32)
    user_table = jax.random.normal(k3, (NUM_USERS, EMBED_DIM), dtype=jnp.float32)
    item_table = jax.random.normal(k4, (NUM_ITEMS, EMBED_DIM), dtype=jnp.float32)
    # mlp: Linear(2*EMBED_DIM -> 64), ReLU, Linear(64 -> 1)
    W1 = jax.random.normal(k5, (HIDDEN, 2 * EMBED_DIM), dtype=jnp.float32) * (1.0 / np.sqrt(2 * EMBED_DIM))
    b1 = jnp.zeros((HIDDEN,), dtype=jnp.float32)
    W2 = jax.random.normal(k6, (1, HIDDEN), dtype=jnp.float32) * (1.0 / np.sqrt(HIDDEN))
    b2 = jnp.zeros((1,), dtype=jnp.float32)
    return {"user_id": user_id, "item_id": item_id, "user_table": user_table, "item_table": item_table, "W1": W1, "b1": b1, "W2": W2, "b2": b2}

def reference(user_id, item_id, user_table, item_table, W1, b1, W2, b2):
    user_emb = jnp.take(user_table, user_id, axis=0)   # [B, D] gather
    item_emb = jnp.take(item_table, item_id, axis=0)   # [B, D] gather
    x = jnp.concatenate([user_emb, item_emb], axis=-1)  # [B, 2D]
    h = jnp.maximum(x @ W1.T + b1, 0.0)                 # Linear + ReLU
    out = h @ W2.T + b2                                  # Linear -> [B, 1]
    return jnp.squeeze(out, axis=-1)                     # [B]

if __name__ == "__main__":
    import jax
    _d = setup_inputs()
    print(jax.jit(kernel)(*tuple(_d.values())))

</pallas_src>

<mosaic_0001>
#map = affine_map<(d0, d1) -> (0)>
#map1 = affine_map<(d0, d1) -> (0, 0)>
module attributes {stable_mosaic.version = 14 : i64} {
  func.func @gather_k(%arg0: i32, %arg1: i32, %arg2: memref<16384xi32, #tpu.memory_space<hbm>>, %arg3: memref<16384xi32, #tpu.memory_space<hbm>>, %arg4: memref<32x1000000xf32, #tpu.memory_space<hbm>>, %arg5: memref<32x1000000xf32, #tpu.memory_space<hbm>>, %arg6: memref<1048576xf32, #tpu.memory_space<hbm>>, %arg7: memref<512xi32, #tpu.memory_space<vmem>>, %arg8: memref<512xi32, #tpu.memory_space<vmem>>, %arg9: memref<32768xf32, #tpu.memory_space<vmem>>, %arg10: memref<32x128xf32, #tpu.memory_space<vmem>>, %arg11: memref<32x128xf32, #tpu.memory_space<vmem>>, %arg12: memref<32x128xf32, #tpu.memory_space<vmem>>, %arg13: memref<32x128xf32, #tpu.memory_space<vmem>>, %arg14: memref<32x128xf32, #tpu.memory_space<vmem>>, %arg15: memref<32x128xf32, #tpu.memory_space<vmem>>, %arg16: memref<32x128xf32, #tpu.memory_space<vmem>>, %arg17: memref<32x128xf32, #tpu.memory_space<vmem>>, %arg18: memref<32x128xf32, #tpu.memory_space<vmem>>, %arg19: memref<32x128xf32, #tpu.memory_space<vmem>>, %arg20: memref<32x128xf32, #tpu.memory_space<vmem>>, %arg21: memref<32x128xf32, #tpu.memory_space<vmem>>, %arg22: memref<32x128xf32, #tpu.memory_space<vmem>>, %arg23: memref<32x128xf32, #tpu.memory_space<vmem>>, %arg24: memref<32x128xf32, #tpu.memory_space<vmem>>, %arg25: memref<32x128xf32, #tpu.memory_space<vmem>>, %arg26: memref<!tpu.dma_semaphore, #tpu.memory_space<semaphore_mem>>, %arg27: memref<!tpu.dma_semaphore, #tpu.memory_space<semaphore_mem>>, %arg28: memref<!tpu.dma_semaphore, #tpu.memory_space<semaphore_mem>>, %arg29: memref<!tpu.dma_semaphore, #tpu.memory_space<semaphore_mem>>, %arg30: memref<!tpu.dma_semaphore, #tpu.memory_space<semaphore_mem>>, %arg31: memref<!tpu.dma_semaphore, #tpu.memory_space<semaphore_mem>>, %arg32: memref<!tpu.dma_semaphore, #tpu.memory_space<semaphore_mem>>, %arg33: memref<!tpu.dma_semaphore, #tpu.memory_space<semaphore_mem>>, %arg34: memref<!tpu.dma_semaphore, #tpu.memory_space<semaphore_mem>>, %arg35: memref<!tpu.dma_semaphore, #tpu.memory_space<semaphore_mem>>, %arg36: memref<!tpu.dma_semaphore, #tpu.memory_space<semaphore_mem>>, %arg37: memref<!tpu.dma_semaphore, #tpu.memory_space<semaphore_mem>>, %arg38: memref<!tpu.dma_semaphore, #tpu.memory_space<semaphore_mem>>, %arg39: memref<!tpu.dma_semaphore, #tpu.memory_space<semaphore_mem>>, %arg40: memref<!tpu.dma_semaphore, #tpu.memory_space<semaphore_mem>>, %arg41: memref<!tpu.dma_semaphore, #tpu.memory_space<semaphore_mem>>) attributes {dimension_semantics = [#tpu.dimension_semantics<core_parallel>, #tpu.dimension_semantics<subcore_parallel>], iteration_bounds = array<i64: 2, 16>, scalar_prefetch = 0 : i64, scratch_operands = 35 : i64, tpu.core_type = #tpu.core_type<sc_vector_subcore>, window_params = [{transform_indices = #map}, {transform_indices = #map}, {transform_indices = #map1}, {transform_indices = #map1}, {transform_indices = #map}]} {
    %mul3A = arith.constant 2 : i32
    %mul3A_0 = arith.muli %arg1, %mul3A : i32
    %add3A = arith.addi %mul3A_0, %arg0 : i32
    %mul3A_1 = arith.constant 512 : i32
    %mul3A_2 = arith.muli %add3A, %mul3A_1 : i32
    "tpu.region"() ({
      %run_scoped3A = tpu.sem_alloc : memref<!tpu.dma_semaphore, #tpu.memory_space<semaphore_mem>>
      %dma_start3A_1267 = tpu.memref_slice %arg2[%mul3A_2] : memref<16384xi32, #tpu.memory_space<hbm>> -> memref<512xi32, #tpu.memory_space<hbm>>
      %dma_start3A_1268 = tpu.memref_slice %arg2[%mul3A_2] : memref<16384xi32, #tpu.memory_space<hbm>> -> memref<512xi32, #tpu.memory_space<hbm>>
      tpu.enqueue_dma source(%dma_start3A_1268 : memref<512xi32, #tpu.memory_space<hbm>>) target(%arg7 : memref<512xi32, #tpu.memory_space<vmem>>) target_semaphore(%run_scoped3A : memref<!tpu.dma_semaphore, #tpu.memory_space<semaphore_mem>>)
      %dma_wait3A_1269 = tpu.memref_slice %arg2[%mul3A_2] : memref<16384xi32, #tpu.memory_space<hbm>> -> memref<512xi32, #tpu.memory_space<hbm>>
      %dma_wait3A_1270 = tpu.memref_slice %arg2[%mul3A_2] : memref<16384xi32, #tpu.memory_space<hbm>> -> memref<512xi32, #tpu.memory_space<hbm>>
      tpu.wait_dma2 semaphore(%run_scoped3A : memref<!tpu.dma_semaphore, #tpu.memory_space<semaphore_mem>>) src(%dma_wait3A_1270 : memref<512xi32, #tpu.memory_space<hbm>>) dst(%arg7 : memref<512xi32, #tpu.memory_space<vmem>>)
      tpu.yield
    }) : () -> ()
    "tpu.region"() ({
      %run_scoped3A = tpu.sem_alloc : memref<!tpu.dma_semaphore, #tpu.memory_space<semaphore_mem>>
      %dma_start3A_1267 = tpu.memref_slice %arg3[%mul3A_2] : memref<16384xi32, #tpu.memory_space<hbm>> -> memref<512xi32, #tpu.memory_space<hbm>>
      %dma_start3A_1268 = tpu.memref_slice %arg3[%mul3A_2] : memref<16384xi32, #tpu.memory_space<hbm>> -> memref<512xi32, #tpu.memory_space<hbm>>
      tpu.enqueue_dma source(%dma_start3A_1268 : memref<512xi32, #tpu.memory_space<hbm>>) target(%arg8 : memref<512xi32, #tpu.memory_space<vmem>>) target_semaphore(%run_scoped3A : memref<!tpu.dma_semaphore, #tpu.memory_space<semaphore_mem>>)
      %dma_wait3A_1269 = tpu.memref_slice %arg3[%mul3A_2] : memref<16384xi32, #tpu.memory_space<hbm>> -> memref<512xi32, #tpu.memory_space<hbm>>
      %dma_wait3A_1270 = tpu.memref_slice %arg3[%mul3A_2] : memref<16384xi32, #tpu.memory_space<hbm>> -> memref<512xi32, #tpu.memory_space<hbm>>
      tpu.wait_dma2 semaphore(%run_scoped3A : memref<!tpu.dma_semaphore, #tpu.memory_space<semaphore_mem>>) src(%dma_wait3A_1270 : memref<512xi32, #tpu.memory_space<hbm>>) dst(%arg8 : memref<512xi32, #tpu.memory_space<vmem>>)
      tpu.yield
    }) : () -> ()
    %iota3A = tpu.iota {dimensions = array<i32: 0>} : vector<16xi32>
    %mul3A_3 = arith.constant 512 : i32
    %mul3A_4 = vector.broadcast %mul3A_3 : i32 to vector<16xi32>
    %mul3A_5 = arith.muli %iota3A, %mul3A_4 : vector<16xi32>
    %add3A_6 = arith.constant 16 : i32
    %add3A_7 = vector.broadcast %add3A_6 : i32 to vector<16xi32>
    %add3A_8 = arith.addi %iota3A, %add3A_7 : vector<16xi32>
    %mul3A_9 = arith.constant 512 : i32
    %mul3A_10 = vector.broadcast %mul3A_9 : i32 to vector<16xi32>
    %mul3A_11 = arith.muli %add3A_8, %mul3A_10 : vector<16xi32>
    %get3A = arith.constant 0 : index
    %get3A_12 = tpu.vector_load %arg7[%get3A] {strides = array<i32>} : memref<512xi32, #tpu.memory_space<vmem>>, vector<16xi32>,
    %get3A_13 = arith.constant 0 : index
    %get3A_14 = tpu.vector_load %arg8[%get3A_13] {strides = array<i32>} : memref<512xi32, #tpu.memory_space<vmem>>, vector<16xi32>,
    %slice3A = vector.extract_strided_slice %get3A_12 {offsets = [0], sizes = [1], strides = [1]} : vector<16xi32> to vector<1xi32>
    %squeeze3A = vector.extract %slice3A[0] : i32 from vector<1xi32>
    %shift_right_arithmetic3A = arith.constant 7 : i32
    %shift_right_arithmetic3A_15 = arith.shrsi %squeeze3A, %shift_right_arithmetic3A : i32
    %shift_left3A = arith.constant 7 : i32
    %shift_left3A_16 = arith.shli %shift_right_arithmetic3A_15, %shift_left3A : i32
    %multiple_of3A = tpu.assume_multiple %shift_left3A_16, 128 : i32
    %dma_start3A = arith.constant 0 : i32
    %dma_start3A_17 = tpu.memref_slice %arg4[%dma_start3A, %multiple_of3A] : memref<32x1000000xf32, #tpu.memory_space<hbm>> -> memref<32x128xf32, #tpu.memory_space<hbm>>
    %dma_start3A_18 = arith.constant 0 : i32
    %dma_start3A_19 = tpu.memref_slice %arg4[%dma_start3A_18, %multiple_of3A] : memref<32x1000000xf32, #tpu.memory_space<hbm>> -> memref<32x128xf32, #tpu.memory_space<hbm>>
    tpu.enqueue_dma source(%dma_start3A_19 : memref<32x128xf32, #tpu.memory_space<hbm>>) target(%arg10 : memref<32x128xf32, #tpu.memory_space<vmem>>) target_semaphore(%arg26 : memref<!tpu.dma_semaphore, #tpu.memory_space<semaphore_mem>>)
    %slice3A_20 = vector.extract_strided_slice %get3A_14 {offsets = [0], sizes = [1], strides = [1]} : vector<16xi32> to vector<1xi32>
    %squeeze3A_21 = vector.extract %slice3A_20[0] : i32 from vector<1xi32>
    %shift_right_arithmetic3A_22 = arith.constant 7 : i32
    %shift_right_arithmetic3A_23 = arith.shrsi %squeeze3A_21, %shift_right_arithmetic3A_22 : i32
    %shift_left3A_24 = arith.constant 7 : i32
    %shift_left3A_25 = arith.shli %shift_right_arithmetic3A_23, %shift_left3A_24 : i32
    %multiple_of3A_26 = tpu.assume_multiple %shift_left3A_25, 128 : i32
    %dma_start3A_27 = arith.constant 0 : i32
    %dma_start3A_28 = tpu.memref_slice %arg5[%dma_start3A_27, %multiple_of3A_26] : memref<32x1000000xf32, #tpu.memory_space<hbm>> -> memref<32x128xf32, #tpu.memory_space<hbm>>
    %dma_start3A_29 = arith.constant 0 : i32
    %dma_start3A_30 = tpu.memref_slice %arg5[%dma_start3A_29, %multiple_of3A_26] : memref<32x1000000xf32, #tpu.memory_space<hbm>> -> memref<32x128xf32, #tpu.memory_space<hbm>>
    tpu.enqueue_dma source(%dma_start3A_30 : memref<32x128xf32, #tpu.memory_space<hbm>>) target(%arg18 : memref<32x128xf32, #tpu.memory_space<vmem>>) target_semaphore(%arg34 : memref<!tpu.dma_semaphore, #tpu.memory_space<semaphore_mem>>)
    %slice3A_31 = vector.extract_strided_slice %get3A_12 {offsets = [1], sizes = [1], strides = [1]} : vector<16xi32> to vector<1xi32>
    %squeeze3A_32 = vector.extract %slice3A_31[0] : i32 from vector<1xi32>
    %shift_right_arithmetic3A_33 = arith.constant 7 : i32
    %shift_right_arithmetic3A_34 = arith.shrsi %squeeze3A_32, %shift_right_arithmetic3A_33 : i32
    %shift_left3A_35 = arith.constant 7 : i32
    %shift_left3A_36 = arith.shli %shift_right_arithmetic3A_34, %shift_left3A_35 : i32
    %multiple_of3A_37 = tpu.assume_multiple %shift_left3A_36, 128 : i32
    %dma_start3A_38 = arith.constant 0 : i32
    %dma_start3A_39 = tpu.memref_slice %arg4[%dma_start3A_38, %multiple_of3A_37] : memref<32x1000000xf32, #tpu.memory_space<hbm>> -> memref<32x128xf32, #tpu.memory_space<hbm>>
    %dma_start3A_40 = arith.constant 0 : i32
    %dma_start3A_41 = tpu.memref_slice %arg4[%dma_start3A_40, %multiple_of3A_37] : memref<32x1000000xf32, #tpu.memory_space<hbm>> -> memref<32x128xf32, #tpu.memory_space<hbm>>
    tpu.enqueue_dma source(%dma_start3A_41 : memref<32x128xf32, #tpu.memory_space<hbm>>) target(%arg11 : memref<32x128xf32, #tpu.memory_space<vmem>>) target_semaphore(%arg27 : memref<!tpu.dma_semaphore, #tpu.memory_space<semaphore_mem>>)
    %slice3A_42 = vector.extract_strided_slice %get3A_14 {offsets = [1], sizes = [1], strides = [1]} : vector<16xi32> to vector<1xi32>
    %squeeze3A_43 = vector.extract %slice3A_42[0] : i32 from vector<1xi32>
    %shift_right_arithmetic3A_44 = arith.constant 7 : i32
    %shift_right_arithmetic3A_45 = arith.shrsi %squeeze3A_43, %shift_right_arithmetic3A_44 : i32
    %shift_left3A_46 = arith.constant 7 : i32
    %shift_left3A_47 = arith.shli %shift_right_arithmetic3A_45, %shift_left3A_46 : i32
    %multiple_of3A_48 = tpu.assume_multiple %shift_left3A_47, 128 : i32
    %dma_start3A_49 = arith.constant 0 : i32
    %dma_start3A_50 = tpu.memref_slice %arg5[%dma_start3A_49, %multiple_of3A_48] : memref<32x1000000xf32, #tpu.memory_space<hbm>> -> memref<32x128xf32, #tpu.memory_space<hbm>>
    %dma_start3A_51 = arith.constant 0 : i32
    %dma_start3A_52 = tpu.memref_slice %arg5[%dma_start3A_51, %multiple_of3A_48] : memref<32x1000000xf32, #tpu.memory_space<hbm>> -> memref<32x128xf32, #tpu.memory_space<hbm>>
    tpu.enqueue_dma source(%dma_start3A_52 : memref<32x128xf32, #tpu.memory_space<hbm>>) target(%arg19 : memref<32x128xf32, #tpu.memory_space<vmem>>) target_semaphore(%arg35 : memref<!tpu.dma_semaphore, #tpu.memory_space<semaphore_mem>>)
    %slice3A_53 = vector.extract_strided_slice %get3A_12 {offsets = [2], sizes = [1], strides = [1]} : vector<16xi32> to vector<1xi32>
    %squeeze3A_54 = vector.extract %slice3A_53[0] : i32 from vector<1xi32>
    %shift_right_arithmetic3A_55 = arith.constant 7 : i32
    %shift_right_arithmetic3A_56 = arith.shrsi %squeeze3A_54, %shift_right_arithmetic3A_55 : i32
    %shift_left3A_57 = arith.constant 7 : i32
    %shift_left3A_58 = arith.shli %shift_right_arithmetic3A_56, %shift_left3A_57 : i32
    %multiple_of3A_59 = tpu.assume_multiple %shift_left3A_58, 128 : i32
    %dma_start3A_60 = arith.constant 0 : i32
    %dma_start3A_61 = tpu.memref_slice %arg4[%dma_start3A_60, %multiple_of3A_59] : memref<32x1000000xf32, #tpu.memory_space<hbm>> -> memref<32x128xf32, #tpu.memory_space<hbm>>
    %dma_start3A_62 = arith.constant 0 : i32
    %dma_start3A_63 = tpu.memref_slice %arg4[%dma_start3A_62, %multiple_of3A_59] : memref<32x1000000xf32, #tpu.memory_space<hbm>> -> memref<32x128xf32, #tpu.memory_space<hbm>>
    tpu.enqueue_dma source(%dma_start3A_63 : memref<32x128xf32, #tpu.memory_space<hbm>>) target(%arg12 : memref<32x128xf32, #tpu.memory_space<vmem>>) target_semaphore(%arg28 : memref<!tpu.dma_semaphore, #tpu.memory_space<semaphore_mem>>)
    %slice3A_64 = vector.extract_strided_slice %get3A_14 {offsets = [2], sizes = [1], strides = [1]} : vector<16xi32> to vector<1xi32>
    %squeeze3A_65 = vector.extract %slice3A_64[0] : i32 from vector<1xi32>
    %shift_right_arithmetic3A_66 = arith.constant 7 : i32
    %shift_right_arithmetic3A_67 = arith.shrsi %squeeze3A_65, %shift_right_arithmetic3A_66 : i32
    %shift_left3A_68 = arith.constant 7 : i32
    %shift_left3A_69 = arith.shli %shift_right_arithmetic3A_67, %shift_left3A_68 : i32
    %multiple_of3A_70 = tpu.assume_multiple %shift_left3A_69, 128 : i32
    %dma_start3A_71 = arith.constant 0 : i32
    %dma_start3A_72 = tpu.memref_slice %arg5[%dma_start3A_71, %multiple_of3A_70] : memref<32x1000000xf32, #tpu.memory_space<hbm>> -> memref<32x128xf32, #tpu.memory_space<hbm>>
    %dma_start3A_73 = arith.constant 0 : i32
    %dma_start3A_74 = tpu.memref_slice %arg5[%dma_start3A_73, %multiple_of3A_70] : memref<32x1000000xf32, #tpu.memory_space<hbm>> -> memref<32x128xf32, #tpu.memory_space<hbm>>
    tpu.enqueue_dma source(%dma_start3A_74 : memref<32x128xf32, #tpu.memory_space<hbm>>) target(%arg20 : memref<32x128xf32, #tpu.memory_space<vmem>>) target_semaphore(%arg36 : memref<!tpu.dma_semaphore, #tpu.memory_space<semaphore_mem>>)
    %slice3A_75 = vector.extract_strided_slice %get3A_12 {offsets = [3], sizes = [1], strides = [1]} : vector<16xi32> to vector<1xi32>
    %squeeze3A_76 = vector.extract %slice3A_75[0] : i32 from vector<1xi32>
    %shift_right_arithmetic3A_77 = arith.constant 7 : i32
    %shift_right_arithmetic3A_78 = arith.shrsi %squeeze3A_76, %shift_right_arithmetic3A_77 : i32
    %shift_left3A_79 = arith.constant 7 : i32
    %shift_left3A_80 = arith.shli %shift_right_arithmetic3A_78, %shift_left3A_79 : i32
    %multiple_of3A_81 = tpu.assume_multiple %shift_left3A_80, 128 : i32
    %dma_start3A_82 = arith.constant 0 : i32
    %dma_start3A_83 = tpu.memref_slice %arg4[%dma_start3A_82, %multiple_of3A_81] : memref<32x1000000xf32, #tpu.memory_space<hbm>> -> memref<32x128xf32, #tpu.memory_space<hbm>>
    %dma_start3A_84 = arith.constant 0 : i32
    %dma_start3A_85 = tpu.memref_slice %arg4[%dma_start3A_84, %multiple_of3A_81] : memref<32x1000000xf32, #tpu.memory_space<hbm>> -> memref<32x128xf32, #tpu.memory_space<hbm>>
    tpu.enqueue_dma source(%dma_start3A_85 : memref<32x128xf32, #tpu.memory_space<hbm>>) target(%arg13 : memref<32x128xf32, #tpu.memory_space<vmem>>) target_semaphore(%arg29 : memref<!tpu.dma_semaphore, #tpu.memory_space<semaphore_mem>>)
    %slice3A_86 = vector.extract_strided_slice %get3A_14 {offsets = [3], sizes = [1], strides = [1]} : vector<16xi32> to vector<1xi32>
    %squeeze3A_87 = vector.extract %slice3A_86[0] : i32 from vector<1xi32>
    %shift_right_arithmetic3A_88 = arith.constant 7 : i32
    %shift_right_arithmetic3A_89 = arith.shrsi %squeeze3A_87, %shift_right_arithmetic3A_88 : i32
    %shift_left3A_90 = arith.constant 7 : i32
    %shift_left3A_91 = arith.shli %shift_right_arithmetic3A_89, %shift_left3A_90 : i32
    %multiple_of3A_92 = tpu.assume_multiple %shift_left3A_91, 128 : i32
    %dma_start3A_93 = arith.constant 0 : i32
    %dma_start3A_94 = tpu.memref_slice %arg5[%dma_start3A_93, %multiple_of3A_92] : memref<32x1000000xf32, #tpu.memory_space<hbm>> -> memref<32x128xf32, #tpu.memory_space<hbm>>
    %dma_start3A_95 = arith.constant 0 : i32
    %dma_start3A_96 = tpu.memref_slice %arg5[%dma_start3A_95, %multiple_of3A_92] : memref<32x1000000xf32, #tpu.memory_space<hbm>> -> memref<32x128xf32, #tpu.memory_space<hbm>>
    tpu.enqueue_dma source(%dma_start3A_96 : memref<32x128xf32, #tpu.memory_space<hbm>>) target(%arg21 : memref<32x128xf32, #tpu.memory_space<vmem>>) target_semaphore(%arg37 : memref<!tpu.dma_semaphore, #tpu.memory_space<semaphore_mem>>)
    %slice3A_97 = vector.extract_strided_slice %get3A_12 {offsets = [4], sizes = [1], strides = [1]} : vector<16xi32> to vector<1xi32>
    %squeeze3A_98 = vector.extract %slice3A_97[0] : i32 from vector<1xi32>
    %shift_right_arithmetic3A_99 = arith.constant 7 : i32
    %shift_right_arithmetic3A_100 = arith.shrsi %squeeze3A_98, %shift_right_arithmetic3A_99 : i32
    %shift_left3A_101 = arith.constant 7 : i32
    %shift_left3A_102 = arith.shli %shift_right_arithmetic3A_100, %shift_left3A_101 : i32
    %multiple_of3A_103 = tpu.assume_multiple %shift_left3A_102, 128 : i32
    %dma_start3A_104 = arith.constant 0 : i32
    %dma_start3A_105 = tpu.memref_slice %arg4[%dma_start3A_104, %multiple_of3A_103] : memref<32x1000000xf32, #tpu.memory_space<hbm>> -> memref<32x128xf32, #tpu.memory_space<hbm>>
    %dma_start3A_106 = arith.constant 0 : i32
    %dma_start3A_107 = tpu.memref_slice %arg4[%dma_start3A_106, %multiple_of3A_103] : memref<32x1000000xf32, #tpu.memory_space<hbm>> -> memref<32x128xf32, #tpu.memory_space<hbm>>
    tpu.enqueue_dma source(%dma_start3A_107 : memref<32x128xf32, #tpu.memory_space<hbm>>) target(%arg14 : memref<32x128xf32, #tpu.memory_space<vmem>>) target_semaphore(%arg30 : memref<!tpu.dma_semaphore, #tpu.memory_space<semaphore_mem>>)
    %slice3A_108 = vector.extract_strided_slice %get3A_14 {offsets = [4], sizes = [1], strides = [1]} : vector<16xi32> to vector<1xi32>
    %squeeze3A_109 = vector.extract %slice3A_108[0] : i32 from vector<1xi32>
    %shift_right_arithmetic3A_110 = arith.constant 7 : i32
    %shift_right_arithmetic3A_111 = arith.shrsi %squeeze3A_109, %shift_right_arithmetic3A_110 : i32
    %shift_left3A_112 = arith.constant 7 : i32
    %shift_left3A_113 = arith.shli %shift_right_arithmetic3A_111, %shift_left3A_112 : i32
    %multiple_of3A_114 = tpu.assume_multiple %shift_left3A_113, 128 : i32
    %dma_start3A_115 = arith.constant 0 : i32
    %dma_start3A_116 = tpu.memref_slice %arg5[%dma_start3A_115, %multiple_of3A_114] : memref<32x1000000xf32, #tpu.memory_space<hbm>> -> memref<32x128xf32, #tpu.memory_space<hbm>>
    %dma_start3A_117 = arith.constant 0 : i32
    %dma_start3A_118 = tpu.memref_slice %arg5[%dma_start3A_117, %multiple_of3A_114] : memref<32x1000000xf32, #tpu.memory_space<hbm>> -> memref<32x128xf32, #tpu.memory_space<hbm>>
    tpu.enqueue_dma source(%dma_start3A_118 : memref<32x128xf32, #tpu.memory_space<hbm>>) target(%arg22 : memref<32x128xf32, #tpu.memory_space<vmem>>) target_semaphore(%arg38 : memref<!tpu.dma_semaphore, #tpu.memory_space<semaphore_mem>>)
    %slice3A_119 = vector.extract_strided_slice %get3A_12 {offsets = [5], sizes = [1], strides = [1]} : vector<16xi32> to vector<1xi32>
    %squeeze3A_120 = vector.extract %slice3A_119[0] : i32 from vector<1xi32>
    %shift_right_arithmetic3A_121 = arith.constant 7 : i32
    %shift_right_arithmetic3A_122 = arith.shrsi %squeeze3A_120, %shift_right_arithmetic3A_121 : i32
    %shift_left3A_123 = arith.constant 7 : i32
    %shift_left3A_124 = arith.shli %shift_right_arithmetic3A_122, %shift_left3A_123 : i32
    %multiple_of3A_125 = tpu.assume_multiple %shift_left3A_124, 128 : i32
    %dma_start3A_126 = arith.constant 0 : i32
    %dma_start3A_127 = tpu.memref_slice %arg4[%dma_start3A_126, %multiple_of3A_125] : memref<32x1000000xf32, #tpu.memory_space<hbm>> -> memref<32x128xf32, #tpu.memory_space<hbm>>
    %dma_start3A_128 = arith.constant 0 : i32
    %dma_start3A_129 = tpu.memref_slice %arg4[%dma_start3A_128, %multiple_of3A_125] : memref<32x1000000xf32, #tpu.memory_space<hbm>> -> memref<32x128xf32, #tpu.memory_space<hbm>>
    tpu.enqueue_dma source(%dma_start3A_129 : memref<32x128xf32, #tpu.memory_space<hbm>>) target(%arg15 : memref<32x128xf32, #tpu.memory_space<vmem>>) target_semaphore(%arg31 : memref<!tpu.dma_semaphore, #tpu.memory_space<semaphore_mem>>)
    %slice3A_130 = vector.extract_strided_slice %get3A_14 {offsets = [5], sizes = [1], strides = [1]} : vector<16xi32> to vector<1xi32>
    %squeeze3A_131 = vector.extract %slice3A_130[0] : i32 from vector<1xi32>
    %shift_right_arithmetic3A_132 = arith.constant 7 : i32
    %shift_right_arithmetic3A_133 = arith.shrsi %squeeze3A_131, %shift_right_arithmetic3A_132 : i32
    %shift_left3A_134 = arith.constant 7 : i32
    %shift_left3A_135 = arith.shli %shift_right_arithmetic3A_133, %shift_left3A_134 : i32
    %multiple_of3A_136 = tpu.assume_multiple %shift_left3A_135, 128 : i32
    %dma_start3A_137 = arith.constant 0 : i32
    %dma_start3A_138 = tpu.memref_slice %arg5[%dma_start3A_137, %multiple_of3A_136] : memref<32x1000000xf32, #tpu.memory_space<hbm>> -> memref<32x128xf32, #tpu.memory_space<hbm>>
    %dma_start3A_139 = arith.constant 0 : i32
    %dma_start3A_140 = tpu.memref_slice %arg5[%dma_start3A_139, %multiple_of3A_136] : memref<32x1000000xf32, #tpu.memory_space<hbm>> -> memref<32x128xf32, #tpu.memory_space<hbm>>
    tpu.enqueue_dma source(%dma_start3A_140 : memref<32x128xf32, #tpu.memory_space<hbm>>) target(%arg23 : memref<32x128xf32, #tpu.memory_space<vmem>>) target_semaphore(%arg39 : memref<!tpu.dma_semaphore, #tpu.memory_space<semaphore_mem>>)
    %slice3A_141 = vector.extract_strided_slice %get3A_12 {offsets = [6], sizes = [1], strides = [1]} : vector<16xi32> to vector<1xi32>
    %squeeze3A_142 = vector.extract %slice3A_141[0] : i32 from vector<1xi32>
    %shift_right_arithmetic3A_143 = arith.constant 7 : i32
    %shift_right_arithmetic3A_144 = arith.shrsi %squeeze3A_142, %shift_right_arithmetic3A_143 : i32
    %shift_left3A_145 = arith.constant 7 : i32
    %shift_left3A_146 = arith.shli %shift_right_arithmetic3A_144, %shift_left3A_145 : i32
    %multiple_of3A_147 = tpu.assume_multiple %shift_left3A_146, 128 : i32
    %dma_start3A_148 = arith.constant 0 : i32
    %dma_start3A_149 = tpu.memref_slice %arg4[%dma_start3A_148, %multiple_of3A_147] : memref<32x1000000xf32, #tpu.memory_space<hbm>> -> memref<32x128xf32, #tpu.memory_space<hbm>>
    %dma_start3A_150 = arith.constant 0 : i32
    %dma_start3A_151 = tpu.memref_slice %arg4[%dma_start3A_150, %multiple_of3A_147] : memref<32x1000000xf32, #tpu.memory_space<hbm>> -> memref<32x128xf32, #tpu.memory_space<hbm>>
    tpu.enqueue_dma source(%dma_start3A_151 : memref<32x128xf32, #tpu.memory_space<hbm>>) target(%arg16 : memref<32x128xf32, #tpu.memory_space<vmem>>) target_semaphore(%arg32 : memref<!tpu.dma_semaphore, #tpu.memory_space<semaphore_mem>>)
    %slice3A_152 = vector.extract_strided_slice %get3A_14 {offsets = [6], sizes = [1], strides = [1]} : vector<16xi32> to vector<1xi32>
    %squeeze3A_153 = vector.extract %slice3A_152[0] : i32 from vector<1xi32>
    %shift_right_arithmetic3A_154 = arith.constant 7 : i32
    %shift_right_arithmetic3A_155 = arith.shrsi %squeeze3A_153, %shift_right_arithmetic3A_154 : i32
    %shift_left3A_156 = arith.constant 7 : i32
    %shift_left3A_157 = arith.shli %shift_right_arithmetic3A_155, %shift_left3A_156 : i32
    %multiple_of3A_158 = tpu.assume_multiple %shift_left3A_157, 128 : i32
    %dma_start3A_159 = arith.constant 0 : i32
    %dma_start3A_160 = tpu.memref_slice %arg5[%dma_start3A_159, %multiple_of3A_158] : memref<32x1000000xf32, #tpu.memory_space<hbm>> -> memref<32x128xf32, #tpu.memory_space<hbm>>
    %dma_start3A_161 = arith.constant 0 : i32
    %dma_start3A_162 = tpu.memref_slice %arg5[%dma_start3A_161, %multiple_of3A_158] : memref<32x1000000xf32, #tpu.memory_space<hbm>> -> memref<32x128xf32, #tpu.memory_space<hbm>>
    tpu.enqueue_dma source(%dma_start3A_162 : memref<32x128xf32, #tpu.memory_space<hbm>>) target(%arg24 : memref<32x128xf32, #tpu.memory_space<vmem>>) target_semaphore(%arg40 : memref<!tpu.dma_semaphore, #tpu.memory_space<semaphore_mem>>)
    %slice3A_163 = vector.extract_strided_slice %get3A_12 {offsets = [7], sizes = [1], strides = [1]} : vector<16xi32> to vector<1xi32>
    %squeeze3A_164 = vector.extract %slice3A_163[0] : i32 from vector<1xi32>
    %shift_right_arithmetic3A_165 = arith.constant 7 : i32
    %shift_right_arithmetic3A_166 = arith.shrsi %squeeze3A_164, %shift_right_arithmetic3A_165 : i32
    %shift_left3A_167 = arith.constant 7 : i32
    %shift_left3A_168 = arith.shli %shift_right_arithmetic3A_166, %shift_left3A_167 : i32
    %multiple_of3A_169 = tpu.assume_multiple %shift_left3A_168, 128 : i32
    %dma_start3A_170 = arith.constant 0 : i32
    %dma_start3A_171 = tpu.memref_slice %arg4[%dma_start3A_170, %multiple_of3A_169] : memref<32x1000000xf32, #tpu.memory_space<hbm>> -> memref<32x128xf32, #tpu.memory_space<hbm>>
    %dma_start3A_172 = arith.constant 0 : i32
    %dma_start3A_173 = tpu.memref_slice %arg4[%dma_start3A_172, %multiple_of3A_169] : memref<32x1000000xf32, #tpu.memory_space<hbm>> -> memref<32x128xf32, #tpu.memory_space<hbm>>
    tpu.enqueue_dma source(%dma_start3A_173 : memref<32x128xf32, #tpu.memory_space<hbm>>) target(%arg17 : memref<32x128xf32, #tpu.memory_space<vmem>>) target_semaphore(%arg33 : memref<!tpu.dma_semaphore, #tpu.memory_space<semaphore_mem>>)
    %slice3A_174 = vector.extract_strided_slice %get3A_14 {offsets = [7], sizes = [1], strides = [1]} : vector<16xi32> to vector<1xi32>
    %squeeze3A_175 = vector.extract %slice3A_174[0] : i32 from vector<1xi32>
    %shift_right_arithmetic3A_176 = arith.constant 7 : i32
    %shift_right_arithmetic3A_177 = arith.shrsi %squeeze3A_175, %shift_right_arithmetic3A_176 : i32
    %shift_left3A_178 = arith.constant 7 : i32
    %shift_left3A_179 = arith.shli %shift_right_arithmetic3A_177, %shift_left3A_178 : i32
    %multiple_of3A_180 = tpu.assume_multiple %shift_left3A_179, 128 : i32
    %dma_start3A_181 = arith.constant 0 : i32
    %dma_start3A_182 = tpu.memref_slice %arg5[%dma_start3A_181, %multiple_of3A_180] : memref<32x1000000xf32, #tpu.memory_space<hbm>> -> memref<32x128xf32, #tpu.memory_space<hbm>>
    %dma_start3A_183 = arith.constant 0 : i32
    %dma_start3A_184 = tpu.memref_slice %arg5[%dma_start3A_183, %multiple_of3A_180] : memref<32x1000000xf32, #tpu.memory_space<hbm>> -> memref<32x128xf32, #tpu.memory_space<hbm>>
    tpu.enqueue_dma source(%dma_start3A_184 : memref<32x128xf32, #tpu.memory_space<hbm>>) target(%arg25 : memref<32x128xf32, #tpu.memory_space<vmem>>) target_semaphore(%arg41 : memref<!tpu.dma_semaphore, #tpu.memory_space<semaphore_mem>>)
    %scan3A = arith.constant 0 : i32
    %scan3A_185 = arith.constant 31 : i32
    %scan3A_186 = arith.addi %scan3A, %scan3A_185 : i32
    %scan3A_187 = arith.constant 1 : i32
    scf.for %scan3A_1267 = %scan3A to %scan3A_186 step %scan3A_187  : i32 {
      %mul3A_1268 = arith.constant 1 : i32
      %mul3A_1269 = arith.muli %scan3A_1267, %mul3A_1268 : i32
      %add3A_1270 = arith.constant 0 : i32
      %add3A_1271 = arith.addi %add3A_1270, %mul3A_1269 : i32
      %mul3A_1272 = arith.constant 16 : i32
      %mul3A_1273 = arith.muli %add3A_1271, %mul3A_1272 : i32
      %get3A_1274 = arith.index_cast %mul3A_1273 : i32 to index
      %get3A_1275 = tpu.vector_load %arg7[%get3A_1274] {strides = array<i32>} : memref<512xi32, #tpu.memory_space<vmem>>, vector<16xi32>,
      %get3A_1276 = arith.index_cast %mul3A_1273 : i32 to index
      %get3A_1277 = tpu.vector_load %arg8[%get3A_1276] {strides = array<i32>} : memref<512xi32, #tpu.memory_space<vmem>>, vector<16xi32>,
      %add3A_1278 = arith.constant 16 : i32
      %add3A_1279 = arith.addi %mul3A_1273, %add3A_1278 : i32
      %get3A_1280 = arith.index_cast %add3A_1279 : i32 to index
      %get3A_1281 = tpu.vector_load %arg7[%get3A_1280] {strides = array<i32>} : memref<512xi32, #tpu.memory_space<vmem>>, vector<16xi32>,
      %add3A_1282 = arith.constant 16 : i32
      %add3A_1283 = arith.addi %mul3A_1273, %add3A_1282 : i32
      %get3A_1284 = arith.index_cast %add3A_1283 : i32 to index
      %get3A_1285 = tpu.vector_load %arg8[%get3A_1284] {strides = array<i32>} : memref<512xi32, #tpu.memory_space<vmem>>, vector<16xi32>,
      %and3A_1286 = arith.constant 127 : i32
      %and3A_1287 = vector.broadcast %and3A_1286 : i32 to vector<16xi32>
      %and3A_1288 = arith.andi %get3A_1275, %and3A_1287 : vector<16xi32>
      %and3A_1289 = arith.constant 127 : i32
      %and3A_1290 = vector.broadcast %and3A_1289 : i32 to vector<16xi32>
      %and3A_1291 = arith.andi %get3A_1277, %and3A_1290 : vector<16xi32>
      %add3A_1292 = arith.constant 0 : i32
      %add3A_1293 = arith.addi %mul3A_1273, %add3A_1292 : i32
      %slice3A_1294 = vector.extract_strided_slice %and3A_1288 {offsets = [0], sizes = [1], strides = [1]} : vector<16xi32> to vector<1xi32>
      %squeeze3A_1295 = vector.extract %slice3A_1294[0] : i32 from vector<1xi32>
      %broadcast_in_dim3A_1296 = vector.broadcast %squeeze3A_1295 : i32 to vector<16xi32>
      %dma_wait3A_1297 = arith.constant 0 : i32
      %dma_wait3A_1298 = arith.constant 0 : i32
      %dma_wait3A_1299 = tpu.memref_slice %arg4[%dma_wait3A_1297, %dma_wait3A_1298] : memref<32x1000000xf32, #tpu.memory_space<hbm>> -> memref<32x128xf32, #tpu.memory_space<hbm>>
      %dma_wait3A_1300 = arith.constant 0 : i32
      %dma_wait3A_1301 = arith.constant 0 : i32
      %dma_wait3A_1302 = tpu.memref_slice %arg4[%dma_wait3A_1300, %dma_wait3A_1301] : memref<32x1000000xf32, #tpu.memory_space<hbm>> -> memref<32x128xf32, #tpu.memory_space<hbm>>
      tpu.wait_dma2 semaphore(%arg26 : memref<!tpu.dma_semaphore, #tpu.memory_space<semaphore_mem>>) src(%dma_wait3A_1302 : memref<32x128xf32, #tpu.memory_space<hbm>>) dst(%arg10 : memref<32x128xf32, #tpu.memory_space<vmem>>)
      %gather3A_1303 = tpu.vector_load_idx %arg10[%iota3A, %broadcast_in_dim3A_1296] : memref<32x128xf32, #tpu.memory_space<vmem>>[vector<16xi32>, vector<16xi32>], vector<16xf32>,
      %add3A_1304 = arith.constant 16 : i32
      %add3A_1305 = vector.broadcast %add3A_1304 : i32 to vector<16xi32>
      %add3A_1306 = arith.addi %iota3A, %add3A_1305 : vector<16xi32>
      %gather3A_1307 = tpu.vector_load_idx %arg10[%add3A_1306, %broadcast_in_dim3A_1296] : memref<32x128xf32, #tpu.memory_space<vmem>>[vector<16xi32>, vector<16xi32>], vector<16xf32>,
      %broadcast_in_dim3A_1308 = vector.broadcast %add3A_1293 : i32 to vector<16xi32>
      %add3A_1309 = arith.constant 0 : i32
      %add3A_1310 = vector.broadcast %add3A_1309 : i32 to vector<16xi32>
      %add3A_1311 = arith.addi %add3A_1310, %mul3A_5 : vector<16xi32>
      %add3A_1312 = arith.addi %add3A_1311, %broadcast_in_dim3A_1308 : vector<16xi32>
      tpu.vector_store_idx %arg9[%add3A_1312], %gather3A_1303 : memref<32768xf32, #tpu.memory_space<vmem>>[vector<16xi32>], vector<16xf32>,
      %add3A_1313 = arith.constant 0 : i32
      %add3A_1314 = vector.broadcast %add3A_1313 : i32 to vector<16xi32>
      %add3A_1315 = arith.addi %add3A_1314, %mul3A_11 : vector<16xi32>
      %add3A_1316 = arith.addi %add3A_1315, %broadcast_in_dim3A_1308 : vector<16xi32>
      tpu.vector_store_idx %arg9[%add3A_1316], %gather3A_1307 : memref<32768xf32, #tpu.memory_space<vmem>>[vector<16xi32>], vector<16xf32>,
      %slice3A_1317 = vector.extract_strided_slice %get3A_1275 {offsets = [8], sizes = [1], strides = [1]} : vector<16xi32> to vector<1xi32>
      %squeeze3A_1318 = vector.extract %slice3A_1317[0] : i32 from vector<1xi32>
      %shift_right_arithmetic3A_1319 = arith.constant 7 : i32
      %shift_right_arithmetic3A_1320 = arith.shrsi %squeeze3A_1318, %shift_right_arithmetic3A_1319 : i32
      %shift_left3A_1321 = arith.constant 7 : i32
      %shift_left3A_1322 = arith.shli %shift_right_arithmetic3A_1320, %shift_left3A_1321 : i32
      %multiple_of3A_1323 = tpu.assume_multiple %shift_left3A_1322, 128 : i32
      %dma_start3A_1324 = arith.constant 0 : i32
      %dma_start3A_1325 = tpu.memref_slice %arg4[%dma_start3A_1324, %multiple_of3A_1323] : memref<32x1000000xf32, #tpu.memory_space<hbm>> -> memref<32x128xf32, #tpu.memory_space<hbm>>
      %dma_start3A_1326 = arith.constant 0 : i32
      %dma_start3A_1327 = tpu.memref_slice %arg4[%dma_start3A_1326, %multiple_of3A_1323] : memref<32x1000000xf32, #tpu.memory_space<hbm>> -> memref<32x128xf32, #tpu.memory_space<hbm>>
      tpu.enqueue_dma source(%dma_start3A_1327 : memref<32x128xf32, #tpu.memory_space<hbm>>) target(%arg10 : memref<32x128xf32, #tpu.memory_space<vmem>>) target_semaphore(%arg26 : memref<!tpu.dma_semaphore, #tpu.memory_space<semaphore_mem>>)
      %slice3A_1328 = vector.extract_strided_slice %and3A_1291 {offsets = [0], sizes = [1], strides = [1]} : vector<16xi32> to vector<1xi32>
      %squeeze3A_1329 = vector.extract %slice3A_1328[0] : i32 from vector<1xi32>
      %broadcast_in_dim3A_1330 = vector.broadcast %squeeze3A_1329 : i32 to vector<16xi32>
      %dma_wait3A_1331 = arith.constant 0 : i32
      %dma_wait3A_1332 = arith.constant 0 : i32
      %dma_wait3A_1333 = tpu.memref_slice %arg4[%dma_wait3A_1331, %dma_wait3A_1332] : memref<32x1000000xf32, #tpu.memory_space<hbm>> -> memref<32x128xf32, #tpu.memory_space<hbm>>
      %dma_wait3A_1334 = arith.constant 0 : i32
      %dma_wait3A_1335 = arith.constant 0 : i32
      %dma_wait3A_1336 = tpu.memref_slice %arg4[%dma_wait3A_1334, %dma_wait3A_1335] : memref<32x1000000xf32, #tpu.memory_space<hbm>> -> memref<32x128xf32, #tpu.memory_space<hbm>>
      tpu.wait_dma2 semaphore(%arg34 : memref<!tpu.dma_semaphore, #tpu.memory_space<semaphore_mem>>) src(%dma_wait3A_1336 : memref<32x128xf32, #tpu.memory_space<hbm>>) dst(%arg18 : memref<32x128xf32, #tpu.memory_space<vmem>>)
      %gather3A_1337 = tpu.vector_load_idx %arg18[%iota3A, %broadcast_in_dim3A_1330] : memref<32x128xf32, #tpu.memory_space<vmem>>[vector<16xi32>, vector<16xi32>], vector<16xf32>,
      %add3A_1338 = arith.constant 16 : i32
      %add3A_1339 = vector.broadcast %add3A_1338 : i32 to vector<16xi32>
      %add3A_1340 = arith.addi %iota3A, %add3A_1339 : vector<16xi32>
      %gather3A_1341 = tpu.vector_load_idx %arg18[%add3A_1340, %broadcast_in_dim3A_1330] : memref<32x128xf32, #tpu.memory_space<vmem>>[vector<16xi32>, vector<16xi32>], vector<16xf32>,
      %broadcast_in_dim3A_1342 = vector.broadcast %add3A_1293 : i32 to vector<16xi32>
      %add3A_1343 = arith.constant 16384 : i32
      %add3A_1344 = vector.broadcast %add3A_1343 : i32 to vector<16xi32>
      %add3A_1345 = arith.addi %add3A_1344, %mul3A_5 : vector<16xi32>
      %add3A_1346 = arith.addi %add3A_1345, %broadcast_in_dim3A_1342 : vector<16xi32>
      tpu.vector_store_idx %arg9[%add3A_1346], %gather3A_1337 : memref<32768xf32, #tpu.memory_space<vmem>>[vector<16xi32>], vector<16xf32>,
      %add3A_1347 = arith.constant 16384 : i32
      %add3A_1348 = vector.broadcast %add3A_1347 : i32 to vector<16xi32>
      %add3A_1349 = arith.addi %add3A_1348, %mul3A_11 : vector<16xi32>
      %add3A_1350 = arith.addi %add3A_1349, %broadcast_in_dim3A_1342 : vector<16xi32>
      tpu.vector_store_idx %arg9[%add3A_1350], %gather3A_1341 : memref<32768xf32, #tpu.memory_space<vmem>>[vector<16xi32>], vector<16xf32>,
      %slice3A_1351 = vector.extract_strided_slice %get3A_1277 {offsets = [8], sizes = [1], strides = [1]} : vector<16xi32> to vector<1xi32>
      %squeeze3A_1352 = vector.extract %slice3A_1351[0] : i32 from vector<1xi32>
      %shift_right_arithmetic3A_1353 = arith.constant 7 : i32
      %shift_right_arithmetic3A_1354 = arith.shrsi %squeeze3A_1352, %shift_right_arithmetic3A_1353 : i32
      %shift_left3A_1355 = arith.constant 7 : i32
      %shift_left3A_1356 = arith.shli %shift_right_arithmetic3A_1354, %shift_left3A_1355 : i32
      %multiple_of3A_1357 = tpu.assume_multiple %shift_left3A_1356, 128 : i32
      %dma_start3A_1358 = arith.constant 0 : i32
      %dma_start3A_1359 = tpu.memref_slice %arg5[%dma_start3A_1358, %multiple_of3A_1357] : memref<32x1000000xf32, #tpu.memory_space<hbm>> -> memref<32x128xf32, #tpu.memory_space<hbm>>
      %dma_start3A_1360 = arith.constant 0 : i32
      %dma_start3A_1361 = tpu.memref_slice %arg5[%dma_start3A_1360, %multiple_of3A_1357] : memref<32x1000000xf32, #tpu.memory_space<hbm>> -> memref<32x128xf32, #tpu.memory_space<hbm>>
      tpu.enqueue_dma source(%dma_start3A_1361 : memref<32x128xf32, #tpu.memory_space<hbm>>) target(%arg18 : memref<32x128xf32, #tpu.memory_space<vmem>>) target_semaphore(%arg34 : memref<!tpu.dma_semaphore, #tpu.memory_space<semaphore_mem>>)
      %add3A_1362 = arith.constant 1 : i32
      %add3A_1363 = arith.addi %mul3A_1273, %add3A_1362 : i32
      %slice3A_1364 = vector.extract_strided_slice %and3A_1288 {offsets = [1], sizes = [1], strides = [1]} : vector<16xi32> to vector<1xi32>
      %squeeze3A_1365 = vector.extract %slice3A_1364[0] : i32 from vector<1xi32>
      %broadcast_in_dim3A_1366 = vector.broadcast %squeeze3A_1365 : i32 to vector<16xi32>
      %dma_wait3A_1367 = arith.constant 0 : i32
      %dma_wait3A_1368 = arith.constant 0 : i32
      %dma_wait3A_1369 = tpu.memref_slice %arg4[%dma_wait3A_1367, %dma_wait3A_1368] : memref<32x1000000xf32, #tpu.memory_space<hbm>> -> memref<32x128xf32, #tpu.memory_space<hbm>>
      %dma_wait3A_1370 = arith.constant 0 : i32
      %dma_wait3A_1371 = arith.constant 0 : i32
      %dma_wait3A_1372 = tpu.memref_slice %arg4[%dma_wait3A_1370, %dma_wait3A_1371] : memref<32x1000000xf32, #tpu.memory_space<hbm>> -> memref<32x128xf32, #tpu.memory_space<hbm>>
      tpu.wait_dma2 semaphore(%arg27 : memref<!tpu.dma_semaphore, #tpu.memory_space<semaphore_mem>>) src(%dma_wait3A_1372 : memref<32x128xf32, #tpu.memory_space<hbm>>) dst(%arg11 : memref<32x128xf32, #tpu.memory_space<vmem>>)
      %gather3A_1373 = tpu.vector_load_idx %arg11[%iota3A, %broadcast_in_dim3A_1366] : memref<32x128xf32, #tpu.memory_space<vmem>>[vector<16xi32>, vector<16xi32>], vector<16xf32>,
      %add3A_1374 = arith.constant 16 : i32
      %add3A_1375 = vector.broadcast %add3A_1374 : i32 to vector<16xi32>
      %add3A_1376 = arith.addi %iota3A, %add3A_1375 : vector<16xi32>
      %gather3A_1377 = tpu.vector_load_idx %arg11[%add3A_1376, %broadcast_in_dim3A_1366] : memref<32x128xf32, #tpu.memory_space<vmem>>[vector<16xi32>, vector<16xi32>], vector<16xf32>,
      %broadcast_in_dim3A_1378 = vector.broadcast %add3A_1363 : i32 to vector<16xi32>
      %add3A_1379 = arith.constant 0 : i32
      %add3A_1380 = vector.broadcast %add3A_1379 : i32 to vector<16xi32>
      %add3A_1381 = arith.addi %add3A_1380, %mul3A_5 : vector<16xi32>
      %add3A_1382 = arith.addi %add3A_1381, %broadcast_in_dim3A_1378 : vector<16xi32>
      tpu.vector_store_idx %arg9[%add3A_1382], %gather3A_1373 : memref<32768xf32, #tpu.memory_space<vmem>>[vector<16xi32>], vector<16xf32>,
      %add3A_1383 = arith.constant 0 : i32
      %add3A_1384 = vector.broadcast %add3A_1383 : i32 to vector<16xi32>
      %add3A_1385 = arith.addi %add3A_1384, %mul3A_11 : vector<16xi32>
      %add3A_1386 = arith.addi %add3A_1385, %broadcast_in_dim3A_1378 : vector<16xi32>
      tpu.vector_store_idx %arg9[%add3A_1386], %gather3A_1377 : memref<32768xf32, #tpu.memory_space<vmem>>[vector<16xi32>], vector<16xf32>,
      %slice3A_1387 = vector.extract_strided_slice %get3A_1275 {offsets = [9], sizes = [1], strides = [1]} : vector<16xi32> to vector<1xi32>
      %squeeze3A_1388 = vector.extract %slice3A_1387[0] : i32 from vector<1xi32>
      %shift_right_arithmetic3A_1389 = arith.constant 7 : i32
      %shift_right_arithmetic3A_1390 = arith.shrsi %squeeze3A_1388, %shift_right_arithmetic3A_1389 : i32
      %shift_left3A_1391 = arith.constant 7 : i32
      %shift_left3A_1392 = arith.shli %shift_right_arithmetic3A_1390, %shift_left3A_1391 : i32
      %multiple_of3A_1393 = tpu.assume_multiple %shift_left3A_1392, 128 : i32
      %dma_start3A_1394 = arith.constant 0 : i32
      %dma_start3A_1395 = tpu.memref_slice %arg4[%dma_start3A_1394, %multiple_of3A_1393] : memref<32x1000000xf32, #tpu.memory_space<hbm>> -> memref<32x128xf32, #tpu.memory_space<hbm>>
      %dma_start3A_1396 = arith.constant 0 : i32
      %dma_start3A_1397 = tpu.memref_slice %arg4[%dma_start3A_1396, %multiple_of3A_1393] : memref<32x1000000xf32, #tpu.memory_space<hbm>> -> memref<32x128xf32, #tpu.memory_space<hbm>>
      tpu.enqueue_dma source(%dma_start3A_1397 : memref<32x128xf32, #tpu.memory_space<hbm>>) target(%arg11 : memref<32x128xf32, #tpu.memory_space<vmem>>) target_semaphore(%arg27 : memref<!tpu.dma_semaphore, #tpu.memory_space<semaphore_mem>>)
      %slice3A_1398 = vector.extract_strided_slice %and3A_1291 {offsets = [1], sizes = [1], strides = [1]} : vector<16xi32> to vector<1xi32>
      %squeeze3A_1399 = vector.extract %slice3A_1398[0] : i32 from vector<1xi32>
      %broadcast_in_dim3A_1400 = vector.broadcast %squeeze3A_1399 : i32 to vector<16xi32>
      %dma_wait3A_1401 = arith.constant 0 : i32
      %dma_wait3A_1402 = arith.constant 0 : i32
      %dma_wait3A_1403 = tpu.memref_slice %arg4[%dma_wait3A_1401, %dma_wait3A_1402] : memref<32x1000000xf32, #tpu.memory_space<hbm>> -> memref<32x128xf32, #tpu.memory_space<hbm>>
      %dma_wait3A_1404 = arith.constant 0 : i32
      %dma_wait3A_1405 = arith.constant 0 : i32
      %dma_wait3A_1406 = tpu.memref_slice %arg4[%dma_wait3A_1404, %dma_wait3A_1405] : memref<32x1000000xf32, #tpu.memory_space<hbm>> -> memref<32x128xf32, #tpu.memory_space<hbm>>
      tpu.wait_dma2 semaphore(%arg35 : memref<!tpu.dma_semaphore, #tpu.memory_space<semaphore_mem>>) src(%dma_wait3A_1406 : memref<32x128xf32, #tpu.memory_space<hbm>>) dst(%arg19 : memref<32x128xf32, #tpu.memory_space<vmem>>)
      %gather3A_1407 = tpu.vector_load_idx %arg19[%iota3A, %broadcast_in_dim3A_1400] : memref<32x128xf32, #tpu.memory_space<vmem>>[vector<16xi32>, vector<16xi32>], vector<16xf32>,
      %add3A_1408 = arith.constant 16 : i32
      %add3A_1409 = vector.broadcast %add3A_1408 : i32 to vector<16xi32>
      %add3A_1410 = arith.addi %iota3A, %add3A_1409 : vector<16xi32>
      %gather3A_1411 = tpu.vector_load_idx %arg19[%add3A_1410, %broadcast_in_dim3A_1400] : memref<32x128xf32, #tpu.memory_space<vmem>>[vector<16xi32>, vector<16xi32>], vector<16xf32>,
      %broadcast_in_dim3A_1412 = vector.broadcast %add3A_1363 : i32 to vector<16xi32>
      %add3A_1413 = arith.constant 16384 : i32
      %add3A_1414 = vector.broadcast %add3A_1413 : i32 to vector<16xi32>
      %add3A_1415 = arith.addi %add3A_1414, %mul3A_5 : vector<16xi32>
      %add3A_1416 = arith.addi %add3A_1415, %broadcast_in_dim3A_1412 : vector<16xi32>
      tpu.vector_store_idx %arg9[%add3A_1416], %gather3A_1407 : memref<32768xf32, #tpu.memory_space<vmem>>[vector<16xi32>], vector<16xf32>,
      %add3A_1417 = arith.constant 16384 : i32
      %add3A_1418 = vector.broadcast %add3A_1417 : i32 to vector<16xi32>
      %add3A_1419 = arith.addi %add3A_1418, %mul3A_11 : vector<16xi32>
      %add3A_1420 = arith.addi %add3A_1419, %broadcast_in_dim3A_1412 : vector<16xi32>
      tpu.vector_store_idx %arg9[%add3A_1420], %gather3A_1411 : memref<32768xf32, #tpu.memory_space<vmem>>[vector<16xi32>], vector<16xf32>,
      %slice3A_1421 = vector.extract_strided_slice %get3A_1277 {offsets = [9], sizes = [1], strides = [1]} : vector<16xi32> to vector<1xi32>
      %squeeze3A_1422 = vector.extract %slice3A_1421[0] : i32 from vector<1xi32>
      %shift_right_arithmetic3A_1423 = arith.constant 7 : i32
      %shift_right_arithmetic3A_1424 = arith.shrsi %squeeze3A_1422, %shift_right_arithmetic3A_1423 : i32
      %shift_left3A_1425 = arith.constant 7 : i32
      %shift_left3A_1426 = arith.shli %shift_right_arithmetic3A_1424, %shift_left3A_1425 : i32
      %multiple_of3A_1427 = tpu.assume_multiple %shift_left3A_1426, 128 : i32
      %dma_start3A_1428 = arith.constant 0 : i32
      %dma_start3A_1429 = tpu.memref_slice %arg5[%dma_start3A_1428, %multiple_of3A_1427] : memref<32x1000000xf32, #tpu.memory_space<hbm>> -> memref<32x128xf32, #tpu.memory_space<hbm>>
      %dma_start3A_1430 = arith.constant 0 : i32
      %dma_start3A_1431 = tpu.memref_slice %arg5[%dma_start3A_1430, %multiple_of3A_1427] : memref<32x1000000xf32, #tpu.memory_space<hbm>> -> memref<32x128xf32, #tpu.memory_space<hbm>>
      tpu.enqueue_dma source(%dma_start3A_1431 : memref<32x128xf32, #tpu.memory_space<hbm>>) target(%arg19 : memref<32x128xf32, #tpu.memory_space<vmem>>) target_semaphore(%arg35 : memref<!tpu.dma_semaphore, #tpu.memory_space<semaphore_mem>>)
      %add3A_1432 = arith.constant 2 : i32
      %add3A_1433 = arith.addi %mul3A_1273, %add3A_1432 : i32
      %slice3A_1434 = vector.extract_strided_slice %and3A_1288 {offsets = [2], sizes = [1], strides = [1]} : vector<16xi32> to vector<1xi32>
      %squeeze3A_1435 = vector.extract %slice3A_1434[0] : i32 from vector<1xi32>
      %broadcast_in_dim3A_1436 = vector.broadcast %squeeze3A_1435 : i32 to vector<16xi32>
      %dma_wait3A_1437 = arith.constant 0 : i32
      %dma_wait3A_1438 = arith.constant 0 : i32
      %dma_wait3A_1439 = tpu.memref_slice %arg4[%dma_wait3A_1437, %dma_wait3A_1438] : memref<32x1000000xf32, #tpu.memory_space<hbm>> -> memref<32x128xf32, #tpu.memory_space<hbm>>
      %dma_wait3A_1440 = arith.constant 0 : i32
      %dma_wait3A_1441 = arith.constant 0 : i32
      %dma_wait3A_1442 = tpu.memref_slice %arg4[%dma_wait3A_1440, %dma_wait3A_1441] : memref<32x1000000xf32, #tpu.memory_space<hbm>> -> memref<32x128xf32, #tpu.memory_space<hbm>>
      tpu.wait_dma2 semaphore(%arg28 : memref<!tpu.dma_semaphore, #tpu.memory_space<semaphore_mem>>) src(%dma_wait3A_1442 : memref<32x128xf32, #tpu.memory_space<hbm>>) dst(%arg12 : memref<32x128xf32, #tpu.memory_space<vmem>>)
      %gather3A_1443 = tpu.vector_load_idx %arg12[%iota3A, %broadcast_in_dim3A_1436] : memref<32x128xf32, #tpu.memory_space<vmem>>[vector<16xi32>, vector<16xi32>], vector<16xf32>,
      %add3A_1444 = arith.constant 16 : i32
      %add3A_1445 = vector.broadcast %add3A_1444 : i32 to vector<16xi32>
      %add3A_1446 = arith.addi %iota3A, %add3A_1445 : vector<16xi32>
      %gather3A_1447 = tpu.vector_load_idx %arg12[%add3A_1446, %broadcast_in_dim3A_1436] : memref<32x128xf32, #tpu.memory_space<vmem>>[vector<16xi32>, vector<16xi32>], vector<16xf32>,
      %broadcast_in_dim3A_1448 = vector.broadcast %add3A_1433 : i32 to vector<16xi32>
      %add3A_1449 = arith.constant 0 : i32
      %add3A_1450 = vector.broadcast %add3A_1449 : i32 to vector<16xi32>
      %add3A_1451 = arith.addi %add3A_1450, %mul3A_5 : vector<16xi32>
      %add3A_1452 = arith.addi %add3A_1451, %broadcast_in_dim3A_1448 : vector<16xi32>
      tpu.vector_store_idx %arg9[%add3A_1452], %gather3A_1443 : memref<32768xf32, #tpu.memory_space<vmem>>[vector<16xi32>], vector<16xf32>,
      %add3A_1453 = arith.constant 0 : i32
      %add3A_1454 = vector.broadcast %add3A_1453 : i32 to vector<16xi32>
      %add3A_1455 = arith.addi %add3A_1454, %mul3A_11 : vector<16xi32>
      %add3A_1456 = arith.addi %add3A_1455, %broadcast_in_dim3A_1448 : vector<16xi32>
      tpu.vector_store_idx %arg9[%add3A_1456], %gather3A_1447 : memref<32768xf32, #tpu.memory_space<vmem>>[vector<16xi32>], vector<16xf32>,
      %slice3A_1457 = vector.extract_strided_slice %get3A_1275 {offsets = [10], sizes = [1], strides = [1]} : vector<16xi32> to vector<1xi32>
      %squeeze3A_1458 = vector.extract %slice3A_1457[0] : i32 from vector<1xi32>
      %shift_right_arithmetic3A_1459 = arith.constant 7 : i32
      %shift_right_arithmetic3A_1460 = arith.shrsi %squeeze3A_1458, %shift_right_arithmetic3A_1459 : i32
      %shift_left3A_1461 = arith.constant 7 : i32
      %shift_left3A_1462 = arith.shli %shift_right_arithmetic3A_1460, %shift_left3A_1461 : i32
      %multiple_of3A_1463 = tpu.assume_multiple %shift_left3A_1462, 128 : i32
      %dma_start3A_1464 = arith.constant 0 : i32
      %dma_start3A_1465 = tpu.memref_slice %arg4[%dma_start3A_1464, %multiple_of3A_1463] : memref<32x1000000xf32, #tpu.memory_space<hbm>> -> memref<32x128xf32, #tpu.memory_space<hbm>>
      %dma_start3A_1466 = arith.constant 0 : i32
      %dma_start3A_1467 = tpu.memref_slice %arg4[%dma_start3A_1466, %multiple_of3A_1463] : memref<32x1000000xf32, #tpu.memory_space<hbm>> -> memref<32x128xf32, #tpu.memory_space<hbm>>
      tpu.enqueue_dma source(%dma_start3A_1467 : memref<32x128xf32, #tpu.memory_space<hbm>>) target(%arg12 : memref<32x128xf32, #tpu.memory_space<vmem>>) target_semaphore(%arg28 : memref<!tpu.dma_semaphore, #tpu.memory_space<semaphore_mem>>)
      %slice3A_1468 = vector.extract_strided_slice %and3A_1291 {offsets = [2], sizes = [1], strides = [1]} : vector<16xi32> to vector<1xi32>
      %squeeze3A_1469 = vector.extract %slice3A_1468[0] : i32 from vector<1xi32>
      %broadcast_in_dim3A_1470 = vector.broadcast %squeeze3A_1469 : i32 to vector<16xi32>
      %dma_wait3A_1471 = arith.constant 0 : i32
      %dma_wait3A_1472 = arith.constant 0 : i32
      %dma_wait3A_1473 = tpu.memref_slice %arg4[%dma_wait3A_1471, %dma_wait3A_1472] : memref<32x1000000xf32, #tpu.memory_space<hbm>> -> memref<32x128xf32, #tpu.memory_space<hbm>>
      %dma_wait3A_1474 = arith.constant 0 : i32
      %dma_wait3A_1475 = arith.constant 0 : i32
      %dma_wait3A_1476 = tpu.memref_slice %arg4[%dma_wait3A_1474, %dma_wait3A_1475] : memref<32x1000000xf32, #tpu.memory_space<hbm>> -> memref<32x128xf32, #tpu.memory_space<hbm>>
      tpu.wait_dma2 semaphore(%arg36 : memref<!tpu.dma_semaphore, #tpu.memory_space<semaphore_mem>>) src(%dma_wait3A_1476 : memref<32x128xf32, #tpu.memory_space<hbm>>) dst(%arg20 : memref<32x128xf32, #tpu.memory_space<vmem>>)
      %gather3A_1477 = tpu.vector_load_idx %arg20[%iota3A, %broadcast_in_dim3A_1470] : memref<32x128xf32, #tpu.memory_space<vmem>>[vector<16xi32>, vector<16xi32>], vector<16xf32>,
      %add3A_1478 = arith.constant 16 : i32
      %add3A_1479 = vector.broadcast %add3A_1478 : i32 to vector<16xi32>
      %add3A_1480 = arith.addi %iota3A, %add3A_1479 : vector<16xi32>
      %gather3A_1481 = tpu.vector_load_idx %arg20[%add3A_1480, %broadcast_in_dim3A_1470] : memref<32x128xf32, #tpu.memory_space<vmem>>[vector<16xi32>, vector<16xi32>], vector<16xf32>,
      %broadcast_in_dim3A_1482 = vector.broadcast %add3A_1433 : i32 to vector<16xi32>
      %add3A_1483 = arith.constant 16384 : i32
      %add3A_1484 = vector.broadcast %add3A_1483 : i32 to vector<16xi32>
      %add3A_1485 = arith.addi %add3A_1484, %mul3A_5 : vector<16xi32>
      %add3A_1486 = arith.addi %add3A_1485, %broadcast_in_dim3A_1482 : vector<16xi32>
      tpu.vector_store_idx %arg9[%add3A_1486], %gather3A_1477 : memref<32768xf32, #tpu.memory_space<vmem>>[vector<16xi32>], vector<16xf32>,
      %add3A_1487 = arith.constant 16384 : i32
      %add3A_1488 = vector.broadcast %add3A_1487 : i32 to vector<16xi32>
      %add3A_1489 = arith.addi %add3A_1488, %mul3A_11 : vector<16xi32>
      %add3A_1490 = arith.addi %add3A_1489, %broadcast_in_dim3A_1482 : vector<16xi32>
      tpu.vector_store_idx %arg9[%add3A_1490], %gather3A_1481 : memref<32768xf32, #tpu.memory_space<vmem>>[vector<16xi32>], vector<16xf32>,
      %slice3A_1491 = vector.extract_strided_slice %get3A_1277 {offsets = [10], sizes = [1], strides = [1]} : vector<16xi32> to vector<1xi32>
      %squeeze3A_1492 = vector.extract %slice3A_1491[0] : i32 from vector<1xi32>
      %shift_right_arithmetic3A_1493 = arith.constant 7 : i32
      %shift_right_arithmetic3A_1494 = arith.shrsi %squeeze3A_1492, %shift_right_arithmetic3A_1493 : i32
      %shift_left3A_1495 = arith.constant 7 : i32
      %shift_left3A_1496 = arith.shli %shift_right_arithmetic3A_1494, %shift_left3A_1495 : i32
      %multiple_of3A_1497 = tpu.assume_multiple %shift_left3A_1496, 128 : i32
      %dma_start3A_1498 = arith.constant 0 : i32
      %dma_start3A_1499 = tpu.memref_slice %arg5[%dma_start3A_1498, %multiple_of3A_1497] : memref<32x1000000xf32, #tpu.memory_space<hbm>> -> memref<32x128xf32, #tpu.memory_space<hbm>>
      %dma_start3A_1500 = arith.constant 0 : i32
      %dma_start3A_1501 = tpu.memref_slice %arg5[%dma_start3A_1500, %multiple_of3A_1497] : memref<32x1000000xf32, #tpu.memory_space<hbm>> -> memref<32x128xf32, #tpu.memory_space<hbm>>
      tpu.enqueue_dma source(%dma_start3A_1501 : memref<32x128xf32, #tpu.memory_space<hbm>>) target(%arg20 : memref<32x128xf32, #tpu.memory_space<vmem>>) target_semaphore(%arg36 : memref<!tpu.dma_semaphore, #tpu.memory_space<semaphore_mem>>)
      %add3A_1502 = arith.constant 3 : i32
      %add3A_1503 = arith.addi %mul3A_1273, %add3A_1502 : i32
      %slice3A_1504 = vector.extract_strided_slice %and3A_1288 {offsets = [3], sizes = [1], strides = [1]} : vector<16xi32> to vector<1xi32>
      %squeeze3A_1505 = vector.extract %slice3A_1504[0] : i32 from vector<1xi32>
      %broadcast_in_dim3A_1506 = vector.broadcast %squeeze3A_1505 : i32 to vector<16xi32>
      %dma_wait3A_1507 = arith.constant 0 : i32
      %dma_wait3A_1508 = arith.constant 0 : i32
      %dma_wait3A_1509 = tpu.memref_slice %arg4[%dma_wait3A_1507, %dma_wait3A_1508] : memref<32x1000000xf32, #tpu.memory_space<hbm>> -> memref<32x128xf32, #tpu.memory_space<hbm>>
      %dma_wait3A_1510 = arith.constant 0 : i32
      %dma_wait3A_1511 = arith.constant 0 : i32
      %dma_wait3A_1512 = tpu.memref_slice %arg4[%dma_wait3A_1510, %dma_wait3A_1511] : memref<32x1000000xf32, #tpu.memory_space<hbm>> -> memref<32x128xf32, #tpu.memory_space<hbm>>
      tpu.wait_dma2 semaphore(%arg29 : memref<!tpu.dma_semaphore, #tpu.memory_space<semaphore_mem>>) src(%dma_wait3A_1512 : memref<32x128xf32, #tpu.memory_space<hbm>>) dst(%arg13 : memref<32x128xf32, #tpu.memory_space<vmem>>)
      %gather3A_1513 = tpu.vector_load_idx %arg13[%iota3A, %broadcast_in_dim3A_1506] : memref<32x128xf32, #tpu.memory_space<vmem>>[vector<16xi32>, vector<16xi32>], vector<16xf32>,
      %add3A_1514 = arith.constant 16 : i32
      %add3A_1515 = vector.broadcast %add3A_1514 : i32 to vector<16xi32>
      %add3A_1516 = arith.addi %iota3A, %add3A_1515 : vector<16xi32>
      %gather3A_1517 = tpu.vector_load_idx %arg13[%add3A_1516, %broadcast_in_dim3A_1506] : memref<32x128xf32, #tpu.memory_space<vmem>>[vector<16xi32>, vector<16xi32>], vector<16xf32>,
      %broadcast_in_dim3A_1518 = vector.broadcast %add3A_1503 : i32 to vector<16xi32>
      %add3A_1519 = arith.constant 0 : i32
      %add3A_1520 = vector.broadcast %add3A_1519 : i32 to vector<16xi32>
      %add3A_1521 = arith.addi %add3A_1520, %mul3A_5 : vector<16xi32>
      %add3A_1522 = arith.addi %add3A_1521, %broadcast_in_dim3A_1518 : vector<16xi32>
      tpu.vector_store_idx %arg9[%add3A_1522], %gather3A_1513 : memref<32768xf32, #tpu.memory_space<vmem>>[vector<16xi32>], vector<16xf32>,
      %add3A_1523 = arith.constant 0 : i32
      %add3A_1524 = vector.broadcast %add3A_1523 : i32 to vector<16xi32>
      %add3A_1525 = arith.addi %add3A_1524, %mul3A_11 : vector<16xi32>
      %add3A_1526 = arith.addi %add3A_1525, %broadcast_in_dim3A_1518 : vector<16xi32>
      tpu.vector_store_idx %arg9[%add3A_1526], %gather3A_1517 : memref<32768xf32, #tpu.memory_space<vmem>>[vector<16xi32>], vector<16xf32>,
      %slice3A_1527 = vector.extract_strided_slice %get3A_1275 {offsets = [11], sizes = [1], strides = [1]} : vector<16xi32> to vector<1xi32>
      %squeeze3A_1528 = vector.extract %slice3A_1527[0] : i32 from vector<1xi32>
      %shift_right_arithmetic3A_1529 = arith.constant 7 : i32
      %shift_right_arithmetic3A_1530 = arith.shrsi %squeeze3A_1528, %shift_right_arithmetic3A_1529 : i32
      %shift_left3A_1531 = arith.constant 7 : i32
      %shift_left3A_1532 = arith.shli %shift_right_arithmetic3A_1530, %shift_left3A_1531 : i32
      %multiple_of3A_1533 = tpu.assume_multiple %shift_left3A_1532, 128 : i32
      %dma_start3A_1534 = arith.constant 0 : i32
      %dma_start3A_1535 = tpu.memref_slice %arg4[%dma_start3A_1534, %multiple_of3A_1533] : memref<32x1000000xf32, #tpu.memory_space<hbm>> -> memref<32x128xf32, #tpu.memory_space<hbm>>
      %dma_start3A_1536 = arith.constant 0 : i32
      %dma_start3A_1537 = tpu.memref_slice %arg4[%dma_start3A_1536, %multiple_of3A_1533] : memref<32x1000000xf32, #tpu.memory_space<hbm>> -> memref<32x128xf32, #tpu.memory_space<hbm>>
      tpu.enqueue_dma source(%dma_start3A_1537 : memref<32x128xf32, #tpu.memory_space<hbm>>) target(%arg13 : memref<32x128xf32, #tpu.memory_space<vmem>>) target_semaphore(%arg29 : memref<!tpu.dma_semaphore, #tpu.memory_space<semaphore_mem>>)
      %slice3A_1538 = vector.extract_strided_slice %and3A_1291 {offsets = [3], sizes = [1], strides = [1]} : vector<16xi32> to vector<1xi32>
      %squeeze3A_1539 = vector.extract %slice3A_1538[0] : i32 from vector<1xi32>
      %broadcast_in_dim3A_1540 = vector.broadcast %squeeze3A_1539 : i32 to vector<16xi32>
      %dma_wait3A_1541 = arith.constant 0 : i32
      %dma_wait3A_1542 = arith.constant 0 : i32
      %dma_wait3A_1543 = tpu.memref_slice %arg4[%dma_wait3A_1541, %dma_wait3A_1542] : memref<32x1000000xf32, #tpu.memory_space<hbm>> -> memref<32x128xf32, #tpu.memory_space<hbm>>
      %dma_wait3A_1544 = arith.constant 0 : i32
      %dma_wait3A_1545 = arith.constant 0 : i32
      %dma_wait3A_1546 = tpu.memref_slice %arg4[%dma_wait3A_1544, %dma_wait3A_1545] : memref<32x1000000xf32, #tpu.memory_space<hbm>> -> memref<32x128xf32, #tpu.memory_space<hbm>>
      tpu.wait_dma2 semaphore(%arg37 : memref<!tpu.dma_semaphore, #tpu.memory_space<semaphore_mem>>) src(%dma_wait3A_1546 : memref<32x128xf32, #tpu.memory_space<hbm>>) dst(%arg21 : memref<32x128xf32, #tpu.memory_space<vmem>>)
      %gather3A_1547 = tpu.vector_load_idx %arg21[%iota3A, %broadcast_in_dim3A_1540] : memref<32x128xf32, #tpu.memory_space<vmem>>[vector<16xi32>, vector<16xi32>], vector<16xf32>,
      %add3A_1548 = arith.constant 16 : i32
      %add3A_1549 = vector.broadcast %add3A_1548 : i32 to vector<16xi32>
      %add3A_1550 = arith.addi %iota3A, %add3A_1549 : vector<16xi32>
      %gather3A_1551 = tpu.vector_load_idx %arg21[%add3A_1550, %broadcast_in_dim3A_1540] : memref<32x128xf32, #tpu.memory_space<vmem>>[vector<16xi32>, vector<16xi32>], vector<16xf32>,
      %broadcast_in_dim3A_1552 = vector.broadcast %add3A_1503 : i32 to vector<16xi32>
      %add3A_1553 = arith.constant 16384 : i32
      %add3A_1554 = vector.broadcast %add3A_1553 : i32 to vector<16xi32>
      %add3A_1555 = arith.addi %add3A_1554, %mul3A_5 : vector<16xi32>
      %add3A_1556 = arith.addi %add3A_1555, %broadcast_in_dim3A_1552 : vector<16xi32>
      tpu.vector_store_idx %arg9[%add3A_1556], %gather3A_1547 : memref<32768xf32, #tpu.memory_space<vmem>>[vector<16xi32>], vector<16xf32>,
      %add3A_1557 = arith.constant 16384 : i32
      %add3A_1558 = vector.broadcast %add3A_1557 : i32 to vector<16xi32>
      %add3A_1559 = arith.addi %add3A_1558, %mul3A_11 : vector<16xi32>
      %add3A_1560 = arith.addi %add3A_1559, %broadcast_in_dim3A_1552 : vector<16xi32>
      tpu.vector_store_idx %arg9[%add3A_1560], %gather3A_1551 : memref<32768xf32, #tpu.memory_space<vmem>>[vector<16xi32>], vector<16xf32>,
      %slice3A_1561 = vector.extract_strided_slice %get3A_1277 {offsets = [11], sizes = [1], strides = [1]} : vector<16xi32> to vector<1xi32>
      %squeeze3A_1562 = vector.extract %slice3A_1561[0] : i32 from vector<1xi32>
      %shift_right_arithmetic3A_1563 = arith.constant 7 : i32
      %shift_right_arithmetic3A_1564 = arith.shrsi %squeeze3A_1562, %shift_right_arithmetic3A_1563 : i32
      %shift_left3A_1565 = arith.constant 7 : i32
      %shift_left3A_1566 = arith.shli %shift_right_arithmetic3A_1564, %shift_left3A_1565 : i32
      %multiple_of3A_1567 = tpu.assume_multiple %shift_left3A_1566, 128 : i32
      %dma_start3A_1568 = arith.constant 0 : i32
      %dma_start3A_1569 = tpu.memref_slice %arg5[%dma_start3A_1568, %multiple_of3A_1567] : memref<32x1000000xf32, #tpu.memory_space<hbm>> -> memref<32x128xf32, #tpu.memory_space<hbm>>
      %dma_start3A_1570 = arith.constant 0 : i32
      %dma_start3A_1571 = tpu.memref_slice %arg5[%dma_start3A_1570, %multiple_of3A_1567] : memref<32x1000000xf32, #tpu.memory_space<hbm>> -> memref<32x128xf32, #tpu.memory_space<hbm>>
      tpu.enqueue_dma source(%dma_start3A_1571 : memref<32x128xf32, #tpu.memory_space<hbm>>) target(%arg21 : memref<32x128xf32, #tpu.memory_space<vmem>>) target_semaphore(%arg37 : memref<!tpu.dma_semaphore, #tpu.memory_space<semaphore_mem>>)
      %add3A_1572 = arith.constant 4 : i32
      %add3A_1573 = arith.addi %mul3A_1273, %add3A_1572 : i32
      %slice3A_1574 = vector.extract_strided_slice %and3A_1288 {offsets = [4], sizes = [1], strides = [1]} : vector<16xi32> to vector<1xi32>
      %squeeze3A_1575 = vector.extract %slice3A_1574[0] : i32 from vector<1xi32>
      %broadcast_in_dim3A_1576 = vector.broadcast %squeeze3A_1575 : i32 to vector<16xi32>
      %dma_wait3A_1577 = arith.constant 0 : i32
      %dma_wait3A_1578 = arith.constant 0 : i32
      %dma_wait3A_1579 = tpu.memref_slice %arg4[%dma_wait3A_1577, %dma_wait3A_1578] : memref<32x1000000xf32, #tpu.memory_space<hbm>> -> memref<32x128xf32, #tpu.memory_space<hbm>>
      %dma_wait3A_1580 = arith.constant 0 : i32
      %dma_wait3A_1581 = arith.constant 0 : i32
      %dma_wait3A_1582 = tpu.memref_slice %arg4[%dma_wait3A_1580, %dma_wait3A_1581] : memref<32x1000000xf32, #tpu.memory_space<hbm>> -> memref<32x128xf32, #tpu.memory_space<hbm>>
      tpu.wait_dma2 semaphore(%arg30 : memref<!tpu.dma_semaphore, #tpu.memory_space<semaphore_mem>>) src(%dma_wait3A_1582 : memref<32x128xf32, #tpu.memory_space<hbm>>) dst(%arg14 : memref<32x128xf32, #tpu.memory_space<vmem>>)
      %gather3A_1583 = tpu.vector_load_idx %arg14[%iota3A, %broadcast_in_dim3A_1576] : memref<32x128xf32, #tpu.memory_space<vmem>>[vector<16xi32>, vector<16xi32>], vector<16xf32>,
      %add3A_1584 = arith.constant 16 : i32
      %add3A_1585 = vector.broadcast %add3A_1584 : i32 to vector<16xi32>
      %add3A_1586 = arith.addi %iota3A, %add3A_1585 : vector<16xi32>
      %gather3A_1587 = tpu.vector_load_idx %arg14[%add3A_1586, %broadcast_in_dim3A_1576] : memref<32x128xf32, #tpu.memory_space<vmem>>[vector<16xi32>, vector<16xi32>], vector<16xf32>,
      %broadcast_in_dim3A_1588 = vector.broadcast %add3A_1573 : i32 to vector<16xi32>
      %add3A_1589 = arith.constant 0 : i32
      %add3A_1590 = vector.broadcast %add3A_1589 : i32 to vector<16xi32>
      %add3A_1591 = arith.addi %add3A_1590, %mul3A_5 : vector<16xi32>
      %add3A_1592 = arith.addi %add3A_1591, %broadcast_in_dim3A_1588 : vector<16xi32>
      tpu.vector_store_idx %arg9[%add3A_1592], %gather3A_1583 : memref<32768xf32, #tpu.memory_space<vmem>>[vector<16xi32>], vector<16xf32>,
      %add3A_1593 = arith.constant 0 : i32
      %add3A_1594 = vector.broadcast %add3A_1593 : i32 to vector<16xi32>
      %add3A_1595 = arith.addi %add3A_1594, %mul3A_11 : vector<16xi32>
      %add3A_1596 = arith.addi %add3A_1595, %broadcast_in_dim3A_1588 : vector<16xi32>
      tpu.vector_store_idx %arg9[%add3A_1596], %gather3A_1587 : memref<32768xf32, #tpu.memory_space<vmem>>[vector<16xi32>], vector<16xf32>,
      %slice3A_1597 = vector.extract_strided_slice %get3A_1275 {offsets = [12], sizes = [1], strides = [1]} : vector<16xi32> to vector<1xi32>
      %squeeze3A_1598 = vector.extract %slice3A_1597[0] : i32 from vector<1xi32>
      %shift_right_arithmetic3A_1599 = arith.constant 7 : i32
      %shift_right_arithmetic3A_1600 = arith.shrsi %squeeze3A_1598, %shift_right_arithmetic3A_1599 : i32
      %shift_left3A_1601 = arith.constant 7 : i32
      %shift_left3A_1602 = arith.shli %shift_right_arithmetic3A_1600, %shift_left3A_1601 : i32
      %multiple_of3A_1603 = tpu.assume_multiple %shift_left3A_1602, 128 : i32
      %dma_start3A_1604 = arith.constant 0 : i32
      %dma_start3A_1605 = tpu.memref_slice %arg4[%dma_start3A_1604, %multiple_of3A_1603] : memref<32x1000000xf32, #tpu.memory_space<hbm>> -> memref<32x128xf32, #tpu.memory_space<hbm>>
      %dma_start3A_1606 = arith.constant 0 : i32
      %dma_start3A_1607 = tpu.memref_slice %arg4[%dma_start3A_1606, %multiple_of3A_1603] : memref<32x1000000xf32, #tpu.memory_space<hbm>> -> memref<32x128xf32, #tpu.memory_space<hbm>>
      tpu.enqueue_dma source(%dma_start3A_1607 : memref<32x128xf32, #tpu.memory_space<hbm>>) target(%arg14 : memref<32x128xf32, #tpu.memory_space<vmem>>) target_semaphore(%arg30 : memref<!tpu.dma_semaphore, #tpu.memory_space<semaphore_mem>>)
      %slice3A_1608 = vector.extract_strided_slice %and3A_1291 {offsets = [4], sizes = [1], strides = [1]} : vector<16xi32> to vector<1xi32>
      %squeeze3A_1609 = vector.extract %slice3A_1608[0] : i32 from vector<1xi32>
      %broadcast_in_dim3A_1610 = vector.broadcast %squeeze3A_1609 : i32 to vector<16xi32>
      %dma_wait3A_1611 = arith.constant 0 : i32
      %dma_wait3A_1612 = arith.constant 0 : i32
      %dma_wait3A_1613 = tpu.memref_slice %arg4[%dma_wait3A_1611, %dma_wait3A_1612] : memref<32x1000000xf32, #tpu.memory_space<hbm>> -> memref<32x128xf32, #tpu.memory_space<hbm>>
      %dma_wait3A_1614 = arith.constant 0 : i32
      %dma_wait3A_1615 = arith.constant 0 : i32
      %dma_wait3A_1616 = tpu.memref_slice %arg4[%dma_wait3A_1614, %dma_wait3A_1615] : memref<32x1000000xf32, #tpu.memory_space<hbm>> -> memref<32x128xf32, #tpu.memory_space<hbm>>
      tpu.wait_dma2 semaphore(%arg38 : memref<!tpu.dma_semaphore, #tpu.memory_space<semaphore_mem>>) src(%dma_wait3A_1616 : memref<32x128xf32, #tpu.memory_space<hbm>>) dst(%arg22 : memref<32x128xf32, #tpu.memory_space<vmem>>)
      %gather3A_1617 = tpu.vector_load_idx %arg22[%iota3A, %broadcast_in_dim3A_1610] : memref<32x128xf32, #tpu.memory_space<vmem>>[vector<16xi32>, vector<16xi32>], vector<16xf32>,
      %add3A_1618 = arith.constant 16 : i32
      %add3A_1619 = vector.broadcast %add3A_1618 : i32 to vector<16xi32>
      %add3A_1620 = arith.addi %iota3A, %add3A_1619 : vector<16xi32>
      %gather3A_1621 = tpu.vector_load_idx %arg22[%add3A_1620, %broadcast_in_dim3A_1610] : memref<32x128xf32, #tpu.memory_space<vmem>>[vector<16xi32>, vector<16xi32>], vector<16xf32>,
      %broadcast_in_dim3A_1622 = vector.broadcast %add3A_1573 : i32 to vector<16xi32>
      %add3A_1623 = arith.constant 16384 : i32
      %add3A_1624 = vector.broadcast %add3A_1623 : i32 to vector<16xi32>
      %add3A_1625 = arith.addi %add3A_1624, %mul3A_5 : vector<16xi32>
      %add3A_1626 = arith.addi %add3A_1625, %broadcast_in_dim3A_1622 : vector<16xi32>
      tpu.vector_store_idx %arg9[%add3A_1626], %gather3A_1617 : memref<32768xf32, #tpu.memory_space<vmem>>[vector<16xi32>], vector<16xf32>,
      %add3A_1627 = arith.constant 16384 : i32
      %add3A_1628 = vector.broadcast %add3A_1627 : i32 to vector<16xi32>
      %add3A_1629 = arith.addi %add3A_1628, %mul3A_11 : vector<16xi32>
      %add3A_1630 = arith.addi %add3A_1629, %broadcast_in_dim3A_1622 : vector<16xi32>
      tpu.vector_store_idx %arg9[%add3A_1630], %gather3A_1621 : memref<32768xf32, #tpu.memory_space<vmem>>[vector<16xi32>], vector<16xf32>,
      %slice3A_1631 = vector.extract_strided_slice %get3A_1277 {offsets = [12], sizes = [1], strides = [1]} : vector<16xi32> to vector<1xi32>
      %squeeze3A_1632 = vector.extract %slice3A_1631[0] : i32 from vector<1xi32>
      %shift_right_arithmetic3A_1633 = arith.constant 7 : i32
      %shift_right_arithmetic3A_1634 = arith.shrsi %squeeze3A_1632, %shift_right_arithmetic3A_1633 : i32
      %shift_left3A_1635 = arith.constant 7 : i32
      %shift_left3A_1636 = arith.shli %shift_right_arithmetic3A_1634, %shift_left3A_1635 : i32
      %multiple_of3A_1637 = tpu.assume_multiple %shift_left3A_1636, 128 : i32
      %dma_start3A_1638 = arith.constant 0 : i32
      %dma_start3A_1639 = tpu.memref_slice %arg5[%dma_start3A_1638, %multiple_of3A_1637] : memref<32x1000000xf32, #tpu.memory_space<hbm>> -> memref<32x128xf32, #tpu.memory_space<hbm>>
      %dma_start3A_1640 = arith.constant 0 : i32
      %dma_start3A_1641 = tpu.memref_slice %arg5[%dma_start3A_1640, %multiple_of3A_1637] : memref<32x1000000xf32, #tpu.memory_space<hbm>> -> memref<32x128xf32, #tpu.memory_space<hbm>>
      tpu.enqueue_dma source(%dma_start3A_1641 : memref<32x128xf32, #tpu.memory_space<hbm>>) target(%arg22 : memref<32x128xf32, #tpu.memory_space<vmem>>) target_semaphore(%arg38 : memref<!tpu.dma_semaphore, #tpu.memory_space<semaphore_mem>>)
      %add3A_1642 = arith.constant 5 : i32
      %add3A_1643 = arith.addi %mul3A_1273, %add3A_1642 : i32
      %slice3A_1644 = vector.extract_strided_slice %and3A_1288 {offsets = [5], sizes = [1], strides = [1]} : vector<16xi32> to vector<1xi32>
      %squeeze3A_1645 = vector.extract %slice3A_1644[0] : i32 from vector<1xi32>
      %broadcast_in_dim3A_1646 = vector.broadcast %squeeze3A_1645 : i32 to vector<16xi32>
      %dma_wait3A_1647 = arith.constant 0 : i32
      %dma_wait3A_1648 = arith.constant 0 : i32
      %dma_wait3A_1649 = tpu.memref_slice %arg4[%dma_wait3A_1647, %dma_wait3A_1648] : memref<32x1000000xf32, #tpu.memory_space<hbm>> -> memref<32x128xf32, #tpu.memory_space<hbm>>
      %dma_wait3A_1650 = arith.constant 0 : i32
      %dma_wait3A_1651 = arith.constant 0 : i32
      %dma_wait3A_1652 = tpu.memref_slice %arg4[%dma_wait3A_1650, %dma_wait3A_1651] : memref<32x1000000xf32, #tpu.memory_space<hbm>> -> memref<32x128xf32, #tpu.memory_space<hbm>>
      tpu.wait_dma2 semaphore(%arg31 : memref<!tpu.dma_semaphore, #tpu.memory_space<semaphore_mem>>) src(%dma_wait3A_1652 : memref<32x128xf32, #tpu.memory_space<hbm>>) dst(%arg15 : memref<32x128xf32, #tpu.memory_space<vmem>>)
      %gather3A_1653 = tpu.vector_load_idx %arg15[%iota3A, %broadcast_in_dim3A_1646] : memref<32x128xf32, #tpu.memory_space<vmem>>[vector<16xi32>, vector<16xi32>], vector<16xf32>,
      %add3A_1654 = arith.constant 16 : i32
      %add3A_1655 = vector.broadcast %add3A_1654 : i32 to vector<16xi32>
      %add3A_1656 = arith.addi %iota3A, %add3A_1655 : vector<16xi32>
      %gather3A_1657 = tpu.vector_load_idx %arg15[%add3A_1656, %broadcast_in_dim3A_1646] : memref<32x128xf32, #tpu.memory_space<vmem>>[vector<16xi32>, vector<16xi32>], vector<16xf32>,
      %broadcast_in_dim3A_1658 = vector.broadcast %add3A_1643 : i32 to vector<16xi32>
      %add3A_1659 = arith.constant 0 : i32
      %add3A_1660 = vector.broadcast %add3A_1659 : i32 to vector<16xi32>
      %add3A_1661 = arith.addi %add3A_1660, %mul3A_5 : vector<16xi32>
      %add3A_1662 = arith.addi %add3A_1661, %broadcast_in_dim3A_1658 : vector<16xi32>
      tpu.vector_store_idx %arg9[%add3A_1662], %gather3A_1653 : memref<32768xf32, #tpu.memory_space<vmem>>[vector<16xi32>], vector<16xf32>,
      %add3A_1663 = arith.constant 0 : i32
      %add3A_1664 = vector.broadcast %add3A_1663 : i32 to vector<16xi32>
      %add3A_1665 = arith.addi %add3A_1664, %mul3A_11 : vector<16xi32>
      %add3A_1666 = arith.addi %add3A_1665, %broadcast_in_dim3A_1658 : vector<16xi32>
      tpu.vector_store_idx %arg9[%add3A_1666], %gather3A_1657 : memref<32768xf32, #tpu.memory_space<vmem>>[vector<16xi32>], vector<16xf32>,
      %slice3A_1667 = vector.extract_strided_slice %get3A_1275 {offsets = [13], sizes = [1], strides = [1]} : vector<16xi32> to vector<1xi32>
      %squeeze3A_1668 = vector.extract %slice3A_1667[0] : i32 from vector<1xi32>
      %shift_right_arithmetic3A_1669 = arith.constant 7 : i32
      %shift_right_arithmetic3A_1670 = arith.shrsi %squeeze3A_1668, %shift_right_arithmetic3A_1669 : i32
      %shift_left3A_1671 = arith.constant 7 : i32
      %shift_left3A_1672 = arith.shli %shift_right_arithmetic3A_1670, %shift_left3A_1671 : i32
      %multiple_of3A_1673 = tpu.assume_multiple %shift_left3A_1672, 128 : i32
      %dma_start3A_1674 = arith.constant 0 : i32
      %dma_start3A_1675 = tpu.memref_slice %arg4[%dma_start3A_1674, %multiple_of3A_1673] : memref<32x1000000xf32, #tpu.memory_space<hbm>> -> memref<32x128xf32, #tpu.memory_space<hbm>>
      %dma_start3A_1676 = arith.constant 0 : i32
      %dma_start3A_1677 = tpu.memref_slice %arg4[%dma_start3A_1676, %multiple_of3A_1673] : memref<32x1000000xf32, #tpu.memory_space<hbm>> -> memref<32x128xf32, #tpu.memory_space<hbm>>
      tpu.enqueue_dma source(%dma_start3A_1677 : memref<32x128xf32, #tpu.memory_space<hbm>>) target(%arg15 : memref<32x128xf32, #tpu.memory_space<vmem>>) target_semaphore(%arg31 : memref<!tpu.dma_semaphore, #tpu.memory_space<semaphore_mem>>)
      %slice3A_1678 = vector.extract_strided_slice %and3A_1291 {offsets = [5], sizes = [1], strides = [1]} : vector<16xi32> to vector<1xi32>
      %squeeze3A_1679 = vector.extract %slice3A_1678[0] : i32 from vector<1xi32>
      %broadcast_in_dim3A_1680 = vector.broadcast %squeeze3A_1679 : i32 to vector<16xi32>
      %dma_wait3A_1681 = arith.constant 0 : i32
      %dma_wait3A_1682 = arith.constant 0 : i32
      %dma_wait3A_1683 = tpu.memref_slice %arg4[%dma_wait3A_1681, %dma_wait3A_1682] : memref<32x1000000xf32, #tpu.memory_space<hbm>> -> memref<32x128xf32, #tpu.memory_space<hbm>>
      %dma_wait3A_1684 = arith.constant 0 : i32
      %dma_wait3A_1685 = arith.constant 0 : i32
      %dma_wait3A_1686 = tpu.memref_slice %arg4[%dma_wait3A_1684, %dma_wait3A_1685] : memref<32x1000000xf32, #tpu.memory_space<hbm>> -> memref<32x128xf32, #tpu.memory_space<hbm>>
      tpu.wait_dma2 semaphore(%arg39 : memref<!tpu.dma_semaphore, #tpu.memory_space<semaphore_mem>>) src(%dma_wait3A_1686 : memref<32x128xf32, #tpu.memory_space<hbm>>) dst(%arg23 : memref<32x128xf32, #tpu.memory_space<vmem>>)
      %gather3A_1687 = tpu.vector_load_idx %arg23[%iota3A, %broadcast_in_dim3A_1680] : memref<32x128xf32, #tpu.memory_space<vmem>>[vector<16xi32>, vector<16xi32>], vector<16xf32>,
      %add3A_1688 = arith.constant 16 : i32
      %add3A_1689 = vector.broadcast %add3A_1688 : i32 to vector<16xi32>
      %add3A_1690 = arith.addi %iota3A, %add3A_1689 : vector<16xi32>
      %gather3A_1691 = tpu.vector_load_idx %arg23[%add3A_1690, %broadcast_in_dim3A_1680] : memref<32x128xf32, #tpu.memory_space<vmem>>[vector<16xi32>, vector<16xi32>], vector<16xf32>,
      %broadcast_in_dim3A_1692 = vector.broadcast %add3A_1643 : i32 to vector<16xi32>
      %add3A_1693 = arith.constant 16384 : i32
      %add3A_1694 = vector.broadcast %add3A_1693 : i32 to vector<16xi32>
      %add3A_1695 = arith.addi %add3A_1694, %mul3A_5 : vector<16xi32>
      %add3A_1696 = arith.addi %add3A_1695, %broadcast_in_dim3A_1692 : vector<16xi32>
      tpu.vector_store_idx %arg9[%add3A_1696], %gather3A_1687 : memref<32768xf32, #tpu.memory_space<vmem>>[vector<16xi32>], vector<16xf32>,
      %add3A_1697 = arith.constant 16384 : i32
      %add3A_1698 = vector.broadcast %add3A_1697 : i32 to vector<16xi32>
      %add3A_1699 = arith.addi %add3A_1698, %mul3A_11 : vector<16xi32>
      %add3A_1700 = arith.addi %add3A_1699, %broadcast_in_dim3A_1692 : vector<16xi32>
      tpu.vector_store_idx %arg9[%add3A_1700], %gather3A_1691 : memref<32768xf32, #tpu.memory_space<vmem>>[vector<16xi32>], vector<16xf32>,
      %slice3A_1701 = vector.extract_strided_slice %get3A_1277 {offsets = [13], sizes = [1], strides = [1]} : vector<16xi32> to vector<1xi32>
      %squeeze3A_1702 = vector.extract %slice3A_1701[0] : i32 from vector<1xi32>
      %shift_right_arithmetic3A_1703 = arith.constant 7 : i32
      %shift_right_arithmetic3A_1704 = arith.shrsi %squeeze3A_1702, %shift_right_arithmetic3A_1703 : i32
      %shift_left3A_1705 = arith.constant 7 : i32
      %shift_left3A_1706 = arith.shli %shift_right_arithmetic3A_1704, %shift_left3A_1705 : i32
      %multiple_of3A_1707 = tpu.assume_multiple %shift_left3A_1706, 128 : i32
      %dma_start3A_1708 = arith.constant 0 : i32
      %dma_start3A_1709 = tpu.memref_slice %arg5[%dma_start3A_1708, %multiple_of3A_1707] : memref<32x1000000xf32, #tpu.memory_space<hbm>> -> memref<32x128xf32, #tpu.memory_space<hbm>>
      %dma_start3A_1710 = arith.constant 0 : i32
      %dma_start3A_1711 = tpu.memref_slice %arg5[%dma_start3A_1710, %multiple_of3A_1707] : memref<32x1000000xf32, #tpu.memory_space<hbm>> -> memref<32x128xf32, #tpu.memory_space<hbm>>
      tpu.enqueue_dma source(%dma_start3A_1711 : memref<32x128xf32, #tpu.memory_space<hbm>>) target(%arg23 : memref<32x128xf32, #tpu.memory_space<vmem>>) target_semaphore(%arg39 : memref<!tpu.dma_semaphore, #tpu.memory_space<semaphore_mem>>)
      %add3A_1712 = arith.constant 6 : i32
      %add3A_1713 = arith.addi %mul3A_1273, %add3A_1712 : i32
      %slice3A_1714 = vector.extract_strided_slice %and3A_1288 {offsets = [6], sizes = [1], strides = [1]} : vector<16xi32> to vector<1xi32>
      %squeeze3A_1715 = vector.extract %slice3A_1714[0] : i32 from vector<1xi32>
      %broadcast_in_dim3A_1716 = vector.broadcast %squeeze3A_1715 : i32 to vector<16xi32>
      %dma_wait3A_1717 = arith.constant 0 : i32
      %dma_wait3A_1718 = arith.constant 0 : i32
      %dma_wait3A_1719 = tpu.memref_slice %arg4[%dma_wait3A_1717, %dma_wait3A_1718] : memref<32x1000000xf32, #tpu.memory_space<hbm>> -> memref<32x128xf32, #tpu.memory_space<hbm>>
      %dma_wait3A_1720 = arith.constant 0 : i32
      %dma_wait3A_1721 = arith.constant 0 : i32
      %dma_wait3A_1722 = tpu.memref_slice %arg4[%dma_wait3A_1720, %dma_wait3A_1721] : memref<32x1000000xf32, #tpu.memory_space<hbm>> -> memref<32x128xf32, #tpu.memory_space<hbm>>
      tpu.wait_dma2 semaphore(%arg32 : memref<!tpu.dma_semaphore, #tpu.memory_space<semaphore_mem>>) src(%dma_wait3A_1722 : memref<32x128xf32, #tpu.memory_space<hbm>>) dst(%arg16 : memref<32x128xf32, #tpu.memory_space<vmem>>)
      %gather3A_1723 = tpu.vector_load_idx %arg16[%iota3A, %broadcast_in_dim3A_1716] : memref<32x128xf32, #tpu.memory_space<vmem>>[vector<16xi32>, vector<16xi32>], vector<16xf32>,
      %add3A_1724 = arith.constant 16 : i32
      %add3A_1725 = vector.broadcast %add3A_1724 : i32 to vector<16xi32>
      %add3A_1726 = arith.addi %iota3A, %add3A_1725 : vector<16xi32>
      %gather3A_1727 = tpu.vector_load_idx %arg16[%add3A_1726, %broadcast_in_dim3A_1716] : memref<32x128xf32, #tpu.memory_space<vmem>>[vector<16xi32>, vector<16xi32>], vector<16xf32>,
      %broadcast_in_dim3A_1728 = vector.broadcast %add3A_1713 : i32 to vector<16xi32>
      %add3A_1729 = arith.constant 0 : i32
      %add3A_1730 = vector.broadcast %add3A_1729 : i32 to vector<16xi32>
      %add3A_1731 = arith.addi %add3A_1730, %mul3A_5 : vector<16xi32>
      %add3A_1732 = arith.addi %add3A_1731, %broadcast_in_dim3A_1728 : vector<16xi32>
      tpu.vector_store_idx %arg9[%add3A_1732], %gather3A_1723 : memref<32768xf32, #tpu.memory_space<vmem>>[vector<16xi32>], vector<16xf32>,
      %add3A_1733 = arith.constant 0 : i32
      %add3A_1734 = vector.broadcast %add3A_1733 : i32 to vector<16xi32>
      %add3A_1735 = arith.addi %add3A_1734, %mul3A_11 : vector<16xi32>
      %add3A_1736 = arith.addi %add3A_1735, %broadcast_in_dim3A_1728 : vector<16xi32>
      tpu.vector_store_idx %arg9[%add3A_1736], %gather3A_1727 : memref<32768xf32, #tpu.memory_space<vmem>>[vector<16xi32>], vector<16xf32>,
      %slice3A_1737 = vector.extract_strided_slice %get3A_1275 {offsets = [14], sizes = [1], strides = [1]} : vector<16xi32> to vector<1xi32>
      %squeeze3A_1738 = vector.extract %slice3A_1737[0] : i32 from vector<1xi32>
      %shift_right_arithmetic3A_1739 = arith.constant 7 : i32
      %shift_right_arithmetic3A_1740 = arith.shrsi %squeeze3A_1738, %shift_right_arithmetic3A_1739 : i32
      %shift_left3A_1741 = arith.constant 7 : i32
      %shift_left3A_1742 = arith.shli %shift_right_arithmetic3A_1740, %shift_left3A_1741 : i32
      %multiple_of3A_1743 = tpu.assume_multiple %shift_left3A_1742, 128 : i32
      %dma_start3A_1744 = arith.constant 0 : i32
      %dma_start3A_1745 = tpu.memref_slice %arg4[%dma_start3A_1744, %multiple_of3A_1743] : memref<32x1000000xf32, #tpu.memory_space<hbm>> -> memref<32x128xf32, #tpu.memory_space<hbm>>
      %dma_start3A_1746 = arith.constant 0 : i32
      %dma_start3A_1747 = tpu.memref_slice %arg4[%dma_start3A_1746, %multiple_of3A_1743] : memref<32x1000000xf32, #tpu.memory_space<hbm>> -> memref<32x128xf32, #tpu.memory_space<hbm>>
      tpu.enqueue_dma source(%dma_start3A_1747 : memref<32x128xf32, #tpu.memory_space<hbm>>) target(%arg16 : memref<32x128xf32, #tpu.memory_space<vmem>>) target_semaphore(%arg32 : memref<!tpu.dma_semaphore, #tpu.memory_space<semaphore_mem>>)
      %slice3A_1748 = vector.extract_strided_slice %and3A_1291 {offsets = [6], sizes = [1], strides = [1]} : vector<16xi32> to vector<1xi32>
      %squeeze3A_1749 = vector.extract %slice3A_1748[0] : i32 from vector<1xi32>
      %broadcast_in_dim3A_1750 = vector.broadcast %squeeze3A_1749 : i32 to vector<16xi32>
      %dma_wait3A_1751 = arith.constant 0 : i32
      %dma_wait3A_1752 = arith.constant 0 : i32
      %dma_wait3A_1753 = tpu.memref_slice %arg4[%dma_wait3A_1751, %dma_wait3A_1752] : memref<32x1000000xf32, #tpu.memory_space<hbm>> -> memref<32x128xf32, #tpu.memory_space<hbm>>
      %dma_wait3A_1754 = arith.constant 0 : i32
      %dma_wait3A_1755 = arith.constant 0 : i32
      %dma_wait3A_1756 = tpu.memref_slice %arg4[%dma_wait3A_1754, %dma_wait3A_1755] : memref<32x1000000xf32, #tpu.memory_space<hbm>> -> memref<32x128xf32, #tpu.memory_space<hbm>>
      tpu.wait_dma2 semaphore(%arg40 : memref<!tpu.dma_semaphore, #tpu.memory_space<semaphore_mem>>) src(%dma_wait3A_1756 : memref<32x128xf32, #tpu.memory_space<hbm>>) dst(%arg24 : memref<32x128xf32, #tpu.memory_space<vmem>>)
      %gather3A_1757 = tpu.vector_load_idx %arg24[%iota3A, %broadcast_in_dim3A_1750] : memref<32x128xf32, #tpu.memory_space<vmem>>[vector<16xi32>, vector<16xi32>], vector<16xf32>,
      %add3A_1758 = arith.constant 16 : i32
      %add3A_1759 = vector.broadcast %add3A_1758 : i32 to vector<16xi32>
      %add3A_1760 = arith.addi %iota3A, %add3A_1759 : vector<16xi32>
      %gather3A_1761 = tpu.vector_load_idx %arg24[%add3A_1760, %broadcast_in_dim3A_1750] : memref<32x128xf32, #tpu.memory_space<vmem>>[vector<16xi32>, vector<16xi32>], vector<16xf32>,
      %broadcast_in_dim3A_1762 = vector.broadcast %add3A_1713 : i32 to vector<16xi32>
      %add3A_1763 = arith.constant 16384 : i32
      %add3A_1764 = vector.broadcast %add3A_1763 : i32 to vector<16xi32>
      %add3A_1765 = arith.addi %add3A_1764, %mul3A_5 : vector<16xi32>
      %add3A_1766 = arith.addi %add3A_1765, %broadcast_in_dim3A_1762 : vector<16xi32>
      tpu.vector_store_idx %arg9[%add3A_1766], %gather3A_1757 : memref<32768xf32, #tpu.memory_space<vmem>>[vector<16xi32>], vector<16xf32>,
      %add3A_1767 = arith.constant 16384 : i32
      %add3A_1768 = vector.broadcast %add3A_1767 : i32 to vector<16xi32>
      %add3A_1769 = arith.addi %add3A_1768, %mul3A_11 : vector<16xi32>
      %add3A_1770 = arith.addi %add3A_1769, %broadcast_in_dim3A_1762 : vector<16xi32>
      tpu.vector_store_idx %arg9[%add3A_1770], %gather3A_1761 : memref<32768xf32, #tpu.memory_space<vmem>>[vector<16xi32>], vector<16xf32>,
      %slice3A_1771 = vector.extract_strided_slice %get3A_1277 {offsets = [14], sizes = [1], strides = [1]} : vector<16xi32> to vector<1xi32>
      %squeeze3A_1772 = vector.extract %slice3A_1771[0] : i32 from vector<1xi32>
      %shift_right_arithmetic3A_1773 = arith.constant 7 : i32
      %shift_right_arithmetic3A_1774 = arith.shrsi %squeeze3A_1772, %shift_right_arithmetic3A_1773 : i32
      %shift_left3A_1775 = arith.constant 7 : i32
      %shift_left3A_1776 = arith.shli %shift_right_arithmetic3A_1774, %shift_left3A_1775 : i32
      %multiple_of3A_1777 = tpu.assume_multiple %shift_left3A_1776, 128 : i32
      %dma_start3A_1778 = arith.constant 0 : i32
      %dma_start3A_1779 = tpu.memref_slice %arg5[%dma_start3A_1778, %multiple_of3A_1777] : memref<32x1000000xf32, #tpu.memory_space<hbm>> -> memref<32x128xf32, #tpu.memory_space<hbm>>
      %dma_start3A_1780 = arith.constant 0 : i32
      %dma_start3A_1781 = tpu.memref_slice %arg5[%dma_start3A_1780, %multiple_of3A_1777] : memref<32x1000000xf32, #tpu.memory_space<hbm>> -> memref<32x128xf32, #tpu.memory_space<hbm>>
      tpu.enqueue_dma source(%dma_start3A_1781 : memref<32x128xf32, #tpu.memory_space<hbm>>) target(%arg24 : memref<32x128xf32, #tpu.memory_space<vmem>>) target_semaphore(%arg40 : memref<!tpu.dma_semaphore, #tpu.memory_space<semaphore_mem>>)
      %add3A_1782 = arith.constant 7 : i32
      %add3A_1783 = arith.addi %mul3A_1273, %add3A_1782 : i32
      %slice3A_1784 = vector.extract_strided_slice %and3A_1288 {offsets = [7], sizes = [1], strides = [1]} : vector<16xi32> to vector<1xi32>
      %squeeze3A_1785 = vector.extract %slice3A_1784[0] : i32 from vector<1xi32>
      %broadcast_in_dim3A_1786 = vector.broadcast %squeeze3A_1785 : i32 to vector<16xi32>
      %dma_wait3A_1787 = arith.constant 0 : i32
      %dma_wait3A_1788 = arith.constant 0 : i32
      %dma_wait3A_1789 = tpu.memref_slice %arg4[%dma_wait3A_1787, %dma_wait3A_1788] : memref<32x1000000xf32, #tpu.memory_space<hbm>> -> memref<32x128xf32, #tpu.memory_space<hbm>>
      %dma_wait3A_1790 = arith.constant 0 : i32
      %dma_wait3A_1791 = arith.constant 0 : i32
      %dma_wait3A_1792 = tpu.memref_slice %arg4[%dma_wait3A_1790, %dma_wait3A_1791] : memref<32x1000000xf32, #tpu.memory_space<hbm>> -> memref<32x128xf32, #tpu.memory_space<hbm>>
      tpu.wait_dma2 semaphore(%arg33 : memref<!tpu.dma_semaphore, #tpu.memory_space<semaphore_mem>>) src(%dma_wait3A_1792 : memref<32x128xf32, #tpu.memory_space<hbm>>) dst(%arg17 : memref<32x128xf32, #tpu.memory_space<vmem>>)
      %gather3A_1793 = tpu.vector_load_idx %arg17[%iota3A, %broadcast_in_dim3A_1786] : memref<32x128xf32, #tpu.memory_space<vmem>>[vector<16xi32>, vector<16xi32>], vector<16xf32>,
      %add3A_1794 = arith.constant 16 : i32
      %add3A_1795 = vector.broadcast %add3A_1794 : i32 to vector<16xi32>
      %add3A_1796 = arith.addi %iota3A, %add3A_1795 : vector<16xi32>
      %gather3A_1797 = tpu.vector_load_idx %arg17[%add3A_1796, %broadcast_in_dim3A_1786] : memref<32x128xf32, #tpu.memory_space<vmem>>[vector<16xi32>, vector<16xi32>], vector<16xf32>,
      %broadcast_in_dim3A_1798 = vector.broadcast %add3A_1783 : i32 to vector<16xi32>
      %add3A_1799 = arith.constant 0 : i32
      %add3A_1800 = vector.broadcast %add3A_1799 : i32 to vector<16xi32>
      %add3A_1801 = arith.addi %add3A_1800, %mul3A_5 : vector<16xi32>
      %add3A_1802 = arith.addi %add3A_1801, %broadcast_in_dim3A_1798 : vector<16xi32>
      tpu.vector_store_idx %arg9[%add3A_1802], %gather3A_1793 : memref<32768xf32, #tpu.memory_space<vmem>>[vector<16xi32>], vector<16xf32>,
      %add3A_1803 = arith.constant 0 : i32
      %add3A_1804 = vector.broadcast %add3A_1803 : i32 to vector<16xi32>
      %add3A_1805 = arith.addi %add3A_1804, %mul3A_11 : vector<16xi32>
      %add3A_1806 = arith.addi %add3A_1805, %broadcast_in_dim3A_1798 : vector<16xi32>
      tpu.vector_store_idx %arg9[%add3A_1806], %gather3A_1797 : memref<32768xf32, #tpu.memory_space<vmem>>[vector<16xi32>], vector<16xf32>,
      %slice3A_1807 = vector.extract_strided_slice %get3A_1275 {offsets = [15], sizes = [1], strides = [1]} : vector<16xi32> to vector<1xi32>
      %squeeze3A_1808 = vector.extract %slice3A_1807[0] : i32 from vector<1xi32>
      %shift_right_arithmetic3A_1809 = arith.constant 7 : i32
      %shift_right_arithmetic3A_1810 = arith.shrsi %squeeze3A_1808, %shift_right_arithmetic3A_1809 : i32
      %shift_left3A_1811 = arith.constant 7 : i32
      %shift_left3A_1812 = arith.shli %shift_right_arithmetic3A_1810, %shift_left3A_1811 : i32
      %multiple_of3A_1813 = tpu.assume_multiple %shift_left3A_1812, 128 : i32
      %dma_start3A_1814 = arith.constant 0 : i32
      %dma_start3A_1815 = tpu.memref_slice %arg4[%dma_start3A_1814, %multiple_of3A_1813] : memref<32x1000000xf32, #tpu.memory_space<hbm>> -> memref<32x128xf32, #tpu.memory_space<hbm>>
      %dma_start3A_1816 = arith.constant 0 : i32
      %dma_start3A_1817 = tpu.memref_slice %arg4[%dma_start3A_1816, %multiple_of3A_1813] : memref<32x1000000xf32, #tpu.memory_space<hbm>> -> memref<32x128xf32, #tpu.memory_space<hbm>>
      tpu.enqueue_dma source(%dma_start3A_1817 : memref<32x128xf32, #tpu.memory_space<hbm>>) target(%arg17 : memref<32x128xf32, #tpu.memory_space<vmem>>) target_semaphore(%arg33 : memref<!tpu.dma_semaphore, #tpu.memory_space<semaphore_mem>>)
      %slice3A_1818 = vector.extract_strided_slice %and3A_1291 {offsets = [7], sizes = [1], strides = [1]} : vector<16xi32> to vector<1xi32>
      %squeeze3A_1819 = vector.extract %slice3A_1818[0] : i32 from vector<1xi32>
      %broadcast_in_dim3A_1820 = vector.broadcast %squeeze3A_1819 : i32 to vector<16xi32>
      %dma_wait3A_1821 = arith.constant 0 : i32
      %dma_wait3A_1822 = arith.constant 0 : i32
      %dma_wait3A_1823 = tpu.memref_slice %arg4[%dma_wait3A_1821, %dma_wait3A_1822] : memref<32x1000000xf32, #tpu.memory_space<hbm>> -> memref<32x128xf32, #tpu.memory_space<hbm>>
      %dma_wait3A_1824 = arith.constant 0 : i32
      %dma_wait3A_1825 = arith.constant 0 : i32
      %dma_wait3A_1826 = tpu.memref_slice %arg4[%dma_wait3A_1824, %dma_wait3A_1825] : memref<32x1000000xf32, #tpu.memory_space<hbm>> -> memref<32x128xf32, #tpu.memory_space<hbm>>
      tpu.wait_dma2 semaphore(%arg41 : memref<!tpu.dma_semaphore, #tpu.memory_space<semaphore_mem>>) src(%dma_wait3A_1826 : memref<32x128xf32, #tpu.memory_space<hbm>>) dst(%arg25 : memref<32x128xf32, #tpu.memory_space<vmem>>)
      %gather3A_1827 = tpu.vector_load_idx %arg25[%iota3A, %broadcast_in_dim3A_1820] : memref<32x128xf32, #tpu.memory_space<vmem>>[vector<16xi32>, vector<16xi32>], vector<16xf32>,
      %add3A_1828 = arith.constant 16 : i32
      %add3A_1829 = vector.broadcast %add3A_1828 : i32 to vector<16xi32>
      %add3A_1830 = arith.addi %iota3A, %add3A_1829 : vector<16xi32>
      %gather3A_1831 = tpu.vector_load_idx %arg25[%add3A_1830, %broadcast_in_dim3A_1820] : memref<32x128xf32, #tpu.memory_space<vmem>>[vector<16xi32>, vector<16xi32>], vector<16xf32>,
      %broadcast_in_dim3A_1832 = vector.broadcast %add3A_1783 : i32 to vector<16xi32>
      %add3A_1833 = arith.constant 16384 : i32
      %add3A_1834 = vector.broadcast %add3A_1833 : i32 to vector<16xi32>
      %add3A_1835 = arith.addi %add3A_1834, %mul3A_5 : vector<16xi32>
      %add3A_1836 = arith.addi %add3A_1835, %broadcast_in_dim3A_1832 : vector<16xi32>
      tpu.vector_store_idx %arg9[%add3A_1836], %gather3A_1827 : memref<32768xf32, #tpu.memory_space<vmem>>[vector<16xi32>], vector<16xf32>,
      %add3A_1837 = arith.constant 16384 : i32
      %add3A_1838 = vector.broadcast %add3A_1837 : i32 to vector<16xi32>
      %add3A_1839 = arith.addi %add3A_1838, %mul3A_11 : vector<16xi32>
      %add3A_1840 = arith.addi %add3A_1839, %broadcast_in_dim3A_1832 : vector<16xi32>
      tpu.vector_store_idx %arg9[%add3A_1840], %gather3A_1831 : memref<32768xf32, #tpu.memory_space<vmem>>[vector<16xi32>], vector<16xf32>,
      %slice3A_1841 = vector.extract_strided_slice %get3A_1277 {offsets = [15], sizes = [1], strides = [1]} : vector<16xi32> to vector<1xi32>
      %squeeze3A_1842 = vector.extract %slice3A_1841[0] : i32 from vector<1xi32>
      %shift_right_arithmetic3A_1843 = arith.constant 7 : i32
      %shift_right_arithmetic3A_1844 = arith.shrsi %squeeze3A_1842, %shift_right_arithmetic3A_1843 : i32
      %shift_left3A_1845 = arith.constant 7 : i32
      %shift_left3A_1846 = arith.shli %shift_right_arithmetic3A_1844, %shift_left3A_1845 : i32
      %multiple_of3A_1847 = tpu.assume_multiple %shift_left3A_1846, 128 : i32
      %dma_start3A_1848 = arith.constant 0 : i32
      %dma_start3A_1849 = tpu.memref_slice %arg5[%dma_start3A_1848, %multiple_of3A_1847] : memref<32x1000000xf32, #tpu.memory_space<hbm>> -> memref<32x128xf32, #tpu.memory_space<hbm>>
      %dma_start3A_1850 = arith.constant 0 : i32
      %dma_start3A_1851 = tpu.memref_slice %arg5[%dma_start3A_1850, %multiple_of3A_1847] : memref<32x1000000xf32, #tpu.memory_space<hbm>> -> memref<32x128xf32, #tpu.memory_space<hbm>>
      tpu.enqueue_dma source(%dma_start3A_1851 : memref<32x128xf32, #tpu.memory_space<hbm>>) target(%arg25 : memref<32x128xf32, #tpu.memory_space<vmem>>) target_semaphore(%arg41 : memref<!tpu.dma_semaphore, #tpu.memory_space<semaphore_mem>>)
      %add3A_1852 = arith.constant 8 : i32
      %add3A_1853 = arith.addi %mul3A_1273, %add3A_1852 : i32
      %slice3A_1854 = vector.extract_strided_slice %and3A_1288 {offsets = [8], sizes = [1], strides = [1]} : vector<16xi32> to vector<1xi32>
      %squeeze3A_1855 = vector.extract %slice3A_1854[0] : i32 from vector<1xi32>
      %broadcast_in_dim3A_1856 = vector.broadcast %squeeze3A_1855 : i32 to vector<16xi32>
      %dma_wait3A_1857 = arith.constant 0 : i32
      %dma_wait3A_1858 = arith.constant 0 : i32
      %dma_wait3A_1859 = tpu.memref_slice %arg4[%dma_wait3A_1857, %dma_wait3A_1858] : memref<32x1000000xf32, #tpu.memory_space<hbm>> -> memref<32x128xf32, #tpu.memory_space<hbm>>
      %dma_wait3A_1860 = arith.constant 0 : i32
      %dma_wait3A_1861 = arith.constant 0 : i32
      %dma_wait3A_1862 = tpu.memref_slice %arg4[%dma_wait3A_1860, %dma_wait3A_1861] : memref<32x1000000xf32, #tpu.memory_space<hbm>> -> memref<32x128xf32, #tpu.memory_space<hbm>>
      tpu.wait_dma2 semaphore(%arg26 : memref<!tpu.dma_semaphore, #tpu.memory_space<semaphore_mem>>) src(%dma_wait3A_1862 : memref<32x128xf32, #tpu.memory_space<hbm>>) dst(%arg10 : memref<32x128xf32, #tpu.memory_space<vmem>>)
      %gather3A_1863 = tpu.vector_load_idx %arg10[%iota3A, %broadcast_in_dim3A_1856] : memref<32x128xf32, #tpu.memory_space<vmem>>[vector<16xi32>, vector<16xi32>], vector<16xf32>,
      %add3A_1864 = arith.constant 16 : i32
      %add3A_1865 = vector.broadcast %add3A_1864 : i32 to vector<16xi32>
      %add3A_1866 = arith.addi %iota3A, %add3A_1865 : vector<16xi32>
      %gather3A_1867 = tpu.vector_load_idx %arg10[%add3A_1866, %broadcast_in_dim3A_1856] : memref<32x128xf32, #tpu.memory_space<vmem>>[vector<16xi32>, vector<16xi32>], vector<16xf32>,
      %broadcast_in_dim3A_1868 = vector.broadcast %add3A_1853 : i32 to vector<16xi32>
      %add3A_1869 = arith.constant 0 : i32
      %add3A_1870 = vector.broadcast %add3A_1869 : i32 to vector<16xi32>
      %add3A_1871 = arith.addi %add3A_1870, %mul3A_5 : vector<16xi32>
      %add3A_1872 = arith.addi %add3A_1871, %broadcast_in_dim3A_1868 : vector<16xi32>
      tpu.vector_store_idx %arg9[%add3A_1872], %gather3A_1863 : memref<32768xf32, #tpu.memory_space<vmem>>[vector<16xi32>], vector<16xf32>,
      %add3A_1873 = arith.constant 0 : i32
      %add3A_1874 = vector.broadcast %add3A_1873 : i32 to vector<16xi32>
      %add3A_1875 = arith.addi %add3A_1874, %mul3A_11 : vector<16xi32>
      %add3A_1876 = arith.addi %add3A_1875, %broadcast_in_dim3A_1868 : vector<16xi32>
      tpu.vector_store_idx %arg9[%add3A_1876], %gather3A_1867 : memref<32768xf32, #tpu.memory_space<vmem>>[vector<16xi32>], vector<16xf32>,
      %slice3A_1877 = vector.extract_strided_slice %get3A_1281 {offsets = [0], sizes = [1], strides = [1]} : vector<16xi32> to vector<1xi32>
      %squeeze3A_1878 = vector.extract %slice3A_1877[0] : i32 from vector<1xi32>
      %shift_right_arithmetic3A_1879 = arith.constant 7 : i32
      %shift_right_arithmetic3A_1880 = arith.shrsi %squeeze3A_1878, %shift_right_arithmetic3A_1879 : i32
      %shift_left3A_1881 = arith.constant 7 : i32
      %shift_left3A_1882 = arith.shli %shift_right_arithmetic3A_1880, %shift_left3A_1881 : i32
      %multiple_of3A_1883 = tpu.assume_multiple %shift_left3A_1882, 128 : i32
      %dma_start3A_1884 = arith.constant 0 : i32
      %dma_start3A_1885 = tpu.memref_slice %arg4[%dma_start3A_1884, %multiple_of3A_1883] : memref<32x1000000xf32, #tpu.memory_space<hbm>> -> memref<32x128xf32, #tpu.memory_space<hbm>>
      %dma_start3A_1886 = arith.constant 0 : i32
      %dma_start3A_1887 = tpu.memref_slice %arg4[%dma_start3A_1886, %multiple_of3A_1883] : memref<32x1000000xf32, #tpu.memory_space<hbm>> -> memref<32x128xf32, #tpu.memory_space<hbm>>
      tpu.enqueue_dma source(%dma_start3A_1887 : memref<32x128xf32, #tpu.memory_space<hbm>>) target(%arg10 : memref<32x128xf32, #tpu.memory_space<vmem>>) target_semaphore(%arg26 : memref<!tpu.dma_semaphore, #tpu.memory_space<semaphore_mem>>)
      %slice3A_1888 = vector.extract_strided_slice %and3A_1291 {offsets = [8], sizes = [1], strides = [1]} : vector<16xi32> to vector<1xi32>
      %squeeze3A_1889 = vector.extract %slice3A_1888[0] : i32 from vector<1xi32>
      %broadcast_in_dim3A_1890 = vector.broadcast %squeeze3A_1889 : i32 to vector<16xi32>
      %dma_wait3A_1891 = arith.constant 0 : i32
      %dma_wait3A_1892 = arith.constant 0 : i32
      %dma_wait3A_1893 = tpu.memref_slice %arg4[%dma_wait3A_1891, %dma_wait3A_1892] : memref<32x1000000xf32, #tpu.memory_space<hbm>> -> memref<32x128xf32, #tpu.memory_space<hbm>>
      %dma_wait3A_1894 = arith.constant 0 : i32
      %dma_wait3A_1895 = arith.constant 0 : i32
      %dma_wait3A_1896 = tpu.memref_slice %arg4[%dma_wait3A_1894, %dma_wait3A_1895] : memref<32x1000000xf32, #tpu.memory_space<hbm>> -> memref<32x128xf32, #tpu.memory_space<hbm>>
      tpu.wait_dma2 semaphore(%arg34 : memref<!tpu.dma_semaphore, #tpu.memory_space<semaphore_mem>>) src(%dma_wait3A_1896 : memref<32x128xf32, #tpu.memory_space<hbm>>) dst(%arg18 : memref<32x128xf32, #tpu.memory_space<vmem>>)
      %gather3A_1897 = tpu.vector_load_idx %arg18[%iota3A, %broadcast_in_dim3A_1890] : memref<32x128xf32, #tpu.memory_space<vmem>>[vector<16xi32>, vector<16xi32>], vector<16xf32>,
      %add3A_1898 = arith.constant 16 : i32
      %add3A_1899 = vector.broadcast %add3A_1898 : i32 to vector<16xi32>
      %add3A_1900 = arith.addi %iota3A, %add3A_1899 : vector<16xi32>
      %gather3A_1901 = tpu.vector_load_idx %arg18[%add3A_1900, %broadcast_in_dim3A_1890] : memref<32x128xf32, #tpu.memory_space<vmem>>[vector<16xi32>, vector<16xi32>], vector<16xf32>,
      %broadcast_in_dim3A_1902 = vector.broadcast %add3A_1853 : i32 to vector<16xi32>
      %add3A_1903 = arith.constant 16384 : i32
      %add3A_1904 = vector.broadcast %add3A_1903 : i32 to vector<16xi32>
      %add3A_1905 = arith.addi %add3A_1904, %mul3A_5 : vector<16xi32>
      %add3A_1906 = arith.addi %add3A_1905, %broadcast_in_dim3A_1902 : vector<16xi32>
      tpu.vector_store_idx %arg9[%add3A_1906], %gather3A_1897 : memref<32768xf32, #tpu.memory_space<vmem>>[vector<16xi32>], vector<16xf32>,
      %add3A_1907 = arith.constant 16384 : i32
      %add3A_1908 = vector.broadcast %add3A_1907 : i32 to vector<16xi32>
      %add3A_1909 = arith.addi %add3A_1908, %mul3A_11 : vector<16xi32>
      %add3A_1910 = arith.addi %add3A_1909, %broadcast_in_dim3A_1902 : vector<16xi32>
      tpu.vector_store_idx %arg9[%add3A_1910], %gather3A_1901 : memref<32768xf32, #tpu.memory_space<vmem>>[vector<16xi32>], vector<16xf32>,
      %slice3A_1911 = vector.extract_strided_slice %get3A_1285 {offsets = [0], sizes = [1], strides = [1]} : vector<16xi32> to vector<1xi32>
      %squeeze3A_1912 = vector.extract %slice3A_1911[0] : i32 from vector<1xi32>
      %shift_right_arithmetic3A_1913 = arith.constant 7 : i32
      %shift_right_arithmetic3A_1914 = arith.shrsi %squeeze3A_1912, %shift_right_arithmetic3A_1913 : i32
      %shift_left3A_1915 = arith.constant 7 : i32
      %shift_left3A_1916 = arith.shli %shift_right_arithmetic3A_1914, %shift_left3A_1915 : i32
      %multiple_of3A_1917 = tpu.assume_multiple %shift_left3A_1916, 128 : i32
      %dma_start3A_1918 = arith.constant 0 : i32
      %dma_start3A_1919 = tpu.memref_slice %arg5[%dma_start3A_1918, %multiple_of3A_1917] : memref<32x1000000xf32, #tpu.memory_space<hbm>> -> memref<32x128xf32, #tpu.memory_space<hbm>>
      %dma_start3A_1920 = arith.constant 0 : i32
      %dma_start3A_1921 = tpu.memref_slice %arg5[%dma_start3A_1920, %multiple_of3A_1917] : memref<32x1000000xf32, #tpu.memory_space<hbm>> -> memref<32x128xf32, #tpu.memory_space<hbm>>
      tpu.enqueue_dma source(%dma_start3A_1921 : memref<32x128xf32, #tpu.memory_space<hbm>>) target(%arg18 : memref<32x128xf32, #tpu.memory_space<vmem>>) target_semaphore(%arg34 : memref<!tpu.dma_semaphore, #tpu.memory_space<semaphore_mem>>)
      %add3A_1922 = arith.constant 9 : i32
      %add3A_1923 = arith.addi %mul3A_1273, %add3A_1922 : i32
      %slice3A_1924 = vector.extract_strided_slice %and3A_1288 {offsets = [9], sizes = [1], strides = [1]} : vector<16xi32> to vector<1xi32>
      %squeeze3A_1925 = vector.extract %slice3A_1924[0] : i32 from vector<1xi32>
      %broadcast_in_dim3A_1926 = vector.broadcast %squeeze3A_1925 : i32 to vector<16xi32>
      %dma_wait3A_1927 = arith.constant 0 : i32
      %dma_wait3A_1928 = arith.constant 0 : i32
      %dma_wait3A_1929 = tpu.memref_slice %arg4[%dma_wait3A_1927, %dma_wait3A_1928] : memref<32x1000000xf32, #tpu.memory_space<hbm>> -> memref<32x128xf32, #tpu.memory_space<hbm>>
      %dma_wait3A_1930 = arith.constant 0 : i32
      %dma_wait3A_1931 = arith.constant 0 : i32
      %dma_wait3A_1932 = tpu.memref_slice %arg4[%dma_wait3A_1930, %dma_wait3A_1931] : memref<32x1000000xf32, #tpu.memory_space<hbm>> -> memref<32x128xf32, #tpu.memory_space<hbm>>
      tpu.wait_dma2 semaphore(%arg27 : memref<!tpu.dma_semaphore, #tpu.memory_space<semaphore_mem>>) src(%dma_wait3A_1932 : memref<32x128xf32, #tpu.memory_space<hbm>>) dst(%arg11 : memref<32x128xf32, #tpu.memory_space<vmem>>)
      %gather3A_1933 = tpu.vector_load_idx %arg11[%iota3A, %broadcast_in_dim3A_1926] : memref<32x128xf32, #tpu.memory_space<vmem>>[vector<16xi32>, vector<16xi32>], vector<16xf32>,
      %add3A_1934 = arith.constant 16 : i32
      %add3A_1935 = vector.broadcast %add3A_1934 : i32 to vector<16xi32>
      %add3A_1936 = arith.addi %iota3A, %add3A_1935 : vector<16xi32>
      %gather3A_1937 = tpu.vector_load_idx %arg11[%add3A_1936, %broadcast_in_dim3A_1926] : memref<32x128xf32, #tpu.memory_space<vmem>>[vector<16xi32>, vector<16xi32>], vector<16xf32>,
      %broadcast_in_dim3A_1938 = vector.broadcast %add3A_1923 : i32 to vector<16xi32>
      %add3A_1939 = arith.constant 0 : i32
      %add3A_1940 = vector.broadcast %add3A_1939 : i32 to vector<16xi32>
      %add3A_1941 = arith.addi %add3A_1940, %mul3A_5 : vector<16xi32>
      %add3A_1942 = arith.addi %add3A_1941, %broadcast_in_dim3A_1938 : vector<16xi32>
      tpu.vector_store_idx %arg9[%add3A_1942], %gather3A_1933 : memref<32768xf32, #tpu.memory_space<vmem>>[vector<16xi32>], vector<16xf32>,
      %add3A_1943 = arith.constant 0 : i32
      %add3A_1944 = vector.broadcast %add3A_1943 : i32 to vector<16xi32>
      %add3A_1945 = arith.addi %add3A_1944, %mul3A_11 : vector<16xi32>
      %add3A_1946 = arith.addi %add3A_1945, %broadcast_in_dim3A_1938 : vector<16xi32>
      tpu.vector_store_idx %arg9[%add3A_1946], %gather3A_1937 : memref<32768xf32, #tpu.memory_space<vmem>>[vector<16xi32>], vector<16xf32>,
      %slice3A_1947 = vector.extract_strided_slice %get3A_1281 {offsets = [1], sizes = [1], strides = [1]} : vector<16xi32> to vector<1xi32>
      %squeeze3A_1948 = vector.extract %slice3A_1947[0] : i32 from vector<1xi32>
      %shift_right_arithmetic3A_1949 = arith.constant 7 : i32
      %shift_right_arithmetic3A_1950 = arith.shrsi %squeeze3A_1948, %shift_right_arithmetic3A_1949 : i32
      %shift_left3A_1951 = arith.constant 7 : i32
      %shift_left3A_1952 = arith.shli %shift_right_arithmetic3A_1950, %shift_left3A_1951 : i32
      %multiple_of3A_1953 = tpu.assume_multiple %shift_left3A_1952, 128 : i32
      %dma_start3A_1954 = arith.constant 0 : i32
      %dma_start3A_1955 = tpu.memref_slice %arg4[%dma_start3A_1954, %multiple_of3A_1953] : memref<32x1000000xf32, #tpu.memory_space<hbm>> -> memref<32x128xf32, #tpu.memory_space<hbm>>
      %dma_start3A_1956 = arith.constant 0 : i32
      %dma_start3A_1957 = tpu.memref_slice %arg4[%dma_start3A_1956, %multiple_of3A_1953] : memref<32x1000000xf32, #tpu.memory_space<hbm>> -> memref<32x128xf32, #tpu.memory_space<hbm>>
      tpu.enqueue_dma source(%dma_start3A_1957 : memref<32x128xf32, #tpu.memory_space<hbm>>) target(%arg11 : memref<32x128xf32, #tpu.memory_space<vmem>>) target_semaphore(%arg27 : memref<!tpu.dma_semaphore, #tpu.memory_space<semaphore_mem>>)
      %slice3A_1958 = vector.extract_strided_slice %and3A_1291 {offsets = [9], sizes = [1], strides = [1]} : vector<16xi32> to vector<1xi32>
      %squeeze3A_1959 = vector.extract %slice3A_1958[0] : i32 from vector<1xi32>
      %broadcast_in_dim3A_1960 = vector.broadcast %squeeze3A_1959 : i32 to vector<16xi32>
      %dma_wait3A_1961 = arith.constant 0 : i32
      %dma_wait3A_1962 = arith.constant 0 : i32
      %dma_wait3A_1963 = tpu.memref_slice %arg4[%dma_wait3A_1961, %dma_wait3A_1962] : memref<32x1000000xf32, #tpu.memory_space<hbm>> -> memref<32x128xf32, #tpu.memory_space<hbm>>
      %dma_wait3A_1964 = arith.constant 0 : i32
      %dma_wait3A_1965 = arith.constant 0 : i32
      %dma_wait3A_1966 = tpu.memref_slice %arg4[%dma_wait3A_1964, %dma_wait3A_1965] : memref<32x1000000xf32, #tpu.memory_space<hbm>> -> memref<32x128xf32, #tpu.memory_space<hbm>>
      tpu.wait_dma2 semaphore(%arg35 : memref<!tpu.dma_semaphore, #tpu.memory_space<semaphore_mem>>) src(%dma_wait3A_1966 : memref<32x128xf32, #tpu.memory_space<hbm>>) dst(%arg19 : memref<32x128xf32, #tpu.memory_space<vmem>>)
      %gather3A_1967 = tpu.vector_load_idx %arg19[%iota3A, %broadcast_in_dim3A_1960] : memref<32x128xf32, #tpu.memory_space<vmem>>[vector<16xi32>, vector<16xi32>], vector<16xf32>,
      %add3A_1968 = arith.constant 16 : i32
      %add3A_1969 = vector.broadcast %add3A_1968 : i32 to vector<16xi32>
      %add3A_1970 = arith.addi %iota3A, %add3A_1969 : vector<16xi32>
      %gather3A_1971 = tpu.vector_load_idx %arg19[%add3A_1970, %broadcast_in_dim3A_1960] : memref<32x128xf32, #tpu.memory_space<vmem>>[vector<16xi32>, vector<16xi32>], vector<16xf32>,
      %broadcast_in_dim3A_1972 = vector.broadcast %add3A_1923 : i32 to vector<16xi32>
      %add3A_1973 = arith.constant 16384 : i32
      %add3A_1974 = vector.broadcast %add3A_1973 : i32 to vector<16xi32>
      %add3A_1975 = arith.addi %add3A_1974, %mul3A_5 : vector<16xi32>
      %add3A_1976 = arith.addi %add3A_1975, %broadcast_in_dim3A_1972 : vector<16xi32>
      tpu.vector_store_idx %arg9[%add3A_1976], %gather3A_1967 : memref<32768xf32, #tpu.memory_space<vmem>>[vector<16xi32>], vector<16xf32>,
      %add3A_1977 = arith.constant 16384 : i32
      %add3A_1978 = vector.broadcast %add3A_1977 : i32 to vector<16xi32>
      %add3A_1979 = arith.addi %add3A_1978, %mul3A_11 : vector<16xi32>
      %add3A_1980 = arith.addi %add3A_1979, %broadcast_in_dim3A_1972 : vector<16xi32>
      tpu.vector_store_idx %arg9[%add3A_1980], %gather3A_1971 : memref<32768xf32, #tpu.memory_space<vmem>>[vector<16xi32>], vector<16xf32>,
      %slice3A_1981 = vector.extract_strided_slice %get3A_1285 {offsets = [1], sizes = [1], strides = [1]} : vector<16xi32> to vector<1xi32>
      %squeeze3A_1982 = vector.extract %slice3A_1981[0] : i32 from vector<1xi32>
      %shift_right_arithmetic3A_1983 = arith.constant 7 : i32
      %shift_right_arithmetic3A_1984 = arith.shrsi %squeeze3A_1982, %shift_right_arithmetic3A_1983 : i32
      %shift_left3A_1985 = arith.constant 7 : i32
      %shift_left3A_1986 = arith.shli %shift_right_arithmetic3A_1984, %shift_left3A_1985 : i32
      %multiple_of3A_1987 = tpu.assume_multiple %shift_left3A_1986, 128 : i32
      %dma_start3A_1988 = arith.constant 0 : i32
      %dma_start3A_1989 = tpu.memref_slice %arg5[%dma_start3A_1988, %multiple_of3A_1987] : memref<32x1000000xf32, #tpu.memory_space<hbm>> -> memref<32x128xf32, #tpu.memory_space<hbm>>
      %dma_start3A_1990 = arith.constant 0 : i32
      %dma_start3A_1991 = tpu.memref_slice %arg5[%dma_start3A_1990, %multiple_of3A_1987] : memref<32x1000000xf32, #tpu.memory_space<hbm>> -> memref<32x128xf32, #tpu.memory_space<hbm>>
      tpu.enqueue_dma source(%dma_start3A_1991 : memref<32x128xf32, #tpu.memory_space<hbm>>) target(%arg19 : memref<32x128xf32, #tpu.memory_space<vmem>>) target_semaphore(%arg35 : memref<!tpu.dma_semaphore, #tpu.memory_space<semaphore_mem>>)
      %add3A_1992 = arith.constant 10 : i32
      %add3A_1993 = arith.addi %mul3A_1273, %add3A_1992 : i32
      %slice3A_1994 = vector.extract_strided_slice %and3A_1288 {offsets = [10], sizes = [1], strides = [1]} : vector<16xi32> to vector<1xi32>
      %squeeze3A_1995 = vector.extract %slice3A_1994[0] : i32 from vector<1xi32>
      %broadcast_in_dim3A_1996 = vector.broadcast %squeeze3A_1995 : i32 to vector<16xi32>
      %dma_wait3A_1997 = arith.constant 0 : i32
      %dma_wait3A_1998 = arith.constant 0 : i32
      %dma_wait3A_1999 = tpu.memref_slice %arg4[%dma_wait3A_1997, %dma_wait3A_1998] : memref<32x1000000xf32, #tpu.memory_space<hbm>> -> memref<32x128xf32, #tpu.memory_space<hbm>>
      %dma_wait3A_2000 = arith.constant 0 : i32
      %dma_wait3A_2001 = arith.constant 0 : i32
      %dma_wait3A_2002 = tpu.memref_slice %arg4[%dma_wait3A_2000, %dma_wait3A_2001] : memref<32x1000000xf32, #tpu.memory_space<hbm>> -> memref<32x128xf32, #tpu.memory_space<hbm>>
      tpu.wait_dma2 semaphore(%arg28 : memref<!tpu.dma_semaphore, #tpu.memory_space<semaphore_mem>>) src(%dma_wait3A_2002 : memref<32x128xf32, #tpu.memory_space<hbm>>) dst(%arg12 : memref<32x128xf32, #tpu.memory_space<vmem>>)
      %gather3A_2003 = tpu.vector_load_idx %arg12[%iota3A, %broadcast_in_dim3A_1996] : memref<32x128xf32, #tpu.memory_space<vmem>>[vector<16xi32>, vector<16xi32>], vector<16xf32>,
      %add3A_2004 = arith.constant 16 : i32
      %add3A_2005 = vector.broadcast %add3A_2004 : i32 to vector<16xi32>
      %add3A_2006 = arith.addi %iota3A, %add3A_2005 : vector<16xi32>
      %gather3A_2007 = tpu.vector_load_idx %arg12[%add3A_2006, %broadcast_in_dim3A_1996] : memref<32x128xf32, #tpu.memory_space<vmem>>[vector<16xi32>, vector<16xi32>], vector<16xf32>,
      %broadcast_in_dim3A_2008 = vector.broadcast %add3A_1993 : i32 to vector<16xi32>
      %add3A_2009 = arith.constant 0 : i32
      %add3A_2010 = vector.broadcast %add3A_2009 : i32 to vector<16xi32>
      %add3A_2011 = arith.addi %add3A_2010, %mul3A_5 : vector<16xi32>
      %add3A_2012 = arith.addi %add3A_2011, %broadcast_in_dim3A_2008 : vector<16xi32>
      tpu.vector_store_idx %arg9[%add3A_2012], %gather3A_2003 : memref<32768xf32, #tpu.memory_space<vmem>>[vector<16xi32>], vector<16xf32>,
      %add3A_2013 = arith.constant 0 : i32
      %add3A_2014 = vector.broadcast %add3A_2013 : i32 to vector<16xi32>
      %add3A_2015 = arith.addi %add3A_2014, %mul3A_11 : vector<16xi32>
      %add3A_2016 = arith.addi %add3A_2015, %broadcast_in_dim3A_2008 : vector<16xi32>
      tpu.vector_store_idx %arg9[%add3A_2016], %gather3A_2007 : memref<32768xf32, #tpu.memory_space<vmem>>[vector<16xi32>], vector<16xf32>,
      %slice3A_2017 = vector.extract_strided_slice %get3A_1281 {offsets = [2], sizes = [1], strides = [1]} : vector<16xi32> to vector<1xi32>
      %squeeze3A_2018 = vector.extract %slice3A_2017[0] : i32 from vector<1xi32>
      %shift_right_arithmetic3A_2019 = arith.constant 7 : i32
      %shift_right_arithmetic3A_2020 = arith.shrsi %squeeze3A_2018, %shift_right_arithmetic3A_2019 : i32
      %shift_left3A_2021 = arith.constant 7 : i32
      %shift_left3A_2022 = arith.shli %shift_right_arithmetic3A_2020, %shift_left3A_2021 : i32
      %multiple_of3A_2023 = tpu.assume_multiple %shift_left3A_2022, 128 : i32
      %dma_start3A_2024 = arith.constant 0 : i32
      %dma_start3A_2025 = tpu.memref_slice %arg4[%dma_start3A_2024, %multiple_of3A_2023] : memref<32x1000000xf32, #tpu.memory_space<hbm>> -> memref<32x128xf32, #tpu.memory_space<hbm>>
      %dma_start3A_2026 = arith.constant 0 : i32
      %dma_start3A_2027 = tpu.memref_slice %arg4[%dma_start3A_2026, %multiple_of3A_2023] : memref<32x1000000xf32, #tpu.memory_space<hbm>> -> memref<32x128xf32, #tpu.memory_space<hbm>>
      tpu.enqueue_dma source(%dma_start3A_2027 : memref<32x128xf32, #tpu.memory_space<hbm>>) target(%arg12 : memref<32x128xf32, #tpu.memory_space<vmem>>) target_semaphore(%arg28 : memref<!tpu.dma_semaphore, #tpu.memory_space<semaphore_mem>>)
      %slice3A_2028 = vector.extract_strided_slice %and3A_1291 {offsets = [10], sizes = [1], strides = [1]} : vector<16xi32> to vector<1xi32>
      %squeeze3A_2029 = vector.extract %slice3A_2028[0] : i32 from vector<1xi32>
      %broadcast_in_dim3A_2030 = vector.broadcast %squeeze3A_2029 : i32 to vector<16xi32>
      %dma_wait3A_2031 = arith.constant 0 : i32
      %dma_wait3A_2032 = arith.constant 0 : i32
      %dma_wait3A_2033 = tpu.memref_slice %arg4[%dma_wait3A_2031, %dma_wait3A_2032] : memref<32x1000000xf32, #tpu.memory_space<hbm>> -> memref<32x128xf32, #tpu.memory_space<hbm>>
      %dma_wait3A_2034 = arith.constant 0 : i32
      %dma_wait3A_2035 = arith.constant 0 : i32
      %dma_wait3A_2036 = tpu.memref_slice %arg4[%dma_wait3A_2034, %dma_wait3A_2035] : memref<32x1000000xf32, #tpu.memory_space<hbm>> -> memref<32x128xf32, #tpu.memory_space<hbm>>
      tpu.wait_dma2 semaphore(%arg36 : memref<!tpu.dma_semaphore, #tpu.memory_space<semaphore_mem>>) src(%dma_wait3A_2036 : memref<32x128xf32, #tpu.memory_space<hbm>>) dst(%arg20 : memref<32x128xf32, #tpu.memory_space<vmem>>)
      %gather3A_2037 = tpu.vector_load_idx %arg20[%iota3A, %broadcast_in_dim3A_2030] : memref<32x128xf32, #tpu.memory_space<vmem>>[vector<16xi32>, vector<16xi32>], vector<16xf32>,
      %add3A_2038 = arith.constant 16 : i32
      %add3A_2039 = vector.broadcast %add3A_2038 : i32 to vector<16xi32>
      %add3A_2040 = arith.addi %iota3A, %add3A_2039 : vector<16xi32>
      %gather3A_2041 = tpu.vector_load_idx %arg20[%add3A_2040, %broadcast_in_dim3A_2030] : memref<32x128xf32, #tpu.memory_space<vmem>>[vector<16xi32>, vector<16xi32>], vector<16xf32>,
      %broadcast_in_dim3A_2042 = vector.broadcast %add3A_1993 : i32 to vector<16xi32>
      %add3A_2043 = arith.constant 16384 : i32
      %add3A_2044 = vector.broadcast %add3A_2043 : i32 to vector<16xi32>
      %add3A_2045 = arith.addi %add3A_2044, %mul3A_5 : vector<16xi32>
      %add3A_2046 = arith.addi %add3A_2045, %broadcast_in_dim3A_2042 : vector<16xi32>
      tpu.vector_store_idx %arg9[%add3A_2046], %gather3A_2037 : memref<32768xf32, #tpu.memory_space<vmem>>[vector<16xi32>], vector<16xf32>,
      %add3A_2047 = arith.constant 16384 : i32
      %add3A_2048 = vector.broadcast %add3A_2047 : i32 to vector<16xi32>
      %add3A_2049 = arith.addi %add3A_2048, %mul3A_11 : vector<16xi32>
      %add3A_2050 = arith.addi %add3A_2049, %broadcast_in_dim3A_2042 : vector<16xi32>
      tpu.vector_store_idx %arg9[%add3A_2050], %gather3A_2041 : memref<32768xf32, #tpu.memory_space<vmem>>[vector<16xi32>], vector<16xf32>,
      %slice3A_2051 = vector.extract_strided_slice %get3A_1285 {offsets = [2], sizes = [1], strides = [1]} : vector<16xi32> to vector<1xi32>
      %squeeze3A_2052 = vector.extract %slice3A_2051[0] : i32 from vector<1xi32>
      %shift_right_arithmetic3A_2053 = arith.constant 7 : i32
      %shift_right_arithmetic3A_2054 = arith.shrsi %squeeze3A_2052, %shift_right_arithmetic3A_2053 : i32
      %shift_left3A_2055 = arith.constant 7 : i32
      %shift_left3A_2056 = arith.shli %shift_right_arithmetic3A_2054, %shift_left3A_2055 : i32
      %multiple_of3A_2057 = tpu.assume_multiple %shift_left3A_2056, 128 : i32
      %dma_start3A_2058 = arith.constant 0 : i32
      %dma_start3A_2059 = tpu.memref_slice %arg5[%dma_start3A_2058, %multiple_of3A_2057] : memref<32x1000000xf32, #tpu.memory_space<hbm>> -> memref<32x128xf32, #tpu.memory_space<hbm>>
      %dma_start3A_2060 = arith.constant 0 : i32
      %dma_start3A_2061 = tpu.memref_slice %arg5[%dma_start3A_2060, %multiple_of3A_2057] : memref<32x1000000xf32, #tpu.memory_space<hbm>> -> memref<32x128xf32, #tpu.memory_space<hbm>>
      tpu.enqueue_dma source(%dma_start3A_2061 : memref<32x128xf32, #tpu.memory_space<hbm>>) target(%arg20 : memref<32x128xf32, #tpu.memory_space<vmem>>) target_semaphore(%arg36 : memref<!tpu.dma_semaphore, #tpu.memory_space<semaphore_mem>>)
      %add3A_2062 = arith.constant 11 : i32
      %add3A_2063 = arith.addi %mul3A_1273, %add3A_2062 : i32
      %slice3A_2064 = vector.extract_strided_slice %and3A_1288 {offsets = [11], sizes = [1], strides = [1]} : vector<16xi32> to vector<1xi32>
      %squeeze3A_2065 = vector.extract %slice3A_2064[0] : i32 from vector<1xi32>
      %broadcast_in_dim3A_2066 = vector.broadcast %squeeze3A_2065 : i32 to vector<16xi32>
      %dma_wait3A_2067 = arith.constant 0 : i32
      %dma_wait3A_2068 = arith.constant 0 : i32
      %dma_wait3A_2069 = tpu.memref_slice %arg4[%dma_wait3A_2067, %dma_wait3A_2068] : memref<32x1000000xf32, #tpu.memory_space<hbm>> -> memref<32x128xf32, #tpu.memory_space<hbm>>
      %dma_wait3A_2070 = arith.constant 0 : i32
      %dma_wait3A_2071 = arith.constant 0 : i32
      %dma_wait3A_2072 = tpu.memref_slice %arg4[%dma_wait3A_2070, %dma_wait3A_2071] : memref<32x1000000xf32, #tpu.memory_space<hbm>> -> memref<32x128xf32, #tpu.memory_space<hbm>>
      tpu.wait_dma2 semaphore(%arg29 : memref<!tpu.dma_semaphore, #tpu.memory_space<semaphore_mem>>) src(%dma_wait3A_2072 : memref<32x128xf32, #tpu.memory_space<hbm>>) dst(%arg13 : memref<32x128xf32, #tpu.memory_space<vmem>>)
      %gather3A_2073 = tpu.vector_load_idx %arg13[%iota3A, %broadcast_in_dim3A_2066] : memref<32x128xf32, #tpu.memory_space<vmem>>[vector<16xi32>, vector<16xi32>], vector<16xf32>,
      %add3A_2074 = arith.constant 16 : i32
      %add3A_2075 = vector.broadcast %add3A_2074 : i32 to vector<16xi32>
      %add3A_2076 = arith.addi %iota3A, %add3A_2075 : vector<16xi32>
      %gather3A_2077 = tpu.vector_load_idx %arg13[%add3A_2076, %broadcast_in_dim3A_2066] : memref<32x128xf32, #tpu.memory_space<vmem>>[vector<16xi32>, vector<16xi32>], vector<16xf32>,
      %broadcast_in_dim3A_2078 = vector.broadcast %add3A_2063 : i32 to vector<16xi32>
      %add3A_2079 = arith.constant 0 : i32
      %add3A_2080 = vector.broadcast %add3A_2079 : i32 to vector<16xi32>
      %add3A_2081 = arith.addi %add3A_2080, %mul3A_5 : vector<16xi32>
      %add3A_2082 = arith.addi %add3A_2081, %broadcast_in_dim3A_2078 : vector<16xi32>
      tpu.vector_store_idx %arg9[%add3A_2082], %gather3A_2073 : memref<32768xf32, #tpu.memory_space<vmem>>[vector<16xi32>], vector<16xf32>,
      %add3A_2083 = arith.constant 0 : i32
      %add3A_2084 = vector.broadcast %add3A_2083 : i32 to vector<16xi32>
      %add3A_2085 = arith.addi %add3A_2084, %mul3A_11 : vector<16xi32>
      %add3A_2086 = arith.addi %add3A_2085, %broadcast_in_dim3A_2078 : vector<16xi32>
      tpu.vector_store_idx %arg9[%add3A_2086], %gather3A_2077 : memref<32768xf32, #tpu.memory_space<vmem>>[vector<16xi32>], vector<16xf32>,
      %slice3A_2087 = vector.extract_strided_slice %get3A_1281 {offsets = [3], sizes = [1], strides = [1]} : vector<16xi32> to vector<1xi32>
      %squeeze3A_2088 = vector.extract %slice3A_2087[0] : i32 from vector<1xi32>
      %shift_right_arithmetic3A_2089 = arith.constant 7 : i32
      %shift_right_arithmetic3A_2090 = arith.shrsi %squeeze3A_2088, %shift_right_arithmetic3A_2089 : i32
      %shift_left3A_2091 = arith.constant 7 : i32
      %shift_left3A_2092 = arith.shli %shift_right_arithmetic3A_2090, %shift_left3A_2091 : i32
      %multiple_of3A_2093 = tpu.assume_multiple %shift_left3A_2092, 128 : i32
      %dma_start3A_2094 = arith.constant 0 : i32
      %dma_start3A_2095 = tpu.memref_slice %arg4[%dma_start3A_2094, %multiple_of3A_2093] : memref<32x1000000xf32, #tpu.memory_space<hbm>> -> memref<32x128xf32, #tpu.memory_space<hbm>>
      %dma_start3A_2096 = arith.constant 0 : i32
      %dma_start3A_2097 = tpu.memref_slice %arg4[%dma_start3A_2096, %multiple_of3A_2093] : memref<32x1000000xf32, #tpu.memory_space<hbm>> -> memref<32x128xf32, #tpu.memory_space<hbm>>
      tpu.enqueue_dma source(%dma_start3A_2097 : memref<32x128xf32, #tpu.memory_space<hbm>>) target(%arg13 : memref<32x128xf32, #tpu.memory_space<vmem>>) target_semaphore(%arg29 : memref<!tpu.dma_semaphore, #tpu.memory_space<semaphore_mem>>)
      %slice3A_2098 = vector.extract_strided_slice %and3A_1291 {offsets = [11], sizes = [1], strides = [1]} : vector<16xi32> to vector<1xi32>
      %squeeze3A_2099 = vector.extract %slice3A_2098[0] : i32 from vector<1xi32>
      %broadcast_in_dim3A_2100 = vector.broadcast %squeeze3A_2099 : i32 to vector<16xi32>
      %dma_wait3A_2101 = arith.constant 0 : i32
      %dma_wait3A_2102 = arith.constant 0 : i32
      %dma_wait3A_2103 = tpu.memref_slice %arg4[%dma_wait3A_2101, %dma_wait3A_2102] : memref<32x1000000xf32, #tpu.memory_space<hbm>> -> memref<32x128xf32, #tpu.memory_space<hbm>>
      %dma_wait3A_2104 = arith.constant 0 : i32
      %dma_wait3A_2105 = arith.constant 0 : i32
      %dma_wait3A_2106 = tpu.memref_slice %arg4[%dma_wait3A_2104, %dma_wait3A_2105] : memref<32x1000000xf32, #tpu.memory_space<hbm>> -> memref<32x128xf32, #tpu.memory_space<hbm>>
      tpu.wait_dma2 semaphore(%arg37 : memref<!tpu.dma_semaphore, #tpu.memory_space<semaphore_mem>>) src(%dma_wait3A_2106 : memref<32x128xf32, #tpu.memory_space<hbm>>) dst(%arg21 : memref<32x128xf32, #tpu.memory_space<vmem>>)
      %gather3A_2107 = tpu.vector_load_idx %arg21[%iota3A, %broadcast_in_dim3A_2100] : memref<32x128xf32, #tpu.memory_space<vmem>>[vector<16xi32>, vector<16xi32>], vector<16xf32>,
      %add3A_2108 = arith.constant 16 : i32
      %add3A_2109 = vector.broadcast %add3A_2108 : i32 to vector<16xi32>
      %add3A_2110 = arith.addi %iota3A, %add3A_2109 : vector<16xi32>
      %gather3A_2111 = tpu.vector_load_idx %arg21[%add3A_2110, %broadcast_in_dim3A_2100] : memref<32x128xf32, #tpu.memory_space<vmem>>[vector<16xi32>, vector<16xi32>], vector<16xf32>,
      %broadcast_in_dim3A_2112 = vector.broadcast %add3A_2063 : i32 to vector<16xi32>
      %add3A_2113 = arith.constant 16384 : i32
      %add3A_2114 = vector.broadcast %add3A_2113 : i32 to vector<16xi32>
      %add3A_2115 = arith.addi %add3A_2114, %mul3A_5 : vector<16xi32>
      %add3A_2116 = arith.addi %add3A_2115, %broadcast_in_dim3A_2112 : vector<16xi32>
      tpu.vector_store_idx %arg9[%add3A_2116], %gather3A_2107 : memref<32768xf32, #tpu.memory_space<vmem>>[vector<16xi32>], vector<16xf32>,
      %add3A_2117 = arith.constant 16384 : i32
      %add3A_2118 = vector.broadcast %add3A_2117 : i32 to vector<16xi32>
      %add3A_2119 = arith.addi %add3A_2118, %mul3A_11 : vector<16xi32>
      %add3A_2120 = arith.addi %add3A_2119, %broadcast_in_dim3A_2112 : vector<16xi32>
      tpu.vector_store_idx %arg9[%add3A_2120], %gather3A_2111 : memref<32768xf32, #tpu.memory_space<vmem>>[vector<16xi32>], vector<16xf32>,
      %slice3A_2121 = vector.extract_strided_slice %get3A_1285 {offsets = [3], sizes = [1], strides = [1]} : vector<16xi32> to vector<1xi32>
      %squeeze3A_2122 = vector.extract %slice3A_2121[0] : i32 from vector<1xi32>
      %shift_right_arithmetic3A_2123 = arith.constant 7 : i32
      %shift_right_arithmetic3A_2124 = arith.shrsi %squeeze3A_2122, %shift_right_arithmetic3A_2123 : i32
      %shift_left3A_2125 = arith.constant 7 : i32
      %shift_left3A_2126 = arith.shli %shift_right_arithmetic3A_2124, %shift_left3A_2125 : i32
      %multiple_of3A_2127 = tpu.assume_multiple %shift_left3A_2126, 128 : i32
      %dma_start3A_2128 = arith.constant 0 : i32
      %dma_start3A_2129 = tpu.memref_slice %arg5[%dma_start3A_2128, %multiple_of3A_2127] : memref<32x1000000xf32, #tpu.memory_space<hbm>> -> memref<32x128xf32, #tpu.memory_space<hbm>>
      %dma_start3A_2130 = arith.constant 0 : i32
      %dma_start3A_2131 = tpu.memref_slice %arg5[%dma_start3A_2130, %multiple_of3A_2127] : memref<32x1000000xf32, #tpu.memory_space<hbm>> -> memref<32x128xf32, #tpu.memory_space<hbm>>
      tpu.enqueue_dma source(%dma_start3A_2131 : memref<32x128xf32, #tpu.memory_space<hbm>>) target(%arg21 : memref<32x128xf32, #tpu.memory_space<vmem>>) target_semaphore(%arg37 : memref<!tpu.dma_semaphore, #tpu.memory_space<semaphore_mem>>)
      %add3A_2132 = arith.constant 12 : i32
      %add3A_2133 = arith.addi %mul3A_1273, %add3A_2132 : i32
      %slice3A_2134 = vector.extract_strided_slice %and3A_1288 {offsets = [12], sizes = [1], strides = [1]} : vector<16xi32> to vector<1xi32>
      %squeeze3A_2135 = vector.extract %slice3A_2134[0] : i32 from vector<1xi32>
      %broadcast_in_dim3A_2136 = vector.broadcast %squeeze3A_2135 : i32 to vector<16xi32>
      %dma_wait3A_2137 = arith.constant 0 : i32
      %dma_wait3A_2138 = arith.constant 0 : i32
      %dma_wait3A_2139 = tpu.memref_slice %arg4[%dma_wait3A_2137, %dma_wait3A_2138] : memref<32x1000000xf32, #tpu.memory_space<hbm>> -> memref<32x128xf32, #tpu.memory_space<hbm>>
      %dma_wait3A_2140 = arith.constant 0 : i32
      %dma_wait3A_2141 = arith.constant 0 : i32
      %dma_wait3A_2142 = tpu.memref_slice %arg4[%dma_wait3A_2140, %dma_wait3A_2141] : memref<32x1000000xf32, #tpu.memory_space<hbm>> -> memref<32x128xf32, #tpu.memory_space<hbm>>
      tpu.wait_dma2 semaphore(%arg30 : memref<!tpu.dma_semaphore, #tpu.memory_space<semaphore_mem>>) src(%dma_wait3A_2142 : memref<32x128xf32, #tpu.memory_space<hbm>>) dst(%arg14 : memref<32x128xf32, #tpu.memory_space<vmem>>)
      %gather3A_2143 = tpu.vector_load_idx %arg14[%iota3A, %broadcast_in_dim3A_2136] : memref<32x128xf32, #tpu.memory_space<vmem>>[vector<16xi32>, vector<16xi32>], vector<16xf32>,
      %add3A_2144 = arith.constant 16 : i32
      %add3A_2145 = vector.broadcast %add3A_2144 : i32 to vector<16xi32>
      %add3A_2146 = arith.addi %iota3A, %add3A_2145 : vector<16xi32>
      %gather3A_2147 = tpu.vector_load_idx %arg14[%add3A_2146, %broadcast_in_dim3A_2136] : memref<32x128xf32, #tpu.memory_space<vmem>>[vector<16xi32>, vector<16xi32>], vector<16xf32>,
      %broadcast_in_dim3A_2148 = vector.broadcast %add3A_2133 : i32 to vector<16xi32>
      %add3A_2149 = arith.constant 0 : i32
      %add3A_2150 = vector.broadcast %add3A_2149 : i32 to vector<16xi32>
      %add3A_2151 = arith.addi %add3A_2150, %mul3A_5 : vector<16xi32>
      %add3A_2152 = arith.addi %add3A_2151, %broadcast_in_dim3A_2148 : vector<16xi32>
      tpu.vector_store_idx %arg9[%add3A_2152], %gather3A_2143 : memref<32768xf32, #tpu.memory_space<vmem>>[vector<16xi32>], vector<16xf32>,
      %add3A_2153 = arith.constant 0 : i32
      %add3A_2154 = vector.broadcast %add3A_2153 : i32 to vector<16xi32>
      %add3A_2155 = arith.addi %add3A_2154, %mul3A_11 : vector<16xi32>
      %add3A_2156 = arith.addi %add3A_2155, %broadcast_in_dim3A_2148 : vector<16xi32>
      tpu.vector_store_idx %arg9[%add3A_2156], %gather3A_2147 : memref<32768xf32, #tpu.memory_space<vmem>>[vector<16xi32>], vector<16xf32>,
      %slice3A_2157 = vector.extract_strided_slice %get3A_1281 {offsets = [4], sizes = [1], strides = [1]} : vector<16xi32> to vector<1xi32>
      %squeeze3A_2158 = vector.extract %slice3A_2157[0] : i32 from vector<1xi32>
      %shift_right_arithmetic3A_2159 = arith.constant 7 : i32
      %shift_right_arithmetic3A_2160 = arith.shrsi %squeeze3A_2158, %shift_right_arithmetic3A_2159 : i32
      %shift_left3A_2161 = arith.constant 7 : i32
      %shift_left3A_2162 = arith.shli %shift_right_arithmetic3A_2160, %shift_left3A_2161 : i32
      %multiple_of3A_2163 = tpu.assume_multiple %shift_left3A_2162, 128 : i32
      %dma_start3A_2164 = arith.constant 0 : i32
      %dma_start3A_2165 = tpu.memref_slice %arg4[%dma_start3A_2164, %multiple_of3A_2163] : memref<32x1000000xf32, #tpu.memory_space<hbm>> -> memref<32x128xf32, #tpu.memory_space<hbm>>
      %dma_start3A_2166 = arith.constant 0 : i32
      %dma_start3A_2167 = tpu.memref_slice %arg4[%dma_start3A_2166, %multiple_of3A_2163] : memref<32x1000000xf32, #tpu.memory_space<hbm>> -> memref<32x128xf32, #tpu.memory_space<hbm>>
      tpu.enqueue_dma source(%dma_start3A_2167 : memref<32x128xf32, #tpu.memory_space<hbm>>) target(%arg14 : memref<32x128xf32, #tpu.memory_space<vmem>>) target_semaphore(%arg30 : memref<!tpu.dma_semaphore, #tpu.memory_space<semaphore_mem>>)
      %slice3A_2168 = vector.extract_strided_slice %and3A_1291 {offsets = [12], sizes = [1], strides = [1]} : vector<16xi32> to vector<1xi32>
      %squeeze3A_2169 = vector.extract %slice3A_2168[0] : i32 from vector<1xi32>
      %broadcast_in_dim3A_2170 = vector.broadcast %squeeze3A_2169 : i32 to vector<16xi32>
      %dma_wait3A_2171 = arith.constant 0 : i32
      %dma_wait3A_2172 = arith.constant 0 : i32
      %dma_wait3A_2173 = tpu.memref_slice %arg4[%dma_wait3A_2171, %dma_wait3A_2172] : memref<32x1000000xf32, #tpu.memory_space<hbm>> -> memref<32x128xf32, #tpu.memory_space<hbm>>
      %dma_wait3A_2174 = arith.constant 0 : i32
      %dma_wait3A_2175 = arith.constant 0 : i32
      %dma_wait3A_2176 = tpu.memref_slice %arg4[%dma_wait3A_2174, %dma_wait3A_2175] : memref<32x1000000xf32, #tpu.memory_space<hbm>> -> memref<32x128xf32, #tpu.memory_space<hbm>>
      tpu.wait_dma2 semaphore(%arg38 : memref<!tpu.dma_semaphore, #tpu.memory_space<semaphore_mem>>) src(%dma_wait3A_2176 : memref<32x128xf32, #tpu.memory_space<hbm>>) dst(%arg22 : memref<32x128xf32, #tpu.memory_space<vmem>>)
      %gather3A_2177 = tpu.vector_load_idx %arg22[%iota3A, %broadcast_in_dim3A_2170] : memref<32x128xf32, #tpu.memory_space<vmem>>[vector<16xi32>, vector<16xi32>], vector<16xf32>,
      %add3A_2178 = arith.constant 16 : i32
      %add3A_2179 = vector.broadcast %add3A_2178 : i32 to vector<16xi32>
      %add3A_2180 = arith.addi %iota3A, %add3A_2179 : vector<16xi32>
      %gather3A_2181 = tpu.vector_load_idx %arg22[%add3A_2180, %broadcast_in_dim3A_2170] : memref<32x128xf32, #tpu.memory_space<vmem>>[vector<16xi32>, vector<16xi32>], vector<16xf32>,
      %broadcast_in_dim3A_2182 = vector.broadcast %add3A_2133 : i32 to vector<16xi32>
      %add3A_2183 = arith.constant 16384 : i32
      %add3A_2184 = vector.broadcast %add3A_2183 : i32 to vector<16xi32>
      %add3A_2185 = arith.addi %add3A_2184, %mul3A_5 : vector<16xi32>
      %add3A_2186 = arith.addi %add3A_2185, %broadcast_in_dim3A_2182 : vector<16xi32>
      tpu.vector_store_idx %arg9[%add3A_2186], %gather3A_2177 : memref<32768xf32, #tpu.memory_space<vmem>>[vector<16xi32>], vector<16xf32>,
      %add3A_2187 = arith.constant 16384 : i32
      %add3A_2188 = vector.broadcast %add3A_2187 : i32 to vector<16xi32>
      %add3A_2189 = arith.addi %add3A_2188, %mul3A_11 : vector<16xi32>
      %add3A_2190 = arith.addi %add3A_2189, %broadcast_in_dim3A_2182 : vector<16xi32>
      tpu.vector_store_idx %arg9[%add3A_2190], %gather3A_2181 : memref<32768xf32, #tpu.memory_space<vmem>>[vector<16xi32>], vector<16xf32>,
      %slice3A_2191 = vector.extract_strided_slice %get3A_1285 {offsets = [4], sizes = [1], strides = [1]} : vector<16xi32> to vector<1xi32>
      %squeeze3A_2192 = vector.extract %slice3A_2191[0] : i32 from vector<1xi32>
      %shift_right_arithmetic3A_2193 = arith.constant 7 : i32
      %shift_right_arithmetic3A_2194 = arith.shrsi %squeeze3A_2192, %shift_right_arithmetic3A_2193 : i32
      %shift_left3A_2195 = arith.constant 7 : i32
      %shift_left3A_2196 = arith.shli %shift_right_arithmetic3A_2194, %shift_left3A_2195 : i32
      %multiple_of3A_2197 = tpu.assume_multiple %shift_left3A_2196, 128 : i32
      %dma_start3A_2198 = arith.constant 0 : i32
      %dma_start3A_2199 = tpu.memref_slice %arg5[%dma_start3A_2198, %multiple_of3A_2197] : memref<32x1000000xf32, #tpu.memory_space<hbm>> -> memref<32x128xf32, #tpu.memory_space<hbm>>
      %dma_start3A_2200 = arith.constant 0 : i32
      %dma_start3A_2201 = tpu.memref_slice %arg5[%dma_start3A_2200, %multiple_of3A_2197] : memref<32x1000000xf32, #tpu.memory_space<hbm>> -> memref<32x128xf32, #tpu.memory_space<hbm>>
      tpu.enqueue_dma source(%dma_start3A_2201 : memref<32x128xf32, #tpu.memory_space<hbm>>) target(%arg22 : memref<32x128xf32, #tpu.memory_space<vmem>>) target_semaphore(%arg38 : memref<!tpu.dma_semaphore, #tpu.memory_space<semaphore_mem>>)
      %add3A_2202 = arith.constant 13 : i32
      %add3A_2203 = arith.addi %mul3A_1273, %add3A_2202 : i32
      %slice3A_2204 = vector.extract_strided_slice %and3A_1288 {offsets = [13], sizes = [1], strides = [1]} : vector<16xi32> to vector<1xi32>
      %squeeze3A_2205 = vector.extract %slice3A_2204[0] : i32 from vector<1xi32>
      %broadcast_in_dim3A_2206 = vector.broadcast %squeeze3A_2205 : i32 to vector<16xi32>
      %dma_wait3A_2207 = arith.constant 0 : i32
      %dma_wait3A_2208 = arith.constant 0 : i32
      %dma_wait3A_2209 = tpu.memref_slice %arg4[%dma_wait3A_2207, %dma_wait3A_2208] : memref<32x1000000xf32, #tpu.memory_space<hbm>> -> memref<32x128xf32, #tpu.memory_space<hbm>>
      %dma_wait3A_2210 = arith.constant 0 : i32
      %dma_wait3A_2211 = arith.constant 0 : i32
      %dma_wait3A_2212 = tpu.memref_slice %arg4[%dma_wait3A_2210, %dma_wait3A_2211] : memref<32x1000000xf32, #tpu.memory_space<hbm>> -> memref<32x128xf32, #tpu.memory_space<hbm>>
      tpu.wait_dma2 semaphore(%arg31 : memref<!tpu.dma_semaphore, #tpu.memory_space<semaphore_mem>>) src(%dma_wait3A_2212 : memref<32x128xf32, #tpu.memory_space<hbm>>) dst(%arg15 : memref<32x128xf32, #tpu.memory_space<vmem>>)
      %gather3A_2213 = tpu.vector_load_idx %arg15[%iota3A, %broadcast_in_dim3A_2206] : memref<32x128xf32, #tpu.memory_space<vmem>>[vector<16xi32>, vector<16xi32>], vector<16xf32>,
      %add3A_2214 = arith.constant 16 : i32
      %add3A_2215 = vector.broadcast %add3A_2214 : i32 to vector<16xi32>
      %add3A_2216 = arith.addi %iota3A, %add3A_2215 : vector<16xi32>
      %gather3A_2217 = tpu.vector_load_idx %arg15[%add3A_2216, %broadcast_in_dim3A_2206] : memref<32x128xf32, #tpu.memory_space<vmem>>[vector<16xi32>, vector<16xi32>], vector<16xf32>,
      %broadcast_in_dim3A_2218 = vector.broadcast %add3A_2203 : i32 to vector<16xi32>
      %add3A_2219 = arith.constant 0 : i32
      %add3A_2220 = vector.broadcast %add3A_2219 : i32 to vector<16xi32>
      %add3A_2221 = arith.addi %add3A_2220, %mul3A_5 : vector<16xi32>
      %add3A_2222 = arith.addi %add3A_2221, %broadcast_in_dim3A_2218 : vector<16xi32>
      tpu.vector_store_idx %arg9[%add3A_2222], %gather3A_2213 : memref<32768xf32, #tpu.memory_space<vmem>>[vector<16xi32>], vector<16xf32>,
      %add3A_2223 = arith.constant 0 : i32
      %add3A_2224 = vector.broadcast %add3A_2223 : i32 to vector<16xi32>
      %add3A_2225 = arith.addi %add3A_2224, %mul3A_11 : vector<16xi32>
      %add3A_2226 = arith.addi %add3A_2225, %broadcast_in_dim3A_2218 : vector<16xi32>
      tpu.vector_store_idx %arg9[%add3A_2226], %gather3A_2217 : memref<32768xf32, #tpu.memory_space<vmem>>[vector<16xi32>], vector<16xf32>,
      %slice3A_2227 = vector.extract_strided_slice %get3A_1281 {offsets = [5], sizes = [1], strides = [1]} : vector<16xi32> to vector<1xi32>
      %squeeze3A_2228 = vector.extract %slice3A_2227[0] : i32 from vector<1xi32>
      %shift_right_arithmetic3A_2229 = arith.constant 7 : i32
      %shift_right_arithmetic3A_2230 = arith.shrsi %squeeze3A_2228, %shift_right_arithmetic3A_2229 : i32
      %shift_left3A_2231 = arith.constant 7 : i32
      %shift_left3A_2232 = arith.shli %shift_right_arithmetic3A_2230, %shift_left3A_2231 : i32
      %multiple_of3A_2233 = tpu.assume_multiple %shift_left3A_2232, 128 : i32
      %dma_start3A_2234 = arith.constant 0 : i32
      %dma_start3A_2235 = tpu.memref_slice %arg4[%dma_start3A_2234, %multiple_of3A_2233] : memref<32x1000000xf32, #tpu.memory_space<hbm>> -> memref<32x128xf32, #tpu.memory_space<hbm>>
      %dma_start3A_2236 = arith.constant 0 : i32
      %dma_start3A_2237 = tpu.memref_slice %arg4[%dma_start3A_2236, %multiple_of3A_2233] : memref<32x1000000xf32, #tpu.memory_space<hbm>> -> memref<32x128xf32, #tpu.memory_space<hbm>>
      tpu.enqueue_dma source(%dma_start3A_2237 : memref<32x128xf32, #tpu.memory_space<hbm>>) target(%arg15 : memref<32x128xf32, #tpu.memory_space<vmem>>) target_semaphore(%arg31 : memref<!tpu.dma_semaphore, #tpu.memory_space<semaphore_mem>>)
      %slice3A_2238 = vector.extract_strided_slice %and3A_1291 {offsets = [13], sizes = [1], strides = [1]} : vector<16xi32> to vector<1xi32>
      %squeeze3A_2239 = vector.extract %slice3A_2238[0] : i32 from vector<1xi32>
      %broadcast_in_dim3A_2240 = vector.broadcast %squeeze3A_2239 : i32 to vector<16xi32>
      %dma_wait3A_2241 = arith.constant 0 : i32
      %dma_wait3A_2242 = arith.constant 0 : i32
      %dma_wait3A_2243 = tpu.memref_slice %arg4[%dma_wait3A_2241, %dma_wait3A_2242] : memref<32x1000000xf32, #tpu.memory_space<hbm>> -> memref<32x128xf32, #tpu.memory_space<hbm>>
      %dma_wait3A_2244 = arith.constant 0 : i32
      %dma_wait3A_2245 = arith.constant 0 : i32
      %dma_wait3A_2246 = tpu.memref_slice %arg4[%dma_wait3A_2244, %dma_wait3A_2245] : memref<32x1000000xf32, #tpu.memory_space<hbm>> -> memref<32x128xf32, #tpu.memory_space<hbm>>
      tpu.wait_dma2 semaphore(%arg39 : memref<!tpu.dma_semaphore, #tpu.memory_space<semaphore_mem>>) src(%dma_wait3A_2246 : memref<32x128xf32, #tpu.memory_space<hbm>>) dst(%arg23 : memref<32x128xf32, #tpu.memory_space<vmem>>)
      %gather3A_2247 = tpu.vector_load_idx %arg23[%iota3A, %broadcast_in_dim3A_2240] : memref<32x128xf32, #tpu.memory_space<vmem>>[vector<16xi32>, vector<16xi32>], vector<16xf32>,
      %add3A_2248 = arith.constant 16 : i32
      %add3A_2249 = vector.broadcast %add3A_2248 : i32 to vector<16xi32>
      %add3A_2250 = arith.addi %iota3A, %add3A_2249 : vector<16xi32>
      %gather3A_2251 = tpu.vector_load_idx %arg23[%add3A_2250, %broadcast_in_dim3A_2240] : memref<32x128xf32, #tpu.memory_space<vmem>>[vector<16xi32>, vector<16xi32>], vector<16xf32>,
      %broadcast_in_dim3A_2252 = vector.broadcast %add3A_2203 : i32 to vector<16xi32>
      %add3A_2253 = arith.constant 16384 : i32
      %add3A_2254 = vector.broadcast %add3A_2253 : i32 to vector<16xi32>
      %add3A_2255 = arith.addi %add3A_2254, %mul3A_5 : vector<16xi32>
      %add3A_2256 = arith.addi %add3A_2255, %broadcast_in_dim3A_2252 : vector<16xi32>
      tpu.vector_store_idx %arg9[%add3A_2256], %gather3A_2247 : memref<32768xf32, #tpu.memory_space<vmem>>[vector<16xi32>], vector<16xf32>,
      %add3A_2257 = arith.constant 16384 : i32
      %add3A_2258 = vector.broadcast %add3A_2257 : i32 to vector<16xi32>
      %add3A_2259 = arith.addi %add3A_2258, %mul3A_11 : vector<16xi32>
      %add3A_2260 = arith.addi %add3A_2259, %broadcast_in_dim3A_2252 : vector<16xi32>
      tpu.vector_store_idx %arg9[%add3A_2260], %gather3A_2251 : memref<32768xf32, #tpu.memory_space<vmem>>[vector<16xi32>], vector<16xf32>,
      %slice3A_2261 = vector.extract_strided_slice %get3A_1285 {offsets = [5], sizes = [1], strides = [1]} : vector<16xi32> to vector<1xi32>
      %squeeze3A_2262 = vector.extract %slice3A_2261[0] : i32 from vector<1xi32>
      %shift_right_arithmetic3A_2263 = arith.constant 7 : i32
      %shift_right_arithmetic3A_2264 = arith.shrsi %squeeze3A_2262, %shift_right_arithmetic3A_2263 : i32
      %shift_left3A_2265 = arith.constant 7 : i32
      %shift_left3A_2266 = arith.shli %shift_right_arithmetic3A_2264, %shift_left3A_2265 : i32
      %multiple_of3A_2267 = tpu.assume_multiple %shift_left3A_2266, 128 : i32
      %dma_start3A_2268 = arith.constant 0 : i32
      %dma_start3A_2269 = tpu.memref_slice %arg5[%dma_start3A_2268, %multiple_of3A_2267] : memref<32x1000000xf32, #tpu.memory_space<hbm>> -> memref<32x128xf32, #tpu.memory_space<hbm>>
      %dma_start3A_2270 = arith.constant 0 : i32
      %dma_start3A_2271 = tpu.memref_slice %arg5[%dma_start3A_2270, %multiple_of3A_2267] : memref<32x1000000xf32, #tpu.memory_space<hbm>> -> memref<32x128xf32, #tpu.memory_space<hbm>>
      tpu.enqueue_dma source(%dma_start3A_2271 : memref<32x128xf32, #tpu.memory_space<hbm>>) target(%arg23 : memref<32x128xf32, #tpu.memory_space<vmem>>) target_semaphore(%arg39 : memref<!tpu.dma_semaphore, #tpu.memory_space<semaphore_mem>>)
      %add3A_2272 = arith.constant 14 : i32
      %add3A_2273 = arith.addi %mul3A_1273, %add3A_2272 : i32
      %slice3A_2274 = vector.extract_strided_slice %and3A_1288 {offsets = [14], sizes = [1], strides = [1]} : vector<16xi32> to vector<1xi32>
      %squeeze3A_2275 = vector.extract %slice3A_2274[0] : i32 from vector<1xi32>
      %broadcast_in_dim3A_2276 = vector.broadcast %squeeze3A_2275 : i32 to vector<16xi32>
      %dma_wait3A_2277 = arith.constant 0 : i32
      %dma_wait3A_2278 = arith.constant 0 : i32
      %dma_wait3A_2279 = tpu.memref_slice %arg4[%dma_wait3A_2277, %dma_wait3A_2278] : memref<32x1000000xf32, #tpu.memory_space<hbm>> -> memref<32x128xf32, #tpu.memory_space<hbm>>
      %dma_wait3A_2280 = arith.constant 0 : i32
      %dma_wait3A_2281 = arith.constant 0 : i32
      %dma_wait3A_2282 = tpu.memref_slice %arg4[%dma_wait3A_2280, %dma_wait3A_2281] : memref<32x1000000xf32, #tpu.memory_space<hbm>> -> memref<32x128xf32, #tpu.memory_space<hbm>>
      tpu.wait_dma2 semaphore(%arg32 : memref<!tpu.dma_semaphore, #tpu.memory_space<semaphore_mem>>) src(%dma_wait3A_2282 : memref<32x128xf32, #tpu.memory_space<hbm>>) dst(%arg16 : memref<32x128xf32, #tpu.memory_space<vmem>>)
      %gather3A_2283 = tpu.vector_load_idx %arg16[%iota3A, %broadcast_in_dim3A_2276] : memref<32x128xf32, #tpu.memory_space<vmem>>[vector<16xi32>, vector<16xi32>], vector<16xf32>,
      %add3A_2284 = arith.constant 16 : i32
      %add3A_2285 = vector.broadcast %add3A_2284 : i32 to vector<16xi32>
      %add3A_2286 = arith.addi %iota3A, %add3A_2285 : vector<16xi32>
      %gather3A_2287 = tpu.vector_load_idx %arg16[%add3A_2286, %broadcast_in_dim3A_2276] : memref<32x128xf32, #tpu.memory_space<vmem>>[vector<16xi32>, vector<16xi32>], vector<16xf32>,
      %broadcast_in_dim3A_2288 = vector.broadcast %add3A_2273 : i32 to vector<16xi32>
      %add3A_2289 = arith.constant 0 : i32
      %add3A_2290 = vector.broadcast %add3A_2289 : i32 to vector<16xi32>
      %add3A_2291 = arith.addi %add3A_2290, %mul3A_5 : vector<16xi32>
      %add3A_2292 = arith.addi %add3A_2291, %broadcast_in_dim3A_2288 : vector<16xi32>
      tpu.vector_store_idx %arg9[%add3A_2292], %gather3A_2283 : memref<32768xf32, #tpu.memory_space<vmem>>[vector<16xi32>], vector<16xf32>,
      %add3A_2293 = arith.constant 0 : i32
      %add3A_2294 = vector.broadcast %add3A_2293 : i32 to vector<16xi32>
      %add3A_2295 = arith.addi %add3A_2294, %mul3A_11 : vector<16xi32>
      %add3A_2296 = arith.addi %add3A_2295, %broadcast_in_dim3A_2288 : vector<16xi32>
      tpu.vector_store_idx %arg9[%add3A_2296], %gather3A_2287 : memref<32768xf32, #tpu.memory_space<vmem>>[vector<16xi32>], vector<16xf32>,
      %slice3A_2297 = vector.extract_strided_slice %get3A_1281 {offsets = [6], sizes = [1], strides = [1]} : vector<16xi32> to vector<1xi32>
      %squeeze3A_2298 = vector.extract %slice3A_2297[0] : i32 from vector<1xi32>
      %shift_right_arithmetic3A_2299 = arith.constant 7 : i32
      %shift_right_arithmetic3A_2300 = arith.shrsi %squeeze3A_2298, %shift_right_arithmetic3A_2299 : i32
      %shift_left3A_2301 = arith.constant 7 : i32
      %shift_left3A_2302 = arith.shli %shift_right_arithmetic3A_2300, %shift_left3A_2301 : i32
      %multiple_of3A_2303 = tpu.assume_multiple %shift_left3A_2302, 128 : i32
      %dma_start3A_2304 = arith.constant 0 : i32
      %dma_start3A_2305 = tpu.memref_slice %arg4[%dma_start3A_2304, %multiple_of3A_2303] : memref<32x1000000xf32, #tpu.memory_space<hbm>> -> memref<32x128xf32, #tpu.memory_space<hbm>>
      %dma_start3A_2306 = arith.constant 0 : i32
      %dma_start3A_2307 = tpu.memref_slice %arg4[%dma_start3A_2306, %multiple_of3A_2303] : memref<32x1000000xf32, #tpu.memory_space<hbm>> -> memref<32x128xf32, #tpu.memory_space<hbm>>
      tpu.enqueue_dma source(%dma_start3A_2307 : memref<32x128xf32, #tpu.memory_space<hbm>>) target(%arg16 : memref<32x128xf32, #tpu.memory_space<vmem>>) target_semaphore(%arg32 : memref<!tpu.dma_semaphore, #tpu.memory_space<semaphore_mem>>)
      %slice3A_2308 = vector.extract_strided_slice %and3A_1291 {offsets = [14], sizes = [1], strides = [1]} : vector<16xi32> to vector<1xi32>
      %squeeze3A_2309 = vector.extract %slice3A_2308[0] : i32 from vector<1xi32>
      %broadcast_in_dim3A_2310 = vector.broadcast %squeeze3A_2309 : i32 to vector<16xi32>
      %dma_wait3A_2311 = arith.constant 0 : i32
      %dma_wait3A_2312 = arith.constant 0 : i32
      %dma_wait3A_2313 = tpu.memref_slice %arg4[%dma_wait3A_2311, %dma_wait3A_2312] : memref<32x1000000xf32, #tpu.memory_space<hbm>> -> memref<32x128xf32, #tpu.memory_space<hbm>>
      %dma_wait3A_2314 = arith.constant 0 : i32
      %dma_wait3A_2315 = arith.constant 0 : i32
      %dma_wait3A_2316 = tpu.memref_slice %arg4[%dma_wait3A_2314, %dma_wait3A_2315] : memref<32x1000000xf32, #tpu.memory_space<hbm>> -> memref<32x128xf32, #tpu.memory_space<hbm>>
      tpu.wait_dma2 semaphore(%arg40 : memref<!tpu.dma_semaphore, #tpu.memory_space<semaphore_mem>>) src(%dma_wait3A_2316 : memref<32x128xf32, #tpu.memory_space<hbm>>) dst(%arg24 : memref<32x128xf32, #tpu.memory_space<vmem>>)
      %gather3A_2317 = tpu.vector_load_idx %arg24[%iota3A, %broadcast_in_dim3A_2310] : memref<32x128xf32, #tpu.memory_space<vmem>>[vector<16xi32>, vector<16xi32>], vector<16xf32>,
      %add3A_2318 = arith.constant 16 : i32
      %add3A_2319 = vector.broadcast %add3A_2318 : i32 to vector<16xi32>
      %add3A_2320 = arith.addi %iota3A, %add3A_2319 : vector<16xi32>
      %gather3A_2321 = tpu.vector_load_idx %arg24[%add3A_2320, %broadcast_in_dim3A_2310] : memref<32x128xf32, #tpu.memory_space<vmem>>[vector<16xi32>, vector<16xi32>], vector<16xf32>,
      %broadcast_in_dim3A_2322 = vector.broadcast %add3A_2273 : i32 to vector<16xi32>
      %add3A_2323 = arith.constant 16384 : i32
      %add3A_2324 = vector.broadcast %add3A_2323 : i32 to vector<16xi32>
      %add3A_2325 = arith.addi %add3A_2324, %mul3A_5 : vector<16xi32>
      %add3A_2326 = arith.addi %add3A_2325, %broadcast_in_dim3A_2322 : vector<16xi32>
      tpu.vector_store_idx %arg9[%add3A_2326], %gather3A_2317 : memref<32768xf32, #tpu.memory_space<vmem>>[vector<16xi32>], vector<16xf32>,
      %add3A_2327 = arith.constant 16384 : i32
      %add3A_2328 = vector.broadcast %add3A_2327 : i32 to vector<16xi32>
      %add3A_2329 = arith.addi %add3A_2328, %mul3A_11 : vector<16xi32>
      %add3A_2330 = arith.addi %add3A_2329, %broadcast_in_dim3A_2322 : vector<16xi32>
      tpu.vector_store_idx %arg9[%add3A_2330], %gather3A_2321 : memref<32768xf32, #tpu.memory_space<vmem>>[vector<16xi32>], vector<16xf32>,
      %slice3A_2331 = vector.extract_strided_slice %get3A_1285 {offsets = [6], sizes = [1], strides = [1]} : vector<16xi32> to vector<1xi32>
      %squeeze3A_2332 = vector.extract %slice3A_2331[0] : i32 from vector<1xi32>
      %shift_right_arithmetic3A_2333 = arith.constant 7 : i32
      %shift_right_arithmetic3A_2334 = arith.shrsi %squeeze3A_2332, %shift_right_arithmetic3A_2333 : i32
      %shift_left3A_2335 = arith.constant 7 : i32
      %shift_left3A_2336 = arith.shli %shift_right_arithmetic3A_2334, %shift_left3A_2335 : i32
      %multiple_of3A_2337 = tpu.assume_multiple %shift_left3A_2336, 128 : i32
      %dma_start3A_2338 = arith.constant 0 : i32
      %dma_start3A_2339 = tpu.memref_slice %arg5[%dma_start3A_2338, %multiple_of3A_2337] : memref<32x1000000xf32, #tpu.memory_space<hbm>> -> memref<32x128xf32, #tpu.memory_space<hbm>>
      %dma_start3A_2340 = arith.constant 0 : i32
      %dma_start3A_2341 = tpu.memref_slice %arg5[%dma_start3A_2340, %multiple_of3A_2337] : memref<32x1000000xf32, #tpu.memory_space<hbm>> -> memref<32x128xf32, #tpu.memory_space<hbm>>
      tpu.enqueue_dma source(%dma_start3A_2341 : memref<32x128xf32, #tpu.memory_space<hbm>>) target(%arg24 : memref<32x128xf32, #tpu.memory_space<vmem>>) target_semaphore(%arg40 : memref<!tpu.dma_semaphore, #tpu.memory_space<semaphore_mem>>)
      %add3A_2342 = arith.constant 15 : i32
      %add3A_2343 = arith.addi %mul3A_1273, %add3A_2342 : i32
      %slice3A_2344 = vector.extract_strided_slice %and3A_1288 {offsets = [15], sizes = [1], strides = [1]} : vector<16xi32> to vector<1xi32>
      %squeeze3A_2345 = vector.extract %slice3A_2344[0] : i32 from vector<1xi32>
      %broadcast_in_dim3A_2346 = vector.broadcast %squeeze3A_2345 : i32 to vector<16xi32>
      %dma_wait3A_2347 = arith.constant 0 : i32
      %dma_wait3A_2348 = arith.constant 0 : i32
      %dma_wait3A_2349 = tpu.memref_slice %arg4[%dma_wait3A_2347, %dma_wait3A_2348] : memref<32x1000000xf32, #tpu.memory_space<hbm>> -> memref<32x128xf32, #tpu.memory_space<hbm>>
      %dma_wait3A_2350 = arith.constant 0 : i32
      %dma_wait3A_2351 = arith.constant 0 : i32
      %dma_wait3A_2352 = tpu.memref_slice %arg4[%dma_wait3A_2350, %dma_wait3A_2351] : memref<32x1000000xf32, #tpu.memory_space<hbm>> -> memref<32x128xf32, #tpu.memory_space<hbm>>
      tpu.wait_dma2 semaphore(%arg33 : memref<!tpu.dma_semaphore, #tpu.memory_space<semaphore_mem>>) src(%dma_wait3A_2352 : memref<32x128xf32, #tpu.memory_space<hbm>>) dst(%arg17 : memref<32x128xf32, #tpu.memory_space<vmem>>)
      %gather3A_2353 = tpu.vector_load_idx %arg17[%iota3A, %broadcast_in_dim3A_2346] : memref<32x128xf32, #tpu.memory_space<vmem>>[vector<16xi32>, vector<16xi32>], vector<16xf32>,
      %add3A_2354 = arith.constant 16 : i32
      %add3A_2355 = vector.broadcast %add3A_2354 : i32 to vector<16xi32>
      %add3A_2356 = arith.addi %iota3A, %add3A_2355 : vector<16xi32>
      %gather3A_2357 = tpu.vector_load_idx %arg17[%add3A_2356, %broadcast_in_dim3A_2346] : memref<32x128xf32, #tpu.memory_space<vmem>>[vector<16xi32>, vector<16xi32>], vector<16xf32>,
      %broadcast_in_dim3A_2358 = vector.broadcast %add3A_2343 : i32 to vector<16xi32>
      %add3A_2359 = arith.constant 0 : i32
      %add3A_2360 = vector.broadcast %add3A_2359 : i32 to vector<16xi32>
      %add3A_2361 = arith.addi %add3A_2360, %mul3A_5 : vector<16xi32>
      %add3A_2362 = arith.addi %add3A_2361, %broadcast_in_dim3A_2358 : vector<16xi32>
      tpu.vector_store_idx %arg9[%add3A_2362], %gather3A_2353 : memref<32768xf32, #tpu.memory_space<vmem>>[vector<16xi32>], vector<16xf32>,
      %add3A_2363 = arith.constant 0 : i32
      %add3A_2364 = vector.broadcast %add3A_2363 : i32 to vector<16xi32>
      %add3A_2365 = arith.addi %add3A_2364, %mul3A_11 : vector<16xi32>
      %add3A_2366 = arith.addi %add3A_2365, %broadcast_in_dim3A_2358 : vector<16xi32>
      tpu.vector_store_idx %arg9[%add3A_2366], %gather3A_2357 : memref<32768xf32, #tpu.memory_space<vmem>>[vector<16xi32>], vector<16xf32>,
      %slice3A_2367 = vector.extract_strided_slice %get3A_1281 {offsets = [7], sizes = [1], strides = [1]} : vector<16xi32> to vector<1xi32>
      %squeeze3A_2368 = vector.extract %slice3A_2367[0] : i32 from vector<1xi32>
      %shift_right_arithmetic3A_2369 = arith.constant 7 : i32
      %shift_right_arithmetic3A_2370 = arith.shrsi %squeeze3A_2368, %shift_right_arithmetic3A_2369 : i32
      %shift_left3A_2371 = arith.constant 7 : i32
      %shift_left3A_2372 = arith.shli %shift_right_arithmetic3A_2370, %shift_left3A_2371 : i32
      %multiple_of3A_2373 = tpu.assume_multiple %shift_left3A_2372, 128 : i32
      %dma_start3A_2374 = arith.constant 0 : i32
      %dma_start3A_2375 = tpu.memref_slice %arg4[%dma_start3A_2374, %multiple_of3A_2373] : memref<32x1000000xf32, #tpu.memory_space<hbm>> -> memref<32x128xf32, #tpu.memory_space<hbm>>
      %dma_start3A_2376 = arith.constant 0 : i32
      %dma_start3A_2377 = tpu.memref_slice %arg4[%dma_start3A_2376, %multiple_of3A_2373] : memref<32x1000000xf32, #tpu.memory_space<hbm>> -> memref<32x128xf32, #tpu.memory_space<hbm>>
      tpu.enqueue_dma source(%dma_start3A_2377 : memref<32x128xf32, #tpu.memory_space<hbm>>) target(%arg17 : memref<32x128xf32, #tpu.memory_space<vmem>>) target_semaphore(%arg33 : memref<!tpu.dma_semaphore, #tpu.memory_space<semaphore_mem>>)
      %slice3A_2378 = vector.extract_strided_slice %and3A_1291 {offsets = [15], sizes = [1], strides = [1]} : vector<16xi32> to vector<1xi32>
      %squeeze3A_2379 = vector.extract %slice3A_2378[0] : i32 from vector<1xi32>
      %broadcast_in_dim3A_2380 = vector.broadcast %squeeze3A_2379 : i32 to vector<16xi32>
      %dma_wait3A_2381 = arith.constant 0 : i32
      %dma_wait3A_2382 = arith.constant 0 : i32
      %dma_wait3A_2383 = tpu.memref_slice %arg4[%dma_wait3A_2381, %dma_wait3A_2382] : memref<32x1000000xf32, #tpu.memory_space<hbm>> -> memref<32x128xf32, #tpu.memory_space<hbm>>
      %dma_wait3A_2384 = arith.constant 0 : i32
      %dma_wait3A_2385 = arith.constant 0 : i32
      %dma_wait3A_2386 = tpu.memref_slice %arg4[%dma_wait3A_2384, %dma_wait3A_2385] : memref<32x1000000xf32, #tpu.memory_space<hbm>> -> memref<32x128xf32, #tpu.memory_space<hbm>>
      tpu.wait_dma2 semaphore(%arg41 : memref<!tpu.dma_semaphore, #tpu.memory_space<semaphore_mem>>) src(%dma_wait3A_2386 : memref<32x128xf32, #tpu.memory_space<hbm>>) dst(%arg25 : memref<32x128xf32, #tpu.memory_space<vmem>>)
      %gather3A_2387 = tpu.vector_load_idx %arg25[%iota3A, %broadcast_in_dim3A_2380] : memref<32x128xf32, #tpu.memory_space<vmem>>[vector<16xi32>, vector<16xi32>], vector<16xf32>,
      %add3A_2388 = arith.constant 16 : i32
      %add3A_2389 = vector.broadcast %add3A_2388 : i32 to vector<16xi32>
      %add3A_2390 = arith.addi %iota3A, %add3A_2389 : vector<16xi32>
      %gather3A_2391 = tpu.vector_load_idx %arg25[%add3A_2390, %broadcast_in_dim3A_2380] : memref<32x128xf32, #tpu.memory_space<vmem>>[vector<16xi32>, vector<16xi32>], vector<16xf32>,
      %broadcast_in_dim3A_2392 = vector.broadcast %add3A_2343 : i32 to vector<16xi32>
      %add3A_2393 = arith.constant 16384 : i32
      %add3A_2394 = vector.broadcast %add3A_2393 : i32 to vector<16xi32>
      %add3A_2395 = arith.addi %add3A_2394, %mul3A_5 : vector<16xi32>
      %add3A_2396 = arith.addi %add3A_2395, %broadcast_in_dim3A_2392 : vector<16xi32>
      tpu.vector_store_idx %arg9[%add3A_2396], %gather3A_2387 : memref<32768xf32, #tpu.memory_space<vmem>>[vector<16xi32>], vector<16xf32>,
      %add3A_2397 = arith.constant 16384 : i32
      %add3A_2398 = vector.broadcast %add3A_2397 : i32 to vector<16xi32>
      %add3A_2399 = arith.addi %add3A_2398, %mul3A_11 : vector<16xi32>
      %add3A_2400 = arith.addi %add3A_2399, %broadcast_in_dim3A_2392 : vector<16xi32>
      tpu.vector_store_idx %arg9[%add3A_2400], %gather3A_2391 : memref<32768xf32, #tpu.memory_space<vmem>>[vector<16xi32>], vector<16xf32>,
      %slice3A_2401 = vector.extract_strided_slice %get3A_1285 {offsets = [7], sizes = [1], strides = [1]} : vector<16xi32> to vector<1xi32>
      %squeeze3A_2402 = vector.extract %slice3A_2401[0] : i32 from vector<1xi32>
      %shift_right_arithmetic3A_2403 = arith.constant 7 : i32
      %shift_right_arithmetic3A_2404 = arith.shrsi %squeeze3A_2402, %shift_right_arithmetic3A_2403 : i32
      %shift_left3A_2405 = arith.constant 7 : i32
      %shift_left3A_2406 = arith.shli %shift_right_arithmetic3A_2404, %shift_left3A_2405 : i32
      %multiple_of3A_2407 = tpu.assume_multiple %shift_left3A_2406, 128 : i32
      %dma_start3A_2408 = arith.constant 0 : i32
      %dma_start3A_2409 = tpu.memref_slice %arg5[%dma_start3A_2408, %multiple_of3A_2407] : memref<32x1000000xf32, #tpu.memory_space<hbm>> -> memref<32x128xf32, #tpu.memory_space<hbm>>
      %dma_start3A_2410 = arith.constant 0 : i32
      %dma_start3A_2411 = tpu.memref_slice %arg5[%dma_start3A_2410, %multiple_of3A_2407] : memref<32x1000000xf32, #tpu.memory_space<hbm>> -> memref<32x128xf32, #tpu.memory_space<hbm>>
      tpu.enqueue_dma source(%dma_start3A_2411 : memref<32x128xf32, #tpu.memory_space<hbm>>) target(%arg25 : memref<32x128xf32, #tpu.memory_space<vmem>>) target_semaphore(%arg41 : memref<!tpu.dma_semaphore, #tpu.memory_space<semaphore_mem>>)
    }
    %scan3A_188 = arith.constant 31 : i32
    %get3A_189 = arith.constant 496 : index
    %get3A_190 = tpu.vector_load %arg7[%get3A_189] {strides = array<i32>} : memref<512xi32, #tpu.memory_space<vmem>>, vector<16xi32>,
    %get3A_191 = arith.constant 496 : index
    %get3A_192 = tpu.vector_load %arg8[%get3A_191] {strides = array<i32>} : memref<512xi32, #tpu.memory_space<vmem>>, vector<16xi32>,
    %and3A = arith.constant 127 : i32
    %and3A_193 = vector.broadcast %and3A : i32 to vector<16xi32>
    %and3A_194 = arith.andi %get3A_190, %and3A_193 : vector<16xi32>
    %and3A_195 = arith.constant 127 : i32
    %and3A_196 = vector.broadcast %and3A_195 : i32 to vector<16xi32>
    %and3A_197 = arith.andi %get3A_192, %and3A_196 : vector<16xi32>
    %slice3A_198 = vector.extract_strided_slice %and3A_194 {offsets = [0], sizes = [1], strides = [1]} : vector<16xi32> to vector<1xi32>
    %squeeze3A_199 = vector.extract %slice3A_198[0] : i32 from vector<1xi32>
    %broadcast_in_dim3A = vector.broadcast %squeeze3A_199 : i32 to vector<16xi32>
    %dma_wait3A = arith.constant 0 : i32
    %dma_wait3A_200 = arith.constant 0 : i32
    %dma_wait3A_201 = tpu.memref_slice %arg4[%dma_wait3A, %dma_wait3A_200] : memref<32x1000000xf32, #tpu.memory_space<hbm>> -> memref<32x128xf32, #tpu.memory_space<hbm>>
    %dma_wait3A_202 = arith.constant 0 : i32
    %dma_wait3A_203 = arith.constant 0 : i32
    %dma_wait3A_204 = tpu.memref_slice %arg4[%dma_wait3A_202, %dma_wait3A_203] : memref<32x1000000xf32, #tpu.memory_space<hbm>> -> memref<32x128xf32, #tpu.memory_space<hbm>>
    tpu.wait_dma2 semaphore(%arg26 : memref<!tpu.dma_semaphore, #tpu.memory_space<semaphore_mem>>) src(%dma_wait3A_204 : memref<32x128xf32, #tpu.memory_space<hbm>>) dst(%arg10 : memref<32x128xf32, #tpu.memory_space<vmem>>)
    %gather3A = tpu.vector_load_idx %arg10[%iota3A, %broadcast_in_dim3A] : memref<32x128xf32, #tpu.memory_space<vmem>>[vector<16xi32>, vector<16xi32>], vector<16xf32>,
    %add3A_205 = arith.constant 16 : i32
    %add3A_206 = vector.broadcast %add3A_205 : i32 to vector<16xi32>
    %add3A_207 = arith.addi %iota3A, %add3A_206 : vector<16xi32>
    %gather3A_208 = tpu.vector_load_idx %arg10[%add3A_207, %broadcast_in_dim3A] : memref<32x128xf32, #tpu.memory_space<vmem>>[vector<16xi32>, vector<16xi32>], vector<16xf32>,
    %broadcast_in_dim3A_209 = arith.constant 496 : i32
    %broadcast_in_dim3A_210 = vector.broadcast %broadcast_in_dim3A_209 : i32 to vector<16xi32>
    %add3A_211 = arith.constant 0 : i32
    %add3A_212 = vector.broadcast %add3A_211 : i32 to vector<16xi32>
    %add3A_213 = arith.addi %add3A_212, %mul3A_5 : vector<16xi32>
    %add3A_214 = arith.addi %add3A_213, %broadcast_in_dim3A_210 : vector<16xi32>
    tpu.vector_store_idx %arg9[%add3A_214], %gather3A : memref<32768xf32, #tpu.memory_space<vmem>>[vector<16xi32>], vector<16xf32>,
    %add3A_215 = arith.constant 0 : i32
    %add3A_216 = vector.broadcast %add3A_215 : i32 to vector<16xi32>
    %add3A_217 = arith.addi %add3A_216, %mul3A_11 : vector<16xi32>
    %add3A_218 = arith.addi %add3A_217, %broadcast_in_dim3A_210 : vector<16xi32>
    tpu.vector_store_idx %arg9[%add3A_218], %gather3A_208 : memref<32768xf32, #tpu.memory_space<vmem>>[vector<16xi32>], vector<16xf32>,
    %slice3A_219 = vector.extract_strided_slice %and3A_197 {offsets = [0], sizes = [1], strides = [1]} : vector<16xi32> to vector<1xi32>
    %squeeze3A_220 = vector.extract %slice3A_219[0] : i32 from vector<1xi32>
    %broadcast_in_dim3A_221 = vector.broadcast %squeeze3A_220 : i32 to vector<16xi32>
    %dma_wait3A_222 = arith.constant 0 : i32
    %dma_wait3A_223 = arith.constant 0 : i32
    %dma_wait3A_224 = tpu.memref_slice %arg4[%dma_wait3A_222, %dma_wait3A_223] : memref<32x1000000xf32, #tpu.memory_space<hbm>> -> memref<32x128xf32, #tpu.memory_space<hbm>>
    %dma_wait3A_225 = arith.constant 0 : i32
    %dma_wait3A_226 = arith.constant 0 : i32
    %dma_wait3A_227 = tpu.memref_slice %arg4[%dma_wait3A_225, %dma_wait3A_226] : memref<32x1000000xf32, #tpu.memory_space<hbm>> -> memref<32x128xf32, #tpu.memory_space<hbm>>
    tpu.wait_dma2 semaphore(%arg34 : memref<!tpu.dma_semaphore, #tpu.memory_space<semaphore_mem>>) src(%dma_wait3A_227 : memref<32x128xf32, #tpu.memory_space<hbm>>) dst(%arg18 : memref<32x128xf32, #tpu.memory_space<vmem>>)
    %gather3A_228 = tpu.vector_load_idx %arg18[%iota3A, %broadcast_in_dim3A_221] : memref<32x128xf32, #tpu.memory_space<vmem>>[vector<16xi32>, vector<16xi32>], vector<16xf32>,
    %add3A_229 = arith.constant 16 : i32
    %add3A_230 = vector.broadcast %add3A_229 : i32 to vector<16xi32>
    %add3A_231 = arith.addi %iota3A, %add3A_230 : vector<16xi32>
    %gather3A_232 = tpu.vector_load_idx %arg18[%add3A_231, %broadcast_in_dim3A_221] : memref<32x128xf32, #tpu.memory_space<vmem>>[vector<16xi32>, vector<16xi32>], vector<16xf32>,
    %broadcast_in_dim3A_233 = arith.constant 496 : i32
    %broadcast_in_dim3A_234 = vector.broadcast %broadcast_in_dim3A_233 : i32 to vector<16xi32>
    %add3A_235 = arith.constant 16384 : i32
    %add3A_236 = vector.broadcast %add3A_235 : i32 to vector<16xi32>
    %add3A_237 = arith.addi %add3A_236, %mul3A_5 : vector<16xi32>
    %add3A_238 = arith.addi %add3A_237, %broadcast_in_dim3A_234 : vector<16xi32>
    tpu.vector_store_idx %arg9[%add3A_238], %gather3A_228 : memref<32768xf32, #tpu.memory_space<vmem>>[vector<16xi32>], vector<16xf32>,
    %add3A_239 = arith.constant 16384 : i32
    %add3A_240 = vector.broadcast %add3A_239 : i32 to vector<16xi32>
    %add3A_241 = arith.addi %add3A_240, %mul3A_11 : vector<16xi32>
    %add3A_242 = arith.addi %add3A_241, %broadcast_in_dim3A_234 : vector<16xi32>
    tpu.vector_store_idx %arg9[%add3A_242], %gather3A_232 : memref<32768xf32, #tpu.memory_space<vmem>>[vector<16xi32>], vector<16xf32>,
    %slice3A_243 = vector.extract_strided_slice %get3A_190 {offsets = [8], sizes = [1], strides = [1]} : vector<16xi32> to vector<1xi32>
    %squeeze3A_244 = vector.extract %slice3A_243[0] : i32 from vector<1xi32>
    %shift_right_arithmetic3A_245 = arith.constant 7 : i32
    %shift_right_arithmetic3A_246 = arith.shrsi %squeeze3A_244, %shift_right_arithmetic3A_245 : i32
    %shift_left3A_247 = arith.constant 7 : i32
    %shift_left3A_248 = arith.shli %shift_right_arithmetic3A_246, %shift_left3A_247 : i32
    %multiple_of3A_249 = tpu.assume_multiple %shift_left3A_248, 128 : i32
    %dma_start3A_250 = arith.constant 0 : i32
    %dma_start3A_251 = tpu.memref_slice %arg4[%dma_start3A_250, %multiple_of3A_249] : memref<32x1000000xf32, #tpu.memory_space<hbm>> -> memref<32x128xf32, #tpu.memory_space<hbm>>
    %dma_start3A_252 = arith.constant 0 : i32
    %dma_start3A_253 = tpu.memref_slice %arg4[%dma_start3A_252, %multiple_of3A_249] : memref<32x1000000xf32, #tpu.memory_space<hbm>> -> memref<32x128xf32, #tpu.memory_space<hbm>>
    tpu.enqueue_dma source(%dma_start3A_253 : memref<32x128xf32, #tpu.memory_space<hbm>>) target(%arg10 : memref<32x128xf32, #tpu.memory_space<vmem>>) target_semaphore(%arg26 : memref<!tpu.dma_semaphore, #tpu.memory_space<semaphore_mem>>)
    %slice3A_254 = vector.extract_strided_slice %get3A_192 {offsets = [8], sizes = [1], strides = [1]} : vector<16xi32> to vector<1xi32>
    %squeeze3A_255 = vector.extract %slice3A_254[0] : i32 from vector<1xi32>
    %shift_right_arithmetic3A_256 = arith.constant 7 : i32
    %shift_right_arithmetic3A_257 = arith.shrsi %squeeze3A_255, %shift_right_arithmetic3A_256 : i32
    %shift_left3A_258 = arith.constant 7 : i32
    %shift_left3A_259 = arith.shli %shift_right_arithmetic3A_257, %shift_left3A_258 : i32
    %multiple_of3A_260 = tpu.assume_multiple %shift_left3A_259, 128 : i32
    %dma_start3A_261 = arith.constant 0 : i32
    %dma_start3A_262 = tpu.memref_slice %arg5[%dma_start3A_261, %multiple_of3A_260] : memref<32x1000000xf32, #tpu.memory_space<hbm>> -> memref<32x128xf32, #tpu.memory_space<hbm>>
    %dma_start3A_263 = arith.constant 0 : i32
    %dma_start3A_264 = tpu.memref_slice %arg5[%dma_start3A_263, %multiple_of3A_260] : memref<32x1000000xf32, #tpu.memory_space<hbm>> -> memref<32x128xf32, #tpu.memory_space<hbm>>
    tpu.enqueue_dma source(%dma_start3A_264 : memref<32x128xf32, #tpu.memory_space<hbm>>) target(%arg18 : memref<32x128xf32, #tpu.memory_space<vmem>>) target_semaphore(%arg34 : memref<!tpu.dma_semaphore, #tpu.memory_space<semaphore_mem>>)
    %slice3A_265 = vector.extract_strided_slice %and3A_194 {offsets = [1], sizes = [1], strides = [1]} : vector<16xi32> to vector<1xi32>
    %squeeze3A_266 = vector.extract %slice3A_265[0] : i32 from vector<1xi32>
    %broadcast_in_dim3A_267 = vector.broadcast %squeeze3A_266 : i32 to vector<16xi32>
    %dma_wait3A_268 = arith.constant 0 : i32
    %dma_wait3A_269 = arith.constant 0 : i32
    %dma_wait3A_270 = tpu.memref_slice %arg4[%dma_wait3A_268, %dma_wait3A_269] : memref<32x1000000xf32, #tpu.memory_space<hbm>> -> memref<32x128xf32, #tpu.memory_space<hbm>>
    %dma_wait3A_271 = arith.constant 0 : i32
    %dma_wait3A_272 = arith.constant 0 : i32
    %dma_wait3A_273 = tpu.memref_slice %arg4[%dma_wait3A_271, %dma_wait3A_272] : memref<32x1000000xf32, #tpu.memory_space<hbm>> -> memref<32x128xf32, #tpu.memory_space<hbm>>
    tpu.wait_dma2 semaphore(%arg27 : memref<!tpu.dma_semaphore, #tpu.memory_space<semaphore_mem>>) src(%dma_wait3A_273 : memref<32x128xf32, #tpu.memory_space<hbm>>) dst(%arg11 : memref<32x128xf32, #tpu.memory_space<vmem>>)
    %gather3A_274 = tpu.vector_load_idx %arg11[%iota3A, %broadcast_in_dim3A_267] : memref<32x128xf32, #tpu.memory_space<vmem>>[vector<16xi32>, vector<16xi32>], vector<16xf32>,
    %add3A_275 = arith.constant 16 : i32
    %add3A_276 = vector.broadcast %add3A_275 : i32 to vector<16xi32>
    %add3A_277 = arith.addi %iota3A, %add3A_276 : vector<16xi32>
    %gather3A_278 = tpu.vector_load_idx %arg11[%add3A_277, %broadcast_in_dim3A_267] : memref<32x128xf32, #tpu.memory_space<vmem>>[vector<16xi32>, vector<16xi32>], vector<16xf32>,
    %broadcast_in_dim3A_279 = arith.constant 497 : i32
    %broadcast_in_dim3A_280 = vector.broadcast %broadcast_in_dim3A_279 : i32 to vector<16xi32>
    %add3A_281 = arith.constant 0 : i32
    %add3A_282 = vector.broadcast %add3A_281 : i32 to vector<16xi32>
    %add3A_283 = arith.addi %add3A_282, %mul3A_5 : vector<16xi32>
    %add3A_284 = arith.addi %add3A_283, %broadcast_in_dim3A_280 : vector<16xi32>
    tpu.vector_store_idx %arg9[%add3A_284], %gather3A_274 : memref<32768xf32, #tpu.memory_space<vmem>>[vector<16xi32>], vector<16xf32>,
    %add3A_285 = arith.constant 0 : i32
    %add3A_286 = vector.broadcast %add3A_285 : i32 to vector<16xi32>
    %add3A_287 = arith.addi %add3A_286, %mul3A_11 : vector<16xi32>
    %add3A_288 = arith.addi %add3A_287, %broadcast_in_dim3A_280 : vector<16xi32>
    tpu.vector_store_idx %arg9[%add3A_288], %gather3A_278 : memref<32768xf32, #tpu.memory_space<vmem>>[vector<16xi32>], vector<16xf32>,
    %slice3A_289 = vector.extract_strided_slice %and3A_197 {offsets = [1], sizes = [1], strides = [1]} : vector<16xi32> to vector<1xi32>
    %squeeze3A_290 = vector.extract %slice3A_289[0] : i32 from vector<1xi32>
    %broadcast_in_dim3A_291 = vector.broadcast %squeeze3A_290 : i32 to vector<16xi32>
    %dma_wait3A_292 = arith.constant 0 : i32
    %dma_wait3A_293 = arith.constant 0 : i32
    %dma_wait3A_294 = tpu.memref_slice %arg4[%dma_wait3A_292, %dma_wait3A_293] : memref<32x1000000xf32, #tpu.memory_space<hbm>> -> memref<32x128xf32, #tpu.memory_space<hbm>>
    %dma_wait3A_295 = arith.constant 0 : i32
    %dma_wait3A_296 = arith.constant 0 : i32
    %dma_wait3A_297 = tpu.memref_slice %arg4[%dma_wait3A_295, %dma_wait3A_296] : memref<32x1000000xf32, #tpu.memory_space<hbm>> -> memref<32x128xf32, #tpu.memory_space<hbm>>
    tpu.wait_dma2 semaphore(%arg35 : memref<!tpu.dma_semaphore, #tpu.memory_space<semaphore_mem>>) src(%dma_wait3A_297 : memref<32x128xf32, #tpu.memory_space<hbm>>) dst(%arg19 : memref<32x128xf32, #tpu.memory_space<vmem>>)
    %gather3A_298 = tpu.vector_load_idx %arg19[%iota3A, %broadcast_in_dim3A_291] : memref<32x128xf32, #tpu.memory_space<vmem>>[vector<16xi32>, vector<16xi32>], vector<16xf32>,
    %add3A_299 = arith.constant 16 : i32
    %add3A_300 = vector.broadcast %add3A_299 : i32 to vector<16xi32>
    %add3A_301 = arith.addi %iota3A, %add3A_300 : vector<16xi32>
    %gather3A_302 = tpu.vector_load_idx %arg19[%add3A_301, %broadcast_in_dim3A_291] : memref<32x128xf32, #tpu.memory_space<vmem>>[vector<16xi32>, vector<16xi32>], vector<16xf32>,
    %broadcast_in_dim3A_303 = arith.constant 497 : i32
    %broadcast_in_dim3A_304 = vector.broadcast %broadcast_in_dim3A_303 : i32 to vector<16xi32>
    %add3A_305 = arith.constant 16384 : i32
    %add3A_306 = vector.broadcast %add3A_305 : i32 to vector<16xi32>
    %add3A_307 = arith.addi %add3A_306, %mul3A_5 : vector<16xi32>
    %add3A_308 = arith.addi %add3A_307, %broadcast_in_dim3A_304 : vector<16xi32>
    tpu.vector_store_idx %arg9[%add3A_308], %gather3A_298 : memref<32768xf32, #tpu.memory_space<vmem>>[vector<16xi32>], vector<16xf32>,
    %add3A_309 = arith.constant 16384 : i32
    %add3A_310 = vector.broadcast %add3A_309 : i32 to vector<16xi32>
    %add3A_311 = arith.addi %add3A_310, %mul3A_11 : vector<16xi32>
    %add3A_312 = arith.addi %add3A_311, %broadcast_in_dim3A_304 : vector<16xi32>
    tpu.vector_store_idx %arg9[%add3A_312], %gather3A_302 : memref<32768xf32, #tpu.memory_space<vmem>>[vector<16xi32>], vector<16xf32>,
    %slice3A_313 = vector.extract_strided_slice %get3A_190 {offsets = [9], sizes = [1], strides = [1]} : vector<16xi32> to vector<1xi32>
    %squeeze3A_314 = vector.extract %slice3A_313[0] : i32 from vector<1xi32>
    %shift_right_arithmetic3A_315 = arith.constant 7 : i32
    %shift_right_arithmetic3A_316 = arith.shrsi %squeeze3A_314, %shift_right_arithmetic3A_315 : i32
    %shift_left3A_317 = arith.constant 7 : i32
    %shift_left3A_318 = arith.shli %shift_right_arithmetic3A_316, %shift_left3A_317 : i32
    %multiple_of3A_319 = tpu.assume_multiple %shift_left3A_318, 128 : i32
    %dma_start3A_320 = arith.constant 0 : i32
    %dma_start3A_321 = tpu.memref_slice %arg4[%dma_start3A_320, %multiple_of3A_319] : memref<32x1000000xf32, #tpu.memory_space<hbm>> -> memref<32x128xf32, #tpu.memory_space<hbm>>
    %dma_start3A_322 = arith.constant 0 : i32
    %dma_start3A_323 = tpu.memref_slice %arg4[%dma_start3A_322, %multiple_of3A_319] : memref<32x1000000xf32, #tpu.memory_space<hbm>> -> memref<32x128xf32, #tpu.memory_space<hbm>>
    tpu.enqueue_dma source(%dma_start3A_323 : memref<32x128xf32, #tpu.memory_space<hbm>>) target(%arg11 : memref<32x128xf32, #tpu.memory_space<vmem>>) target_semaphore(%arg27 : memref<!tpu.dma_semaphore, #tpu.memory_space<semaphore_mem>>)
    %slice3A_324 = vector.extract_strided_slice %get3A_192 {offsets = [9], sizes = [1], strides = [1]} : vector<16xi32> to vector<1xi32>
    %squeeze3A_325 = vector.extract %slice3A_324[0] : i32 from vector<1xi32>
    %shift_right_arithmetic3A_326 = arith.constant 7 : i32
    %shift_right_arithmetic3A_327 = arith.shrsi %squeeze3A_325, %shift_right_arithmetic3A_326 : i32
    %shift_left3A_328 = arith.constant 7 : i32
    %shift_left3A_329 = arith.shli %shift_right_arithmetic3A_327, %shift_left3A_328 : i32
    %multiple_of3A_330 = tpu.assume_multiple %shift_left3A_329, 128 : i32
    %dma_start3A_331 = arith.constant 0 : i32
    %dma_start3A_332 = tpu.memref_slice %arg5[%dma_start3A_331, %multiple_of3A_330] : memref<32x1000000xf32, #tpu.memory_space<hbm>> -> memref<32x128xf32, #tpu.memory_space<hbm>>
    %dma_start3A_333 = arith.constant 0 : i32
    %dma_start3A_334 = tpu.memref_slice %arg5[%dma_start3A_333, %multiple_of3A_330] : memref<32x1000000xf32, #tpu.memory_space<hbm>> -> memref<32x128xf32, #tpu.memory_space<hbm>>
    tpu.enqueue_dma source(%dma_start3A_334 : memref<32x128xf32, #tpu.memory_space<hbm>>) target(%arg19 : memref<32x128xf32, #tpu.memory_space<vmem>>) target_semaphore(%arg35 : memref<!tpu.dma_semaphore, #tpu.memory_space<semaphore_mem>>)
    %slice3A_335 = vector.extract_strided_slice %and3A_194 {offsets = [2], sizes = [1], strides = [1]} : vector<16xi32> to vector<1xi32>
    %squeeze3A_336 = vector.extract %slice3A_335[0] : i32 from vector<1xi32>
    %broadcast_in_dim3A_337 = vector.broadcast %squeeze3A_336 : i32 to vector<16xi32>
    %dma_wait3A_338 = arith.constant 0 : i32
    %dma_wait3A_339 = arith.constant 0 : i32
    %dma_wait3A_340 = tpu.memref_slice %arg4[%dma_wait3A_338, %dma_wait3A_339] : memref<32x1000000xf32, #tpu.memory_space<hbm>> -> memref<32x128xf32, #tpu.memory_space<hbm>>
    %dma_wait3A_341 = arith.constant 0 : i32
    %dma_wait3A_342 = arith.constant 0 : i32
    %dma_wait3A_343 = tpu.memref_slice %arg4[%dma_wait3A_341, %dma_wait3A_342] : memref<32x1000000xf32, #tpu.memory_space<hbm>> -> memref<32x128xf32, #tpu.memory_space<hbm>>
    tpu.wait_dma2 semaphore(%arg28 : memref<!tpu.dma_semaphore, #tpu.memory_space<semaphore_mem>>) src(%dma_wait3A_343 : memref<32x128xf32, #tpu.memory_space<hbm>>) dst(%arg12 : memref<32x128xf32, #tpu.memory_space<vmem>>)
    %gather3A_344 = tpu.vector_load_idx %arg12[%iota3A, %broadcast_in_dim3A_337] : memref<32x128xf32, #tpu.memory_space<vmem>>[vector<16xi32>, vector<16xi32>], vector<16xf32>,
    %add3A_345 = arith.constant 16 : i32
    %add3A_346 = vector.broadcast %add3A_345 : i32 to vector<16xi32>
    %add3A_347 = arith.addi %iota3A, %add3A_346 : vector<16xi32>
    %gather3A_348 = tpu.vector_load_idx %arg12[%add3A_347, %broadcast_in_dim3A_337] : memref<32x128xf32, #tpu.memory_space<vmem>>[vector<16xi32>, vector<16xi32>], vector<16xf32>,
    %broadcast_in_dim3A_349 = arith.constant 498 : i32
    %broadcast_in_dim3A_350 = vector.broadcast %broadcast_in_dim3A_349 : i32 to vector<16xi32>
    %add3A_351 = arith.constant 0 : i32
    %add3A_352 = vector.broadcast %add3A_351 : i32 to vector<16xi32>
    %add3A_353 = arith.addi %add3A_352, %mul3A_5 : vector<16xi32>
    %add3A_354 = arith.addi %add3A_353, %broadcast_in_dim3A_350 : vector<16xi32>
    tpu.vector_store_idx %arg9[%add3A_354], %gather3A_344 : memref<32768xf32, #tpu.memory_space<vmem>>[vector<16xi32>], vector<16xf32>,
    %add3A_355 = arith.constant 0 : i32
    %add3A_356 = vector.broadcast %add3A_355 : i32 to vector<16xi32>
    %add3A_357 = arith.addi %add3A_356, %mul3A_11 : vector<16xi32>
    %add3A_358 = arith.addi %add3A_357, %broadcast_in_dim3A_350 : vector<16xi32>
    tpu.vector_store_idx %arg9[%add3A_358], %gather3A_348 : memref<32768xf32, #tpu.memory_space<vmem>>[vector<16xi32>], vector<16xf32>,
    %slice3A_359 = vector.extract_strided_slice %and3A_197 {offsets = [2], sizes = [1], strides = [1]} : vector<16xi32> to vector<1xi32>
    %squeeze3A_360 = vector.extract %slice3A_359[0] : i32 from vector<1xi32>
    %broadcast_in_dim3A_361 = vector.broadcast %squeeze3A_360 : i32 to vector<16xi32>
    %dma_wait3A_362 = arith.constant 0 : i32
    %dma_wait3A_363 = arith.constant 0 : i32
    %dma_wait3A_364 = tpu.memref_slice %arg4[%dma_wait3A_362, %dma_wait3A_363] : memref<32x1000000xf32, #tpu.memory_space<hbm>> -> memref<32x128xf32, #tpu.memory_space<hbm>>
    %dma_wait3A_365 = arith.constant 0 : i32
    %dma_wait3A_366 = arith.constant 0 : i32
    %dma_wait3A_367 = tpu.memref_slice %arg4[%dma_wait3A_365, %dma_wait3A_366] : memref<32x1000000xf32, #tpu.memory_space<hbm>> -> memref<32x128xf32, #tpu.memory_space<hbm>>
    tpu.wait_dma2 semaphore(%arg36 : memref<!tpu.dma_semaphore, #tpu.memory_space<semaphore_mem>>) src(%dma_wait3A_367 : memref<32x128xf32, #tpu.memory_space<hbm>>) dst(%arg20 : memref<32x128xf32, #tpu.memory_space<vmem>>)
    %gather3A_368 = tpu.vector_load_idx %arg20[%iota3A, %broadcast_in_dim3A_361] : memref<32x128xf32, #tpu.memory_space<vmem>>[vector<16xi32>, vector<16xi32>], vector<16xf32>,
    %add3A_369 = arith.constant 16 : i32
    %add3A_370 = vector.broadcast %add3A_369 : i32 to vector<16xi32>
    %add3A_371 = arith.addi %iota3A, %add3A_370 : vector<16xi32>
    %gather3A_372 = tpu.vector_load_idx %arg20[%add3A_371, %broadcast_in_dim3A_361] : memref<32x128xf32, #tpu.memory_space<vmem>>[vector<16xi32>, vector<16xi32>], vector<16xf32>,
    %broadcast_in_dim3A_373 = arith.constant 498 : i32
    %broadcast_in_dim3A_374 = vector.broadcast %broadcast_in_dim3A_373 : i32 to vector<16xi32>
    %add3A_375 = arith.constant 16384 : i32
    %add3A_376 = vector.broadcast %add3A_375 : i32 to vector<16xi32>
    %add3A_377 = arith.addi %add3A_376, %mul3A_5 : vector<16xi32>
    %add3A_378 = arith.addi %add3A_377, %broadcast_in_dim3A_374 : vector<16xi32>
    tpu.vector_store_idx %arg9[%add3A_378], %gather3A_368 : memref<32768xf32, #tpu.memory_space<vmem>>[vector<16xi32>], vector<16xf32>,
    %add3A_379 = arith.constant 16384 : i32
    %add3A_380 = vector.broadcast %add3A_379 : i32 to vector<16xi32>
    %add3A_381 = arith.addi %add3A_380, %mul3A_11 : vector<16xi32>
    %add3A_382 = arith.addi %add3A_381, %broadcast_in_dim3A_374 : vector<16xi32>
    tpu.vector_store_idx %arg9[%add3A_382], %gather3A_372 : memref<32768xf32, #tpu.memory_space<vmem>>[vector<16xi32>], vector<16xf32>,
    %slice3A_383 = vector.extract_strided_slice %get3A_190 {offsets = [10], sizes = [1], strides = [1]} : vector<16xi32> to vector<1xi32>
    %squeeze3A_384 = vector.extract %slice3A_383[0] : i32 from vector<1xi32>
    %shift_right_arithmetic3A_385 = arith.constant 7 : i32
    %shift_right_arithmetic3A_386 = arith.shrsi %squeeze3A_384, %shift_right_arithmetic3A_385 : i32
    %shift_left3A_387 = arith.constant 7 : i32
    %shift_left3A_388 = arith.shli %shift_right_arithmetic3A_386, %shift_left3A_387 : i32
    %multiple_of3A_389 = tpu.assume_multiple %shift_left3A_388, 128 : i32
    %dma_start3A_390 = arith.constant 0 : i32
    %dma_start3A_391 = tpu.memref_slice %arg4[%dma_start3A_390, %multiple_of3A_389] : memref<32x1000000xf32, #tpu.memory_space<hbm>> -> memref<32x128xf32, #tpu.memory_space<hbm>>
    %dma_start3A_392 = arith.constant 0 : i32
    %dma_start3A_393 = tpu.memref_slice %arg4[%dma_start3A_392, %multiple_of3A_389] : memref<32x1000000xf32, #tpu.memory_space<hbm>> -> memref<32x128xf32, #tpu.memory_space<hbm>>
    tpu.enqueue_dma source(%dma_start3A_393 : memref<32x128xf32, #tpu.memory_space<hbm>>) target(%arg12 : memref<32x128xf32, #tpu.memory_space<vmem>>) target_semaphore(%arg28 : memref<!tpu.dma_semaphore, #tpu.memory_space<semaphore_mem>>)
    %slice3A_394 = vector.extract_strided_slice %get3A_192 {offsets = [10], sizes = [1], strides = [1]} : vector<16xi32> to vector<1xi32>
    %squeeze3A_395 = vector.extract %slice3A_394[0] : i32 from vector<1xi32>
    %shift_right_arithmetic3A_396 = arith.constant 7 : i32
    %shift_right_arithmetic3A_397 = arith.shrsi %squeeze3A_395, %shift_right_arithmetic3A_396 : i32
    %shift_left3A_398 = arith.constant 7 : i32
    %shift_left3A_399 = arith.shli %shift_right_arithmetic3A_397, %shift_left3A_398 : i32
    %multiple_of3A_400 = tpu.assume_multiple %shift_left3A_399, 128 : i32
    %dma_start3A_401 = arith.constant 0 : i32
    %dma_start3A_402 = tpu.memref_slice %arg5[%dma_start3A_401, %multiple_of3A_400] : memref<32x1000000xf32, #tpu.memory_space<hbm>> -> memref<32x128xf32, #tpu.memory_space<hbm>>
    %dma_start3A_403 = arith.constant 0 : i32
    %dma_start3A_404 = tpu.memref_slice %arg5[%dma_start3A_403, %multiple_of3A_400] : memref<32x1000000xf32, #tpu.memory_space<hbm>> -> memref<32x128xf32, #tpu.memory_space<hbm>>
    tpu.enqueue_dma source(%dma_start3A_404 : memref<32x128xf32, #tpu.memory_space<hbm>>) target(%arg20 : memref<32x128xf32, #tpu.memory_space<vmem>>) target_semaphore(%arg36 : memref<!tpu.dma_semaphore, #tpu.memory_space<semaphore_mem>>)
    %slice3A_405 = vector.extract_strided_slice %and3A_194 {offsets = [3], sizes = [1], strides = [1]} : vector<16xi32> to vector<1xi32>
    %squeeze3A_406 = vector.extract %slice3A_405[0] : i32 from vector<1xi32>
    %broadcast_in_dim3A_407 = vector.broadcast %squeeze3A_406 : i32 to vector<16xi32>
    %dma_wait3A_408 = arith.constant 0 : i32
    %dma_wait3A_409 = arith.constant 0 : i32
    %dma_wait3A_410 = tpu.memref_slice %arg4[%dma_wait3A_408, %dma_wait3A_409] : memref<32x1000000xf32, #tpu.memory_space<hbm>> -> memref<32x128xf32, #tpu.memory_space<hbm>>
    %dma_wait3A_411 = arith.constant 0 : i32
    %dma_wait3A_412 = arith.constant 0 : i32
    %dma_wait3A_413 = tpu.memref_slice %arg4[%dma_wait3A_411, %dma_wait3A_412] : memref<32x1000000xf32, #tpu.memory_space<hbm>> -> memref<32x128xf32, #tpu.memory_space<hbm>>
    tpu.wait_dma2 semaphore(%arg29 : memref<!tpu.dma_semaphore, #tpu.memory_space<semaphore_mem>>) src(%dma_wait3A_413 : memref<32x128xf32, #tpu.memory_space<hbm>>) dst(%arg13 : memref<32x128xf32, #tpu.memory_space<vmem>>)
    %gather3A_414 = tpu.vector_load_idx %arg13[%iota3A, %broadcast_in_dim3A_407] : memref<32x128xf32, #tpu.memory_space<vmem>>[vector<16xi32>, vector<16xi32>], vector<16xf32>,
    %add3A_415 = arith.constant 16 : i32
    %add3A_416 = vector.broadcast %add3A_415 : i32 to vector<16xi32>
    %add3A_417 = arith.addi %iota3A, %add3A_416 : vector<16xi32>
    %gather3A_418 = tpu.vector_load_idx %arg13[%add3A_417, %broadcast_in_dim3A_407] : memref<32x128xf32, #tpu.memory_space<vmem>>[vector<16xi32>, vector<16xi32>], vector<16xf32>,
    %broadcast_in_dim3A_419 = arith.constant 499 : i32
    %broadcast_in_dim3A_420 = vector.broadcast %broadcast_in_dim3A_419 : i32 to vector<16xi32>
    %add3A_421 = arith.constant 0 : i32
    %add3A_422 = vector.broadcast %add3A_421 : i32 to vector<16xi32>
    %add3A_423 = arith.addi %add3A_422, %mul3A_5 : vector<16xi32>
    %add3A_424 = arith.addi %add3A_423, %broadcast_in_dim3A_420 : vector<16xi32>
    tpu.vector_store_idx %arg9[%add3A_424], %gather3A_414 : memref<32768xf32, #tpu.memory_space<vmem>>[vector<16xi32>], vector<16xf32>,
    %add3A_425 = arith.constant 0 : i32
    %add3A_426 = vector.broadcast %add3A_425 : i32 to vector<16xi32>
    %add3A_427 = arith.addi %add3A_426, %mul3A_11 : vector<16xi32>
    %add3A_428 = arith.addi %add3A_427, %broadcast_in_dim3A_420 : vector<16xi32>
    tpu.vector_store_idx %arg9[%add3A_428], %gather3A_418 : memref<32768xf32, #tpu.memory_space<vmem>>[vector<16xi32>], vector<16xf32>,
    %slice3A_429 = vector.extract_strided_slice %and3A_197 {offsets = [3], sizes = [1], strides = [1]} : vector<16xi32> to vector<1xi32>
    %squeeze3A_430 = vector.extract %slice3A_429[0] : i32 from vector<1xi32>
    %broadcast_in_dim3A_431 = vector.broadcast %squeeze3A_430 : i32 to vector<16xi32>
    %dma_wait3A_432 = arith.constant 0 : i32
    %dma_wait3A_433 = arith.constant 0 : i32
    %dma_wait3A_434 = tpu.memref_slice %arg4[%dma_wait3A_432, %dma_wait3A_433] : memref<32x1000000xf32, #tpu.memory_space<hbm>> -> memref<32x128xf32, #tpu.memory_space<hbm>>
    %dma_wait3A_435 = arith.constant 0 : i32
    %dma_wait3A_436 = arith.constant 0 : i32
    %dma_wait3A_437 = tpu.memref_slice %arg4[%dma_wait3A_435, %dma_wait3A_436] : memref<32x1000000xf32, #tpu.memory_space<hbm>> -> memref<32x128xf32, #tpu.memory_space<hbm>>
    tpu.wait_dma2 semaphore(%arg37 : memref<!tpu.dma_semaphore, #tpu.memory_space<semaphore_mem>>) src(%dma_wait3A_437 : memref<32x128xf32, #tpu.memory_space<hbm>>) dst(%arg21 : memref<32x128xf32, #tpu.memory_space<vmem>>)
    %gather3A_438 = tpu.vector_load_idx %arg21[%iota3A, %broadcast_in_dim3A_431] : memref<32x128xf32, #tpu.memory_space<vmem>>[vector<16xi32>, vector<16xi32>], vector<16xf32>,
    %add3A_439 = arith.constant 16 : i32
    %add3A_440 = vector.broadcast %add3A_439 : i32 to vector<16xi32>
    %add3A_441 = arith.addi %iota3A, %add3A_440 : vector<16xi32>
    %gather3A_442 = tpu.vector_load_idx %arg21[%add3A_441, %broadcast_in_dim3A_431] : memref<32x128xf32, #tpu.memory_space<vmem>>[vector<16xi32>, vector<16xi32>], vector<16xf32>,
    %broadcast_in_dim3A_443 = arith.constant 499 : i32
    %broadcast_in_dim3A_444 = vector.broadcast %broadcast_in_dim3A_443 : i32 to vector<16xi32>
    %add3A_445 = arith.constant 16384 : i32
    %add3A_446 = vector.broadcast %add3A_445 : i32 to vector<16xi32>
    %add3A_447 = arith.addi %add3A_446, %mul3A_5 : vector<16xi32>
    %add3A_448 = arith.addi %add3A_447, %broadcast_in_dim3A_444 : vector<16xi32>
    tpu.vector_store_idx %arg9[%add3A_448], %gather3A_438 : memref<32768xf32, #tpu.memory_space<vmem>>[vector<16xi32>], vector<16xf32>,
    %add3A_449 = arith.constant 16384 : i32
    %add3A_450 = vector.broadcast %add3A_449 : i32 to vector<16xi32>
    %add3A_451 = arith.addi %add3A_450, %mul3A_11 : vector<16xi32>
    %add3A_452 = arith.addi %add3A_451, %broadcast_in_dim3A_444 : vector<16xi32>
    tpu.vector_store_idx %arg9[%add3A_452], %gather3A_442 : memref<32768xf32, #tpu.memory_space<vmem>>[vector<16xi32>], vector<16xf32>,
    %slice3A_453 = vector.extract_strided_slice %get3A_190 {offsets = [11], sizes = [1], strides = [1]} : vector<16xi32> to vector<1xi32>
    %squeeze3A_454 = vector.extract %slice3A_453[0] : i32 from vector<1xi32>
    %shift_right_arithmetic3A_455 = arith.constant 7 : i32
    %shift_right_arithmetic3A_456 = arith.shrsi %squeeze3A_454, %shift_right_arithmetic3A_455 : i32
    %shift_left3A_457 = arith.constant 7 : i32
    %shift_left3A_458 = arith.shli %shift_right_arithmetic3A_456, %shift_left3A_457 : i32
    %multiple_of3A_459 = tpu.assume_multiple %shift_left3A_458, 128 : i32
    %dma_start3A_460 = arith.constant 0 : i32
    %dma_start3A_461 = tpu.memref_slice %arg4[%dma_start3A_460, %multiple_of3A_459] : memref<32x1000000xf32, #tpu.memory_space<hbm>> -> memref<32x128xf32, #tpu.memory_space<hbm>>
    %dma_start3A_462 = arith.constant 0 : i32
    %dma_start3A_463 = tpu.memref_slice %arg4[%dma_start3A_462, %multiple_of3A_459] : memref<32x1000000xf32, #tpu.memory_space<hbm>> -> memref<32x128xf32, #tpu.memory_space<hbm>>
    tpu.enqueue_dma source(%dma_start3A_463 : memref<32x128xf32, #tpu.memory_space<hbm>>) target(%arg13 : memref<32x128xf32, #tpu.memory_space<vmem>>) target_semaphore(%arg29 : memref<!tpu.dma_semaphore, #tpu.memory_space<semaphore_mem>>)
    %slice3A_464 = vector.extract_strided_slice %get3A_192 {offsets = [11], sizes = [1], strides = [1]} : vector<16xi32> to vector<1xi32>
    %squeeze3A_465 = vector.extract %slice3A_464[0] : i32 from vector<1xi32>
    %shift_right_arithmetic3A_466 = arith.constant 7 : i32
    %shift_right_arithmetic3A_467 = arith.shrsi %squeeze3A_465, %shift_right_arithmetic3A_466 : i32
    %shift_left3A_468 = arith.constant 7 : i32
    %shift_left3A_469 = arith.shli %shift_right_arithmetic3A_467, %shift_left3A_468 : i32
    %multiple_of3A_470 = tpu.assume_multiple %shift_left3A_469, 128 : i32
    %dma_start3A_471 = arith.constant 0 : i32
    %dma_start3A_472 = tpu.memref_slice %arg5[%dma_start3A_471, %multiple_of3A_470] : memref<32x1000000xf32, #tpu.memory_space<hbm>> -> memref<32x128xf32, #tpu.memory_space<hbm>>
    %dma_start3A_473 = arith.constant 0 : i32
    %dma_start3A_474 = tpu.memref_slice %arg5[%dma_start3A_473, %multiple_of3A_470] : memref<32x1000000xf32, #tpu.memory_space<hbm>> -> memref<32x128xf32, #tpu.memory_space<hbm>>
    tpu.enqueue_dma source(%dma_start3A_474 : memref<32x128xf32, #tpu.memory_space<hbm>>) target(%arg21 : memref<32x128xf32, #tpu.memory_space<vmem>>) target_semaphore(%arg37 : memref<!tpu.dma_semaphore, #tpu.memory_space<semaphore_mem>>)
    %slice3A_475 = vector.extract_strided_slice %and3A_194 {offsets = [4], sizes = [1], strides = [1]} : vector<16xi32> to vector<1xi32>
    %squeeze3A_476 = vector.extract %slice3A_475[0] : i32 from vector<1xi32>
    %broadcast_in_dim3A_477 = vector.broadcast %squeeze3A_476 : i32 to vector<16xi32>
    %dma_wait3A_478 = arith.constant 0 : i32
    %dma_wait3A_479 = arith.constant 0 : i32
    %dma_wait3A_480 = tpu.memref_slice %arg4[%dma_wait3A_478, %dma_wait3A_479] : memref<32x1000000xf32, #tpu.memory_space<hbm>> -> memref<32x128xf32, #tpu.memory_space<hbm>>
    %dma_wait3A_481 = arith.constant 0 : i32
    %dma_wait3A_482 = arith.constant 0 : i32
    %dma_wait3A_483 = tpu.memref_slice %arg4[%dma_wait3A_481, %dma_wait3A_482] : memref<32x1000000xf32, #tpu.memory_space<hbm>> -> memref<32x128xf32, #tpu.memory_space<hbm>>
    tpu.wait_dma2 semaphore(%arg30 : memref<!tpu.dma_semaphore, #tpu.memory_space<semaphore_mem>>) src(%dma_wait3A_483 : memref<32x128xf32, #tpu.memory_space<hbm>>) dst(%arg14 : memref<32x128xf32, #tpu.memory_space<vmem>>)
    %gather3A_484 = tpu.vector_load_idx %arg14[%iota3A, %broadcast_in_dim3A_477] : memref<32x128xf32, #tpu.memory_space<vmem>>[vector<16xi32>, vector<16xi32>], vector<16xf32>,
    %add3A_485 = arith.constant 16 : i32
    %add3A_486 = vector.broadcast %add3A_485 : i32 to vector<16xi32>
    %add3A_487 = arith.addi %iota3A, %add3A_486 : vector<16xi32>
    %gather3A_488 = tpu.vector_load_idx %arg14[%add3A_487, %broadcast_in_dim3A_477] : memref<32x128xf32, #tpu.memory_space<vmem>>[vector<16xi32>, vector<16xi32>], vector<16xf32>,
    %broadcast_in_dim3A_489 = arith.constant 500 : i32
    %broadcast_in_dim3A_490 = vector.broadcast %broadcast_in_dim3A_489 : i32 to vector<16xi32>
    %add3A_491 = arith.constant 0 : i32
    %add3A_492 = vector.broadcast %add3A_491 : i32 to vector<16xi32>
    %add3A_493 = arith.addi %add3A_492, %mul3A_5 : vector<16xi32>
    %add3A_494 = arith.addi %add3A_493, %broadcast_in_dim3A_490 : vector<16xi32>
    tpu.vector_store_idx %arg9[%add3A_494], %gather3A_484 : memref<32768xf32, #tpu.memory_space<vmem>>[vector<16xi32>], vector<16xf32>,
    %add3A_495 = arith.constant 0 : i32
    %add3A_496 = vector.broadcast %add3A_495 : i32 to vector<16xi32>
    %add3A_497 = arith.addi %add3A_496, %mul3A_11 : vector<16xi32>
    %add3A_498 = arith.addi %add3A_497, %broadcast_in_dim3A_490 : vector<16xi32>
    tpu.vector_store_idx %arg9[%add3A_498], %gather3A_488 : memref<32768xf32, #tpu.memory_space<vmem>>[vector<16xi32>], vector<16xf32>,
    %slice3A_499 = vector.extract_strided_slice %and3A_197 {offsets = [4], sizes = [1], strides = [1]} : vector<16xi32> to vector<1xi32>
    %squeeze3A_500 = vector.extract %slice3A_499[0] : i32 from vector<1xi32>
    %broadcast_in_dim3A_501 = vector.broadcast %squeeze3A_500 : i32 to vector<16xi32>
    %dma_wait3A_502 = arith.constant 0 : i32
    %dma_wait3A_503 = arith.constant 0 : i32
    %dma_wait3A_504 = tpu.memref_slice %arg4[%dma_wait3A_502, %dma_wait3A_503] : memref<32x1000000xf32, #tpu.memory_space<hbm>> -> memref<32x128xf32, #tpu.memory_space<hbm>>
    %dma_wait3A_505 = arith.constant 0 : i32
    %dma_wait3A_506 = arith.constant 0 : i32
    %dma_wait3A_507 = tpu.memref_slice %arg4[%dma_wait3A_505, %dma_wait3A_506] : memref<32x1000000xf32, #tpu.memory_space<hbm>> -> memref<32x128xf32, #tpu.memory_space<hbm>>
    tpu.wait_dma2 semaphore(%arg38 : memref<!tpu.dma_semaphore, #tpu.memory_space<semaphore_mem>>) src(%dma_wait3A_507 : memref<32x128xf32, #tpu.memory_space<hbm>>) dst(%arg22 : memref<32x128xf32, #tpu.memory_space<vmem>>)
    %gather3A_508 = tpu.vector_load_idx %arg22[%iota3A, %broadcast_in_dim3A_501] : memref<32x128xf32, #tpu.memory_space<vmem>>[vector<16xi32>, vector<16xi32>], vector<16xf32>,
    %add3A_509 = arith.constant 16 : i32
    %add3A_510 = vector.broadcast %add3A_509 : i32 to vector<16xi32>
    %add3A_511 = arith.addi %iota3A, %add3A_510 : vector<16xi32>
    %gather3A_512 = tpu.vector_load_idx %arg22[%add3A_511, %broadcast_in_dim3A_501] : memref<32x128xf32, #tpu.memory_space<vmem>>[vector<16xi32>, vector<16xi32>], vector<16xf32>,
    %broadcast_in_dim3A_513 = arith.constant 500 : i32
    %broadcast_in_dim3A_514 = vector.broadcast %broadcast_in_dim3A_513 : i32 to vector<16xi32>
    %add3A_515 = arith.constant 16384 : i32
    %add3A_516 = vector.broadcast %add3A_515 : i32 to vector<16xi32>
    %add3A_517 = arith.addi %add3A_516, %mul3A_5 : vector<16xi32>
    %add3A_518 = arith.addi %add3A_517, %broadcast_in_dim3A_514 : vector<16xi32>
    tpu.vector_store_idx %arg9[%add3A_518], %gather3A_508 : memref<32768xf32, #tpu.memory_space<vmem>>[vector<16xi32>], vector<16xf32>,
    %add3A_519 = arith.constant 16384 : i32
    %add3A_520 = vector.broadcast %add3A_519 : i32 to vector<16xi32>
    %add3A_521 = arith.addi %add3A_520, %mul3A_11 : vector<16xi32>
    %add3A_522 = arith.addi %add3A_521, %broadcast_in_dim3A_514 : vector<16xi32>
    tpu.vector_store_idx %arg9[%add3A_522], %gather3A_512 : memref<32768xf32, #tpu.memory_space<vmem>>[vector<16xi32>], vector<16xf32>,
    %slice3A_523 = vector.extract_strided_slice %get3A_190 {offsets = [12], sizes = [1], strides = [1]} : vector<16xi32> to vector<1xi32>
    %squeeze3A_524 = vector.extract %slice3A_523[0] : i32 from vector<1xi32>
    %shift_right_arithmetic3A_525 = arith.constant 7 : i32
    %shift_right_arithmetic3A_526 = arith.shrsi %squeeze3A_524, %shift_right_arithmetic3A_525 : i32
    %shift_left3A_527 = arith.constant 7 : i32
    %shift_left3A_528 = arith.shli %shift_right_arithmetic3A_526, %shift_left3A_527 : i32
    %multiple_of3A_529 = tpu.assume_multiple %shift_left3A_528, 128 : i32
    %dma_start3A_530 = arith.constant 0 : i32
    %dma_start3A_531 = tpu.memref_slice %arg4[%dma_start3A_530, %multiple_of3A_529] : memref<32x1000000xf32, #tpu.memory_space<hbm>> -> memref<32x128xf32, #tpu.memory_space<hbm>>
    %dma_start3A_532 = arith.constant 0 : i32
    %dma_start3A_533 = tpu.memref_slice %arg4[%dma_start3A_532, %multiple_of3A_529] : memref<32x1000000xf32, #tpu.memory_space<hbm>> -> memref<32x128xf32, #tpu.memory_space<hbm>>
    tpu.enqueue_dma source(%dma_start3A_533 : memref<32x128xf32, #tpu.memory_space<hbm>>) target(%arg14 : memref<32x128xf32, #tpu.memory_space<vmem>>) target_semaphore(%arg30 : memref<!tpu.dma_semaphore, #tpu.memory_space<semaphore_mem>>)
    %slice3A_534 = vector.extract_strided_slice %get3A_192 {offsets = [12], sizes = [1], strides = [1]} : vector<16xi32> to vector<1xi32>
    %squeeze3A_535 = vector.extract %slice3A_534[0] : i32 from vector<1xi32>
    %shift_right_arithmetic3A_536 = arith.constant 7 : i32
    %shift_right_arithmetic3A_537 = arith.shrsi %squeeze3A_535, %shift_right_arithmetic3A_536 : i32
    %shift_left3A_538 = arith.constant 7 : i32
    %shift_left3A_539 = arith.shli %shift_right_arithmetic3A_537, %shift_left3A_538 : i32
    %multiple_of3A_540 = tpu.assume_multiple %shift_left3A_539, 128 : i32
    %dma_start3A_541 = arith.constant 0 : i32
    %dma_start3A_542 = tpu.memref_slice %arg5[%dma_start3A_541, %multiple_of3A_540] : memref<32x1000000xf32, #tpu.memory_space<hbm>> -> memref<32x128xf32, #tpu.memory_space<hbm>>
    %dma_start3A_543 = arith.constant 0 : i32
    %dma_start3A_544 = tpu.memref_slice %arg5[%dma_start3A_543, %multiple_of3A_540] : memref<32x1000000xf32, #tpu.memory_space<hbm>> -> memref<32x128xf32, #tpu.memory_space<hbm>>
    tpu.enqueue_dma source(%dma_start3A_544 : memref<32x128xf32, #tpu.memory_space<hbm>>) target(%arg22 : memref<32x128xf32, #tpu.memory_space<vmem>>) target_semaphore(%arg38 : memref<!tpu.dma_semaphore, #tpu.memory_space<semaphore_mem>>)
    %slice3A_545 = vector.extract_strided_slice %and3A_194 {offsets = [5], sizes = [1], strides = [1]} : vector<16xi32> to vector<1xi32>
    %squeeze3A_546 = vector.extract %slice3A_545[0] : i32 from vector<1xi32>
    %broadcast_in_dim3A_547 = vector.broadcast %squeeze3A_546 : i32 to vector<16xi32>
    %dma_wait3A_548 = arith.constant 0 : i32
    %dma_wait3A_549 = arith.constant 0 : i32
    %dma_wait3A_550 = tpu.memref_slice %arg4[%dma_wait3A_548, %dma_wait3A_549] : memref<32x1000000xf32, #tpu.memory_space<hbm>> -> memref<32x128xf32, #tpu.memory_space<hbm>>
    %dma_wait3A_551 = arith.constant 0 : i32
    %dma_wait3A_552 = arith.constant 0 : i32
    %dma_wait3A_553 = tpu.memref_slice %arg4[%dma_wait3A_551, %dma_wait3A_552] : memref<32x1000000xf32, #tpu.memory_space<hbm>> -> memref<32x128xf32, #tpu.memory_space<hbm>>
    tpu.wait_dma2 semaphore(%arg31 : memref<!tpu.dma_semaphore, #tpu.memory_space<semaphore_mem>>) src(%dma_wait3A_553 : memref<32x128xf32, #tpu.memory_space<hbm>>) dst(%arg15 : memref<32x128xf32, #tpu.memory_space<vmem>>)
    %gather3A_554 = tpu.vector_load_idx %arg15[%iota3A, %broadcast_in_dim3A_547] : memref<32x128xf32, #tpu.memory_space<vmem>>[vector<16xi32>, vector<16xi32>], vector<16xf32>,
    %add3A_555 = arith.constant 16 : i32
    %add3A_556 = vector.broadcast %add3A_555 : i32 to vector<16xi32>
    %add3A_557 = arith.addi %iota3A, %add3A_556 : vector<16xi32>
    %gather3A_558 = tpu.vector_load_idx %arg15[%add3A_557, %broadcast_in_dim3A_547] : memref<32x128xf32, #tpu.memory_space<vmem>>[vector<16xi32>, vector<16xi32>], vector<16xf32>,
    %broadcast_in_dim3A_559 = arith.constant 501 : i32
    %broadcast_in_dim3A_560 = vector.broadcast %broadcast_in_dim3A_559 : i32 to vector<16xi32>
    %add3A_561 = arith.constant 0 : i32
    %add3A_562 = vector.broadcast %add3A_561 : i32 to vector<16xi32>
    %add3A_563 = arith.addi %add3A_562, %mul3A_5 : vector<16xi32>
    %add3A_564 = arith.addi %add3A_563, %broadcast_in_dim3A_560 : vector<16xi32>
    tpu.vector_store_idx %arg9[%add3A_564], %gather3A_554 : memref<32768xf32, #tpu.memory_space<vmem>>[vector<16xi32>], vector<16xf32>,
    %add3A_565 = arith.constant 0 : i32
    %add3A_566 = vector.broadcast %add3A_565 : i32 to vector<16xi32>
    %add3A_567 = arith.addi %add3A_566, %mul3A_11 : vector<16xi32>
    %add3A_568 = arith.addi %add3A_567, %broadcast_in_dim3A_560 : vector<16xi32>
    tpu.vector_store_idx %arg9[%add3A_568], %gather3A_558 : memref<32768xf32, #tpu.memory_space<vmem>>[vector<16xi32>], vector<16xf32>,
    %slice3A_569 = vector.extract_strided_slice %and3A_197 {offsets = [5], sizes = [1], strides = [1]} : vector<16xi32> to vector<1xi32>
    %squeeze3A_570 = vector.extract %slice3A_569[0] : i32 from vector<1xi32>
    %broadcast_in_dim3A_571 = vector.broadcast %squeeze3A_570 : i32 to vector<16xi32>
    %dma_wait3A_572 = arith.constant 0 : i32
    %dma_wait3A_573 = arith.constant 0 : i32
    %dma_wait3A_574 = tpu.memref_slice %arg4[%dma_wait3A_572, %dma_wait3A_573] : memref<32x1000000xf32, #tpu.memory_space<hbm>> -> memref<32x128xf32, #tpu.memory_space<hbm>>
    %dma_wait3A_575 = arith.constant 0 : i32
    %dma_wait3A_576 = arith.constant 0 : i32
    %dma_wait3A_577 = tpu.memref_slice %arg4[%dma_wait3A_575, %dma_wait3A_576] : memref<32x1000000xf32, #tpu.memory_space<hbm>> -> memref<32x128xf32, #tpu.memory_space<hbm>>
    tpu.wait_dma2 semaphore(%arg39 : memref<!tpu.dma_semaphore, #tpu.memory_space<semaphore_mem>>) src(%dma_wait3A_577 : memref<32x128xf32, #tpu.memory_space<hbm>>) dst(%arg23 : memref<32x128xf32, #tpu.memory_space<vmem>>)
    %gather3A_578 = tpu.vector_load_idx %arg23[%iota3A, %broadcast_in_dim3A_571] : memref<32x128xf32, #tpu.memory_space<vmem>>[vector<16xi32>, vector<16xi32>], vector<16xf32>,
    %add3A_579 = arith.constant 16 : i32
    %add3A_580 = vector.broadcast %add3A_579 : i32 to vector<16xi32>
    %add3A_581 = arith.addi %iota3A, %add3A_580 : vector<16xi32>
    %gather3A_582 = tpu.vector_load_idx %arg23[%add3A_581, %broadcast_in_dim3A_571] : memref<32x128xf32, #tpu.memory_space<vmem>>[vector<16xi32>, vector<16xi32>], vector<16xf32>,
    %broadcast_in_dim3A_583 = arith.constant 501 : i32
    %broadcast_in_dim3A_584 = vector.broadcast %broadcast_in_dim3A_583 : i32 to vector<16xi32>
    %add3A_585 = arith.constant 16384 : i32
    %add3A_586 = vector.broadcast %add3A_585 : i32 to vector<16xi32>
    %add3A_587 = arith.addi %add3A_586, %mul3A_5 : vector<16xi32>
    %add3A_588 = arith.addi %add3A_587, %broadcast_in_dim3A_584 : vector<16xi32>
    tpu.vector_store_idx %arg9[%add3A_588], %gather3A_578 : memref<32768xf32, #tpu.memory_space<vmem>>[vector<16xi32>], vector<16xf32>,
    %add3A_589 = arith.constant 16384 : i32
    %add3A_590 = vector.broadcast %add3A_589 : i32 to vector<16xi32>
    %add3A_591 = arith.addi %add3A_590, %mul3A_11 : vector<16xi32>
    %add3A_592 = arith.addi %add3A_591, %broadcast_in_dim3A_584 : vector<16xi32>
    tpu.vector_store_idx %arg9[%add3A_592], %gather3A_582 : memref<32768xf32, #tpu.memory_space<vmem>>[vector<16xi32>], vector<16xf32>,
    %slice3A_593 = vector.extract_strided_slice %get3A_190 {offsets = [13], sizes = [1], strides = [1]} : vector<16xi32> to vector<1xi32>
    %squeeze3A_594 = vector.extract %slice3A_593[0] : i32 from vector<1xi32>
    %shift_right_arithmetic3A_595 = arith.constant 7 : i32
    %shift_right_arithmetic3A_596 = arith.shrsi %squeeze3A_594, %shift_right_arithmetic3A_595 : i32
    %shift_left3A_597 = arith.constant 7 : i32
    %shift_left3A_598 = arith.shli %shift_right_arithmetic3A_596, %shift_left3A_597 : i32
    %multiple_of3A_599 = tpu.assume_multiple %shift_left3A_598, 128 : i32
    %dma_start3A_600 = arith.constant 0 : i32
    %dma_start3A_601 = tpu.memref_slice %arg4[%dma_start3A_600, %multiple_of3A_599] : memref<32x1000000xf32, #tpu.memory_space<hbm>> -> memref<32x128xf32, #tpu.memory_space<hbm>>
    %dma_start3A_602 = arith.constant 0 : i32
    %dma_start3A_603 = tpu.memref_slice %arg4[%dma_start3A_602, %multiple_of3A_599] : memref<32x1000000xf32, #tpu.memory_space<hbm>> -> memref<32x128xf32, #tpu.memory_space<hbm>>
    tpu.enqueue_dma source(%dma_start3A_603 : memref<32x128xf32, #tpu.memory_space<hbm>>) target(%arg15 : memref<32x128xf32, #tpu.memory_space<vmem>>) target_semaphore(%arg31 : memref<!tpu.dma_semaphore, #tpu.memory_space<semaphore_mem>>)
    %slice3A_604 = vector.extract_strided_slice %get3A_192 {offsets = [13], sizes = [1], strides = [1]} : vector<16xi32> to vector<1xi32>
    %squeeze3A_605 = vector.extract %slice3A_604[0] : i32 from vector<1xi32>
    %shift_right_arithmetic3A_606 = arith.constant 7 : i32
    %shift_right_arithmetic3A_607 = arith.shrsi %squeeze3A_605, %shift_right_arithmetic3A_606 : i32
    %shift_left3A_608 = arith.constant 7 : i32
    %shift_left3A_609 = arith.shli %shift_right_arithmetic3A_607, %shift_left3A_608 : i32
    %multiple_of3A_610 = tpu.assume_multiple %shift_left3A_609, 128 : i32
    %dma_start3A_611 = arith.constant 0 : i32
    %dma_start3A_612 = tpu.memref_slice %arg5[%dma_start3A_611, %multiple_of3A_610] : memref<32x1000000xf32, #tpu.memory_space<hbm>> -> memref<32x128xf32, #tpu.memory_space<hbm>>
    %dma_start3A_613 = arith.constant 0 : i32
    %dma_start3A_614 = tpu.memref_slice %arg5[%dma_start3A_613, %multiple_of3A_610] : memref<32x1000000xf32, #tpu.memory_space<hbm>> -> memref<32x128xf32, #tpu.memory_space<hbm>>
    tpu.enqueue_dma source(%dma_start3A_614 : memref<32x128xf32, #tpu.memory_space<hbm>>) target(%arg23 : memref<32x128xf32, #tpu.memory_space<vmem>>) target_semaphore(%arg39 : memref<!tpu.dma_semaphore, #tpu.memory_space<semaphore_mem>>)
    %slice3A_615 = vector.extract_strided_slice %and3A_194 {offsets = [6], sizes = [1], strides = [1]} : vector<16xi32> to vector<1xi32>
    %squeeze3A_616 = vector.extract %slice3A_615[0] : i32 from vector<1xi32>
    %broadcast_in_dim3A_617 = vector.broadcast %squeeze3A_616 : i32 to vector<16xi32>
    %dma_wait3A_618 = arith.constant 0 : i32
    %dma_wait3A_619 = arith.constant 0 : i32
    %dma_wait3A_620 = tpu.memref_slice %arg4[%dma_wait3A_618, %dma_wait3A_619] : memref<32x1000000xf32, #tpu.memory_space<hbm>> -> memref<32x128xf32, #tpu.memory_space<hbm>>
    %dma_wait3A_621 = arith.constant 0 : i32
    %dma_wait3A_622 = arith.constant 0 : i32
    %dma_wait3A_623 = tpu.memref_slice %arg4[%dma_wait3A_621, %dma_wait3A_622] : memref<32x1000000xf32, #tpu.memory_space<hbm>> -> memref<32x128xf32, #tpu.memory_space<hbm>>
    tpu.wait_dma2 semaphore(%arg32 : memref<!tpu.dma_semaphore, #tpu.memory_space<semaphore_mem>>) src(%dma_wait3A_623 : memref<32x128xf32, #tpu.memory_space<hbm>>) dst(%arg16 : memref<32x128xf32, #tpu.memory_space<vmem>>)
    %gather3A_624 = tpu.vector_load_idx %arg16[%iota3A, %broadcast_in_dim3A_617] : memref<32x128xf32, #tpu.memory_space<vmem>>[vector<16xi32>, vector<16xi32>], vector<16xf32>,
    %add3A_625 = arith.constant 16 : i32
    %add3A_626 = vector.broadcast %add3A_625 : i32 to vector<16xi32>
    %add3A_627 = arith.addi %iota3A, %add3A_626 : vector<16xi32>
    %gather3A_628 = tpu.vector_load_idx %arg16[%add3A_627, %broadcast_in_dim3A_617] : memref<32x128xf32, #tpu.memory_space<vmem>>[vector<16xi32>, vector<16xi32>], vector<16xf32>,
    %broadcast_in_dim3A_629 = arith.constant 502 : i32
    %broadcast_in_dim3A_630 = vector.broadcast %broadcast_in_dim3A_629 : i32 to vector<16xi32>
    %add3A_631 = arith.constant 0 : i32
    %add3A_632 = vector.broadcast %add3A_631 : i32 to vector<16xi32>
    %add3A_633 = arith.addi %add3A_632, %mul3A_5 : vector<16xi32>
    %add3A_634 = arith.addi %add3A_633, %broadcast_in_dim3A_630 : vector<16xi32>
    tpu.vector_store_idx %arg9[%add3A_634], %gather3A_624 : memref<32768xf32, #tpu.memory_space<vmem>>[vector<16xi32>], vector<16xf32>,
    %add3A_635 = arith.constant 0 : i32
    %add3A_636 = vector.broadcast %add3A_635 : i32 to vector<16xi32>
    %add3A_637 = arith.addi %add3A_636, %mul3A_11 : vector<16xi32>
    %add3A_638 = arith.addi %add3A_637, %broadcast_in_dim3A_630 : vector<16xi32>
    tpu.vector_store_idx %arg9[%add3A_638], %gather3A_628 : memref<32768xf32, #tpu.memory_space<vmem>>[vector<16xi32>], vector<16xf32>,
    %slice3A_639 = vector.extract_strided_slice %and3A_197 {offsets = [6], sizes = [1], strides = [1]} : vector<16xi32> to vector<1xi32>
    %squeeze3A_640 = vector.extract %slice3A_639[0] : i32 from vector<1xi32>
    %broadcast_in_dim3A_641 = vector.broadcast %squeeze3A_640 : i32 to vector<16xi32>
    %dma_wait3A_642 = arith.constant 0 : i32
    %dma_wait3A_643 = arith.constant 0 : i32
    %dma_wait3A_644 = tpu.memref_slice %arg4[%dma_wait3A_642, %dma_wait3A_643] : memref<32x1000000xf32, #tpu.memory_space<hbm>> -> memref<32x128xf32, #tpu.memory_space<hbm>>
    %dma_wait3A_645 = arith.constant 0 : i32
    %dma_wait3A_646 = arith.constant 0 : i32
    %dma_wait3A_647 = tpu.memref_slice %arg4[%dma_wait3A_645, %dma_wait3A_646] : memref<32x1000000xf32, #tpu.memory_space<hbm>> -> memref<32x128xf32, #tpu.memory_space<hbm>>
    tpu.wait_dma2 semaphore(%arg40 : memref<!tpu.dma_semaphore, #tpu.memory_space<semaphore_mem>>) src(%dma_wait3A_647 : memref<32x128xf32, #tpu.memory_space<hbm>>) dst(%arg24 : memref<32x128xf32, #tpu.memory_space<vmem>>)
    %gather3A_648 = tpu.vector_load_idx %arg24[%iota3A, %broadcast_in_dim3A_641] : memref<32x128xf32, #tpu.memory_space<vmem>>[vector<16xi32>, vector<16xi32>], vector<16xf32>,
    %add3A_649 = arith.constant 16 : i32
    %add3A_650 = vector.broadcast %add3A_649 : i32 to vector<16xi32>
    %add3A_651 = arith.addi %iota3A, %add3A_650 : vector<16xi32>
    %gather3A_652 = tpu.vector_load_idx %arg24[%add3A_651, %broadcast_in_dim3A_641] : memref<32x128xf32, #tpu.memory_space<vmem>>[vector<16xi32>, vector<16xi32>], vector<16xf32>,
    %broadcast_in_dim3A_653 = arith.constant 502 : i32
    %broadcast_in_dim3A_654 = vector.broadcast %broadcast_in_dim3A_653 : i32 to vector<16xi32>
    %add3A_655 = arith.constant 16384 : i32
    %add3A_656 = vector.broadcast %add3A_655 : i32 to vector<16xi32>
    %add3A_657 = arith.addi %add3A_656, %mul3A_5 : vector<16xi32>
    %add3A_658 = arith.addi %add3A_657, %broadcast_in_dim3A_654 : vector<16xi32>
    tpu.vector_store_idx %arg9[%add3A_658], %gather3A_648 : memref<32768xf32, #tpu.memory_space<vmem>>[vector<16xi32>], vector<16xf32>,
    %add3A_659 = arith.constant 16384 : i32
    %add3A_660 = vector.broadcast %add3A_659 : i32 to vector<16xi32>
    %add3A_661 = arith.addi %add3A_660, %mul3A_11 : vector<16xi32>
    %add3A_662 = arith.addi %add3A_661, %broadcast_in_dim3A_654 : vector<16xi32>
    tpu.vector_store_idx %arg9[%add3A_662], %gather3A_652 : memref<32768xf32, #tpu.memory_space<vmem>>[vector<16xi32>], vector<16xf32>,
    %slice3A_663 = vector.extract_strided_slice %get3A_190 {offsets = [14], sizes = [1], strides = [1]} : vector<16xi32> to vector<1xi32>
    %squeeze3A_664 = vector.extract %slice3A_663[0] : i32 from vector<1xi32>
    %shift_right_arithmetic3A_665 = arith.constant 7 : i32
    %shift_right_arithmetic3A_666 = arith.shrsi %squeeze3A_664, %shift_right_arithmetic3A_665 : i32
    %shift_left3A_667 = arith.constant 7 : i32
    %shift_left3A_668 = arith.shli %shift_right_arithmetic3A_666, %shift_left3A_667 : i32
    %multiple_of3A_669 = tpu.assume_multiple %shift_left3A_668, 128 : i32
    %dma_start3A_670 = arith.constant 0 : i32
    %dma_start3A_671 = tpu.memref_slice %arg4[%dma_start3A_670, %multiple_of3A_669] : memref<32x1000000xf32, #tpu.memory_space<hbm>> -> memref<32x128xf32, #tpu.memory_space<hbm>>
    %dma_start3A_672 = arith.constant 0 : i32
    %dma_start3A_673 = tpu.memref_slice %arg4[%dma_start3A_672, %multiple_of3A_669] : memref<32x1000000xf32, #tpu.memory_space<hbm>> -> memref<32x128xf32, #tpu.memory_space<hbm>>
    tpu.enqueue_dma source(%dma_start3A_673 : memref<32x128xf32, #tpu.memory_space<hbm>>) target(%arg16 : memref<32x128xf32, #tpu.memory_space<vmem>>) target_semaphore(%arg32 : memref<!tpu.dma_semaphore, #tpu.memory_space<semaphore_mem>>)
    %slice3A_674 = vector.extract_strided_slice %get3A_192 {offsets = [14], sizes = [1], strides = [1]} : vector<16xi32> to vector<1xi32>
    %squeeze3A_675 = vector.extract %slice3A_674[0] : i32 from vector<1xi32>
    %shift_right_arithmetic3A_676 = arith.constant 7 : i32
    %shift_right_arithmetic3A_677 = arith.shrsi %squeeze3A_675, %shift_right_arithmetic3A_676 : i32
    %shift_left3A_678 = arith.constant 7 : i32
    %shift_left3A_679 = arith.shli %shift_right_arithmetic3A_677, %shift_left3A_678 : i32
    %multiple_of3A_680 = tpu.assume_multiple %shift_left3A_679, 128 : i32
    %dma_start3A_681 = arith.constant 0 : i32
    %dma_start3A_682 = tpu.memref_slice %arg5[%dma_start3A_681, %multiple_of3A_680] : memref<32x1000000xf32, #tpu.memory_space<hbm>> -> memref<32x128xf32, #tpu.memory_space<hbm>>
    %dma_start3A_683 = arith.constant 0 : i32
    %dma_start3A_684 = tpu.memref_slice %arg5[%dma_start3A_683, %multiple_of3A_680] : memref<32x1000000xf32, #tpu.memory_space<hbm>> -> memref<32x128xf32, #tpu.memory_space<hbm>>
    tpu.enqueue_dma source(%dma_start3A_684 : memref<32x128xf32, #tpu.memory_space<hbm>>) target(%arg24 : memref<32x128xf32, #tpu.memory_space<vmem>>) target_semaphore(%arg40 : memref<!tpu.dma_semaphore, #tpu.memory_space<semaphore_mem>>)
    %slice3A_685 = vector.extract_strided_slice %and3A_194 {offsets = [7], sizes = [1], strides = [1]} : vector<16xi32> to vector<1xi32>
    %squeeze3A_686 = vector.extract %slice3A_685[0] : i32 from vector<1xi32>
    %broadcast_in_dim3A_687 = vector.broadcast %squeeze3A_686 : i32 to vector<16xi32>
    %dma_wait3A_688 = arith.constant 0 : i32
    %dma_wait3A_689 = arith.constant 0 : i32
    %dma_wait3A_690 = tpu.memref_slice %arg4[%dma_wait3A_688, %dma_wait3A_689] : memref<32x1000000xf32, #tpu.memory_space<hbm>> -> memref<32x128xf32, #tpu.memory_space<hbm>>
    %dma_wait3A_691 = arith.constant 0 : i32
    %dma_wait3A_692 = arith.constant 0 : i32
    %dma_wait3A_693 = tpu.memref_slice %arg4[%dma_wait3A_691, %dma_wait3A_692] : memref<32x1000000xf32, #tpu.memory_space<hbm>> -> memref<32x128xf32, #tpu.memory_space<hbm>>
    tpu.wait_dma2 semaphore(%arg33 : memref<!tpu.dma_semaphore, #tpu.memory_space<semaphore_mem>>) src(%dma_wait3A_693 : memref<32x128xf32, #tpu.memory_space<hbm>>) dst(%arg17 : memref<32x128xf32, #tpu.memory_space<vmem>>)
    %gather3A_694 = tpu.vector_load_idx %arg17[%iota3A, %broadcast_in_dim3A_687] : memref<32x128xf32, #tpu.memory_space<vmem>>[vector<16xi32>, vector<16xi32>], vector<16xf32>,
    %add3A_695 = arith.constant 16 : i32
    %add3A_696 = vector.broadcast %add3A_695 : i32 to vector<16xi32>
    %add3A_697 = arith.addi %iota3A, %add3A_696 : vector<16xi32>
    %gather3A_698 = tpu.vector_load_idx %arg17[%add3A_697, %broadcast_in_dim3A_687] : memref<32x128xf32, #tpu.memory_space<vmem>>[vector<16xi32>, vector<16xi32>], vector<16xf32>,
    %broadcast_in_dim3A_699 = arith.constant 503 : i32
    %broadcast_in_dim3A_700 = vector.broadcast %broadcast_in_dim3A_699 : i32 to vector<16xi32>
    %add3A_701 = arith.constant 0 : i32
    %add3A_702 = vector.broadcast %add3A_701 : i32 to vector<16xi32>
    %add3A_703 = arith.addi %add3A_702, %mul3A_5 : vector<16xi32>
    %add3A_704 = arith.addi %add3A_703, %broadcast_in_dim3A_700 : vector<16xi32>
    tpu.vector_store_idx %arg9[%add3A_704], %gather3A_694 : memref<32768xf32, #tpu.memory_space<vmem>>[vector<16xi32>], vector<16xf32>,
    %add3A_705 = arith.constant 0 : i32
    %add3A_706 = vector.broadcast %add3A_705 : i32 to vector<16xi32>
    %add3A_707 = arith.addi %add3A_706, %mul3A_11 : vector<16xi32>
    %add3A_708 = arith.addi %add3A_707, %broadcast_in_dim3A_700 : vector<16xi32>
    tpu.vector_store_idx %arg9[%add3A_708], %gather3A_698 : memref<32768xf32, #tpu.memory_space<vmem>>[vector<16xi32>], vector<16xf32>,
    %slice3A_709 = vector.extract_strided_slice %and3A_197 {offsets = [7], sizes = [1], strides = [1]} : vector<16xi32> to vector<1xi32>
    %squeeze3A_710 = vector.extract %slice3A_709[0] : i32 from vector<1xi32>
    %broadcast_in_dim3A_711 = vector.broadcast %squeeze3A_710 : i32 to vector<16xi32>
    %dma_wait3A_712 = arith.constant 0 : i32
    %dma_wait3A_713 = arith.constant 0 : i32
    %dma_wait3A_714 = tpu.memref_slice %arg4[%dma_wait3A_712, %dma_wait3A_713] : memref<32x1000000xf32, #tpu.memory_space<hbm>> -> memref<32x128xf32, #tpu.memory_space<hbm>>
    %dma_wait3A_715 = arith.constant 0 : i32
    %dma_wait3A_716 = arith.constant 0 : i32
    %dma_wait3A_717 = tpu.memref_slice %arg4[%dma_wait3A_715, %dma_wait3A_716] : memref<32x1000000xf32, #tpu.memory_space<hbm>> -> memref<32x128xf32, #tpu.memory_space<hbm>>
    tpu.wait_dma2 semaphore(%arg41 : memref<!tpu.dma_semaphore, #tpu.memory_space<semaphore_mem>>) src(%dma_wait3A_717 : memref<32x128xf32, #tpu.memory_space<hbm>>) dst(%arg25 : memref<32x128xf32, #tpu.memory_space<vmem>>)
    %gather3A_718 = tpu.vector_load_idx %arg25[%iota3A, %broadcast_in_dim3A_711] : memref<32x128xf32, #tpu.memory_space<vmem>>[vector<16xi32>, vector<16xi32>], vector<16xf32>,
    %add3A_719 = arith.constant 16 : i32
    %add3A_720 = vector.broadcast %add3A_719 : i32 to vector<16xi32>
    %add3A_721 = arith.addi %iota3A, %add3A_720 : vector<16xi32>
    %gather3A_722 = tpu.vector_load_idx %arg25[%add3A_721, %broadcast_in_dim3A_711] : memref<32x128xf32, #tpu.memory_space<vmem>>[vector<16xi32>, vector<16xi32>], vector<16xf32>,
    %broadcast_in_dim3A_723 = arith.constant 503 : i32
    %broadcast_in_dim3A_724 = vector.broadcast %broadcast_in_dim3A_723 : i32 to vector<16xi32>
    %add3A_725 = arith.constant 16384 : i32
    %add3A_726 = vector.broadcast %add3A_725 : i32 to vector<16xi32>
    %add3A_727 = arith.addi %add3A_726, %mul3A_5 : vector<16xi32>
    %add3A_728 = arith.addi %add3A_727, %broadcast_in_dim3A_724 : vector<16xi32>
    tpu.vector_store_idx %arg9[%add3A_728], %gather3A_718 : memref<32768xf32, #tpu.memory_space<vmem>>[vector<16xi32>], vector<16xf32>,
    %add3A_729 = arith.constant 16384 : i32
    %add3A_730 = vector.broadcast %add3A_729 : i32 to vector<16xi32>
    %add3A_731 = arith.addi %add3A_730, %mul3A_11 : vector<16xi32>
    %add3A_732 = arith.addi %add3A_731, %broadcast_in_dim3A_724 : vector<16xi32>
    tpu.vector_store_idx %arg9[%add3A_732], %gather3A_722 : memref<32768xf32, #tpu.memory_space<vmem>>[vector<16xi32>], vector<16xf32>,
    %slice3A_733 = vector.extract_strided_slice %get3A_190 {offsets = [15], sizes = [1], strides = [1]} : vector<16xi32> to vector<1xi32>
    %squeeze3A_734 = vector.extract %slice3A_733[0] : i32 from vector<1xi32>
    %shift_right_arithmetic3A_735 = arith.constant 7 : i32
    %shift_right_arithmetic3A_736 = arith.shrsi %squeeze3A_734, %shift_right_arithmetic3A_735 : i32
    %shift_left3A_737 = arith.constant 7 : i32
    %shift_left3A_738 = arith.shli %shift_right_arithmetic3A_736, %shift_left3A_737 : i32
    %multiple_of3A_739 = tpu.assume_multiple %shift_left3A_738, 128 : i32
    %dma_start3A_740 = arith.constant 0 : i32
    %dma_start3A_741 = tpu.memref_slice %arg4[%dma_start3A_740, %multiple_of3A_739] : memref<32x1000000xf32, #tpu.memory_space<hbm>> -> memref<32x128xf32, #tpu.memory_space<hbm>>
    %dma_start3A_742 = arith.constant 0 : i32
    %dma_start3A_743 = tpu.memref_slice %arg4[%dma_start3A_742, %multiple_of3A_739] : memref<32x1000000xf32, #tpu.memory_space<hbm>> -> memref<32x128xf32, #tpu.memory_space<hbm>>
    tpu.enqueue_dma source(%dma_start3A_743 : memref<32x128xf32, #tpu.memory_space<hbm>>) target(%arg17 : memref<32x128xf32, #tpu.memory_space<vmem>>) target_semaphore(%arg33 : memref<!tpu.dma_semaphore, #tpu.memory_space<semaphore_mem>>)
    %slice3A_744 = vector.extract_strided_slice %get3A_192 {offsets = [15], sizes = [1], strides = [1]} : vector<16xi32> to vector<1xi32>
    %squeeze3A_745 = vector.extract %slice3A_744[0] : i32 from vector<1xi32>
    %shift_right_arithmetic3A_746 = arith.constant 7 : i32
    %shift_right_arithmetic3A_747 = arith.shrsi %squeeze3A_745, %shift_right_arithmetic3A_746 : i32
    %shift_left3A_748 = arith.constant 7 : i32
    %shift_left3A_749 = arith.shli %shift_right_arithmetic3A_747, %shift_left3A_748 : i32
    %multiple_of3A_750 = tpu.assume_multiple %shift_left3A_749, 128 : i32
    %dma_start3A_751 = arith.constant 0 : i32
    %dma_start3A_752 = tpu.memref_slice %arg5[%dma_start3A_751, %multiple_of3A_750] : memref<32x1000000xf32, #tpu.memory_space<hbm>> -> memref<32x128xf32, #tpu.memory_space<hbm>>
    %dma_start3A_753 = arith.constant 0 : i32
    %dma_start3A_754 = tpu.memref_slice %arg5[%dma_start3A_753, %multiple_of3A_750] : memref<32x1000000xf32, #tpu.memory_space<hbm>> -> memref<32x128xf32, #tpu.memory_space<hbm>>
    tpu.enqueue_dma source(%dma_start3A_754 : memref<32x128xf32, #tpu.memory_space<hbm>>) target(%arg25 : memref<32x128xf32, #tpu.memory_space<vmem>>) target_semaphore(%arg41 : memref<!tpu.dma_semaphore, #tpu.memory_space<semaphore_mem>>)
    %slice3A_755 = vector.extract_strided_slice %and3A_194 {offsets = [8], sizes = [1], strides = [1]} : vector<16xi32> to vector<1xi32>
    %squeeze3A_756 = vector.extract %slice3A_755[0] : i32 from vector<1xi32>
    %broadcast_in_dim3A_757 = vector.broadcast %squeeze3A_756 : i32 to vector<16xi32>
    %dma_wait3A_758 = arith.constant 0 : i32
    %dma_wait3A_759 = arith.constant 0 : i32
    %dma_wait3A_760 = tpu.memref_slice %arg4[%dma_wait3A_758, %dma_wait3A_759] : memref<32x1000000xf32, #tpu.memory_space<hbm>> -> memref<32x128xf32, #tpu.memory_space<hbm>>
    %dma_wait3A_761 = arith.constant 0 : i32
    %dma_wait3A_762 = arith.constant 0 : i32
    %dma_wait3A_763 = tpu.memref_slice %arg4[%dma_wait3A_761, %dma_wait3A_762] : memref<32x1000000xf32, #tpu.memory_space<hbm>> -> memref<32x128xf32, #tpu.memory_space<hbm>>
    tpu.wait_dma2 semaphore(%arg26 : memref<!tpu.dma_semaphore, #tpu.memory_space<semaphore_mem>>) src(%dma_wait3A_763 : memref<32x128xf32, #tpu.memory_space<hbm>>) dst(%arg10 : memref<32x128xf32, #tpu.memory_space<vmem>>)
    %gather3A_764 = tpu.vector_load_idx %arg10[%iota3A, %broadcast_in_dim3A_757] : memref<32x128xf32, #tpu.memory_space<vmem>>[vector<16xi32>, vector<16xi32>], vector<16xf32>,
    %add3A_765 = arith.constant 16 : i32
    %add3A_766 = vector.broadcast %add3A_765 : i32 to vector<16xi32>
    %add3A_767 = arith.addi %iota3A, %add3A_766 : vector<16xi32>
    %gather3A_768 = tpu.vector_load_idx %arg10[%add3A_767, %broadcast_in_dim3A_757] : memref<32x128xf32, #tpu.memory_space<vmem>>[vector<16xi32>, vector<16xi32>], vector<16xf32>,
    %broadcast_in_dim3A_769 = arith.constant 504 : i32
    %broadcast_in_dim3A_770 = vector.broadcast %broadcast_in_dim3A_769 : i32 to vector<16xi32>
    %add3A_771 = arith.constant 0 : i32
    %add3A_772 = vector.broadcast %add3A_771 : i32 to vector<16xi32>
    %add3A_773 = arith.addi %add3A_772, %mul3A_5 : vector<16xi32>
    %add3A_774 = arith.addi %add3A_773, %broadcast_in_dim3A_770 : vector<16xi32>
    tpu.vector_store_idx %arg9[%add3A_774], %gather3A_764 : memref<32768xf32, #tpu.memory_space<vmem>>[vector<16xi32>], vector<16xf32>,
    %add3A_775 = arith.constant 0 : i32
    %add3A_776 = vector.broadcast %add3A_775 : i32 to vector<16xi32>
    %add3A_777 = arith.addi %add3A_776, %mul3A_11 : vector<16xi32>
    %add3A_778 = arith.addi %add3A_777, %broadcast_in_dim3A_770 : vector<16xi32>
    tpu.vector_store_idx %arg9[%add3A_778], %gather3A_768 : memref<32768xf32, #tpu.memory_space<vmem>>[vector<16xi32>], vector<16xf32>,
    %slice3A_779 = vector.extract_strided_slice %and3A_197 {offsets = [8], sizes = [1], strides = [1]} : vector<16xi32> to vector<1xi32>
    %squeeze3A_780 = vector.extract %slice3A_779[0] : i32 from vector<1xi32>
    %broadcast_in_dim3A_781 = vector.broadcast %squeeze3A_780 : i32 to vector<16xi32>
    %dma_wait3A_782 = arith.constant 0 : i32
    %dma_wait3A_783 = arith.constant 0 : i32
    %dma_wait3A_784 = tpu.memref_slice %arg4[%dma_wait3A_782, %dma_wait3A_783] : memref<32x1000000xf32, #tpu.memory_space<hbm>> -> memref<32x128xf32, #tpu.memory_space<hbm>>
    %dma_wait3A_785 = arith.constant 0 : i32
    %dma_wait3A_786 = arith.constant 0 : i32
    %dma_wait3A_787 = tpu.memref_slice %arg4[%dma_wait3A_785, %dma_wait3A_786] : memref<32x1000000xf32, #tpu.memory_space<hbm>> -> memref<32x128xf32, #tpu.memory_space<hbm>>
    tpu.wait_dma2 semaphore(%arg34 : memref<!tpu.dma_semaphore, #tpu.memory_space<semaphore_mem>>) src(%dma_wait3A_787 : memref<32x128xf32, #tpu.memory_space<hbm>>) dst(%arg18 : memref<32x128xf32, #tpu.memory_space<vmem>>)
    %gather3A_788 = tpu.vector_load_idx %arg18[%iota3A, %broadcast_in_dim3A_781] : memref<32x128xf32, #tpu.memory_space<vmem>>[vector<16xi32>, vector<16xi32>], vector<16xf32>,
    %add3A_789 = arith.constant 16 : i32
    %add3A_790 = vector.broadcast %add3A_789 : i32 to vector<16xi32>
    %add3A_791 = arith.addi %iota3A, %add3A_790 : vector<16xi32>
    %gather3A_792 = tpu.vector_load_idx %arg18[%add3A_791, %broadcast_in_dim3A_781] : memref<32x128xf32, #tpu.memory_space<vmem>>[vector<16xi32>, vector<16xi32>], vector<16xf32>,
    %broadcast_in_dim3A_793 = arith.constant 504 : i32
    %broadcast_in_dim3A_794 = vector.broadcast %broadcast_in_dim3A_793 : i32 to vector<16xi32>
    %add3A_795 = arith.constant 16384 : i32
    %add3A_796 = vector.broadcast %add3A_795 : i32 to vector<16xi32>
    %add3A_797 = arith.addi %add3A_796, %mul3A_5 : vector<16xi32>
    %add3A_798 = arith.addi %add3A_797, %broadcast_in_dim3A_794 : vector<16xi32>
    tpu.vector_store_idx %arg9[%add3A_798], %gather3A_788 : memref<32768xf32, #tpu.memory_space<vmem>>[vector<16xi32>], vector<16xf32>,
    %add3A_799 = arith.constant 16384 : i32
    %add3A_800 = vector.broadcast %add3A_799 : i32 to vector<16xi32>
    %add3A_801 = arith.addi %add3A_800, %mul3A_11 : vector<16xi32>
    %add3A_802 = arith.addi %add3A_801, %broadcast_in_dim3A_794 : vector<16xi32>
    tpu.vector_store_idx %arg9[%add3A_802], %gather3A_792 : memref<32768xf32, #tpu.memory_space<vmem>>[vector<16xi32>], vector<16xf32>,
    %slice3A_803 = vector.extract_strided_slice %and3A_194 {offsets = [9], sizes = [1], strides = [1]} : vector<16xi32> to vector<1xi32>
    %squeeze3A_804 = vector.extract %slice3A_803[0] : i32 from vector<1xi32>
    %broadcast_in_dim3A_805 = vector.broadcast %squeeze3A_804 : i32 to vector<16xi32>
    %dma_wait3A_806 = arith.constant 0 : i32
    %dma_wait3A_807 = arith.constant 0 : i32
    %dma_wait3A_808 = tpu.memref_slice %arg4[%dma_wait3A_806, %dma_wait3A_807] : memref<32x1000000xf32, #tpu.memory_space<hbm>> -> memref<32x128xf32, #tpu.memory_space<hbm>>
    %dma_wait3A_809 = arith.constant 0 : i32
    %dma_wait3A_810 = arith.constant 0 : i32
    %dma_wait3A_811 = tpu.memref_slice %arg4[%dma_wait3A_809, %dma_wait3A_810] : memref<32x1000000xf32, #tpu.memory_space<hbm>> -> memref<32x128xf32, #tpu.memory_space<hbm>>
    tpu.wait_dma2 semaphore(%arg27 : memref<!tpu.dma_semaphore, #tpu.memory_space<semaphore_mem>>) src(%dma_wait3A_811 : memref<32x128xf32, #tpu.memory_space<hbm>>) dst(%arg11 : memref<32x128xf32, #tpu.memory_space<vmem>>)
    %gather3A_812 = tpu.vector_load_idx %arg11[%iota3A, %broadcast_in_dim3A_805] : memref<32x128xf32, #tpu.memory_space<vmem>>[vector<16xi32>, vector<16xi32>], vector<16xf32>,
    %add3A_813 = arith.constant 16 : i32
    %add3A_814 = vector.broadcast %add3A_813 : i32 to vector<16xi32>
    %add3A_815 = arith.addi %iota3A, %add3A_814 : vector<16xi32>
    %gather3A_816 = tpu.vector_load_idx %arg11[%add3A_815, %broadcast_in_dim3A_805] : memref<32x128xf32, #tpu.memory_space<vmem>>[vector<16xi32>, vector<16xi32>], vector<16xf32>,
    %broadcast_in_dim3A_817 = arith.constant 505 : i32
    %broadcast_in_dim3A_818 = vector.broadcast %broadcast_in_dim3A_817 : i32 to vector<16xi32>
    %add3A_819 = arith.constant 0 : i32
    %add3A_820 = vector.broadcast %add3A_819 : i32 to vector<16xi32>
    %add3A_821 = arith.addi %add3A_820, %mul3A_5 : vector<16xi32>
    %add3A_822 = arith.addi %add3A_821, %broadcast_in_dim3A_818 : vector<16xi32>
    tpu.vector_store_idx %arg9[%add3A_822], %gather3A_812 : memref<32768xf32, #tpu.memory_space<vmem>>[vector<16xi32>], vector<16xf32>,
    %add3A_823 = arith.constant 0 : i32
    %add3A_824 = vector.broadcast %add3A_823 : i32 to vector<16xi32>
    %add3A_825 = arith.addi %add3A_824, %mul3A_11 : vector<16xi32>
    %add3A_826 = arith.addi %add3A_825, %broadcast_in_dim3A_818 : vector<16xi32>
    tpu.vector_store_idx %arg9[%add3A_826], %gather3A_816 : memref<32768xf32, #tpu.memory_space<vmem>>[vector<16xi32>], vector<16xf32>,
    %slice3A_827 = vector.extract_strided_slice %and3A_197 {offsets = [9], sizes = [1], strides = [1]} : vector<16xi32> to vector<1xi32>
    %squeeze3A_828 = vector.extract %slice3A_827[0] : i32 from vector<1xi32>
    %broadcast_in_dim3A_829 = vector.broadcast %squeeze3A_828 : i32 to vector<16xi32>
    %dma_wait3A_830 = arith.constant 0 : i32
    %dma_wait3A_831 = arith.constant 0 : i32
    %dma_wait3A_832 = tpu.memref_slice %arg4[%dma_wait3A_830, %dma_wait3A_831] : memref<32x1000000xf32, #tpu.memory_space<hbm>> -> memref<32x128xf32, #tpu.memory_space<hbm>>
    %dma_wait3A_833 = arith.constant 0 : i32
    %dma_wait3A_834 = arith.constant 0 : i32
    %dma_wait3A_835 = tpu.memref_slice %arg4[%dma_wait3A_833, %dma_wait3A_834] : memref<32x1000000xf32, #tpu.memory_space<hbm>> -> memref<32x128xf32, #tpu.memory_space<hbm>>
    tpu.wait_dma2 semaphore(%arg35 : memref<!tpu.dma_semaphore, #tpu.memory_space<semaphore_mem>>) src(%dma_wait3A_835 : memref<32x128xf32, #tpu.memory_space<hbm>>) dst(%arg19 : memref<32x128xf32, #tpu.memory_space<vmem>>)
    %gather3A_836 = tpu.vector_load_idx %arg19[%iota3A, %broadcast_in_dim3A_829] : memref<32x128xf32, #tpu.memory_space<vmem>>[vector<16xi32>, vector<16xi32>], vector<16xf32>,
    %add3A_837 = arith.constant 16 : i32
    %add3A_838 = vector.broadcast %add3A_837 : i32 to vector<16xi32>
    %add3A_839 = arith.addi %iota3A, %add3A_838 : vector<16xi32>
    %gather3A_840 = tpu.vector_load_idx %arg19[%add3A_839, %broadcast_in_dim3A_829] : memref<32x128xf32, #tpu.memory_space<vmem>>[vector<16xi32>, vector<16xi32>], vector<16xf32>,
    %broadcast_in_dim3A_841 = arith.constant 505 : i32
    %broadcast_in_dim3A_842 = vector.broadcast %broadcast_in_dim3A_841 : i32 to vector<16xi32>
    %add3A_843 = arith.constant 16384 : i32
    %add3A_844 = vector.broadcast %add3A_843 : i32 to vector<16xi32>
    %add3A_845 = arith.addi %add3A_844, %mul3A_5 : vector<16xi32>
    %add3A_846 = arith.addi %add3A_845, %broadcast_in_dim3A_842 : vector<16xi32>
    tpu.vector_store_idx %arg9[%add3A_846], %gather3A_836 : memref<32768xf32, #tpu.memory_space<vmem>>[vector<16xi32>], vector<16xf32>,
    %add3A_847 = arith.constant 16384 : i32
    %add3A_848 = vector.broadcast %add3A_847 : i32 to vector<16xi32>
    %add3A_849 = arith.addi %add3A_848, %mul3A_11 : vector<16xi32>
    %add3A_850 = arith.addi %add3A_849, %broadcast_in_dim3A_842 : vector<16xi32>
    tpu.vector_store_idx %arg9[%add3A_850], %gather3A_840 : memref<32768xf32, #tpu.memory_space<vmem>>[vector<16xi32>], vector<16xf32>,
    %slice3A_851 = vector.extract_strided_slice %and3A_194 {offsets = [10], sizes = [1], strides = [1]} : vector<16xi32> to vector<1xi32>
    %squeeze3A_852 = vector.extract %slice3A_851[0] : i32 from vector<1xi32>
    %broadcast_in_dim3A_853 = vector.broadcast %squeeze3A_852 : i32 to vector<16xi32>
    %dma_wait3A_854 = arith.constant 0 : i32
    %dma_wait3A_855 = arith.constant 0 : i32
    %dma_wait3A_856 = tpu.memref_slice %arg4[%dma_wait3A_854, %dma_wait3A_855] : memref<32x1000000xf32, #tpu.memory_space<hbm>> -> memref<32x128xf32, #tpu.memory_space<hbm>>
    %dma_wait3A_857 = arith.constant 0 : i32
    %dma_wait3A_858 = arith.constant 0 : i32
    %dma_wait3A_859 = tpu.memref_slice %arg4[%dma_wait3A_857, %dma_wait3A_858] : memref<32x1000000xf32, #tpu.memory_space<hbm>> -> memref<32x128xf32, #tpu.memory_space<hbm>>
    tpu.wait_dma2 semaphore(%arg28 : memref<!tpu.dma_semaphore, #tpu.memory_space<semaphore_mem>>) src(%dma_wait3A_859 : memref<32x128xf32, #tpu.memory_space<hbm>>) dst(%arg12 : memref<32x128xf32, #tpu.memory_space<vmem>>)
    %gather3A_860 = tpu.vector_load_idx %arg12[%iota3A, %broadcast_in_dim3A_853] : memref<32x128xf32, #tpu.memory_space<vmem>>[vector<16xi32>, vector<16xi32>], vector<16xf32>,
    %add3A_861 = arith.constant 16 : i32
    %add3A_862 = vector.broadcast %add3A_861 : i32 to vector<16xi32>
    %add3A_863 = arith.addi %iota3A, %add3A_862 : vector<16xi32>
    %gather3A_864 = tpu.vector_load_idx %arg12[%add3A_863, %broadcast_in_dim3A_853] : memref<32x128xf32, #tpu.memory_space<vmem>>[vector<16xi32>, vector<16xi32>], vector<16xf32>,
    %broadcast_in_dim3A_865 = arith.constant 506 : i32
    %broadcast_in_dim3A_866 = vector.broadcast %broadcast_in_dim3A_865 : i32 to vector<16xi32>
    %add3A_867 = arith.constant 0 : i32
    %add3A_868 = vector.broadcast %add3A_867 : i32 to vector<16xi32>
    %add3A_869 = arith.addi %add3A_868, %mul3A_5 : vector<16xi32>
    %add3A_870 = arith.addi %add3A_869, %broadcast_in_dim3A_866 : vector<16xi32>
    tpu.vector_store_idx %arg9[%add3A_870], %gather3A_860 : memref<32768xf32, #tpu.memory_space<vmem>>[vector<16xi32>], vector<16xf32>,
    %add3A_871 = arith.constant 0 : i32
    %add3A_872 = vector.broadcast %add3A_871 : i32 to vector<16xi32>
    %add3A_873 = arith.addi %add3A_872, %mul3A_11 : vector<16xi32>
    %add3A_874 = arith.addi %add3A_873, %broadcast_in_dim3A_866 : vector<16xi32>
    tpu.vector_store_idx %arg9[%add3A_874], %gather3A_864 : memref<32768xf32, #tpu.memory_space<vmem>>[vector<16xi32>], vector<16xf32>,
    %slice3A_875 = vector.extract_strided_slice %and3A_197 {offsets = [10], sizes = [1], strides = [1]} : vector<16xi32> to vector<1xi32>
    %squeeze3A_876 = vector.extract %slice3A_875[0] : i32 from vector<1xi32>
    %broadcast_in_dim3A_877 = vector.broadcast %squeeze3A_876 : i32 to vector<16xi32>
    %dma_wait3A_878 = arith.constant 0 : i32
    %dma_wait3A_879 = arith.constant 0 : i32
    %dma_wait3A_880 = tpu.memref_slice %arg4[%dma_wait3A_878, %dma_wait3A_879] : memref<32x1000000xf32, #tpu.memory_space<hbm>> -> memref<32x128xf32, #tpu.memory_space<hbm>>
    %dma_wait3A_881 = arith.constant 0 : i32
    %dma_wait3A_882 = arith.constant 0 : i32
    %dma_wait3A_883 = tpu.memref_slice %arg4[%dma_wait3A_881, %dma_wait3A_882] : memref<32x1000000xf32, #tpu.memory_space<hbm>> -> memref<32x128xf32, #tpu.memory_space<hbm>>
    tpu.wait_dma2 semaphore(%arg36 : memref<!tpu.dma_semaphore, #tpu.memory_space<semaphore_mem>>) src(%dma_wait3A_883 : memref<32x128xf32, #tpu.memory_space<hbm>>) dst(%arg20 : memref<32x128xf32, #tpu.memory_space<vmem>>)
    %gather3A_884 = tpu.vector_load_idx %arg20[%iota3A, %broadcast_in_dim3A_877] : memref<32x128xf32, #tpu.memory_space<vmem>>[vector<16xi32>, vector<16xi32>], vector<16xf32>,
    %add3A_885 = arith.constant 16 : i32
    %add3A_886 = vector.broadcast %add3A_885 : i32 to vector<16xi32>
    %add3A_887 = arith.addi %iota3A, %add3A_886 : vector<16xi32>
    %gather3A_888 = tpu.vector_load_idx %arg20[%add3A_887, %broadcast_in_dim3A_877] : memref<32x128xf32, #tpu.memory_space<vmem>>[vector<16xi32>, vector<16xi32>], vector<16xf32>,
    %broadcast_in_dim3A_889 = arith.constant 506 : i32
    %broadcast_in_dim3A_890 = vector.broadcast %broadcast_in_dim3A_889 : i32 to vector<16xi32>
    %add3A_891 = arith.constant 16384 : i32
    %add3A_892 = vector.broadcast %add3A_891 : i32 to vector<16xi32>
    %add3A_893 = arith.addi %add3A_892, %mul3A_5 : vector<16xi32>
    %add3A_894 = arith.addi %add3A_893, %broadcast_in_dim3A_890 : vector<16xi32>
    tpu.vector_store_idx %arg9[%add3A_894], %gather3A_884 : memref<32768xf32, #tpu.memory_space<vmem>>[vector<16xi32>], vector<16xf32>,
    %add3A_895 = arith.constant 16384 : i32
    %add3A_896 = vector.broadcast %add3A_895 : i32 to vector<16xi32>
    %add3A_897 = arith.addi %add3A_896, %mul3A_11 : vector<16xi32>
    %add3A_898 = arith.addi %add3A_897, %broadcast_in_dim3A_890 : vector<16xi32>
    tpu.vector_store_idx %arg9[%add3A_898], %gather3A_888 : memref<32768xf32, #tpu.memory_space<vmem>>[vector<16xi32>], vector<16xf32>,
    %slice3A_899 = vector.extract_strided_slice %and3A_194 {offsets = [11], sizes = [1], strides = [1]} : vector<16xi32> to vector<1xi32>
    %squeeze3A_900 = vector.extract %slice3A_899[0] : i32 from vector<1xi32>
    %broadcast_in_dim3A_901 = vector.broadcast %squeeze3A_900 : i32 to vector<16xi32>
    %dma_wait3A_902 = arith.constant 0 : i32
    %dma_wait3A_903 = arith.constant 0 : i32
    %dma_wait3A_904 = tpu.memref_slice %arg4[%dma_wait3A_902, %dma_wait3A_903] : memref<32x1000000xf32, #tpu.memory_space<hbm>> -> memref<32x128xf32, #tpu.memory_space<hbm>>
    %dma_wait3A_905 = arith.constant 0 : i32
    %dma_wait3A_906 = arith.constant 0 : i32
    %dma_wait3A_907 = tpu.memref_slice %arg4[%dma_wait3A_905, %dma_wait3A_906] : memref<32x1000000xf32, #tpu.memory_space<hbm>> -> memref<32x128xf32, #tpu.memory_space<hbm>>
    tpu.wait_dma2 semaphore(%arg29 : memref<!tpu.dma_semaphore, #tpu.memory_space<semaphore_mem>>) src(%dma_wait3A_907 : memref<32x128xf32, #tpu.memory_space<hbm>>) dst(%arg13 : memref<32x128xf32, #tpu.memory_space<vmem>>)
    %gather3A_908 = tpu.vector_load_idx %arg13[%iota3A, %broadcast_in_dim3A_901] : memref<32x128xf32, #tpu.memory_space<vmem>>[vector<16xi32>, vector<16xi32>], vector<16xf32>,
    %add3A_909 = arith.constant 16 : i32
    %add3A_910 = vector.broadcast %add3A_909 : i32 to vector<16xi32>
    %add3A_911 = arith.addi %iota3A, %add3A_910 : vector<16xi32>
    %gather3A_912 = tpu.vector_load_idx %arg13[%add3A_911, %broadcast_in_dim3A_901] : memref<32x128xf32, #tpu.memory_space<vmem>>[vector<16xi32>, vector<16xi32>], vector<16xf32>,
    %broadcast_in_dim3A_913 = arith.constant 507 : i32
    %broadcast_in_dim3A_914 = vector.broadcast %broadcast_in_dim3A_913 : i32 to vector<16xi32>
    %add3A_915 = arith.constant 0 : i32
    %add3A_916 = vector.broadcast %add3A_915 : i32 to vector<16xi32>
    %add3A_917 = arith.addi %add3A_916, %mul3A_5 : vector<16xi32>
    %add3A_918 = arith.addi %add3A_917, %broadcast_in_dim3A_914 : vector<16xi32>
    tpu.vector_store_idx %arg9[%add3A_918], %gather3A_908 : memref<32768xf32, #tpu.memory_space<vmem>>[vector<16xi32>], vector<16xf32>,
    %add3A_919 = arith.constant 0 : i32
    %add3A_920 = vector.broadcast %add3A_919 : i32 to vector<16xi32>
    %add3A_921 = arith.addi %add3A_920, %mul3A_11 : vector<16xi32>
    %add3A_922 = arith.addi %add3A_921, %broadcast_in_dim3A_914 : vector<16xi32>
    tpu.vector_store_idx %arg9[%add3A_922], %gather3A_912 : memref<32768xf32, #tpu.memory_space<vmem>>[vector<16xi32>], vector<16xf32>,
    %slice3A_923 = vector.extract_strided_slice %and3A_197 {offsets = [11], sizes = [1], strides = [1]} : vector<16xi32> to vector<1xi32>
    %squeeze3A_924 = vector.extract %slice3A_923[0] : i32 from vector<1xi32>
    %broadcast_in_dim3A_925 = vector.broadcast %squeeze3A_924 : i32 to vector<16xi32>
    %dma_wait3A_926 = arith.constant 0 : i32
    %dma_wait3A_927 = arith.constant 0 : i32
    %dma_wait3A_928 = tpu.memref_slice %arg4[%dma_wait3A_926, %dma_wait3A_927] : memref<32x1000000xf32, #tpu.memory_space<hbm>> -> memref<32x128xf32, #tpu.memory_space<hbm>>
    %dma_wait3A_929 = arith.constant 0 : i32
    %dma_wait3A_930 = arith.constant 0 : i32
    %dma_wait3A_931 = tpu.memref_slice %arg4[%dma_wait3A_929, %dma_wait3A_930] : memref<32x1000000xf32, #tpu.memory_space<hbm>> -> memref<32x128xf32, #tpu.memory_space<hbm>>
    tpu.wait_dma2 semaphore(%arg37 : memref<!tpu.dma_semaphore, #tpu.memory_space<semaphore_mem>>) src(%dma_wait3A_931 : memref<32x128xf32, #tpu.memory_space<hbm>>) dst(%arg21 : memref<32x128xf32, #tpu.memory_space<vmem>>)
    %gather3A_932 = tpu.vector_load_idx %arg21[%iota3A, %broadcast_in_dim3A_925] : memref<32x128xf32, #tpu.memory_space<vmem>>[vector<16xi32>, vector<16xi32>], vector<16xf32>,
    %add3A_933 = arith.constant 16 : i32
    %add3A_934 = vector.broadcast %add3A_933 : i32 to vector<16xi32>
    %add3A_935 = arith.addi %iota3A, %add3A_934 : vector<16xi32>
    %gather3A_936 = tpu.vector_load_idx %arg21[%add3A_935, %broadcast_in_dim3A_925] : memref<32x128xf32, #tpu.memory_space<vmem>>[vector<16xi32>, vector<16xi32>], vector<16xf32>,
    %broadcast_in_dim3A_937 = arith.constant 507 : i32
    %broadcast_in_dim3A_938 = vector.broadcast %broadcast_in_dim3A_937 : i32 to vector<16xi32>
    %add3A_939 = arith.constant 16384 : i32
    %add3A_940 = vector.broadcast %add3A_939 : i32 to vector<16xi32>
    %add3A_941 = arith.addi %add3A_940, %mul3A_5 : vector<16xi32>
    %add3A_942 = arith.addi %add3A_941, %broadcast_in_dim3A_938 : vector<16xi32>
    tpu.vector_store_idx %arg9[%add3A_942], %gather3A_932 : memref<32768xf32, #tpu.memory_space<vmem>>[vector<16xi32>], vector<16xf32>,
    %add3A_943 = arith.constant 16384 : i32
    %add3A_944 = vector.broadcast %add3A_943 : i32 to vector<16xi32>
    %add3A_945 = arith.addi %add3A_944, %mul3A_11 : vector<16xi32>
    %add3A_946 = arith.addi %add3A_945, %broadcast_in_dim3A_938 : vector<16xi32>
    tpu.vector_store_idx %arg9[%add3A_946], %gather3A_936 : memref<32768xf32, #tpu.memory_space<vmem>>[vector<16xi32>], vector<16xf32>,
    %slice3A_947 = vector.extract_strided_slice %and3A_194 {offsets = [12], sizes = [1], strides = [1]} : vector<16xi32> to vector<1xi32>
    %squeeze3A_948 = vector.extract %slice3A_947[0] : i32 from vector<1xi32>
    %broadcast_in_dim3A_949 = vector.broadcast %squeeze3A_948 : i32 to vector<16xi32>
    %dma_wait3A_950 = arith.constant 0 : i32
    %dma_wait3A_951 = arith.constant 0 : i32
    %dma_wait3A_952 = tpu.memref_slice %arg4[%dma_wait3A_950, %dma_wait3A_951] : memref<32x1000000xf32, #tpu.memory_space<hbm>> -> memref<32x128xf32, #tpu.memory_space<hbm>>
    %dma_wait3A_953 = arith.constant 0 : i32
    %dma_wait3A_954 = arith.constant 0 : i32
    %dma_wait3A_955 = tpu.memref_slice %arg4[%dma_wait3A_953, %dma_wait3A_954] : memref<32x1000000xf32, #tpu.memory_space<hbm>> -> memref<32x128xf32, #tpu.memory_space<hbm>>
    tpu.wait_dma2 semaphore(%arg30 : memref<!tpu.dma_semaphore, #tpu.memory_space<semaphore_mem>>) src(%dma_wait3A_955 : memref<32x128xf32, #tpu.memory_space<hbm>>) dst(%arg14 : memref<32x128xf32, #tpu.memory_space<vmem>>)
    %gather3A_956 = tpu.vector_load_idx %arg14[%iota3A, %broadcast_in_dim3A_949] : memref<32x128xf32, #tpu.memory_space<vmem>>[vector<16xi32>, vector<16xi32>], vector<16xf32>,
    %add3A_957 = arith.constant 16 : i32
    %add3A_958 = vector.broadcast %add3A_957 : i32 to vector<16xi32>
    %add3A_959 = arith.addi %iota3A, %add3A_958 : vector<16xi32>
    %gather3A_960 = tpu.vector_load_idx %arg14[%add3A_959, %broadcast_in_dim3A_949] : memref<32x128xf32, #tpu.memory_space<vmem>>[vector<16xi32>, vector<16xi32>], vector<16xf32>,
    %broadcast_in_dim3A_961 = arith.constant 508 : i32
    %broadcast_in_dim3A_962 = vector.broadcast %broadcast_in_dim3A_961 : i32 to vector<16xi32>
    %add3A_963 = arith.constant 0 : i32
    %add3A_964 = vector.broadcast %add3A_963 : i32 to vector<16xi32>
    %add3A_965 = arith.addi %add3A_964, %mul3A_5 : vector<16xi32>
    %add3A_966 = arith.addi %add3A_965, %broadcast_in_dim3A_962 : vector<16xi32>
    tpu.vector_store_idx %arg9[%add3A_966], %gather3A_956 : memref<32768xf32, #tpu.memory_space<vmem>>[vector<16xi32>], vector<16xf32>,
    %add3A_967 = arith.constant 0 : i32
    %add3A_968 = vector.broadcast %add3A_967 : i32 to vector<16xi32>
    %add3A_969 = arith.addi %add3A_968, %mul3A_11 : vector<16xi32>
    %add3A_970 = arith.addi %add3A_969, %broadcast_in_dim3A_962 : vector<16xi32>
    tpu.vector_store_idx %arg9[%add3A_970], %gather3A_960 : memref<32768xf32, #tpu.memory_space<vmem>>[vector<16xi32>], vector<16xf32>,
    %slice3A_971 = vector.extract_strided_slice %and3A_197 {offsets = [12], sizes = [1], strides = [1]} : vector<16xi32> to vector<1xi32>
    %squeeze3A_972 = vector.extract %slice3A_971[0] : i32 from vector<1xi32>
    %broadcast_in_dim3A_973 = vector.broadcast %squeeze3A_972 : i32 to vector<16xi32>
    %dma_wait3A_974 = arith.constant 0 : i32
    %dma_wait3A_975 = arith.constant 0 : i32
    %dma_wait3A_976 = tpu.memref_slice %arg4[%dma_wait3A_974, %dma_wait3A_975] : memref<32x1000000xf32, #tpu.memory_space<hbm>> -> memref<32x128xf32, #tpu.memory_space<hbm>>
    %dma_wait3A_977 = arith.constant 0 : i32
    %dma_wait3A_978 = arith.constant 0 : i32
    %dma_wait3A_979 = tpu.memref_slice %arg4[%dma_wait3A_977, %dma_wait3A_978] : memref<32x1000000xf32, #tpu.memory_space<hbm>> -> memref<32x128xf32, #tpu.memory_space<hbm>>
    tpu.wait_dma2 semaphore(%arg38 : memref<!tpu.dma_semaphore, #tpu.memory_space<semaphore_mem>>) src(%dma_wait3A_979 : memref<32x128xf32, #tpu.memory_space<hbm>>) dst(%arg22 : memref<32x128xf32, #tpu.memory_space<vmem>>)
    %gather3A_980 = tpu.vector_load_idx %arg22[%iota3A, %broadcast_in_dim3A_973] : memref<32x128xf32, #tpu.memory_space<vmem>>[vector<16xi32>, vector<16xi32>], vector<16xf32>,
    %add3A_981 = arith.constant 16 : i32
    %add3A_982 = vector.broadcast %add3A_981 : i32 to vector<16xi32>
    %add3A_983 = arith.addi %iota3A, %add3A_982 : vector<16xi32>
    %gather3A_984 = tpu.vector_load_idx %arg22[%add3A_983, %broadcast_in_dim3A_973] : memref<32x128xf32, #tpu.memory_space<vmem>>[vector<16xi32>, vector<16xi32>], vector<16xf32>,
    %broadcast_in_dim3A_985 = arith.constant 508 : i32
    %broadcast_in_dim3A_986 = vector.broadcast %broadcast_in_dim3A_985 : i32 to vector<16xi32>
    %add3A_987 = arith.constant 16384 : i32
    %add3A_988 = vector.broadcast %add3A_987 : i32 to vector<16xi32>
    %add3A_989 = arith.addi %add3A_988, %mul3A_5 : vector<16xi32>
    %add3A_990 = arith.addi %add3A_989, %broadcast_in_dim3A_986 : vector<16xi32>
    tpu.vector_store_idx %arg9[%add3A_990], %gather3A_980 : memref<32768xf32, #tpu.memory_space<vmem>>[vector<16xi32>], vector<16xf32>,
    %add3A_991 = arith.constant 16384 : i32
    %add3A_992 = vector.broadcast %add3A_991 : i32 to vector<16xi32>
    %add3A_993 = arith.addi %add3A_992, %mul3A_11 : vector<16xi32>
    %add3A_994 = arith.addi %add3A_993, %broadcast_in_dim3A_986 : vector<16xi32>
    tpu.vector_store_idx %arg9[%add3A_994], %gather3A_984 : memref<32768xf32, #tpu.memory_space<vmem>>[vector<16xi32>], vector<16xf32>,
    %slice3A_995 = vector.extract_strided_slice %and3A_194 {offsets = [13], sizes = [1], strides = [1]} : vector<16xi32> to vector<1xi32>
    %squeeze3A_996 = vector.extract %slice3A_995[0] : i32 from vector<1xi32>
    %broadcast_in_dim3A_997 = vector.broadcast %squeeze3A_996 : i32 to vector<16xi32>
    %dma_wait3A_998 = arith.constant 0 : i32
    %dma_wait3A_999 = arith.constant 0 : i32
    %dma_wait3A_1000 = tpu.memref_slice %arg4[%dma_wait3A_998, %dma_wait3A_999] : memref<32x1000000xf32, #tpu.memory_space<hbm>> -> memref<32x128xf32, #tpu.memory_space<hbm>>
    %dma_wait3A_1001 = arith.constant 0 : i32
    %dma_wait3A_1002 = arith.constant 0 : i32
    %dma_wait3A_1003 = tpu.memref_slice %arg4[%dma_wait3A_1001, %dma_wait3A_1002] : memref<32x1000000xf32, #tpu.memory_space<hbm>> -> memref<32x128xf32, #tpu.memory_space<hbm>>
    tpu.wait_dma2 semaphore(%arg31 : memref<!tpu.dma_semaphore, #tpu.memory_space<semaphore_mem>>) src(%dma_wait3A_1003 : memref<32x128xf32, #tpu.memory_space<hbm>>) dst(%arg15 : memref<32x128xf32, #tpu.memory_space<vmem>>)
    %gather3A_1004 = tpu.vector_load_idx %arg15[%iota3A, %broadcast_in_dim3A_997] : memref<32x128xf32, #tpu.memory_space<vmem>>[vector<16xi32>, vector<16xi32>], vector<16xf32>,
    %add3A_1005 = arith.constant 16 : i32
    %add3A_1006 = vector.broadcast %add3A_1005 : i32 to vector<16xi32>
    %add3A_1007 = arith.addi %iota3A, %add3A_1006 : vector<16xi32>
    %gather3A_1008 = tpu.vector_load_idx %arg15[%add3A_1007, %broadcast_in_dim3A_997] : memref<32x128xf32, #tpu.memory_space<vmem>>[vector<16xi32>, vector<16xi32>], vector<16xf32>,
    %broadcast_in_dim3A_1009 = arith.constant 509 : i32
    %broadcast_in_dim3A_1010 = vector.broadcast %broadcast_in_dim3A_1009 : i32 to vector<16xi32>
    %add3A_1011 = arith.constant 0 : i32
    %add3A_1012 = vector.broadcast %add3A_1011 : i32 to vector<16xi32>
    %add3A_1013 = arith.addi %add3A_1012, %mul3A_5 : vector<16xi32>
    %add3A_1014 = arith.addi %add3A_1013, %broadcast_in_dim3A_1010 : vector<16xi32>
    tpu.vector_store_idx %arg9[%add3A_1014], %gather3A_1004 : memref<32768xf32, #tpu.memory_space<vmem>>[vector<16xi32>], vector<16xf32>,
    %add3A_1015 = arith.constant 0 : i32
    %add3A_1016 = vector.broadcast %add3A_1015 : i32 to vector<16xi32>
    %add3A_1017 = arith.addi %add3A_1016, %mul3A_11 : vector<16xi32>
    %add3A_1018 = arith.addi %add3A_1017, %broadcast_in_dim3A_1010 : vector<16xi32>
    tpu.vector_store_idx %arg9[%add3A_1018], %gather3A_1008 : memref<32768xf32, #tpu.memory_space<vmem>>[vector<16xi32>], vector<16xf32>,
    %slice3A_1019 = vector.extract_strided_slice %and3A_197 {offsets = [13], sizes = [1], strides = [1]} : vector<16xi32> to vector<1xi32>
    %squeeze3A_1020 = vector.extract %slice3A_1019[0] : i32 from vector<1xi32>
    %broadcast_in_dim3A_1021 = vector.broadcast %squeeze3A_1020 : i32 to vector<16xi32>
    %dma_wait3A_1022 = arith.constant 0 : i32
    %dma_wait3A_1023 = arith.constant 0 : i32
    %dma_wait3A_1024 = tpu.memref_slice %arg4[%dma_wait3A_1022, %dma_wait3A_1023] : memref<32x1000000xf32, #tpu.memory_space<hbm>> -> memref<32x128xf32, #tpu.memory_space<hbm>>
    %dma_wait3A_1025 = arith.constant 0 : i32
    %dma_wait3A_1026 = arith.constant 0 : i32
    %dma_wait3A_1027 = tpu.memref_slice %arg4[%dma_wait3A_1025, %dma_wait3A_1026] : memref<32x1000000xf32, #tpu.memory_space<hbm>> -> memref<32x128xf32, #tpu.memory_space<hbm>>
    tpu.wait_dma2 semaphore(%arg39 : memref<!tpu.dma_semaphore, #tpu.memory_space<semaphore_mem>>) src(%dma_wait3A_1027 : memref<32x128xf32, #tpu.memory_space<hbm>>) dst(%arg23 : memref<32x128xf32, #tpu.memory_space<vmem>>)
    %gather3A_1028 = tpu.vector_load_idx %arg23[%iota3A, %broadcast_in_dim3A_1021] : memref<32x128xf32, #tpu.memory_space<vmem>>[vector<16xi32>, vector<16xi32>], vector<16xf32>,
    %add3A_1029 = arith.constant 16 : i32
    %add3A_1030 = vector.broadcast %add3A_1029 : i32 to vector<16xi32>
    %add3A_1031 = arith.addi %iota3A, %add3A_1030 : vector<16xi32>
    %gather3A_1032 = tpu.vector_load_idx %arg23[%add3A_1031, %broadcast_in_dim3A_1021] : memref<32x128xf32, #tpu.memory_space<vmem>>[vector<16xi32>, vector<16xi32>], vector<16xf32>,
    %broadcast_in_dim3A_1033 = arith.constant 509 : i32
    %broadcast_in_dim3A_1034 = vector.broadcast %broadcast_in_dim3A_1033 : i32 to vector<16xi32>
    %add3A_1035 = arith.constant 16384 : i32
    %add3A_1036 = vector.broadcast %add3A_1035 : i32 to vector<16xi32>
    %add3A_1037 = arith.addi %add3A_1036, %mul3A_5 : vector<16xi32>
    %add3A_1038 = arith.addi %add3A_1037, %broadcast_in_dim3A_1034 : vector<16xi32>
    tpu.vector_store_idx %arg9[%add3A_1038], %gather3A_1028 : memref<32768xf32, #tpu.memory_space<vmem>>[vector<16xi32>], vector<16xf32>,
    %add3A_1039 = arith.constant 16384 : i32
    %add3A_1040 = vector.broadcast %add3A_1039 : i32 to vector<16xi32>
    %add3A_1041 = arith.addi %add3A_1040, %mul3A_11 : vector<16xi32>
    %add3A_1042 = arith.addi %add3A_1041, %broadcast_in_dim3A_1034 : vector<16xi32>
    tpu.vector_store_idx %arg9[%add3A_1042], %gather3A_1032 : memref<32768xf32, #tpu.memory_space<vmem>>[vector<16xi32>], vector<16xf32>,
    %slice3A_1043 = vector.extract_strided_slice %and3A_194 {offsets = [14], sizes = [1], strides = [1]} : vector<16xi32> to vector<1xi32>
    %squeeze3A_1044 = vector.extract %slice3A_1043[0] : i32 from vector<1xi32>
    %broadcast_in_dim3A_1045 = vector.broadcast %squeeze3A_1044 : i32 to vector<16xi32>
    %dma_wait3A_1046 = arith.constant 0 : i32
    %dma_wait3A_1047 = arith.constant 0 : i32
    %dma_wait3A_1048 = tpu.memref_slice %arg4[%dma_wait3A_1046, %dma_wait3A_1047] : memref<32x1000000xf32, #tpu.memory_space<hbm>> -> memref<32x128xf32, #tpu.memory_space<hbm>>
    %dma_wait3A_1049 = arith.constant 0 : i32
    %dma_wait3A_1050 = arith.constant 0 : i32
    %dma_wait3A_1051 = tpu.memref_slice %arg4[%dma_wait3A_1049, %dma_wait3A_1050] : memref<32x1000000xf32, #tpu.memory_space<hbm>> -> memref<32x128xf32, #tpu.memory_space<hbm>>
    tpu.wait_dma2 semaphore(%arg32 : memref<!tpu.dma_semaphore, #tpu.memory_space<semaphore_mem>>) src(%dma_wait3A_1051 : memref<32x128xf32, #tpu.memory_space<hbm>>) dst(%arg16 : memref<32x128xf32, #tpu.memory_space<vmem>>)
    %gather3A_1052 = tpu.vector_load_idx %arg16[%iota3A, %broadcast_in_dim3A_1045] : memref<32x128xf32, #tpu.memory_space<vmem>>[vector<16xi32>, vector<16xi32>], vector<16xf32>,
    %add3A_1053 = arith.constant 16 : i32
    %add3A_1054 = vector.broadcast %add3A_1053 : i32 to vector<16xi32>
    %add3A_1055 = arith.addi %iota3A, %add3A_1054 : vector<16xi32>
    %gather3A_1056 = tpu.vector_load_idx %arg16[%add3A_1055, %broadcast_in_dim3A_1045] : memref<32x128xf32, #tpu.memory_space<vmem>>[vector<16xi32>, vector<16xi32>], vector<16xf32>,
    %broadcast_in_dim3A_1057 = arith.constant 510 : i32
    %broadcast_in_dim3A_1058 = vector.broadcast %broadcast_in_dim3A_1057 : i32 to vector<16xi32>
    %add3A_1059 = arith.constant 0 : i32
    %add3A_1060 = vector.broadcast %add3A_1059 : i32 to vector<16xi32>
    %add3A_1061 = arith.addi %add3A_1060, %mul3A_5 : vector<16xi32>
    %add3A_1062 = arith.addi %add3A_1061, %broadcast_in_dim3A_1058 : vector<16xi32>
    tpu.vector_store_idx %arg9[%add3A_1062], %gather3A_1052 : memref<32768xf32, #tpu.memory_space<vmem>>[vector<16xi32>], vector<16xf32>,
    %add3A_1063 = arith.constant 0 : i32
    %add3A_1064 = vector.broadcast %add3A_1063 : i32 to vector<16xi32>
    %add3A_1065 = arith.addi %add3A_1064, %mul3A_11 : vector<16xi32>
    %add3A_1066 = arith.addi %add3A_1065, %broadcast_in_dim3A_1058 : vector<16xi32>
    tpu.vector_store_idx %arg9[%add3A_1066], %gather3A_1056 : memref<32768xf32, #tpu.memory_space<vmem>>[vector<16xi32>], vector<16xf32>,
    %slice3A_1067 = vector.extract_strided_slice %and3A_197 {offsets = [14], sizes = [1], strides = [1]} : vector<16xi32> to vector<1xi32>
    %squeeze3A_1068 = vector.extract %slice3A_1067[0] : i32 from vector<1xi32>
    %broadcast_in_dim3A_1069 = vector.broadcast %squeeze3A_1068 : i32 to vector<16xi32>
    %dma_wait3A_1070 = arith.constant 0 : i32
    %dma_wait3A_1071 = arith.constant 0 : i32
    %dma_wait3A_1072 = tpu.memref_slice %arg4[%dma_wait3A_1070, %dma_wait3A_1071] : memref<32x1000000xf32, #tpu.memory_space<hbm>> -> memref<32x128xf32, #tpu.memory_space<hbm>>
    %dma_wait3A_1073 = arith.constant 0 : i32
    %dma_wait3A_1074 = arith.constant 0 : i32
    %dma_wait3A_1075 = tpu.memref_slice %arg4[%dma_wait3A_1073, %dma_wait3A_1074] : memref<32x1000000xf32, #tpu.memory_space<hbm>> -> memref<32x128xf32, #tpu.memory_space<hbm>>
    tpu.wait_dma2 semaphore(%arg40 : memref<!tpu.dma_semaphore, #tpu.memory_space<semaphore_mem>>) src(%dma_wait3A_1075 : memref<32x128xf32, #tpu.memory_space<hbm>>) dst(%arg24 : memref<32x128xf32, #tpu.memory_space<vmem>>)
    %gather3A_1076 = tpu.vector_load_idx %arg24[%iota3A, %broadcast_in_dim3A_1069] : memref<32x128xf32, #tpu.memory_space<vmem>>[vector<16xi32>, vector<16xi32>], vector<16xf32>,
    %add3A_1077 = arith.constant 16 : i32
    %add3A_1078 = vector.broadcast %add3A_1077 : i32 to vector<16xi32>
    %add3A_1079 = arith.addi %iota3A, %add3A_1078 : vector<16xi32>
    %gather3A_1080 = tpu.vector_load_idx %arg24[%add3A_1079, %broadcast_in_dim3A_1069] : memref<32x128xf32, #tpu.memory_space<vmem>>[vector<16xi32>, vector<16xi32>], vector<16xf32>,
    %broadcast_in_dim3A_1081 = arith.constant 510 : i32
    %broadcast_in_dim3A_1082 = vector.broadcast %broadcast_in_dim3A_1081 : i32 to vector<16xi32>
    %add3A_1083 = arith.constant 16384 : i32
    %add3A_1084 = vector.broadcast %add3A_1083 : i32 to vector<16xi32>
    %add3A_1085 = arith.addi %add3A_1084, %mul3A_5 : vector<16xi32>
    %add3A_1086 = arith.addi %add3A_1085, %broadcast_in_dim3A_1082 : vector<16xi32>
    tpu.vector_store_idx %arg9[%add3A_1086], %gather3A_1076 : memref<32768xf32, #tpu.memory_space<vmem>>[vector<16xi32>], vector<16xf32>,
    %add3A_1087 = arith.constant 16384 : i32
    %add3A_1088 = vector.broadcast %add3A_1087 : i32 to vector<16xi32>
    %add3A_1089 = arith.addi %add3A_1088, %mul3A_11 : vector<16xi32>
    %add3A_1090 = arith.addi %add3A_1089, %broadcast_in_dim3A_1082 : vector<16xi32>
    tpu.vector_store_idx %arg9[%add3A_1090], %gather3A_1080 : memref<32768xf32, #tpu.memory_space<vmem>>[vector<16xi32>], vector<16xf32>,
    %slice3A_1091 = vector.extract_strided_slice %and3A_194 {offsets = [15], sizes = [1], strides = [1]} : vector<16xi32> to vector<1xi32>
    %squeeze3A_1092 = vector.extract %slice3A_1091[0] : i32 from vector<1xi32>
    %broadcast_in_dim3A_1093 = vector.broadcast %squeeze3A_1092 : i32 to vector<16xi32>
    %dma_wait3A_1094 = arith.constant 0 : i32
    %dma_wait3A_1095 = arith.constant 0 : i32
    %dma_wait3A_1096 = tpu.memref_slice %arg4[%dma_wait3A_1094, %dma_wait3A_1095] : memref<32x1000000xf32, #tpu.memory_space<hbm>> -> memref<32x128xf32, #tpu.memory_space<hbm>>
    %dma_wait3A_1097 = arith.constant 0 : i32
    %dma_wait3A_1098 = arith.constant 0 : i32
    %dma_wait3A_1099 = tpu.memref_slice %arg4[%dma_wait3A_1097, %dma_wait3A_1098] : memref<32x1000000xf32, #tpu.memory_space<hbm>> -> memref<32x128xf32, #tpu.memory_space<hbm>>
    tpu.wait_dma2 semaphore(%arg33 : memref<!tpu.dma_semaphore, #tpu.memory_space<semaphore_mem>>) src(%dma_wait3A_1099 : memref<32x128xf32, #tpu.memory_space<hbm>>) dst(%arg17 : memref<32x128xf32, #tpu.memory_space<vmem>>)
    %gather3A_1100 = tpu.vector_load_idx %arg17[%iota3A, %broadcast_in_dim3A_1093] : memref<32x128xf32, #tpu.memory_space<vmem>>[vector<16xi32>, vector<16xi32>], vector<16xf32>,
    %add3A_1101 = arith.constant 16 : i32
    %add3A_1102 = vector.broadcast %add3A_1101 : i32 to vector<16xi32>
    %add3A_1103 = arith.addi %iota3A, %add3A_1102 : vector<16xi32>
    %gather3A_1104 = tpu.vector_load_idx %arg17[%add3A_1103, %broadcast_in_dim3A_1093] : memref<32x128xf32, #tpu.memory_space<vmem>>[vector<16xi32>, vector<16xi32>], vector<16xf32>,
    %broadcast_in_dim3A_1105 = arith.constant 511 : i32
    %broadcast_in_dim3A_1106 = vector.broadcast %broadcast_in_dim3A_1105 : i32 to vector<16xi32>
    %add3A_1107 = arith.constant 0 : i32
    %add3A_1108 = vector.broadcast %add3A_1107 : i32 to vector<16xi32>
    %add3A_1109 = arith.addi %add3A_1108, %mul3A_5 : vector<16xi32>
    %add3A_1110 = arith.addi %add3A_1109, %broadcast_in_dim3A_1106 : vector<16xi32>
    tpu.vector_store_idx %arg9[%add3A_1110], %gather3A_1100 : memref<32768xf32, #tpu.memory_space<vmem>>[vector<16xi32>], vector<16xf32>,
    %add3A_1111 = arith.constant 0 : i32
    %add3A_1112 = vector.broadcast %add3A_1111 : i32 to vector<16xi32>
    %add3A_1113 = arith.addi %add3A_1112, %mul3A_11 : vector<16xi32>
    %add3A_1114 = arith.addi %add3A_1113, %broadcast_in_dim3A_1106 : vector<16xi32>
    tpu.vector_store_idx %arg9[%add3A_1114], %gather3A_1104 : memref<32768xf32, #tpu.memory_space<vmem>>[vector<16xi32>], vector<16xf32>,
    %slice3A_1115 = vector.extract_strided_slice %and3A_197 {offsets = [15], sizes = [1], strides = [1]} : vector<16xi32> to vector<1xi32>
    %squeeze3A_1116 = vector.extract %slice3A_1115[0] : i32 from vector<1xi32>
    %broadcast_in_dim3A_1117 = vector.broadcast %squeeze3A_1116 : i32 to vector<16xi32>
    %dma_wait3A_1118 = arith.constant 0 : i32
    %dma_wait3A_1119 = arith.constant 0 : i32
    %dma_wait3A_1120 = tpu.memref_slice %arg4[%dma_wait3A_1118, %dma_wait3A_1119] : memref<32x1000000xf32, #tpu.memory_space<hbm>> -> memref<32x128xf32, #tpu.memory_space<hbm>>
    %dma_wait3A_1121 = arith.constant 0 : i32
    %dma_wait3A_1122 = arith.constant 0 : i32
    %dma_wait3A_1123 = tpu.memref_slice %arg4[%dma_wait3A_1121, %dma_wait3A_1122] : memref<32x1000000xf32, #tpu.memory_space<hbm>> -> memref<32x128xf32, #tpu.memory_space<hbm>>
    tpu.wait_dma2 semaphore(%arg41 : memref<!tpu.dma_semaphore, #tpu.memory_space<semaphore_mem>>) src(%dma_wait3A_1123 : memref<32x128xf32, #tpu.memory_space<hbm>>) dst(%arg25 : memref<32x128xf32, #tpu.memory_space<vmem>>)
    %gather3A_1124 = tpu.vector_load_idx %arg25[%iota3A, %broadcast_in_dim3A_1117] : memref<32x128xf32, #tpu.memory_space<vmem>>[vector<16xi32>, vector<16xi32>], vector<16xf32>,
    %add3A_1125 = arith.constant 16 : i32
    %add3A_1126 = vector.broadcast %add3A_1125 : i32 to vector<16xi32>
    %add3A_1127 = arith.addi %iota3A, %add3A_1126 : vector<16xi32>
    %gather3A_1128 = tpu.vector_load_idx %arg25[%add3A_1127, %broadcast_in_dim3A_1117] : memref<32x128xf32, #tpu.memory_space<vmem>>[vector<16xi32>, vector<16xi32>], vector<16xf32>,
    %broadcast_in_dim3A_1129 = arith.constant 511 : i32
    %broadcast_in_dim3A_1130 = vector.broadcast %broadcast_in_dim3A_1129 : i32 to vector<16xi32>
    %add3A_1131 = arith.constant 16384 : i32
    %add3A_1132 = vector.broadcast %add3A_1131 : i32 to vector<16xi32>
    %add3A_1133 = arith.addi %add3A_1132, %mul3A_5 : vector<16xi32>
    %add3A_1134 = arith.addi %add3A_1133, %broadcast_in_dim3A_1130 : vector<16xi32>
    tpu.vector_store_idx %arg9[%add3A_1134], %gather3A_1124 : memref<32768xf32, #tpu.memory_space<vmem>>[vector<16xi32>], vector<16xf32>,
    %add3A_1135 = arith.constant 16384 : i32
    %add3A_1136 = vector.broadcast %add3A_1135 : i32 to vector<16xi32>
    %add3A_1137 = arith.addi %add3A_1136, %mul3A_11 : vector<16xi32>
    %add3A_1138 = arith.addi %add3A_1137, %broadcast_in_dim3A_1130 : vector<16xi32>
    tpu.vector_store_idx %arg9[%add3A_1138], %gather3A_1128 : memref<32768xf32, #tpu.memory_space<vmem>>[vector<16xi32>], vector<16xf32>,
    %add3A_1139 = arith.constant 0 : i32
    %add3A_1140 = arith.addi %add3A_1139, %mul3A_2 : i32
    "tpu.region"() ({
      %run_scoped3A = tpu.sem_alloc : memref<!tpu.dma_semaphore, #tpu.memory_space<semaphore_mem>>
      %dma_start3A_1267 = arith.constant 0 : i32
      %dma_start3A_1268 = tpu.memref_slice %arg9[%dma_start3A_1267] : memref<32768xf32, #tpu.memory_space<vmem>> -> memref<512xf32, #tpu.memory_space<vmem>>
      %dma_start3A_1269 = tpu.memref_slice %arg6[%add3A_1140] : memref<1048576xf32, #tpu.memory_space<hbm>> -> memref<512xf32, #tpu.memory_space<hbm>>
      %dma_start3A_1270 = tpu.memref_slice %arg6[%add3A_1140] : memref<1048576xf32, #tpu.memory_space<hbm>> -> memref<512xf32, #tpu.memory_space<hbm>>
      %dma_start3A_1271 = arith.constant 0 : i32
      %dma_start3A_1272 = tpu.memref_slice %arg9[%dma_start3A_1271] : memref<32768xf32, #tpu.memory_space<vmem>> -> memref<512xf32, #tpu.memory_space<vmem>>
      tpu.enqueue_dma source(%dma_start3A_1272 : memref<512xf32, #tpu.memory_space<vmem>>) target(%dma_start3A_1270 : memref<512xf32, #tpu.memory_space<hbm>>) target_semaphore(%run_scoped3A : memref<!tpu.dma_semaphore, #tpu.memory_space<semaphore_mem>>)
      %dma_wait3A_1273 = arith.constant 0 : i32
      %dma_wait3A_1274 = tpu.memref_slice %arg9[%dma_wait3A_1273] : memref<32768xf32, #tpu.memory_space<vmem>> -> memref<512xf32, #tpu.memory_space<vmem>>
      %dma_wait3A_1275 = tpu.memref_slice %arg6[%add3A_1140] : memref<1048576xf32, #tpu.memory_space<hbm>> -> memref<512xf32, #tpu.memory_space<hbm>>
      %dma_wait3A_1276 = tpu.memref_slice %arg6[%add3A_1140] : memref<1048576xf32, #tpu.memory_space<hbm>> -> memref<512xf32, #tpu.memory_space<hbm>>
      %dma_wait3A_1277 = arith.constant 0 : i32
      %dma_wait3A_1278 = tpu.memref_slice %arg9[%dma_wait3A_1277] : memref<32768xf32, #tpu.memory_space<vmem>> -> memref<512xf32, #tpu.memory_space<vmem>>
      tpu.wait_dma2 semaphore(%run_scoped3A : memref<!tpu.dma_semaphore, #tpu.memory_space<semaphore_mem>>) src(%dma_wait3A_1278 : memref<512xf32, #tpu.memory_space<vmem>>) dst(%dma_wait3A_1276 : memref<512xf32, #tpu.memory_space<hbm>>)
      tpu.yield
    }) : () -> ()
    %add3A_1141 = arith.constant 16384 : i32
    %add3A_1142 = arith.addi %add3A_1141, %mul3A_2 : i32
    "tpu.region"() ({
      %run_scoped3A = tpu.sem_alloc : memref<!tpu.dma_semaphore, #tpu.memory_space<semaphore_mem>>
      %dma_start3A_1267 = arith.constant 512 : i32
      %dma_start3A_1268 = tpu.memref_slice %arg9[%dma_start3A_1267] : memref<32768xf32, #tpu.memory_space<vmem>> -> memref<512xf32, #tpu.memory_space<vmem>>
      %dma_start3A_1269 = tpu.memref_slice %arg6[%add3A_1142] : memref<1048576xf32, #tpu.memory_space<hbm>> -> memref<512xf32, #tpu.memory_space<hbm>>
      %dma_start3A_1270 = tpu.memref_slice %arg6[%add3A_1142] : memref<1048576xf32, #tpu.memory_space<hbm>> -> memref<512xf32, #tpu.memory_space<hbm>>
      %dma_start3A_1271 = arith.constant 512 : i32
      %dma_start3A_1272 = tpu.memref_slice %arg9[%dma_start3A_1271] : memref<32768xf32, #tpu.memory_space<vmem>> -> memref<512xf32, #tpu.memory_space<vmem>>
      tpu.enqueue_dma source(%dma_start3A_1272 : memref<512xf32, #tpu.memory_space<vmem>>) target(%dma_start3A_1270 : memref<512xf32, #tpu.memory_space<hbm>>) target_semaphore(%run_scoped3A : memref<!tpu.dma_semaphore, #tpu.memory_space<semaphore_mem>>)
      %dma_wait3A_1273 = arith.constant 512 : i32
      %dma_wait3A_1274 = tpu.memref_slice %arg9[%dma_wait3A_1273] : memref<32768xf32, #tpu.memory_space<vmem>> -> memref<512xf32, #tpu.memory_space<vmem>>
      %dma_wait3A_1275 = tpu.memref_slice %arg6[%add3A_1142] : memref<1048576xf32, #tpu.memory_space<hbm>> -> memref<512xf32, #tpu.memory_space<hbm>>
      %dma_wait3A_1276 = tpu.memref_slice %arg6[%add3A_1142] : memref<1048576xf32, #tpu.memory_space<hbm>> -> memref<512xf32, #tpu.memory_space<hbm>>
      %dma_wait3A_1277 = arith.constant 512 : i32
      %dma_wait3A_1278 = tpu.memref_slice %arg9[%dma_wait3A_1277] : memref<32768xf32, #tpu.memory_space<vmem>> -> memref<512xf32, #tpu.memory_space<vmem>>
      tpu.wait_dma2 semaphore(%run_scoped3A : memref<!tpu.dma_semaphore, #tpu.memory_space<semaphore_mem>>) src(%dma_wait3A_1278 : memref<512xf32, #tpu.memory_space<vmem>>) dst(%dma_wait3A_1276 : memref<512xf32, #tpu.memory_space<hbm>>)
      tpu.yield
    }) : () -> ()
    %add3A_1143 = arith.constant 32768 : i32
    %add3A_1144 = arith.addi %add3A_1143, %mul3A_2 : i32
    "tpu.region"() ({
      %run_scoped3A = tpu.sem_alloc : memref<!tpu.dma_semaphore, #tpu.memory_space<semaphore_mem>>
      %dma_start3A_1267 = arith.constant 1024 : i32
      %dma_start3A_1268 = tpu.memref_slice %arg9[%dma_start3A_1267] : memref<32768xf32, #tpu.memory_space<vmem>> -> memref<512xf32, #tpu.memory_space<vmem>>
      %dma_start3A_1269 = tpu.memref_slice %arg6[%add3A_1144] : memref<1048576xf32, #tpu.memory_space<hbm>> -> memref<512xf32, #tpu.memory_space<hbm>>
      %dma_start3A_1270 = tpu.memref_slice %arg6[%add3A_1144] : memref<1048576xf32, #tpu.memory_space<hbm>> -> memref<512xf32, #tpu.memory_space<hbm>>
      %dma_start3A_1271 = arith.constant 1024 : i32
      %dma_start3A_1272 = tpu.memref_slice %arg9[%dma_start3A_1271] : memref<32768xf32, #tpu.memory_space<vmem>> -> memref<512xf32, #tpu.memory_space<vmem>>
      tpu.enqueue_dma source(%dma_start3A_1272 : memref<512xf32, #tpu.memory_space<vmem>>) target(%dma_start3A_1270 : memref<512xf32, #tpu.memory_space<hbm>>) target_semaphore(%run_scoped3A : memref<!tpu.dma_semaphore, #tpu.memory_space<semaphore_mem>>)
      %dma_wait3A_1273 = arith.constant 1024 : i32
      %dma_wait3A_1274 = tpu.memref_slice %arg9[%dma_wait3A_1273] : memref<32768xf32, #tpu.memory_space<vmem>> -> memref<512xf32, #tpu.memory_space<vmem>>
      %dma_wait3A_1275 = tpu.memref_slice %arg6[%add3A_1144] : memref<1048576xf32, #tpu.memory_space<hbm>> -> memref<512xf32, #tpu.memory_space<hbm>>
      %dma_wait3A_1276 = tpu.memref_slice %arg6[%add3A_1144] : memref<1048576xf32, #tpu.memory_space<hbm>> -> memref<512xf32, #tpu.memory_space<hbm>>
      %dma_wait3A_1277 = arith.constant 1024 : i32
      %dma_wait3A_1278 = tpu.memref_slice %arg9[%dma_wait3A_1277] : memref<32768xf32, #tpu.memory_space<vmem>> -> memref<512xf32, #tpu.memory_space<vmem>>
      tpu.wait_dma2 semaphore(%run_scoped3A : memref<!tpu.dma_semaphore, #tpu.memory_space<semaphore_mem>>) src(%dma_wait3A_1278 : memref<512xf32, #tpu.memory_space<vmem>>) dst(%dma_wait3A_1276 : memref<512xf32, #tpu.memory_space<hbm>>)
      tpu.yield
    }) : () -> ()
    %add3A_1145 = arith.constant 49152 : i32
    %add3A_1146 = arith.addi %add3A_1145, %mul3A_2 : i32
    "tpu.region"() ({
      %run_scoped3A = tpu.sem_alloc : memref<!tpu.dma_semaphore, #tpu.memory_space<semaphore_mem>>
      %dma_start3A_1267 = arith.constant 1536 : i32
      %dma_start3A_1268 = tpu.memref_slice %arg9[%dma_start3A_1267] : memref<32768xf32, #tpu.memory_space<vmem>> -> memref<512xf32, #tpu.memory_space<vmem>>
      %dma_start3A_1269 = tpu.memref_slice %arg6[%add3A_1146] : memref<1048576xf32, #tpu.memory_space<hbm>> -> memref<512xf32, #tpu.memory_space<hbm>>
      %dma_start3A_1270 = tpu.memref_slice %arg6[%add3A_1146] : memref<1048576xf32, #tpu.memory_space<hbm>> -> memref<512xf32, #tpu.memory_space<hbm>>
      %dma_start3A_1271 = arith.constant 1536 : i32
      %dma_start3A_1272 = tpu.memref_slice %arg9[%dma_start3A_1271] : memref<32768xf32, #tpu.memory_space<vmem>> -> memref<512xf32, #tpu.memory_space<vmem>>
      tpu.enqueue_dma source(%dma_start3A_1272 : memref<512xf32, #tpu.memory_space<vmem>>) target(%dma_start3A_1270 : memref<512xf32, #tpu.memory_space<hbm>>) target_semaphore(%run_scoped3A : memref<!tpu.dma_semaphore, #tpu.memory_space<semaphore_mem>>)
      %dma_wait3A_1273 = arith.constant 1536 : i32
      %dma_wait3A_1274 = tpu.memref_slice %arg9[%dma_wait3A_1273] : memref<32768xf32, #tpu.memory_space<vmem>> -> memref<512xf32, #tpu.memory_space<vmem>>
      %dma_wait3A_1275 = tpu.memref_slice %arg6[%add3A_1146] : memref<1048576xf32, #tpu.memory_space<hbm>> -> memref<512xf32, #tpu.memory_space<hbm>>
      %dma_wait3A_1276 = tpu.memref_slice %arg6[%add3A_1146] : memref<1048576xf32, #tpu.memory_space<hbm>> -> memref<512xf32, #tpu.memory_space<hbm>>
      %dma_wait3A_1277 = arith.constant 1536 : i32
      %dma_wait3A_1278 = tpu.memref_slice %arg9[%dma_wait3A_1277] : memref<32768xf32, #tpu.memory_space<vmem>> -> memref<512xf32, #tpu.memory_space<vmem>>
      tpu.wait_dma2 semaphore(%run_scoped3A : memref<!tpu.dma_semaphore, #tpu.memory_space<semaphore_mem>>) src(%dma_wait3A_1278 : memref<512xf32, #tpu.memory_space<vmem>>) dst(%dma_wait3A_1276 : memref<512xf32, #tpu.memory_space<hbm>>)
      tpu.yield
    }) : () -> ()
    %add3A_1147 = arith.constant 65536 : i32
    %add3A_1148 = arith.addi %add3A_1147, %mul3A_2 : i32
    "tpu.region"() ({
      %run_scoped3A = tpu.sem_alloc : memref<!tpu.dma_semaphore, #tpu.memory_space<semaphore_mem>>
      %dma_start3A_1267 = arith.constant 2048 : i32
      %dma_start3A_1268 = tpu.memref_slice %arg9[%dma_start3A_1267] : memref<32768xf32, #tpu.memory_space<vmem>> -> memref<512xf32, #tpu.memory_space<vmem>>
      %dma_start3A_1269 = tpu.memref_slice %arg6[%add3A_1148] : memref<1048576xf32, #tpu.memory_space<hbm>> -> memref<512xf32, #tpu.memory_space<hbm>>
      %dma_start3A_1270 = tpu.memref_slice %arg6[%add3A_1148] : memref<1048576xf32, #tpu.memory_space<hbm>> -> memref<512xf32, #tpu.memory_space<hbm>>
      %dma_start3A_1271 = arith.constant 2048 : i32
      %dma_start3A_1272 = tpu.memref_slice %arg9[%dma_start3A_1271] : memref<32768xf32, #tpu.memory_space<vmem>> -> memref<512xf32, #tpu.memory_space<vmem>>
      tpu.enqueue_dma source(%dma_start3A_1272 : memref<512xf32, #tpu.memory_space<vmem>>) target(%dma_start3A_1270 : memref<512xf32, #tpu.memory_space<hbm>>) target_semaphore(%run_scoped3A : memref<!tpu.dma_semaphore, #tpu.memory_space<semaphore_mem>>)
      %dma_wait3A_1273 = arith.constant 2048 : i32
      %dma_wait3A_1274 = tpu.memref_slice %arg9[%dma_wait3A_1273] : memref<32768xf32, #tpu.memory_space<vmem>> -> memref<512xf32, #tpu.memory_space<vmem>>
      %dma_wait3A_1275 = tpu.memref_slice %arg6[%add3A_1148] : memref<1048576xf32, #tpu.memory_space<hbm>> -> memref<512xf32, #tpu.memory_space<hbm>>
      %dma_wait3A_1276 = tpu.memref_slice %arg6[%add3A_1148] : memref<1048576xf32, #tpu.memory_space<hbm>> -> memref<512xf32, #tpu.memory_space<hbm>>
      %dma_wait3A_1277 = arith.constant 2048 : i32
      %dma_wait3A_1278 = tpu.memref_slice %arg9[%dma_wait3A_1277] : memref<32768xf32, #tpu.memory_space<vmem>> -> memref<512xf32, #tpu.memory_space<vmem>>
      tpu.wait_dma2 semaphore(%run_scoped3A : memref<!tpu.dma_semaphore, #tpu.memory_space<semaphore_mem>>) src(%dma_wait3A_1278 : memref<512xf32, #tpu.memory_space<vmem>>) dst(%dma_wait3A_1276 : memref<512xf32, #tpu.memory_space<hbm>>)
      tpu.yield
    }) : () -> ()
    %add3A_1149 = arith.constant 81920 : i32
    %add3A_1150 = arith.addi %add3A_1149, %mul3A_2 : i32
    "tpu.region"() ({
      %run_scoped3A = tpu.sem_alloc : memref<!tpu.dma_semaphore, #tpu.memory_space<semaphore_mem>>
      %dma_start3A_1267 = arith.constant 2560 : i32
      %dma_start3A_1268 = tpu.memref_slice %arg9[%dma_start3A_1267] : memref<32768xf32, #tpu.memory_space<vmem>> -> memref<512xf32, #tpu.memory_space<vmem>>
      %dma_start3A_1269 = tpu.memref_slice %arg6[%add3A_1150] : memref<1048576xf32, #tpu.memory_space<hbm>> -> memref<512xf32, #tpu.memory_space<hbm>>
      %dma_start3A_1270 = tpu.memref_slice %arg6[%add3A_1150] : memref<1048576xf32, #tpu.memory_space<hbm>> -> memref<512xf32, #tpu.memory_space<hbm>>
      %dma_start3A_1271 = arith.constant 2560 : i32
      %dma_start3A_1272 = tpu.memref_slice %arg9[%dma_start3A_1271] : memref<32768xf32, #tpu.memory_space<vmem>> -> memref<512xf32, #tpu.memory_space<vmem>>
      tpu.enqueue_dma source(%dma_start3A_1272 : memref<512xf32, #tpu.memory_space<vmem>>) target(%dma_start3A_1270 : memref<512xf32, #tpu.memory_space<hbm>>) target_semaphore(%run_scoped3A : memref<!tpu.dma_semaphore, #tpu.memory_space<semaphore_mem>>)
      %dma_wait3A_1273 = arith.constant 2560 : i32
      %dma_wait3A_1274 = tpu.memref_slice %arg9[%dma_wait3A_1273] : memref<32768xf32, #tpu.memory_space<vmem>> -> memref<512xf32, #tpu.memory_space<vmem>>
      %dma_wait3A_1275 = tpu.memref_slice %arg6[%add3A_1150] : memref<1048576xf32, #tpu.memory_space<hbm>> -> memref<512xf32, #tpu.memory_space<hbm>>
      %dma_wait3A_1276 = tpu.memref_slice %arg6[%add3A_1150] : memref<1048576xf32, #tpu.memory_space<hbm>> -> memref<512xf32, #tpu.memory_space<hbm>>
      %dma_wait3A_1277 = arith.constant 2560 : i32
      %dma_wait3A_1278 = tpu.memref_slice %arg9[%dma_wait3A_1277] : memref<32768xf32, #tpu.memory_space<vmem>> -> memref<512xf32, #tpu.memory_space<vmem>>
      tpu.wait_dma2 semaphore(%run_scoped3A : memref<!tpu.dma_semaphore, #tpu.memory_space<semaphore_mem>>) src(%dma_wait3A_1278 : memref<512xf32, #tpu.memory_space<vmem>>) dst(%dma_wait3A_1276 : memref<512xf32, #tpu.memory_space<hbm>>)
      tpu.yield
    }) : () -> ()
    %add3A_1151 = arith.constant 98304 : i32
    %add3A_1152 = arith.addi %add3A_1151, %mul3A_2 : i32
    "tpu.region"() ({
      %run_scoped3A = tpu.sem_alloc : memref<!tpu.dma_semaphore, #tpu.memory_space<semaphore_mem>>
      %dma_start3A_1267 = arith.constant 3072 : i32
      %dma_start3A_1268 = tpu.memref_slice %arg9[%dma_start3A_1267] : memref<32768xf32, #tpu.memory_space<vmem>> -> memref<512xf32, #tpu.memory_space<vmem>>
      %dma_start3A_1269 = tpu.memref_slice %arg6[%add3A_1152] : memref<1048576xf32, #tpu.memory_space<hbm>> -> memref<512xf32, #tpu.memory_space<hbm>>
      %dma_start3A_1270 = tpu.memref_slice %arg6[%add3A_1152] : memref<1048576xf32, #tpu.memory_space<hbm>> -> memref<512xf32, #tpu.memory_space<hbm>>
      %dma_start3A_1271 = arith.constant 3072 : i32
      %dma_start3A_1272 = tpu.memref_slice %arg9[%dma_start3A_1271] : memref<32768xf32, #tpu.memory_space<vmem>> -> memref<512xf32, #tpu.memory_space<vmem>>
      tpu.enqueue_dma source(%dma_start3A_1272 : memref<512xf32, #tpu.memory_space<vmem>>) target(%dma_start3A_1270 : memref<512xf32, #tpu.memory_space<hbm>>) target_semaphore(%run_scoped3A : memref<!tpu.dma_semaphore, #tpu.memory_space<semaphore_mem>>)
      %dma_wait3A_1273 = arith.constant 3072 : i32
      %dma_wait3A_1274 = tpu.memref_slice %arg9[%dma_wait3A_1273] : memref<32768xf32, #tpu.memory_space<vmem>> -> memref<512xf32, #tpu.memory_space<vmem>>
      %dma_wait3A_1275 = tpu.memref_slice %arg6[%add3A_1152] : memref<1048576xf32, #tpu.memory_space<hbm>> -> memref<512xf32, #tpu.memory_space<hbm>>
      %dma_wait3A_1276 = tpu.memref_slice %arg6[%add3A_1152] : memref<1048576xf32, #tpu.memory_space<hbm>> -> memref<512xf32, #tpu.memory_space<hbm>>
      %dma_wait3A_1277 = arith.constant 3072 : i32
      %dma_wait3A_1278 = tpu.memref_slice %arg9[%dma_wait3A_1277] : memref<32768xf32, #tpu.memory_space<vmem>> -> memref<512xf32, #tpu.memory_space<vmem>>
      tpu.wait_dma2 semaphore(%run_scoped3A : memref<!tpu.dma_semaphore, #tpu.memory_space<semaphore_mem>>) src(%dma_wait3A_1278 : memref<512xf32, #tpu.memory_space<vmem>>) dst(%dma_wait3A_1276 : memref<512xf32, #tpu.memory_space<hbm>>)
      tpu.yield
    }) : () -> ()
    %add3A_1153 = arith.constant 114688 : i32
    %add3A_1154 = arith.addi %add3A_1153, %mul3A_2 : i32
    "tpu.region"() ({
      %run_scoped3A = tpu.sem_alloc : memref<!tpu.dma_semaphore, #tpu.memory_space<semaphore_mem>>
      %dma_start3A_1267 = arith.constant 3584 : i32
      %dma_start3A_1268 = tpu.memref_slice %arg9[%dma_start3A_1267] : memref<32768xf32, #tpu.memory_space<vmem>> -> memref<512xf32, #tpu.memory_space<vmem>>
      %dma_start3A_1269 = tpu.memref_slice %arg6[%add3A_1154] : memref<1048576xf32, #tpu.memory_space<hbm>> -> memref<512xf32, #tpu.memory_space<hbm>>
      %dma_start3A_1270 = tpu.memref_slice %arg6[%add3A_1154] : memref<1048576xf32, #tpu.memory_space<hbm>> -> memref<512xf32, #tpu.memory_space<hbm>>
      %dma_start3A_1271 = arith.constant 3584 : i32
      %dma_start3A_1272 = tpu.memref_slice %arg9[%dma_start3A_1271] : memref<32768xf32, #tpu.memory_space<vmem>> -> memref<512xf32, #tpu.memory_space<vmem>>
      tpu.enqueue_dma source(%dma_start3A_1272 : memref<512xf32, #tpu.memory_space<vmem>>) target(%dma_start3A_1270 : memref<512xf32, #tpu.memory_space<hbm>>) target_semaphore(%run_scoped3A : memref<!tpu.dma_semaphore, #tpu.memory_space<semaphore_mem>>)
      %dma_wait3A_1273 = arith.constant 3584 : i32
      %dma_wait3A_1274 = tpu.memref_slice %arg9[%dma_wait3A_1273] : memref<32768xf32, #tpu.memory_space<vmem>> -> memref<512xf32, #tpu.memory_space<vmem>>
      %dma_wait3A_1275 = tpu.memref_slice %arg6[%add3A_1154] : memref<1048576xf32, #tpu.memory_space<hbm>> -> memref<512xf32, #tpu.memory_space<hbm>>
      %dma_wait3A_1276 = tpu.memref_slice %arg6[%add3A_1154] : memref<1048576xf32, #tpu.memory_space<hbm>> -> memref<512xf32, #tpu.memory_space<hbm>>
      %dma_wait3A_1277 = arith.constant 3584 : i32
      %dma_wait3A_1278 = tpu.memref_slice %arg9[%dma_wait3A_1277] : memref<32768xf32, #tpu.memory_space<vmem>> -> memref<512xf32, #tpu.memory_space<vmem>>
      tpu.wait_dma2 semaphore(%run_scoped3A : memref<!tpu.dma_semaphore, #tpu.memory_space<semaphore_mem>>) src(%dma_wait3A_1278 : memref<512xf32, #tpu.memory_space<vmem>>) dst(%dma_wait3A_1276 : memref<512xf32, #tpu.memory_space<hbm>>)
      tpu.yield
    }) : () -> ()
    %add3A_1155 = arith.constant 131072 : i32
    %add3A_1156 = arith.addi %add3A_1155, %mul3A_2 : i32
    "tpu.region"() ({
      %run_scoped3A = tpu.sem_alloc : memref<!tpu.dma_semaphore, #tpu.memory_space<semaphore_mem>>
      %dma_start3A_1267 = arith.constant 4096 : i32
      %dma_start3A_1268 = tpu.memref_slice %arg9[%dma_start3A_1267] : memref<32768xf32, #tpu.memory_space<vmem>> -> memref<512xf32, #tpu.memory_space<vmem>>
      %dma_start3A_1269 = tpu.memref_slice %arg6[%add3A_1156] : memref<1048576xf32, #tpu.memory_space<hbm>> -> memref<512xf32, #tpu.memory_space<hbm>>
      %dma_start3A_1270 = tpu.memref_slice %arg6[%add3A_1156] : memref<1048576xf32, #tpu.memory_space<hbm>> -> memref<512xf32, #tpu.memory_space<hbm>>
      %dma_start3A_1271 = arith.constant 4096 : i32
      %dma_start3A_1272 = tpu.memref_slice %arg9[%dma_start3A_1271] : memref<32768xf32, #tpu.memory_space<vmem>> -> memref<512xf32, #tpu.memory_space<vmem>>
      tpu.enqueue_dma source(%dma_start3A_1272 : memref<512xf32, #tpu.memory_space<vmem>>) target(%dma_start3A_1270 : memref<512xf32, #tpu.memory_space<hbm>>) target_semaphore(%run_scoped3A : memref<!tpu.dma_semaphore, #tpu.memory_space<semaphore_mem>>)
      %dma_wait3A_1273 = arith.constant 4096 : i32
      %dma_wait3A_1274 = tpu.memref_slice %arg9[%dma_wait3A_1273] : memref<32768xf32, #tpu.memory_space<vmem>> -> memref<512xf32, #tpu.memory_space<vmem>>
      %dma_wait3A_1275 = tpu.memref_slice %arg6[%add3A_1156] : memref<1048576xf32, #tpu.memory_space<hbm>> -> memref<512xf32, #tpu.memory_space<hbm>>
      %dma_wait3A_1276 = tpu.memref_slice %arg6[%add3A_1156] : memref<1048576xf32, #tpu.memory_space<hbm>> -> memref<512xf32, #tpu.memory_space<hbm>>
      %dma_wait3A_1277 = arith.constant 4096 : i32
      %dma_wait3A_1278 = tpu.memref_slice %arg9[%dma_wait3A_1277] : memref<32768xf32, #tpu.memory_space<vmem>> -> memref<512xf32, #tpu.memory_space<vmem>>
      tpu.wait_dma2 semaphore(%run_scoped3A : memref<!tpu.dma_semaphore, #tpu.memory_space<semaphore_mem>>) src(%dma_wait3A_1278 : memref<512xf32, #tpu.memory_space<vmem>>) dst(%dma_wait3A_1276 : memref<512xf32, #tpu.memory_space<hbm>>)
      tpu.yield
    }) : () -> ()
    %add3A_1157 = arith.constant 147456 : i32
    %add3A_1158 = arith.addi %add3A_1157, %mul3A_2 : i32
    "tpu.region"() ({
      %run_scoped3A = tpu.sem_alloc : memref<!tpu.dma_semaphore, #tpu.memory_space<semaphore_mem>>
      %dma_start3A_1267 = arith.constant 4608 : i32
      %dma_start3A_1268 = tpu.memref_slice %arg9[%dma_start3A_1267] : memref<32768xf32, #tpu.memory_space<vmem>> -> memref<512xf32, #tpu.memory_space<vmem>>
      %dma_start3A_1269 = tpu.memref_slice %arg6[%add3A_1158] : memref<1048576xf32, #tpu.memory_space<hbm>> -> memref<512xf32, #tpu.memory_space<hbm>>
      %dma_start3A_1270 = tpu.memref_slice %arg6[%add3A_1158] : memref<1048576xf32, #tpu.memory_space<hbm>> -> memref<512xf32, #tpu.memory_space<hbm>>
      %dma_start3A_1271 = arith.constant 4608 : i32
      %dma_start3A_1272 = tpu.memref_slice %arg9[%dma_start3A_1271] : memref<32768xf32, #tpu.memory_space<vmem>> -> memref<512xf32, #tpu.memory_space<vmem>>
      tpu.enqueue_dma source(%dma_start3A_1272 : memref<512xf32, #tpu.memory_space<vmem>>) target(%dma_start3A_1270 : memref<512xf32, #tpu.memory_space<hbm>>) target_semaphore(%run_scoped3A : memref<!tpu.dma_semaphore, #tpu.memory_space<semaphore_mem>>)
      %dma_wait3A_1273 = arith.constant 4608 : i32
      %dma_wait3A_1274 = tpu.memref_slice %arg9[%dma_wait3A_1273] : memref<32768xf32, #tpu.memory_space<vmem>> -> memref<512xf32, #tpu.memory_space<vmem>>
      %dma_wait3A_1275 = tpu.memref_slice %arg6[%add3A_1158] : memref<1048576xf32, #tpu.memory_space<hbm>> -> memref<512xf32, #tpu.memory_space<hbm>>
      %dma_wait3A_1276 = tpu.memref_slice %arg6[%add3A_1158] : memref<1048576xf32, #tpu.memory_space<hbm>> -> memref<512xf32, #tpu.memory_space<hbm>>
      %dma_wait3A_1277 = arith.constant 4608 : i32
      %dma_wait3A_1278 = tpu.memref_slice %arg9[%dma_wait3A_1277] : memref<32768xf32, #tpu.memory_space<vmem>> -> memref<512xf32, #tpu.memory_space<vmem>>
      tpu.wait_dma2 semaphore(%run_scoped3A : memref<!tpu.dma_semaphore, #tpu.memory_space<semaphore_mem>>) src(%dma_wait3A_1278 : memref<512xf32, #tpu.memory_space<vmem>>) dst(%dma_wait3A_1276 : memref<512xf32, #tpu.memory_space<hbm>>)
      tpu.yield
    }) : () -> ()
    %add3A_1159 = arith.constant 163840 : i32
    %add3A_1160 = arith.addi %add3A_1159, %mul3A_2 : i32
    "tpu.region"() ({
      %run_scoped3A = tpu.sem_alloc : memref<!tpu.dma_semaphore, #tpu.memory_space<semaphore_mem>>
      %dma_start3A_1267 = arith.constant 5120 : i32
      %dma_start3A_1268 = tpu.memref_slice %arg9[%dma_start3A_1267] : memref<32768xf32, #tpu.memory_space<vmem>> -> memref<512xf32, #tpu.memory_space<vmem>>
      %dma_start3A_1269 = tpu.memref_slice %arg6[%add3A_1160] : memref<1048576xf32, #tpu.memory_space<hbm>> -> memref<512xf32, #tpu.memory_space<hbm>>
      %dma_start3A_1270 = tpu.memref_slice %arg6[%add3A_1160] : memref<1048576xf32, #tpu.memory_space<hbm>> -> memref<512xf32, #tpu.memory_space<hbm>>
      %dma_start3A_1271 = arith.constant 5120 : i32
      %dma_start3A_1272 = tpu.memref_slice %arg9[%dma_start3A_1271] : memref<32768xf32, #tpu.memory_space<vmem>> -> memref<512xf32, #tpu.memory_space<vmem>>
      tpu.enqueue_dma source(%dma_start3A_1272 : memref<512xf32, #tpu.memory_space<vmem>>) target(%dma_start3A_1270 : memref<512xf32, #tpu.memory_space<hbm>>) target_semaphore(%run_scoped3A : memref<!tpu.dma_semaphore, #tpu.memory_space<semaphore_mem>>)
      %dma_wait3A_1273 = arith.constant 5120 : i32
      %dma_wait3A_1274 = tpu.memref_slice %arg9[%dma_wait3A_1273] : memref<32768xf32, #tpu.memory_space<vmem>> -> memref<512xf32, #tpu.memory_space<vmem>>
      %dma_wait3A_1275 = tpu.memref_slice %arg6[%add3A_1160] : memref<1048576xf32, #tpu.memory_space<hbm>> -> memref<512xf32, #tpu.memory_space<hbm>>
      %dma_wait3A_1276 = tpu.memref_slice %arg6[%add3A_1160] : memref<1048576xf32, #tpu.memory_space<hbm>> -> memref<512xf32, #tpu.memory_space<hbm>>
      %dma_wait3A_1277 = arith.constant 5120 : i32
      %dma_wait3A_1278 = tpu.memref_slice %arg9[%dma_wait3A_1277] : memref<32768xf32, #tpu.memory_space<vmem>> -> memref<512xf32, #tpu.memory_space<vmem>>
      tpu.wait_dma2 semaphore(%run_scoped3A : memref<!tpu.dma_semaphore, #tpu.memory_space<semaphore_mem>>) src(%dma_wait3A_1278 : memref<512xf32, #tpu.memory_space<vmem>>) dst(%dma_wait3A_1276 : memref<512xf32, #tpu.memory_space<hbm>>)
      tpu.yield
    }) : () -> ()
    %add3A_1161 = arith.constant 180224 : i32
    %add3A_1162 = arith.addi %add3A_1161, %mul3A_2 : i32
    "tpu.region"() ({
      %run_scoped3A = tpu.sem_alloc : memref<!tpu.dma_semaphore, #tpu.memory_space<semaphore_mem>>
      %dma_start3A_1267 = arith.constant 5632 : i32
      %dma_start3A_1268 = tpu.memref_slice %arg9[%dma_start3A_1267] : memref<32768xf32, #tpu.memory_space<vmem>> -> memref<512xf32, #tpu.memory_space<vmem>>
      %dma_start3A_1269 = tpu.memref_slice %arg6[%add3A_1162] : memref<1048576xf32, #tpu.memory_space<hbm>> -> memref<512xf32, #tpu.memory_space<hbm>>
      %dma_start3A_1270 = tpu.memref_slice %arg6[%add3A_1162] : memref<1048576xf32, #tpu.memory_space<hbm>> -> memref<512xf32, #tpu.memory_space<hbm>>
      %dma_start3A_1271 = arith.constant 5632 : i32
      %dma_start3A_1272 = tpu.memref_slice %arg9[%dma_start3A_1271] : memref<32768xf32, #tpu.memory_space<vmem>> -> memref<512xf32, #tpu.memory_space<vmem>>
      tpu.enqueue_dma source(%dma_start3A_1272 : memref<512xf32, #tpu.memory_space<vmem>>) target(%dma_start3A_1270 : memref<512xf32, #tpu.memory_space<hbm>>) target_semaphore(%run_scoped3A : memref<!tpu.dma_semaphore, #tpu.memory_space<semaphore_mem>>)
      %dma_wait3A_1273 = arith.constant 5632 : i32
      %dma_wait3A_1274 = tpu.memref_slice %arg9[%dma_wait3A_1273] : memref<32768xf32, #tpu.memory_space<vmem>> -> memref<512xf32, #tpu.memory_space<vmem>>
      %dma_wait3A_1275 = tpu.memref_slice %arg6[%add3A_1162] : memref<1048576xf32, #tpu.memory_space<hbm>> -> memref<512xf32, #tpu.memory_space<hbm>>
      %dma_wait3A_1276 = tpu.memref_slice %arg6[%add3A_1162] : memref<1048576xf32, #tpu.memory_space<hbm>> -> memref<512xf32, #tpu.memory_space<hbm>>
      %dma_wait3A_1277 = arith.constant 5632 : i32
      %dma_wait3A_1278 = tpu.memref_slice %arg9[%dma_wait3A_1277] : memref<32768xf32, #tpu.memory_space<vmem>> -> memref<512xf32, #tpu.memory_space<vmem>>
      tpu.wait_dma2 semaphore(%run_scoped3A : memref<!tpu.dma_semaphore, #tpu.memory_space<semaphore_mem>>) src(%dma_wait3A_1278 : memref<512xf32, #tpu.memory_space<vmem>>) dst(%dma_wait3A_1276 : memref<512xf32, #tpu.memory_space<hbm>>)
      tpu.yield
    }) : () -> ()
    %add3A_1163 = arith.constant 196608 : i32
    %add3A_1164 = arith.addi %add3A_1163, %mul3A_2 : i32
    "tpu.region"() ({
      %run_scoped3A = tpu.sem_alloc : memref<!tpu.dma_semaphore, #tpu.memory_space<semaphore_mem>>
      %dma_start3A_1267 = arith.constant 6144 : i32
      %dma_start3A_1268 = tpu.memref_slice %arg9[%dma_start3A_1267] : memref<32768xf32, #tpu.memory_space<vmem>> -> memref<512xf32, #tpu.memory_space<vmem>>
      %dma_start3A_1269 = tpu.memref_slice %arg6[%add3A_1164] : memref<1048576xf32, #tpu.memory_space<hbm>> -> memref<512xf32, #tpu.memory_space<hbm>>
      %dma_start3A_1270 = tpu.memref_slice %arg6[%add3A_1164] : memref<1048576xf32, #tpu.memory_space<hbm>> -> memref<512xf32, #tpu.memory_space<hbm>>
      %dma_start3A_1271 = arith.constant 6144 : i32
      %dma_start3A_1272 = tpu.memref_slice %arg9[%dma_start3A_1271] : memref<32768xf32, #tpu.memory_space<vmem>> -> memref<512xf32, #tpu.memory_space<vmem>>
      tpu.enqueue_dma source(%dma_start3A_1272 : memref<512xf32, #tpu.memory_space<vmem>>) target(%dma_start3A_1270 : memref<512xf32, #tpu.memory_space<hbm>>) target_semaphore(%run_scoped3A : memref<!tpu.dma_semaphore, #tpu.memory_space<semaphore_mem>>)
      %dma_wait3A_1273 = arith.constant 6144 : i32
      %dma_wait3A_1274 = tpu.memref_slice %arg9[%dma_wait3A_1273] : memref<32768xf32, #tpu.memory_space<vmem>> -> memref<512xf32, #tpu.memory_space<vmem>>
      %dma_wait3A_1275 = tpu.memref_slice %arg6[%add3A_1164] : memref<1048576xf32, #tpu.memory_space<hbm>> -> memref<512xf32, #tpu.memory_space<hbm>>
      %dma_wait3A_1276 = tpu.memref_slice %arg6[%add3A_1164] : memref<1048576xf32, #tpu.memory_space<hbm>> -> memref<512xf32, #tpu.memory_space<hbm>>
      %dma_wait3A_1277 = arith.constant 6144 : i32
      %dma_wait3A_1278 = tpu.memref_slice %arg9[%dma_wait3A_1277] : memref<32768xf32, #tpu.memory_space<vmem>> -> memref<512xf32, #tpu.memory_space<vmem>>
      tpu.wait_dma2 semaphore(%run_scoped3A : memref<!tpu.dma_semaphore, #tpu.memory_space<semaphore_mem>>) src(%dma_wait3A_1278 : memref<512xf32, #tpu.memory_space<vmem>>) dst(%dma_wait3A_1276 : memref<512xf32, #tpu.memory_space<hbm>>)
      tpu.yield
    }) : () -> ()
    %add3A_1165 = arith.constant 212992 : i32
    %add3A_1166 = arith.addi %add3A_1165, %mul3A_2 : i32
    "tpu.region"() ({
      %run_scoped3A = tpu.sem_alloc : memref<!tpu.dma_semaphore, #tpu.memory_space<semaphore_mem>>
      %dma_start3A_1267 = arith.constant 6656 : i32
      %dma_start3A_1268 = tpu.memref_slice %arg9[%dma_start3A_1267] : memref<32768xf32, #tpu.memory_space<vmem>> -> memref<512xf32, #tpu.memory_space<vmem>>
      %dma_start3A_1269 = tpu.memref_slice %arg6[%add3A_1166] : memref<1048576xf32, #tpu.memory_space<hbm>> -> memref<512xf32, #tpu.memory_space<hbm>>
      %dma_start3A_1270 = tpu.memref_slice %arg6[%add3A_1166] : memref<1048576xf32, #tpu.memory_space<hbm>> -> memref<512xf32, #tpu.memory_space<hbm>>
      %dma_start3A_1271 = arith.constant 6656 : i32
      %dma_start3A_1272 = tpu.memref_slice %arg9[%dma_start3A_1271] : memref<32768xf32, #tpu.memory_space<vmem>> -> memref<512xf32, #tpu.memory_space<vmem>>
      tpu.enqueue_dma source(%dma_start3A_1272 : memref<512xf32, #tpu.memory_space<vmem>>) target(%dma_start3A_1270 : memref<512xf32, #tpu.memory_space<hbm>>) target_semaphore(%run_scoped3A : memref<!tpu.dma_semaphore, #tpu.memory_space<semaphore_mem>>)
      %dma_wait3A_1273 = arith.constant 6656 : i32
      %dma_wait3A_1274 = tpu.memref_slice %arg9[%dma_wait3A_1273] : memref<32768xf32, #tpu.memory_space<vmem>> -> memref<512xf32, #tpu.memory_space<vmem>>
      %dma_wait3A_1275 = tpu.memref_slice %arg6[%add3A_1166] : memref<1048576xf32, #tpu.memory_space<hbm>> -> memref<512xf32, #tpu.memory_space<hbm>>
      %dma_wait3A_1276 = tpu.memref_slice %arg6[%add3A_1166] : memref<1048576xf32, #tpu.memory_space<hbm>> -> memref<512xf32, #tpu.memory_space<hbm>>
      %dma_wait3A_1277 = arith.constant 6656 : i32
      %dma_wait3A_1278 = tpu.memref_slice %arg9[%dma_wait3A_1277] : memref<32768xf32, #tpu.memory_space<vmem>> -> memref<512xf32, #tpu.memory_space<vmem>>
      tpu.wait_dma2 semaphore(%run_scoped3A : memref<!tpu.dma_semaphore, #tpu.memory_space<semaphore_mem>>) src(%dma_wait3A_1278 : memref<512xf32, #tpu.memory_space<vmem>>) dst(%dma_wait3A_1276 : memref<512xf32, #tpu.memory_space<hbm>>)
      tpu.yield
    }) : () -> ()
    %add3A_1167 = arith.constant 229376 : i32
    %add3A_1168 = arith.addi %add3A_1167, %mul3A_2 : i32
    "tpu.region"() ({
      %run_scoped3A = tpu.sem_alloc : memref<!tpu.dma_semaphore, #tpu.memory_space<semaphore_mem>>
      %dma_start3A_1267 = arith.constant 7168 : i32
      %dma_start3A_1268 = tpu.memref_slice %arg9[%dma_start3A_1267] : memref<32768xf32, #tpu.memory_space<vmem>> -> memref<512xf32, #tpu.memory_space<vmem>>
      %dma_start3A_1269 = tpu.memref_slice %arg6[%add3A_1168] : memref<1048576xf32, #tpu.memory_space<hbm>> -> memref<512xf32, #tpu.memory_space<hbm>>
      %dma_start3A_1270 = tpu.memref_slice %arg6[%add3A_1168] : memref<1048576xf32, #tpu.memory_space<hbm>> -> memref<512xf32, #tpu.memory_space<hbm>>
      %dma_start3A_1271 = arith.constant 7168 : i32
      %dma_start3A_1272 = tpu.memref_slice %arg9[%dma_start3A_1271] : memref<32768xf32, #tpu.memory_space<vmem>> -> memref<512xf32, #tpu.memory_space<vmem>>
      tpu.enqueue_dma source(%dma_start3A_1272 : memref<512xf32, #tpu.memory_space<vmem>>) target(%dma_start3A_1270 : memref<512xf32, #tpu.memory_space<hbm>>) target_semaphore(%run_scoped3A : memref<!tpu.dma_semaphore, #tpu.memory_space<semaphore_mem>>)
      %dma_wait3A_1273 = arith.constant 7168 : i32
      %dma_wait3A_1274 = tpu.memref_slice %arg9[%dma_wait3A_1273] : memref<32768xf32, #tpu.memory_space<vmem>> -> memref<512xf32, #tpu.memory_space<vmem>>
      %dma_wait3A_1275 = tpu.memref_slice %arg6[%add3A_1168] : memref<1048576xf32, #tpu.memory_space<hbm>> -> memref<512xf32, #tpu.memory_space<hbm>>
      %dma_wait3A_1276 = tpu.memref_slice %arg6[%add3A_1168] : memref<1048576xf32, #tpu.memory_space<hbm>> -> memref<512xf32, #tpu.memory_space<hbm>>
      %dma_wait3A_1277 = arith.constant 7168 : i32
      %dma_wait3A_1278 = tpu.memref_slice %arg9[%dma_wait3A_1277] : memref<32768xf32, #tpu.memory_space<vmem>> -> memref<512xf32, #tpu.memory_space<vmem>>
      tpu.wait_dma2 semaphore(%run_scoped3A : memref<!tpu.dma_semaphore, #tpu.memory_space<semaphore_mem>>) src(%dma_wait3A_1278 : memref<512xf32, #tpu.memory_space<vmem>>) dst(%dma_wait3A_1276 : memref<512xf32, #tpu.memory_space<hbm>>)
      tpu.yield
    }) : () -> ()
    %add3A_1169 = arith.constant 245760 : i32
    %add3A_1170 = arith.addi %add3A_1169, %mul3A_2 : i32
    "tpu.region"() ({
      %run_scoped3A = tpu.sem_alloc : memref<!tpu.dma_semaphore, #tpu.memory_space<semaphore_mem>>
      %dma_start3A_1267 = arith.constant 7680 : i32
      %dma_start3A_1268 = tpu.memref_slice %arg9[%dma_start3A_1267] : memref<32768xf32, #tpu.memory_space<vmem>> -> memref<512xf32, #tpu.memory_space<vmem>>
      %dma_start3A_1269 = tpu.memref_slice %arg6[%add3A_1170] : memref<1048576xf32, #tpu.memory_space<hbm>> -> memref<512xf32, #tpu.memory_space<hbm>>
      %dma_start3A_1270 = tpu.memref_slice %arg6[%add3A_1170] : memref<1048576xf32, #tpu.memory_space<hbm>> -> memref<512xf32, #tpu.memory_space<hbm>>
      %dma_start3A_1271 = arith.constant 7680 : i32
      %dma_start3A_1272 = tpu.memref_slice %arg9[%dma_start3A_1271] : memref<32768xf32, #tpu.memory_space<vmem>> -> memref<512xf32, #tpu.memory_space<vmem>>
      tpu.enqueue_dma source(%dma_start3A_1272 : memref<512xf32, #tpu.memory_space<vmem>>) target(%dma_start3A_1270 : memref<512xf32, #tpu.memory_space<hbm>>) target_semaphore(%run_scoped3A : memref<!tpu.dma_semaphore, #tpu.memory_space<semaphore_mem>>)
      %dma_wait3A_1273 = arith.constant 7680 : i32
      %dma_wait3A_1274 = tpu.memref_slice %arg9[%dma_wait3A_1273] : memref<32768xf32, #tpu.memory_space<vmem>> -> memref<512xf32, #tpu.memory_space<vmem>>
      %dma_wait3A_1275 = tpu.memref_slice %arg6[%add3A_1170] : memref<1048576xf32, #tpu.memory_space<hbm>> -> memref<512xf32, #tpu.memory_space<hbm>>
      %dma_wait3A_1276 = tpu.memref_slice %arg6[%add3A_1170] : memref<1048576xf32, #tpu.memory_space<hbm>> -> memref<512xf32, #tpu.memory_space<hbm>>
      %dma_wait3A_1277 = arith.constant 7680 : i32
      %dma_wait3A_1278 = tpu.memref_slice %arg9[%dma_wait3A_1277] : memref<32768xf32, #tpu.memory_space<vmem>> -> memref<512xf32, #tpu.memory_space<vmem>>
      tpu.wait_dma2 semaphore(%run_scoped3A : memref<!tpu.dma_semaphore, #tpu.memory_space<semaphore_mem>>) src(%dma_wait3A_1278 : memref<512xf32, #tpu.memory_space<vmem>>) dst(%dma_wait3A_1276 : memref<512xf32, #tpu.memory_space<hbm>>)
      tpu.yield
    }) : () -> ()
    %add3A_1171 = arith.constant 262144 : i32
    %add3A_1172 = arith.addi %add3A_1171, %mul3A_2 : i32
    "tpu.region"() ({
      %run_scoped3A = tpu.sem_alloc : memref<!tpu.dma_semaphore, #tpu.memory_space<semaphore_mem>>
      %dma_start3A_1267 = arith.constant 8192 : i32
      %dma_start3A_1268 = tpu.memref_slice %arg9[%dma_start3A_1267] : memref<32768xf32, #tpu.memory_space<vmem>> -> memref<512xf32, #tpu.memory_space<vmem>>
      %dma_start3A_1269 = tpu.memref_slice %arg6[%add3A_1172] : memref<1048576xf32, #tpu.memory_space<hbm>> -> memref<512xf32, #tpu.memory_space<hbm>>
      %dma_start3A_1270 = tpu.memref_slice %arg6[%add3A_1172] : memref<1048576xf32, #tpu.memory_space<hbm>> -> memref<512xf32, #tpu.memory_space<hbm>>
      %dma_start3A_1271 = arith.constant 8192 : i32
      %dma_start3A_1272 = tpu.memref_slice %arg9[%dma_start3A_1271] : memref<32768xf32, #tpu.memory_space<vmem>> -> memref<512xf32, #tpu.memory_space<vmem>>
      tpu.enqueue_dma source(%dma_start3A_1272 : memref<512xf32, #tpu.memory_space<vmem>>) target(%dma_start3A_1270 : memref<512xf32, #tpu.memory_space<hbm>>) target_semaphore(%run_scoped3A : memref<!tpu.dma_semaphore, #tpu.memory_space<semaphore_mem>>)
      %dma_wait3A_1273 = arith.constant 8192 : i32
      %dma_wait3A_1274 = tpu.memref_slice %arg9[%dma_wait3A_1273] : memref<32768xf32, #tpu.memory_space<vmem>> -> memref<512xf32, #tpu.memory_space<vmem>>
      %dma_wait3A_1275 = tpu.memref_slice %arg6[%add3A_1172] : memref<1048576xf32, #tpu.memory_space<hbm>> -> memref<512xf32, #tpu.memory_space<hbm>>
      %dma_wait3A_1276 = tpu.memref_slice %arg6[%add3A_1172] : memref<1048576xf32, #tpu.memory_space<hbm>> -> memref<512xf32, #tpu.memory_space<hbm>>
      %dma_wait3A_1277 = arith.constant 8192 : i32
      %dma_wait3A_1278 = tpu.memref_slice %arg9[%dma_wait3A_1277] : memref<32768xf32, #tpu.memory_space<vmem>> -> memref<512xf32, #tpu.memory_space<vmem>>
      tpu.wait_dma2 semaphore(%run_scoped3A : memref<!tpu.dma_semaphore, #tpu.memory_space<semaphore_mem>>) src(%dma_wait3A_1278 : memref<512xf32, #tpu.memory_space<vmem>>) dst(%dma_wait3A_1276 : memref<512xf32, #tpu.memory_space<hbm>>)
      tpu.yield
    }) : () -> ()
    %add3A_1173 = arith.constant 278528 : i32
    %add3A_1174 = arith.addi %add3A_1173, %mul3A_2 : i32
    "tpu.region"() ({
      %run_scoped3A = tpu.sem_alloc : memref<!tpu.dma_semaphore, #tpu.memory_space<semaphore_mem>>
      %dma_start3A_1267 = arith.constant 8704 : i32
      %dma_start3A_1268 = tpu.memref_slice %arg9[%dma_start3A_1267] : memref<32768xf32, #tpu.memory_space<vmem>> -> memref<512xf32, #tpu.memory_space<vmem>>
      %dma_start3A_1269 = tpu.memref_slice %arg6[%add3A_1174] : memref<1048576xf32, #tpu.memory_space<hbm>> -> memref<512xf32, #tpu.memory_space<hbm>>
      %dma_start3A_1270 = tpu.memref_slice %arg6[%add3A_1174] : memref<1048576xf32, #tpu.memory_space<hbm>> -> memref<512xf32, #tpu.memory_space<hbm>>
      %dma_start3A_1271 = arith.constant 8704 : i32
      %dma_start3A_1272 = tpu.memref_slice %arg9[%dma_start3A_1271] : memref<32768xf32, #tpu.memory_space<vmem>> -> memref<512xf32, #tpu.memory_space<vmem>>
      tpu.enqueue_dma source(%dma_start3A_1272 : memref<512xf32, #tpu.memory_space<vmem>>) target(%dma_start3A_1270 : memref<512xf32, #tpu.memory_space<hbm>>) target_semaphore(%run_scoped3A : memref<!tpu.dma_semaphore, #tpu.memory_space<semaphore_mem>>)
      %dma_wait3A_1273 = arith.constant 8704 : i32
      %dma_wait3A_1274 = tpu.memref_slice %arg9[%dma_wait3A_1273] : memref<32768xf32, #tpu.memory_space<vmem>> -> memref<512xf32, #tpu.memory_space<vmem>>
      %dma_wait3A_1275 = tpu.memref_slice %arg6[%add3A_1174] : memref<1048576xf32, #tpu.memory_space<hbm>> -> memref<512xf32, #tpu.memory_space<hbm>>
      %dma_wait3A_1276 = tpu.memref_slice %arg6[%add3A_1174] : memref<1048576xf32, #tpu.memory_space<hbm>> -> memref<512xf32, #tpu.memory_space<hbm>>
      %dma_wait3A_1277 = arith.constant 8704 : i32
      %dma_wait3A_1278 = tpu.memref_slice %arg9[%dma_wait3A_1277] : memref<32768xf32, #tpu.memory_space<vmem>> -> memref<512xf32, #tpu.memory_space<vmem>>
      tpu.wait_dma2 semaphore(%run_scoped3A : memref<!tpu.dma_semaphore, #tpu.memory_space<semaphore_mem>>) src(%dma_wait3A_1278 : memref<512xf32, #tpu.memory_space<vmem>>) dst(%dma_wait3A_1276 : memref<512xf32, #tpu.memory_space<hbm>>)
      tpu.yield
    }) : () -> ()
    %add3A_1175 = arith.constant 294912 : i32
    %add3A_1176 = arith.addi %add3A_1175, %mul3A_2 : i32
    "tpu.region"() ({
      %run_scoped3A = tpu.sem_alloc : memref<!tpu.dma_semaphore, #tpu.memory_space<semaphore_mem>>
      %dma_start3A_1267 = arith.constant 9216 : i32
      %dma_start3A_1268 = tpu.memref_slice %arg9[%dma_start3A_1267] : memref<32768xf32, #tpu.memory_space<vmem>> -> memref<512xf32, #tpu.memory_space<vmem>>
      %dma_start3A_1269 = tpu.memref_slice %arg6[%add3A_1176] : memref<1048576xf32, #tpu.memory_space<hbm>> -> memref<512xf32, #tpu.memory_space<hbm>>
      %dma_start3A_1270 = tpu.memref_slice %arg6[%add3A_1176] : memref<1048576xf32, #tpu.memory_space<hbm>> -> memref<512xf32, #tpu.memory_space<hbm>>
      %dma_start3A_1271 = arith.constant 9216 : i32
      %dma_start3A_1272 = tpu.memref_slice %arg9[%dma_start3A_1271] : memref<32768xf32, #tpu.memory_space<vmem>> -> memref<512xf32, #tpu.memory_space<vmem>>
      tpu.enqueue_dma source(%dma_start3A_1272 : memref<512xf32, #tpu.memory_space<vmem>>) target(%dma_start3A_1270 : memref<512xf32, #tpu.memory_space<hbm>>) target_semaphore(%run_scoped3A : memref<!tpu.dma_semaphore, #tpu.memory_space<semaphore_mem>>)
      %dma_wait3A_1273 = arith.constant 9216 : i32
      %dma_wait3A_1274 = tpu.memref_slice %arg9[%dma_wait3A_1273] : memref<32768xf32, #tpu.memory_space<vmem>> -> memref<512xf32, #tpu.memory_space<vmem>>
      %dma_wait3A_1275 = tpu.memref_slice %arg6[%add3A_1176] : memref<1048576xf32, #tpu.memory_space<hbm>> -> memref<512xf32, #tpu.memory_space<hbm>>
      %dma_wait3A_1276 = tpu.memref_slice %arg6[%add3A_1176] : memref<1048576xf32, #tpu.memory_space<hbm>> -> memref<512xf32, #tpu.memory_space<hbm>>
      %dma_wait3A_1277 = arith.constant 9216 : i32
      %dma_wait3A_1278 = tpu.memref_slice %arg9[%dma_wait3A_1277] : memref<32768xf32, #tpu.memory_space<vmem>> -> memref<512xf32, #tpu.memory_space<vmem>>
      tpu.wait_dma2 semaphore(%run_scoped3A : memref<!tpu.dma_semaphore, #tpu.memory_space<semaphore_mem>>) src(%dma_wait3A_1278 : memref<512xf32, #tpu.memory_space<vmem>>) dst(%dma_wait3A_1276 : memref<512xf32, #tpu.memory_space<hbm>>)
      tpu.yield
    }) : () -> ()
    %add3A_1177 = arith.constant 311296 : i32
    %add3A_1178 = arith.addi %add3A_1177, %mul3A_2 : i32
    "tpu.region"() ({
      %run_scoped3A = tpu.sem_alloc : memref<!tpu.dma_semaphore, #tpu.memory_space<semaphore_mem>>
      %dma_start3A_1267 = arith.constant 9728 : i32
      %dma_start3A_1268 = tpu.memref_slice %arg9[%dma_start3A_1267] : memref<32768xf32, #tpu.memory_space<vmem>> -> memref<512xf32, #tpu.memory_space<vmem>>
      %dma_start3A_1269 = tpu.memref_slice %arg6[%add3A_1178] : memref<1048576xf32, #tpu.memory_space<hbm>> -> memref<512xf32, #tpu.memory_space<hbm>>
      %dma_start3A_1270 = tpu.memref_slice %arg6[%add3A_1178] : memref<1048576xf32, #tpu.memory_space<hbm>> -> memref<512xf32, #tpu.memory_space<hbm>>
      %dma_start3A_1271 = arith.constant 9728 : i32
      %dma_start3A_1272 = tpu.memref_slice %arg9[%dma_start3A_1271] : memref<32768xf32, #tpu.memory_space<vmem>> -> memref<512xf32, #tpu.memory_space<vmem>>
      tpu.enqueue_dma source(%dma_start3A_1272 : memref<512xf32, #tpu.memory_space<vmem>>) target(%dma_start3A_1270 : memref<512xf32, #tpu.memory_space<hbm>>) target_semaphore(%run_scoped3A : memref<!tpu.dma_semaphore, #tpu.memory_space<semaphore_mem>>)
      %dma_wait3A_1273 = arith.constant 9728 : i32
      %dma_wait3A_1274 = tpu.memref_slice %arg9[%dma_wait3A_1273] : memref<32768xf32, #tpu.memory_space<vmem>> -> memref<512xf32, #tpu.memory_space<vmem>>
      %dma_wait3A_1275 = tpu.memref_slice %arg6[%add3A_1178] : memref<1048576xf32, #tpu.memory_space<hbm>> -> memref<512xf32, #tpu.memory_space<hbm>>
      %dma_wait3A_1276 = tpu.memref_slice %arg6[%add3A_1178] : memref<1048576xf32, #tpu.memory_space<hbm>> -> memref<512xf32, #tpu.memory_space<hbm>>
      %dma_wait3A_1277 = arith.constant 9728 : i32
      %dma_wait3A_1278 = tpu.memref_slice %arg9[%dma_wait3A_1277] : memref<32768xf32, #tpu.memory_space<vmem>> -> memref<512xf32, #tpu.memory_space<vmem>>
      tpu.wait_dma2 semaphore(%run_scoped3A : memref<!tpu.dma_semaphore, #tpu.memory_space<semaphore_mem>>) src(%dma_wait3A_1278 : memref<512xf32, #tpu.memory_space<vmem>>) dst(%dma_wait3A_1276 : memref<512xf32, #tpu.memory_space<hbm>>)
      tpu.yield
    }) : () -> ()
    %add3A_1179 = arith.constant 327680 : i32
    %add3A_1180 = arith.addi %add3A_1179, %mul3A_2 : i32
    "tpu.region"() ({
      %run_scoped3A = tpu.sem_alloc : memref<!tpu.dma_semaphore, #tpu.memory_space<semaphore_mem>>
      %dma_start3A_1267 = arith.constant 10240 : i32
      %dma_start3A_1268 = tpu.memref_slice %arg9[%dma_start3A_1267] : memref<32768xf32, #tpu.memory_space<vmem>> -> memref<512xf32, #tpu.memory_space<vmem>>
      %dma_start3A_1269 = tpu.memref_slice %arg6[%add3A_1180] : memref<1048576xf32, #tpu.memory_space<hbm>> -> memref<512xf32, #tpu.memory_space<hbm>>
      %dma_start3A_1270 = tpu.memref_slice %arg6[%add3A_1180] : memref<1048576xf32, #tpu.memory_space<hbm>> -> memref<512xf32, #tpu.memory_space<hbm>>
      %dma_start3A_1271 = arith.constant 10240 : i32
      %dma_start3A_1272 = tpu.memref_slice %arg9[%dma_start3A_1271] : memref<32768xf32, #tpu.memory_space<vmem>> -> memref<512xf32, #tpu.memory_space<vmem>>
      tpu.enqueue_dma source(%dma_start3A_1272 : memref<512xf32, #tpu.memory_space<vmem>>) target(%dma_start3A_1270 : memref<512xf32, #tpu.memory_space<hbm>>) target_semaphore(%run_scoped3A : memref<!tpu.dma_semaphore, #tpu.memory_space<semaphore_mem>>)
      %dma_wait3A_1273 = arith.constant 10240 : i32
      %dma_wait3A_1274 = tpu.memref_slice %arg9[%dma_wait3A_1273] : memref<32768xf32, #tpu.memory_space<vmem>> -> memref<512xf32, #tpu.memory_space<vmem>>
      %dma_wait3A_1275 = tpu.memref_slice %arg6[%add3A_1180] : memref<1048576xf32, #tpu.memory_space<hbm>> -> memref<512xf32, #tpu.memory_space<hbm>>
      %dma_wait3A_1276 = tpu.memref_slice %arg6[%add3A_1180] : memref<1048576xf32, #tpu.memory_space<hbm>> -> memref<512xf32, #tpu.memory_space<hbm>>
      %dma_wait3A_1277 = arith.constant 10240 : i32
      %dma_wait3A_1278 = tpu.memref_slice %arg9[%dma_wait3A_1277] : memref<32768xf32, #tpu.memory_space<vmem>> -> memref<512xf32, #tpu.memory_space<vmem>>
      tpu.wait_dma2 semaphore(%run_scoped3A : memref<!tpu.dma_semaphore, #tpu.memory_space<semaphore_mem>>) src(%dma_wait3A_1278 : memref<512xf32, #tpu.memory_space<vmem>>) dst(%dma_wait3A_1276 : memref<512xf32, #tpu.memory_space<hbm>>)
      tpu.yield
    }) : () -> ()
    %add3A_1181 = arith.constant 344064 : i32
    %add3A_1182 = arith.addi %add3A_1181, %mul3A_2 : i32
    "tpu.region"() ({
      %run_scoped3A = tpu.sem_alloc : memref<!tpu.dma_semaphore, #tpu.memory_space<semaphore_mem>>
      %dma_start3A_1267 = arith.constant 10752 : i32
      %dma_start3A_1268 = tpu.memref_slice %arg9[%dma_start3A_1267] : memref<32768xf32, #tpu.memory_space<vmem>> -> memref<512xf32, #tpu.memory_space<vmem>>
      %dma_start3A_1269 = tpu.memref_slice %arg6[%add3A_1182] : memref<1048576xf32, #tpu.memory_space<hbm>> -> memref<512xf32, #tpu.memory_space<hbm>>
      %dma_start3A_1270 = tpu.memref_slice %arg6[%add3A_1182] : memref<1048576xf32, #tpu.memory_space<hbm>> -> memref<512xf32, #tpu.memory_space<hbm>>
      %dma_start3A_1271 = arith.constant 10752 : i32
      %dma_start3A_1272 = tpu.memref_slice %arg9[%dma_start3A_1271] : memref<32768xf32, #tpu.memory_space<vmem>> -> memref<512xf32, #tpu.memory_space<vmem>>
      tpu.enqueue_dma source(%dma_start3A_1272 : memref<512xf32, #tpu.memory_space<vmem>>) target(%dma_start3A_1270 : memref<512xf32, #tpu.memory_space<hbm>>) target_semaphore(%run_scoped3A : memref<!tpu.dma_semaphore, #tpu.memory_space<semaphore_mem>>)
      %dma_wait3A_1273 = arith.constant 10752 : i32
      %dma_wait3A_1274 = tpu.memref_slice %arg9[%dma_wait3A_1273] : memref<32768xf32, #tpu.memory_space<vmem>> -> memref<512xf32, #tpu.memory_space<vmem>>
      %dma_wait3A_1275 = tpu.memref_slice %arg6[%add3A_1182] : memref<1048576xf32, #tpu.memory_space<hbm>> -> memref<512xf32, #tpu.memory_space<hbm>>
      %dma_wait3A_1276 = tpu.memref_slice %arg6[%add3A_1182] : memref<1048576xf32, #tpu.memory_space<hbm>> -> memref<512xf32, #tpu.memory_space<hbm>>
      %dma_wait3A_1277 = arith.constant 10752 : i32
      %dma_wait3A_1278 = tpu.memref_slice %arg9[%dma_wait3A_1277] : memref<32768xf32, #tpu.memory_space<vmem>> -> memref<512xf32, #tpu.memory_space<vmem>>
      tpu.wait_dma2 semaphore(%run_scoped3A : memref<!tpu.dma_semaphore, #tpu.memory_space<semaphore_mem>>) src(%dma_wait3A_1278 : memref<512xf32, #tpu.memory_space<vmem>>) dst(%dma_wait3A_1276 : memref<512xf32, #tpu.memory_space<hbm>>)
      tpu.yield
    }) : () -> ()
    %add3A_1183 = arith.constant 360448 : i32
    %add3A_1184 = arith.addi %add3A_1183, %mul3A_2 : i32
    "tpu.region"() ({
      %run_scoped3A = tpu.sem_alloc : memref<!tpu.dma_semaphore, #tpu.memory_space<semaphore_mem>>
      %dma_start3A_1267 = arith.constant 11264 : i32
      %dma_start3A_1268 = tpu.memref_slice %arg9[%dma_start3A_1267] : memref<32768xf32, #tpu.memory_space<vmem>> -> memref<512xf32, #tpu.memory_space<vmem>>
      %dma_start3A_1269 = tpu.memref_slice %arg6[%add3A_1184] : memref<1048576xf32, #tpu.memory_space<hbm>> -> memref<512xf32, #tpu.memory_space<hbm>>
      %dma_start3A_1270 = tpu.memref_slice %arg6[%add3A_1184] : memref<1048576xf32, #tpu.memory_space<hbm>> -> memref<512xf32, #tpu.memory_space<hbm>>
      %dma_start3A_1271 = arith.constant 11264 : i32
      %dma_start3A_1272 = tpu.memref_slice %arg9[%dma_start3A_1271] : memref<32768xf32, #tpu.memory_space<vmem>> -> memref<512xf32, #tpu.memory_space<vmem>>
      tpu.enqueue_dma source(%dma_start3A_1272 : memref<512xf32, #tpu.memory_space<vmem>>) target(%dma_start3A_1270 : memref<512xf32, #tpu.memory_space<hbm>>) target_semaphore(%run_scoped3A : memref<!tpu.dma_semaphore, #tpu.memory_space<semaphore_mem>>)
      %dma_wait3A_1273 = arith.constant 11264 : i32
      %dma_wait3A_1274 = tpu.memref_slice %arg9[%dma_wait3A_1273] : memref<32768xf32, #tpu.memory_space<vmem>> -> memref<512xf32, #tpu.memory_space<vmem>>
      %dma_wait3A_1275 = tpu.memref_slice %arg6[%add3A_1184] : memref<1048576xf32, #tpu.memory_space<hbm>> -> memref<512xf32, #tpu.memory_space<hbm>>
      %dma_wait3A_1276 = tpu.memref_slice %arg6[%add3A_1184] : memref<1048576xf32, #tpu.memory_space<hbm>> -> memref<512xf32, #tpu.memory_space<hbm>>
      %dma_wait3A_1277 = arith.constant 11264 : i32
      %dma_wait3A_1278 = tpu.memref_slice %arg9[%dma_wait3A_1277] : memref<32768xf32, #tpu.memory_space<vmem>> -> memref<512xf32, #tpu.memory_space<vmem>>
      tpu.wait_dma2 semaphore(%run_scoped3A : memref<!tpu.dma_semaphore, #tpu.memory_space<semaphore_mem>>) src(%dma_wait3A_1278 : memref<512xf32, #tpu.memory_space<vmem>>) dst(%dma_wait3A_1276 : memref<512xf32, #tpu.memory_space<hbm>>)
      tpu.yield
    }) : () -> ()
    %add3A_1185 = arith.constant 376832 : i32
    %add3A_1186 = arith.addi %add3A_1185, %mul3A_2 : i32
    "tpu.region"() ({
      %run_scoped3A = tpu.sem_alloc : memref<!tpu.dma_semaphore, #tpu.memory_space<semaphore_mem>>
      %dma_start3A_1267 = arith.constant 11776 : i32
      %dma_start3A_1268 = tpu.memref_slice %arg9[%dma_start3A_1267] : memref<32768xf32, #tpu.memory_space<vmem>> -> memref<512xf32, #tpu.memory_space<vmem>>
      %dma_start3A_1269 = tpu.memref_slice %arg6[%add3A_1186] : memref<1048576xf32, #tpu.memory_space<hbm>> -> memref<512xf32, #tpu.memory_space<hbm>>
      %dma_start3A_1270 = tpu.memref_slice %arg6[%add3A_1186] : memref<1048576xf32, #tpu.memory_space<hbm>> -> memref<512xf32, #tpu.memory_space<hbm>>
      %dma_start3A_1271 = arith.constant 11776 : i32
      %dma_start3A_1272 = tpu.memref_slice %arg9[%dma_start3A_1271] : memref<32768xf32, #tpu.memory_space<vmem>> -> memref<512xf32, #tpu.memory_space<vmem>>
      tpu.enqueue_dma source(%dma_start3A_1272 : memref<512xf32, #tpu.memory_space<vmem>>) target(%dma_start3A_1270 : memref<512xf32, #tpu.memory_space<hbm>>) target_semaphore(%run_scoped3A : memref<!tpu.dma_semaphore, #tpu.memory_space<semaphore_mem>>)
      %dma_wait3A_1273 = arith.constant 11776 : i32
      %dma_wait3A_1274 = tpu.memref_slice %arg9[%dma_wait3A_1273] : memref<32768xf32, #tpu.memory_space<vmem>> -> memref<512xf32, #tpu.memory_space<vmem>>
      %dma_wait3A_1275 = tpu.memref_slice %arg6[%add3A_1186] : memref<1048576xf32, #tpu.memory_space<hbm>> -> memref<512xf32, #tpu.memory_space<hbm>>
      %dma_wait3A_1276 = tpu.memref_slice %arg6[%add3A_1186] : memref<1048576xf32, #tpu.memory_space<hbm>> -> memref<512xf32, #tpu.memory_space<hbm>>
      %dma_wait3A_1277 = arith.constant 11776 : i32
      %dma_wait3A_1278 = tpu.memref_slice %arg9[%dma_wait3A_1277] : memref<32768xf32, #tpu.memory_space<vmem>> -> memref<512xf32, #tpu.memory_space<vmem>>
      tpu.wait_dma2 semaphore(%run_scoped3A : memref<!tpu.dma_semaphore, #tpu.memory_space<semaphore_mem>>) src(%dma_wait3A_1278 : memref<512xf32, #tpu.memory_space<vmem>>) dst(%dma_wait3A_1276 : memref<512xf32, #tpu.memory_space<hbm>>)
      tpu.yield
    }) : () -> ()
    %add3A_1187 = arith.constant 393216 : i32
    %add3A_1188 = arith.addi %add3A_1187, %mul3A_2 : i32
    "tpu.region"() ({
      %run_scoped3A = tpu.sem_alloc : memref<!tpu.dma_semaphore, #tpu.memory_space<semaphore_mem>>
      %dma_start3A_1267 = arith.constant 12288 : i32
      %dma_start3A_1268 = tpu.memref_slice %arg9[%dma_start3A_1267] : memref<32768xf32, #tpu.memory_space<vmem>> -> memref<512xf32, #tpu.memory_space<vmem>>
      %dma_start3A_1269 = tpu.memref_slice %arg6[%add3A_1188] : memref<1048576xf32, #tpu.memory_space<hbm>> -> memref<512xf32, #tpu.memory_space<hbm>>
      %dma_start3A_1270 = tpu.memref_slice %arg6[%add3A_1188] : memref<1048576xf32, #tpu.memory_space<hbm>> -> memref<512xf32, #tpu.memory_space<hbm>>
      %dma_start3A_1271 = arith.constant 12288 : i32
      %dma_start3A_1272 = tpu.memref_slice %arg9[%dma_start3A_1271] : memref<32768xf32, #tpu.memory_space<vmem>> -> memref<512xf32, #tpu.memory_space<vmem>>
      tpu.enqueue_dma source(%dma_start3A_1272 : memref<512xf32, #tpu.memory_space<vmem>>) target(%dma_start3A_1270 : memref<512xf32, #tpu.memory_space<hbm>>) target_semaphore(%run_scoped3A : memref<!tpu.dma_semaphore, #tpu.memory_space<semaphore_mem>>)
      %dma_wait3A_1273 = arith.constant 12288 : i32
      %dma_wait3A_1274 = tpu.memref_slice %arg9[%dma_wait3A_1273] : memref<32768xf32, #tpu.memory_space<vmem>> -> memref<512xf32, #tpu.memory_space<vmem>>
      %dma_wait3A_1275 = tpu.memref_slice %arg6[%add3A_1188] : memref<1048576xf32, #tpu.memory_space<hbm>> -> memref<512xf32, #tpu.memory_space<hbm>>
      %dma_wait3A_1276 = tpu.memref_slice %arg6[%add3A_1188] : memref<1048576xf32, #tpu.memory_space<hbm>> -> memref<512xf32, #tpu.memory_space<hbm>>
      %dma_wait3A_1277 = arith.constant 12288 : i32
      %dma_wait3A_1278 = tpu.memref_slice %arg9[%dma_wait3A_1277] : memref<32768xf32, #tpu.memory_space<vmem>> -> memref<512xf32, #tpu.memory_space<vmem>>
      tpu.wait_dma2 semaphore(%run_scoped3A : memref<!tpu.dma_semaphore, #tpu.memory_space<semaphore_mem>>) src(%dma_wait3A_1278 : memref<512xf32, #tpu.memory_space<vmem>>) dst(%dma_wait3A_1276 : memref<512xf32, #tpu.memory_space<hbm>>)
      tpu.yield
    }) : () -> ()
    %add3A_1189 = arith.constant 409600 : i32
    %add3A_1190 = arith.addi %add3A_1189, %mul3A_2 : i32
    "tpu.region"() ({
      %run_scoped3A = tpu.sem_alloc : memref<!tpu.dma_semaphore, #tpu.memory_space<semaphore_mem>>
      %dma_start3A_1267 = arith.constant 12800 : i32
      %dma_start3A_1268 = tpu.memref_slice %arg9[%dma_start3A_1267] : memref<32768xf32, #tpu.memory_space<vmem>> -> memref<512xf32, #tpu.memory_space<vmem>>
      %dma_start3A_1269 = tpu.memref_slice %arg6[%add3A_1190] : memref<1048576xf32, #tpu.memory_space<hbm>> -> memref<512xf32, #tpu.memory_space<hbm>>
      %dma_start3A_1270 = tpu.memref_slice %arg6[%add3A_1190] : memref<1048576xf32, #tpu.memory_space<hbm>> -> memref<512xf32, #tpu.memory_space<hbm>>
      %dma_start3A_1271 = arith.constant 12800 : i32
      %dma_start3A_1272 = tpu.memref_slice %arg9[%dma_start3A_1271] : memref<32768xf32, #tpu.memory_space<vmem>> -> memref<512xf32, #tpu.memory_space<vmem>>
      tpu.enqueue_dma source(%dma_start3A_1272 : memref<512xf32, #tpu.memory_space<vmem>>) target(%dma_start3A_1270 : memref<512xf32, #tpu.memory_space<hbm>>) target_semaphore(%run_scoped3A : memref<!tpu.dma_semaphore, #tpu.memory_space<semaphore_mem>>)
      %dma_wait3A_1273 = arith.constant 12800 : i32
      %dma_wait3A_1274 = tpu.memref_slice %arg9[%dma_wait3A_1273] : memref<32768xf32, #tpu.memory_space<vmem>> -> memref<512xf32, #tpu.memory_space<vmem>>
      %dma_wait3A_1275 = tpu.memref_slice %arg6[%add3A_1190] : memref<1048576xf32, #tpu.memory_space<hbm>> -> memref<512xf32, #tpu.memory_space<hbm>>
      %dma_wait3A_1276 = tpu.memref_slice %arg6[%add3A_1190] : memref<1048576xf32, #tpu.memory_space<hbm>> -> memref<512xf32, #tpu.memory_space<hbm>>
      %dma_wait3A_1277 = arith.constant 12800 : i32
      %dma_wait3A_1278 = tpu.memref_slice %arg9[%dma_wait3A_1277] : memref<32768xf32, #tpu.memory_space<vmem>> -> memref<512xf32, #tpu.memory_space<vmem>>
      tpu.wait_dma2 semaphore(%run_scoped3A : memref<!tpu.dma_semaphore, #tpu.memory_space<semaphore_mem>>) src(%dma_wait3A_1278 : memref<512xf32, #tpu.memory_space<vmem>>) dst(%dma_wait3A_1276 : memref<512xf32, #tpu.memory_space<hbm>>)
      tpu.yield
    }) : () -> ()
    %add3A_1191 = arith.constant 425984 : i32
    %add3A_1192 = arith.addi %add3A_1191, %mul3A_2 : i32
    "tpu.region"() ({
      %run_scoped3A = tpu.sem_alloc : memref<!tpu.dma_semaphore, #tpu.memory_space<semaphore_mem>>
      %dma_start3A_1267 = arith.constant 13312 : i32
      %dma_start3A_1268 = tpu.memref_slice %arg9[%dma_start3A_1267] : memref<32768xf32, #tpu.memory_space<vmem>> -> memref<512xf32, #tpu.memory_space<vmem>>
      %dma_start3A_1269 = tpu.memref_slice %arg6[%add3A_1192] : memref<1048576xf32, #tpu.memory_space<hbm>> -> memref<512xf32, #tpu.memory_space<hbm>>
      %dma_start3A_1270 = tpu.memref_slice %arg6[%add3A_1192] : memref<1048576xf32, #tpu.memory_space<hbm>> -> memref<512xf32, #tpu.memory_space<hbm>>
      %dma_start3A_1271 = arith.constant 13312 : i32
      %dma_start3A_1272 = tpu.memref_slice %arg9[%dma_start3A_1271] : memref<32768xf32, #tpu.memory_space<vmem>> -> memref<512xf32, #tpu.memory_space<vmem>>
      tpu.enqueue_dma source(%dma_start3A_1272 : memref<512xf32, #tpu.memory_space<vmem>>) target(%dma_start3A_1270 : memref<512xf32, #tpu.memory_space<hbm>>) target_semaphore(%run_scoped3A : memref<!tpu.dma_semaphore, #tpu.memory_space<semaphore_mem>>)
      %dma_wait3A_1273 = arith.constant 13312 : i32
      %dma_wait3A_1274 = tpu.memref_slice %arg9[%dma_wait3A_1273] : memref<32768xf32, #tpu.memory_space<vmem>> -> memref<512xf32, #tpu.memory_space<vmem>>
      %dma_wait3A_1275 = tpu.memref_slice %arg6[%add3A_1192] : memref<1048576xf32, #tpu.memory_space<hbm>> -> memref<512xf32, #tpu.memory_space<hbm>>
      %dma_wait3A_1276 = tpu.memref_slice %arg6[%add3A_1192] : memref<1048576xf32, #tpu.memory_space<hbm>> -> memref<512xf32, #tpu.memory_space<hbm>>
      %dma_wait3A_1277 = arith.constant 13312 : i32
      %dma_wait3A_1278 = tpu.memref_slice %arg9[%dma_wait3A_1277] : memref<32768xf32, #tpu.memory_space<vmem>> -> memref<512xf32, #tpu.memory_space<vmem>>
      tpu.wait_dma2 semaphore(%run_scoped3A : memref<!tpu.dma_semaphore, #tpu.memory_space<semaphore_mem>>) src(%dma_wait3A_1278 : memref<512xf32, #tpu.memory_space<vmem>>) dst(%dma_wait3A_1276 : memref<512xf32, #tpu.memory_space<hbm>>)
      tpu.yield
    }) : () -> ()
    %add3A_1193 = arith.constant 442368 : i32
    %add3A_1194 = arith.addi %add3A_1193, %mul3A_2 : i32
    "tpu.region"() ({
      %run_scoped3A = tpu.sem_alloc : memref<!tpu.dma_semaphore, #tpu.memory_space<semaphore_mem>>
      %dma_start3A_1267 = arith.constant 13824 : i32
      %dma_start3A_1268 = tpu.memref_slice %arg9[%dma_start3A_1267] : memref<32768xf32, #tpu.memory_space<vmem>> -> memref<512xf32, #tpu.memory_space<vmem>>
      %dma_start3A_1269 = tpu.memref_slice %arg6[%add3A_1194] : memref<1048576xf32, #tpu.memory_space<hbm>> -> memref<512xf32, #tpu.memory_space<hbm>>
      %dma_start3A_1270 = tpu.memref_slice %arg6[%add3A_1194] : memref<1048576xf32, #tpu.memory_space<hbm>> -> memref<512xf32, #tpu.memory_space<hbm>>
      %dma_start3A_1271 = arith.constant 13824 : i32
      %dma_start3A_1272 = tpu.memref_slice %arg9[%dma_start3A_1271] : memref<32768xf32, #tpu.memory_space<vmem>> -> memref<512xf32, #tpu.memory_space<vmem>>
      tpu.enqueue_dma source(%dma_start3A_1272 : memref<512xf32, #tpu.memory_space<vmem>>) target(%dma_start3A_1270 : memref<512xf32, #tpu.memory_space<hbm>>) target_semaphore(%run_scoped3A : memref<!tpu.dma_semaphore, #tpu.memory_space<semaphore_mem>>)
      %dma_wait3A_1273 = arith.constant 13824 : i32
      %dma_wait3A_1274 = tpu.memref_slice %arg9[%dma_wait3A_1273] : memref<32768xf32, #tpu.memory_space<vmem>> -> memref<512xf32, #tpu.memory_space<vmem>>
      %dma_wait3A_1275 = tpu.memref_slice %arg6[%add3A_1194] : memref<1048576xf32, #tpu.memory_space<hbm>> -> memref<512xf32, #tpu.memory_space<hbm>>
      %dma_wait3A_1276 = tpu.memref_slice %arg6[%add3A_1194] : memref<1048576xf32, #tpu.memory_space<hbm>> -> memref<512xf32, #tpu.memory_space<hbm>>
      %dma_wait3A_1277 = arith.constant 13824 : i32
      %dma_wait3A_1278 = tpu.memref_slice %arg9[%dma_wait3A_1277] : memref<32768xf32, #tpu.memory_space<vmem>> -> memref<512xf32, #tpu.memory_space<vmem>>
      tpu.wait_dma2 semaphore(%run_scoped3A : memref<!tpu.dma_semaphore, #tpu.memory_space<semaphore_mem>>) src(%dma_wait3A_1278 : memref<512xf32, #tpu.memory_space<vmem>>) dst(%dma_wait3A_1276 : memref<512xf32, #tpu.memory_space<hbm>>)
      tpu.yield
    }) : () -> ()
    %add3A_1195 = arith.constant 458752 : i32
    %add3A_1196 = arith.addi %add3A_1195, %mul3A_2 : i32
    "tpu.region"() ({
      %run_scoped3A = tpu.sem_alloc : memref<!tpu.dma_semaphore, #tpu.memory_space<semaphore_mem>>
      %dma_start3A_1267 = arith.constant 14336 : i32
      %dma_start3A_1268 = tpu.memref_slice %arg9[%dma_start3A_1267] : memref<32768xf32, #tpu.memory_space<vmem>> -> memref<512xf32, #tpu.memory_space<vmem>>
      %dma_start3A_1269 = tpu.memref_slice %arg6[%add3A_1196] : memref<1048576xf32, #tpu.memory_space<hbm>> -> memref<512xf32, #tpu.memory_space<hbm>>
      %dma_start3A_1270 = tpu.memref_slice %arg6[%add3A_1196] : memref<1048576xf32, #tpu.memory_space<hbm>> -> memref<512xf32, #tpu.memory_space<hbm>>
      %dma_start3A_1271 = arith.constant 14336 : i32
      %dma_start3A_1272 = tpu.memref_slice %arg9[%dma_start3A_1271] : memref<32768xf32, #tpu.memory_space<vmem>> -> memref<512xf32, #tpu.memory_space<vmem>>
      tpu.enqueue_dma source(%dma_start3A_1272 : memref<512xf32, #tpu.memory_space<vmem>>) target(%dma_start3A_1270 : memref<512xf32, #tpu.memory_space<hbm>>) target_semaphore(%run_scoped3A : memref<!tpu.dma_semaphore, #tpu.memory_space<semaphore_mem>>)
      %dma_wait3A_1273 = arith.constant 14336 : i32
      %dma_wait3A_1274 = tpu.memref_slice %arg9[%dma_wait3A_1273] : memref<32768xf32, #tpu.memory_space<vmem>> -> memref<512xf32, #tpu.memory_space<vmem>>
      %dma_wait3A_1275 = tpu.memref_slice %arg6[%add3A_1196] : memref<1048576xf32, #tpu.memory_space<hbm>> -> memref<512xf32, #tpu.memory_space<hbm>>
      %dma_wait3A_1276 = tpu.memref_slice %arg6[%add3A_1196] : memref<1048576xf32, #tpu.memory_space<hbm>> -> memref<512xf32, #tpu.memory_space<hbm>>
      %dma_wait3A_1277 = arith.constant 14336 : i32
      %dma_wait3A_1278 = tpu.memref_slice %arg9[%dma_wait3A_1277] : memref<32768xf32, #tpu.memory_space<vmem>> -> memref<512xf32, #tpu.memory_space<vmem>>
      tpu.wait_dma2 semaphore(%run_scoped3A : memref<!tpu.dma_semaphore, #tpu.memory_space<semaphore_mem>>) src(%dma_wait3A_1278 : memref<512xf32, #tpu.memory_space<vmem>>) dst(%dma_wait3A_1276 : memref<512xf32, #tpu.memory_space<hbm>>)
      tpu.yield
    }) : () -> ()
    %add3A_1197 = arith.constant 475136 : i32
    %add3A_1198 = arith.addi %add3A_1197, %mul3A_2 : i32
    "tpu.region"() ({
      %run_scoped3A = tpu.sem_alloc : memref<!tpu.dma_semaphore, #tpu.memory_space<semaphore_mem>>
      %dma_start3A_1267 = arith.constant 14848 : i32
      %dma_start3A_1268 = tpu.memref_slice %arg9[%dma_start3A_1267] : memref<32768xf32, #tpu.memory_space<vmem>> -> memref<512xf32, #tpu.memory_space<vmem>>
      %dma_start3A_1269 = tpu.memref_slice %arg6[%add3A_1198] : memref<1048576xf32, #tpu.memory_space<hbm>> -> memref<512xf32, #tpu.memory_space<hbm>>
      %dma_start3A_1270 = tpu.memref_slice %arg6[%add3A_1198] : memref<1048576xf32, #tpu.memory_space<hbm>> -> memref<512xf32, #tpu.memory_space<hbm>>
      %dma_start3A_1271 = arith.constant 14848 : i32
      %dma_start3A_1272 = tpu.memref_slice %arg9[%dma_start3A_1271] : memref<32768xf32, #tpu.memory_space<vmem>> -> memref<512xf32, #tpu.memory_space<vmem>>
      tpu.enqueue_dma source(%dma_start3A_1272 : memref<512xf32, #tpu.memory_space<vmem>>) target(%dma_start3A_1270 : memref<512xf32, #tpu.memory_space<hbm>>) target_semaphore(%run_scoped3A : memref<!tpu.dma_semaphore, #tpu.memory_space<semaphore_mem>>)
      %dma_wait3A_1273 = arith.constant 14848 : i32
      %dma_wait3A_1274 = tpu.memref_slice %arg9[%dma_wait3A_1273] : memref<32768xf32, #tpu.memory_space<vmem>> -> memref<512xf32, #tpu.memory_space<vmem>>
      %dma_wait3A_1275 = tpu.memref_slice %arg6[%add3A_1198] : memref<1048576xf32, #tpu.memory_space<hbm>> -> memref<512xf32, #tpu.memory_space<hbm>>
      %dma_wait3A_1276 = tpu.memref_slice %arg6[%add3A_1198] : memref<1048576xf32, #tpu.memory_space<hbm>> -> memref<512xf32, #tpu.memory_space<hbm>>
      %dma_wait3A_1277 = arith.constant 14848 : i32
      %dma_wait3A_1278 = tpu.memref_slice %arg9[%dma_wait3A_1277] : memref<32768xf32, #tpu.memory_space<vmem>> -> memref<512xf32, #tpu.memory_space<vmem>>
      tpu.wait_dma2 semaphore(%run_scoped3A : memref<!tpu.dma_semaphore, #tpu.memory_space<semaphore_mem>>) src(%dma_wait3A_1278 : memref<512xf32, #tpu.memory_space<vmem>>) dst(%dma_wait3A_1276 : memref<512xf32, #tpu.memory_space<hbm>>)
      tpu.yield
    }) : () -> ()
    %add3A_1199 = arith.constant 491520 : i32
    %add3A_1200 = arith.addi %add3A_1199, %mul3A_2 : i32
    "tpu.region"() ({
      %run_scoped3A = tpu.sem_alloc : memref<!tpu.dma_semaphore, #tpu.memory_space<semaphore_mem>>
      %dma_start3A_1267 = arith.constant 15360 : i32
      %dma_start3A_1268 = tpu.memref_slice %arg9[%dma_start3A_1267] : memref<32768xf32, #tpu.memory_space<vmem>> -> memref<512xf32, #tpu.memory_space<vmem>>
      %dma_start3A_1269 = tpu.memref_slice %arg6[%add3A_1200] : memref<1048576xf32, #tpu.memory_space<hbm>> -> memref<512xf32, #tpu.memory_space<hbm>>
      %dma_start3A_1270 = tpu.memref_slice %arg6[%add3A_1200] : memref<1048576xf32, #tpu.memory_space<hbm>> -> memref<512xf32, #tpu.memory_space<hbm>>
      %dma_start3A_1271 = arith.constant 15360 : i32
      %dma_start3A_1272 = tpu.memref_slice %arg9[%dma_start3A_1271] : memref<32768xf32, #tpu.memory_space<vmem>> -> memref<512xf32, #tpu.memory_space<vmem>>
      tpu.enqueue_dma source(%dma_start3A_1272 : memref<512xf32, #tpu.memory_space<vmem>>) target(%dma_start3A_1270 : memref<512xf32, #tpu.memory_space<hbm>>) target_semaphore(%run_scoped3A : memref<!tpu.dma_semaphore, #tpu.memory_space<semaphore_mem>>)
      %dma_wait3A_1273 = arith.constant 15360 : i32
      %dma_wait3A_1274 = tpu.memref_slice %arg9[%dma_wait3A_1273] : memref<32768xf32, #tpu.memory_space<vmem>> -> memref<512xf32, #tpu.memory_space<vmem>>
      %dma_wait3A_1275 = tpu.memref_slice %arg6[%add3A_1200] : memref<1048576xf32, #tpu.memory_space<hbm>> -> memref<512xf32, #tpu.memory_space<hbm>>
      %dma_wait3A_1276 = tpu.memref_slice %arg6[%add3A_1200] : memref<1048576xf32, #tpu.memory_space<hbm>> -> memref<512xf32, #tpu.memory_space<hbm>>
      %dma_wait3A_1277 = arith.constant 15360 : i32
      %dma_wait3A_1278 = tpu.memref_slice %arg9[%dma_wait3A_1277] : memref<32768xf32, #tpu.memory_space<vmem>> -> memref<512xf32, #tpu.memory_space<vmem>>
      tpu.wait_dma2 semaphore(%run_scoped3A : memref<!tpu.dma_semaphore, #tpu.memory_space<semaphore_mem>>) src(%dma_wait3A_1278 : memref<512xf32, #tpu.memory_space<vmem>>) dst(%dma_wait3A_1276 : memref<512xf32, #tpu.memory_space<hbm>>)
      tpu.yield
    }) : () -> ()
    %add3A_1201 = arith.constant 507904 : i32
    %add3A_1202 = arith.addi %add3A_1201, %mul3A_2 : i32
    "tpu.region"() ({
      %run_scoped3A = tpu.sem_alloc : memref<!tpu.dma_semaphore, #tpu.memory_space<semaphore_mem>>
      %dma_start3A_1267 = arith.constant 15872 : i32
      %dma_start3A_1268 = tpu.memref_slice %arg9[%dma_start3A_1267] : memref<32768xf32, #tpu.memory_space<vmem>> -> memref<512xf32, #tpu.memory_space<vmem>>
      %dma_start3A_1269 = tpu.memref_slice %arg6[%add3A_1202] : memref<1048576xf32, #tpu.memory_space<hbm>> -> memref<512xf32, #tpu.memory_space<hbm>>
      %dma_start3A_1270 = tpu.memref_slice %arg6[%add3A_1202] : memref<1048576xf32, #tpu.memory_space<hbm>> -> memref<512xf32, #tpu.memory_space<hbm>>
      %dma_start3A_1271 = arith.constant 15872 : i32
      %dma_start3A_1272 = tpu.memref_slice %arg9[%dma_start3A_1271] : memref<32768xf32, #tpu.memory_space<vmem>> -> memref<512xf32, #tpu.memory_space<vmem>>
      tpu.enqueue_dma source(%dma_start3A_1272 : memref<512xf32, #tpu.memory_space<vmem>>) target(%dma_start3A_1270 : memref<512xf32, #tpu.memory_space<hbm>>) target_semaphore(%run_scoped3A : memref<!tpu.dma_semaphore, #tpu.memory_space<semaphore_mem>>)
      %dma_wait3A_1273 = arith.constant 15872 : i32
      %dma_wait3A_1274 = tpu.memref_slice %arg9[%dma_wait3A_1273] : memref<32768xf32, #tpu.memory_space<vmem>> -> memref<512xf32, #tpu.memory_space<vmem>>
      %dma_wait3A_1275 = tpu.memref_slice %arg6[%add3A_1202] : memref<1048576xf32, #tpu.memory_space<hbm>> -> memref<512xf32, #tpu.memory_space<hbm>>
      %dma_wait3A_1276 = tpu.memref_slice %arg6[%add3A_1202] : memref<1048576xf32, #tpu.memory_space<hbm>> -> memref<512xf32, #tpu.memory_space<hbm>>
      %dma_wait3A_1277 = arith.constant 15872 : i32
      %dma_wait3A_1278 = tpu.memref_slice %arg9[%dma_wait3A_1277] : memref<32768xf32, #tpu.memory_space<vmem>> -> memref<512xf32, #tpu.memory_space<vmem>>
      tpu.wait_dma2 semaphore(%run_scoped3A : memref<!tpu.dma_semaphore, #tpu.memory_space<semaphore_mem>>) src(%dma_wait3A_1278 : memref<512xf32, #tpu.memory_space<vmem>>) dst(%dma_wait3A_1276 : memref<512xf32, #tpu.memory_space<hbm>>)
      tpu.yield
    }) : () -> ()
    %add3A_1203 = arith.constant 524288 : i32
    %add3A_1204 = arith.addi %add3A_1203, %mul3A_2 : i32
    "tpu.region"() ({
      %run_scoped3A = tpu.sem_alloc : memref<!tpu.dma_semaphore, #tpu.memory_space<semaphore_mem>>
      %dma_start3A_1267 = arith.constant 16384 : i32
      %dma_start3A_1268 = tpu.memref_slice %arg9[%dma_start3A_1267] : memref<32768xf32, #tpu.memory_space<vmem>> -> memref<512xf32, #tpu.memory_space<vmem>>
      %dma_start3A_1269 = tpu.memref_slice %arg6[%add3A_1204] : memref<1048576xf32, #tpu.memory_space<hbm>> -> memref<512xf32, #tpu.memory_space<hbm>>
      %dma_start3A_1270 = tpu.memref_slice %arg6[%add3A_1204] : memref<1048576xf32, #tpu.memory_space<hbm>> -> memref<512xf32, #tpu.memory_space<hbm>>
      %dma_start3A_1271 = arith.constant 16384 : i32
      %dma_start3A_1272 = tpu.memref_slice %arg9[%dma_start3A_1271] : memref<32768xf32, #tpu.memory_space<vmem>> -> memref<512xf32, #tpu.memory_space<vmem>>
      tpu.enqueue_dma source(%dma_start3A_1272 : memref<512xf32, #tpu.memory_space<vmem>>) target(%dma_start3A_1270 : memref<512xf32, #tpu.memory_space<hbm>>) target_semaphore(%run_scoped3A : memref<!tpu.dma_semaphore, #tpu.memory_space<semaphore_mem>>)
      %dma_wait3A_1273 = arith.constant 16384 : i32
      %dma_wait3A_1274 = tpu.memref_slice %arg9[%dma_wait3A_1273] : memref<32768xf32, #tpu.memory_space<vmem>> -> memref<512xf32, #tpu.memory_space<vmem>>
      %dma_wait3A_1275 = tpu.memref_slice %arg6[%add3A_1204] : memref<1048576xf32, #tpu.memory_space<hbm>> -> memref<512xf32, #tpu.memory_space<hbm>>
      %dma_wait3A_1276 = tpu.memref_slice %arg6[%add3A_1204] : memref<1048576xf32, #tpu.memory_space<hbm>> -> memref<512xf32, #tpu.memory_space<hbm>>
      %dma_wait3A_1277 = arith.constant 16384 : i32
      %dma_wait3A_1278 = tpu.memref_slice %arg9[%dma_wait3A_1277] : memref<32768xf32, #tpu.memory_space<vmem>> -> memref<512xf32, #tpu.memory_space<vmem>>
      tpu.wait_dma2 semaphore(%run_scoped3A : memref<!tpu.dma_semaphore, #tpu.memory_space<semaphore_mem>>) src(%dma_wait3A_1278 : memref<512xf32, #tpu.memory_space<vmem>>) dst(%dma_wait3A_1276 : memref<512xf32, #tpu.memory_space<hbm>>)
      tpu.yield
    }) : () -> ()
    %add3A_1205 = arith.constant 540672 : i32
    %add3A_1206 = arith.addi %add3A_1205, %mul3A_2 : i32
    "tpu.region"() ({
      %run_scoped3A = tpu.sem_alloc : memref<!tpu.dma_semaphore, #tpu.memory_space<semaphore_mem>>
      %dma_start3A_1267 = arith.constant 16896 : i32
      %dma_start3A_1268 = tpu.memref_slice %arg9[%dma_start3A_1267] : memref<32768xf32, #tpu.memory_space<vmem>> -> memref<512xf32, #tpu.memory_space<vmem>>
      %dma_start3A_1269 = tpu.memref_slice %arg6[%add3A_1206] : memref<1048576xf32, #tpu.memory_space<hbm>> -> memref<512xf32, #tpu.memory_space<hbm>>
      %dma_start3A_1270 = tpu.memref_slice %arg6[%add3A_1206] : memref<1048576xf32, #tpu.memory_space<hbm>> -> memref<512xf32, #tpu.memory_space<hbm>>
      %dma_start3A_1271 = arith.constant 16896 : i32
      %dma_start3A_1272 = tpu.memref_slice %arg9[%dma_start3A_1271] : memref<32768xf32, #tpu.memory_space<vmem>> -> memref<512xf32, #tpu.memory_space<vmem>>
      tpu.enqueue_dma source(%dma_start3A_1272 : memref<512xf32, #tpu.memory_space<vmem>>) target(%dma_start3A_1270 : memref<512xf32, #tpu.memory_space<hbm>>) target_semaphore(%run_scoped3A : memref<!tpu.dma_semaphore, #tpu.memory_space<semaphore_mem>>)
      %dma_wait3A_1273 = arith.constant 16896 : i32
      %dma_wait3A_1274 = tpu.memref_slice %arg9[%dma_wait3A_1273] : memref<32768xf32, #tpu.memory_space<vmem>> -> memref<512xf32, #tpu.memory_space<vmem>>
      %dma_wait3A_1275 = tpu.memref_slice %arg6[%add3A_1206] : memref<1048576xf32, #tpu.memory_space<hbm>> -> memref<512xf32, #tpu.memory_space<hbm>>
      %dma_wait3A_1276 = tpu.memref_slice %arg6[%add3A_1206] : memref<1048576xf32, #tpu.memory_space<hbm>> -> memref<512xf32, #tpu.memory_space<hbm>>
      %dma_wait3A_1277 = arith.constant 16896 : i32
      %dma_wait3A_1278 = tpu.memref_slice %arg9[%dma_wait3A_1277] : memref<32768xf32, #tpu.memory_space<vmem>> -> memref<512xf32, #tpu.memory_space<vmem>>
      tpu.wait_dma2 semaphore(%run_scoped3A : memref<!tpu.dma_semaphore, #tpu.memory_space<semaphore_mem>>) src(%dma_wait3A_1278 : memref<512xf32, #tpu.memory_space<vmem>>) dst(%dma_wait3A_1276 : memref<512xf32, #tpu.memory_space<hbm>>)
      tpu.yield
    }) : () -> ()
    %add3A_1207 = arith.constant 557056 : i32
    %add3A_1208 = arith.addi %add3A_1207, %mul3A_2 : i32
    "tpu.region"() ({
      %run_scoped3A = tpu.sem_alloc : memref<!tpu.dma_semaphore, #tpu.memory_space<semaphore_mem>>
      %dma_start3A_1267 = arith.constant 17408 : i32
      %dma_start3A_1268 = tpu.memref_slice %arg9[%dma_start3A_1267] : memref<32768xf32, #tpu.memory_space<vmem>> -> memref<512xf32, #tpu.memory_space<vmem>>
      %dma_start3A_1269 = tpu.memref_slice %arg6[%add3A_1208] : memref<1048576xf32, #tpu.memory_space<hbm>> -> memref<512xf32, #tpu.memory_space<hbm>>
      %dma_start3A_1270 = tpu.memref_slice %arg6[%add3A_1208] : memref<1048576xf32, #tpu.memory_space<hbm>> -> memref<512xf32, #tpu.memory_space<hbm>>
      %dma_start3A_1271 = arith.constant 17408 : i32
      %dma_start3A_1272 = tpu.memref_slice %arg9[%dma_start3A_1271] : memref<32768xf32, #tpu.memory_space<vmem>> -> memref<512xf32, #tpu.memory_space<vmem>>
      tpu.enqueue_dma source(%dma_start3A_1272 : memref<512xf32, #tpu.memory_space<vmem>>) target(%dma_start3A_1270 : memref<512xf32, #tpu.memory_space<hbm>>) target_semaphore(%run_scoped3A : memref<!tpu.dma_semaphore, #tpu.memory_space<semaphore_mem>>)
      %dma_wait3A_1273 = arith.constant 17408 : i32
      %dma_wait3A_1274 = tpu.memref_slice %arg9[%dma_wait3A_1273] : memref<32768xf32, #tpu.memory_space<vmem>> -> memref<512xf32, #tpu.memory_space<vmem>>
      %dma_wait3A_1275 = tpu.memref_slice %arg6[%add3A_1208] : memref<1048576xf32, #tpu.memory_space<hbm>> -> memref<512xf32, #tpu.memory_space<hbm>>
      %dma_wait3A_1276 = tpu.memref_slice %arg6[%add3A_1208] : memref<1048576xf32, #tpu.memory_space<hbm>> -> memref<512xf32, #tpu.memory_space<hbm>>
      %dma_wait3A_1277 = arith.constant 17408 : i32
      %dma_wait3A_1278 = tpu.memref_slice %arg9[%dma_wait3A_1277] : memref<32768xf32, #tpu.memory_space<vmem>> -> memref<512xf32, #tpu.memory_space<vmem>>
      tpu.wait_dma2 semaphore(%run_scoped3A : memref<!tpu.dma_semaphore, #tpu.memory_space<semaphore_mem>>) src(%dma_wait3A_1278 : memref<512xf32, #tpu.memory_space<vmem>>) dst(%dma_wait3A_1276 : memref<512xf32, #tpu.memory_space<hbm>>)
      tpu.yield
    }) : () -> ()
    %add3A_1209 = arith.constant 573440 : i32
    %add3A_1210 = arith.addi %add3A_1209, %mul3A_2 : i32
    "tpu.region"() ({
      %run_scoped3A = tpu.sem_alloc : memref<!tpu.dma_semaphore, #tpu.memory_space<semaphore_mem>>
      %dma_start3A_1267 = arith.constant 17920 : i32
      %dma_start3A_1268 = tpu.memref_slice %arg9[%dma_start3A_1267] : memref<32768xf32, #tpu.memory_space<vmem>> -> memref<512xf32, #tpu.memory_space<vmem>>
      %dma_start3A_1269 = tpu.memref_slice %arg6[%add3A_1210] : memref<1048576xf32, #tpu.memory_space<hbm>> -> memref<512xf32, #tpu.memory_space<hbm>>
      %dma_start3A_1270 = tpu.memref_slice %arg6[%add3A_1210] : memref<1048576xf32, #tpu.memory_space<hbm>> -> memref<512xf32, #tpu.memory_space<hbm>>
      %dma_start3A_1271 = arith.constant 17920 : i32
      %dma_start3A_1272 = tpu.memref_slice %arg9[%dma_start3A_1271] : memref<32768xf32, #tpu.memory_space<vmem>> -> memref<512xf32, #tpu.memory_space<vmem>>
      tpu.enqueue_dma source(%dma_start3A_1272 : memref<512xf32, #tpu.memory_space<vmem>>) target(%dma_start3A_1270 : memref<512xf32, #tpu.memory_space<hbm>>) target_semaphore(%run_scoped3A : memref<!tpu.dma_semaphore, #tpu.memory_space<semaphore_mem>>)
      %dma_wait3A_1273 = arith.constant 17920 : i32
      %dma_wait3A_1274 = tpu.memref_slice %arg9[%dma_wait3A_1273] : memref<32768xf32, #tpu.memory_space<vmem>> -> memref<512xf32, #tpu.memory_space<vmem>>
      %dma_wait3A_1275 = tpu.memref_slice %arg6[%add3A_1210] : memref<1048576xf32, #tpu.memory_space<hbm>> -> memref<512xf32, #tpu.memory_space<hbm>>
      %dma_wait3A_1276 = tpu.memref_slice %arg6[%add3A_1210] : memref<1048576xf32, #tpu.memory_space<hbm>> -> memref<512xf32, #tpu.memory_space<hbm>>
      %dma_wait3A_1277 = arith.constant 17920 : i32
      %dma_wait3A_1278 = tpu.memref_slice %arg9[%dma_wait3A_1277] : memref<32768xf32, #tpu.memory_space<vmem>> -> memref<512xf32, #tpu.memory_space<vmem>>
      tpu.wait_dma2 semaphore(%run_scoped3A : memref<!tpu.dma_semaphore, #tpu.memory_space<semaphore_mem>>) src(%dma_wait3A_1278 : memref<512xf32, #tpu.memory_space<vmem>>) dst(%dma_wait3A_1276 : memref<512xf32, #tpu.memory_space<hbm>>)
      tpu.yield
    }) : () -> ()
    %add3A_1211 = arith.constant 589824 : i32
    %add3A_1212 = arith.addi %add3A_1211, %mul3A_2 : i32
    "tpu.region"() ({
      %run_scoped3A = tpu.sem_alloc : memref<!tpu.dma_semaphore, #tpu.memory_space<semaphore_mem>>
      %dma_start3A_1267 = arith.constant 18432 : i32
      %dma_start3A_1268 = tpu.memref_slice %arg9[%dma_start3A_1267] : memref<32768xf32, #tpu.memory_space<vmem>> -> memref<512xf32, #tpu.memory_space<vmem>>
      %dma_start3A_1269 = tpu.memref_slice %arg6[%add3A_1212] : memref<1048576xf32, #tpu.memory_space<hbm>> -> memref<512xf32, #tpu.memory_space<hbm>>
      %dma_start3A_1270 = tpu.memref_slice %arg6[%add3A_1212] : memref<1048576xf32, #tpu.memory_space<hbm>> -> memref<512xf32, #tpu.memory_space<hbm>>
      %dma_start3A_1271 = arith.constant 18432 : i32
      %dma_start3A_1272 = tpu.memref_slice %arg9[%dma_start3A_1271] : memref<32768xf32, #tpu.memory_space<vmem>> -> memref<512xf32, #tpu.memory_space<vmem>>
      tpu.enqueue_dma source(%dma_start3A_1272 : memref<512xf32, #tpu.memory_space<vmem>>) target(%dma_start3A_1270 : memref<512xf32, #tpu.memory_space<hbm>>) target_semaphore(%run_scoped3A : memref<!tpu.dma_semaphore, #tpu.memory_space<semaphore_mem>>)
      %dma_wait3A_1273 = arith.constant 18432 : i32
      %dma_wait3A_1274 = tpu.memref_slice %arg9[%dma_wait3A_1273] : memref<32768xf32, #tpu.memory_space<vmem>> -> memref<512xf32, #tpu.memory_space<vmem>>
      %dma_wait3A_1275 = tpu.memref_slice %arg6[%add3A_1212] : memref<1048576xf32, #tpu.memory_space<hbm>> -> memref<512xf32, #tpu.memory_space<hbm>>
      %dma_wait3A_1276 = tpu.memref_slice %arg6[%add3A_1212] : memref<1048576xf32, #tpu.memory_space<hbm>> -> memref<512xf32, #tpu.memory_space<hbm>>
      %dma_wait3A_1277 = arith.constant 18432 : i32
      %dma_wait3A_1278 = tpu.memref_slice %arg9[%dma_wait3A_1277] : memref<32768xf32, #tpu.memory_space<vmem>> -> memref<512xf32, #tpu.memory_space<vmem>>
      tpu.wait_dma2 semaphore(%run_scoped3A : memref<!tpu.dma_semaphore, #tpu.memory_space<semaphore_mem>>) src(%dma_wait3A_1278 : memref<512xf32, #tpu.memory_space<vmem>>) dst(%dma_wait3A_1276 : memref<512xf32, #tpu.memory_space<hbm>>)
      tpu.yield
    }) : () -> ()
    %add3A_1213 = arith.constant 606208 : i32
    %add3A_1214 = arith.addi %add3A_1213, %mul3A_2 : i32
    "tpu.region"() ({
      %run_scoped3A = tpu.sem_alloc : memref<!tpu.dma_semaphore, #tpu.memory_space<semaphore_mem>>
      %dma_start3A_1267 = arith.constant 18944 : i32
      %dma_start3A_1268 = tpu.memref_slice %arg9[%dma_start3A_1267] : memref<32768xf32, #tpu.memory_space<vmem>> -> memref<512xf32, #tpu.memory_space<vmem>>
      %dma_start3A_1269 = tpu.memref_slice %arg6[%add3A_1214] : memref<1048576xf32, #tpu.memory_space<hbm>> -> memref<512xf32, #tpu.memory_space<hbm>>
      %dma_start3A_1270 = tpu.memref_slice %arg6[%add3A_1214] : memref<1048576xf32, #tpu.memory_space<hbm>> -> memref<512xf32, #tpu.memory_space<hbm>>
      %dma_start3A_1271 = arith.constant 18944 : i32
      %dma_start3A_1272 = tpu.memref_slice %arg9[%dma_start3A_1271] : memref<32768xf32, #tpu.memory_space<vmem>> -> memref<512xf32, #tpu.memory_space<vmem>>
      tpu.enqueue_dma source(%dma_start3A_1272 : memref<512xf32, #tpu.memory_space<vmem>>) target(%dma_start3A_1270 : memref<512xf32, #tpu.memory_space<hbm>>) target_semaphore(%run_scoped3A : memref<!tpu.dma_semaphore, #tpu.memory_space<semaphore_mem>>)
      %dma_wait3A_1273 = arith.constant 18944 : i32
      %dma_wait3A_1274 = tpu.memref_slice %arg9[%dma_wait3A_1273] : memref<32768xf32, #tpu.memory_space<vmem>> -> memref<512xf32, #tpu.memory_space<vmem>>
      %dma_wait3A_1275 = tpu.memref_slice %arg6[%add3A_1214] : memref<1048576xf32, #tpu.memory_space<hbm>> -> memref<512xf32, #tpu.memory_space<hbm>>
      %dma_wait3A_1276 = tpu.memref_slice %arg6[%add3A_1214] : memref<1048576xf32, #tpu.memory_space<hbm>> -> memref<512xf32, #tpu.memory_space<hbm>>
      %dma_wait3A_1277 = arith.constant 18944 : i32
      %dma_wait3A_1278 = tpu.memref_slice %arg9[%dma_wait3A_1277] : memref<32768xf32, #tpu.memory_space<vmem>> -> memref<512xf32, #tpu.memory_space<vmem>>
      tpu.wait_dma2 semaphore(%run_scoped3A : memref<!tpu.dma_semaphore, #tpu.memory_space<semaphore_mem>>) src(%dma_wait3A_1278 : memref<512xf32, #tpu.memory_space<vmem>>) dst(%dma_wait3A_1276 : memref<512xf32, #tpu.memory_space<hbm>>)
      tpu.yield
    }) : () -> ()
    %add3A_1215 = arith.constant 622592 : i32
    %add3A_1216 = arith.addi %add3A_1215, %mul3A_2 : i32
    "tpu.region"() ({
      %run_scoped3A = tpu.sem_alloc : memref<!tpu.dma_semaphore, #tpu.memory_space<semaphore_mem>>
      %dma_start3A_1267 = arith.constant 19456 : i32
      %dma_start3A_1268 = tpu.memref_slice %arg9[%dma_start3A_1267] : memref<32768xf32, #tpu.memory_space<vmem>> -> memref<512xf32, #tpu.memory_space<vmem>>
      %dma_start3A_1269 = tpu.memref_slice %arg6[%add3A_1216] : memref<1048576xf32, #tpu.memory_space<hbm>> -> memref<512xf32, #tpu.memory_space<hbm>>
      %dma_start3A_1270 = tpu.memref_slice %arg6[%add3A_1216] : memref<1048576xf32, #tpu.memory_space<hbm>> -> memref<512xf32, #tpu.memory_space<hbm>>
      %dma_start3A_1271 = arith.constant 19456 : i32
      %dma_start3A_1272 = tpu.memref_slice %arg9[%dma_start3A_1271] : memref<32768xf32, #tpu.memory_space<vmem>> -> memref<512xf32, #tpu.memory_space<vmem>>
      tpu.enqueue_dma source(%dma_start3A_1272 : memref<512xf32, #tpu.memory_space<vmem>>) target(%dma_start3A_1270 : memref<512xf32, #tpu.memory_space<hbm>>) target_semaphore(%run_scoped3A : memref<!tpu.dma_semaphore, #tpu.memory_space<semaphore_mem>>)
      %dma_wait3A_1273 = arith.constant 19456 : i32
      %dma_wait3A_1274 = tpu.memref_slice %arg9[%dma_wait3A_1273] : memref<32768xf32, #tpu.memory_space<vmem>> -> memref<512xf32, #tpu.memory_space<vmem>>
      %dma_wait3A_1275 = tpu.memref_slice %arg6[%add3A_1216] : memref<1048576xf32, #tpu.memory_space<hbm>> -> memref<512xf32, #tpu.memory_space<hbm>>
      %dma_wait3A_1276 = tpu.memref_slice %arg6[%add3A_1216] : memref<1048576xf32, #tpu.memory_space<hbm>> -> memref<512xf32, #tpu.memory_space<hbm>>
      %dma_wait3A_1277 = arith.constant 19456 : i32
      %dma_wait3A_1278 = tpu.memref_slice %arg9[%dma_wait3A_1277] : memref<32768xf32, #tpu.memory_space<vmem>> -> memref<512xf32, #tpu.memory_space<vmem>>
      tpu.wait_dma2 semaphore(%run_scoped3A : memref<!tpu.dma_semaphore, #tpu.memory_space<semaphore_mem>>) src(%dma_wait3A_1278 : memref<512xf32, #tpu.memory_space<vmem>>) dst(%dma_wait3A_1276 : memref<512xf32, #tpu.memory_space<hbm>>)
      tpu.yield
    }) : () -> ()
    %add3A_1217 = arith.constant 638976 : i32
    %add3A_1218 = arith.addi %add3A_1217, %mul3A_2 : i32
    "tpu.region"() ({
      %run_scoped3A = tpu.sem_alloc : memref<!tpu.dma_semaphore, #tpu.memory_space<semaphore_mem>>
      %dma_start3A_1267 = arith.constant 19968 : i32
      %dma_start3A_1268 = tpu.memref_slice %arg9[%dma_start3A_1267] : memref<32768xf32, #tpu.memory_space<vmem>> -> memref<512xf32, #tpu.memory_space<vmem>>
      %dma_start3A_1269 = tpu.memref_slice %arg6[%add3A_1218] : memref<1048576xf32, #tpu.memory_space<hbm>> -> memref<512xf32, #tpu.memory_space<hbm>>
      %dma_start3A_1270 = tpu.memref_slice %arg6[%add3A_1218] : memref<1048576xf32, #tpu.memory_space<hbm>> -> memref<512xf32, #tpu.memory_space<hbm>>
      %dma_start3A_1271 = arith.constant 19968 : i32
      %dma_start3A_1272 = tpu.memref_slice %arg9[%dma_start3A_1271] : memref<32768xf32, #tpu.memory_space<vmem>> -> memref<512xf32, #tpu.memory_space<vmem>>
      tpu.enqueue_dma source(%dma_start3A_1272 : memref<512xf32, #tpu.memory_space<vmem>>) target(%dma_start3A_1270 : memref<512xf32, #tpu.memory_space<hbm>>) target_semaphore(%run_scoped3A : memref<!tpu.dma_semaphore, #tpu.memory_space<semaphore_mem>>)
      %dma_wait3A_1273 = arith.constant 19968 : i32
      %dma_wait3A_1274 = tpu.memref_slice %arg9[%dma_wait3A_1273] : memref<32768xf32, #tpu.memory_space<vmem>> -> memref<512xf32, #tpu.memory_space<vmem>>
      %dma_wait3A_1275 = tpu.memref_slice %arg6[%add3A_1218] : memref<1048576xf32, #tpu.memory_space<hbm>> -> memref<512xf32, #tpu.memory_space<hbm>>
      %dma_wait3A_1276 = tpu.memref_slice %arg6[%add3A_1218] : memref<1048576xf32, #tpu.memory_space<hbm>> -> memref<512xf32, #tpu.memory_space<hbm>>
      %dma_wait3A_1277 = arith.constant 19968 : i32
      %dma_wait3A_1278 = tpu.memref_slice %arg9[%dma_wait3A_1277] : memref<32768xf32, #tpu.memory_space<vmem>> -> memref<512xf32, #tpu.memory_space<vmem>>
      tpu.wait_dma2 semaphore(%run_scoped3A : memref<!tpu.dma_semaphore, #tpu.memory_space<semaphore_mem>>) src(%dma_wait3A_1278 : memref<512xf32, #tpu.memory_space<vmem>>) dst(%dma_wait3A_1276 : memref<512xf32, #tpu.memory_space<hbm>>)
      tpu.yield
    }) : () -> ()
    %add3A_1219 = arith.constant 655360 : i32
    %add3A_1220 = arith.addi %add3A_1219, %mul3A_2 : i32
    "tpu.region"() ({
      %run_scoped3A = tpu.sem_alloc : memref<!tpu.dma_semaphore, #tpu.memory_space<semaphore_mem>>
      %dma_start3A_1267 = arith.constant 20480 : i32
      %dma_start3A_1268 = tpu.memref_slice %arg9[%dma_start3A_1267] : memref<32768xf32, #tpu.memory_space<vmem>> -> memref<512xf32, #tpu.memory_space<vmem>>
      %dma_start3A_1269 = tpu.memref_slice %arg6[%add3A_1220] : memref<1048576xf32, #tpu.memory_space<hbm>> -> memref<512xf32, #tpu.memory_space<hbm>>
      %dma_start3A_1270 = tpu.memref_slice %arg6[%add3A_1220] : memref<1048576xf32, #tpu.memory_space<hbm>> -> memref<512xf32, #tpu.memory_space<hbm>>
      %dma_start3A_1271 = arith.constant 20480 : i32
      %dma_start3A_1272 = tpu.memref_slice %arg9[%dma_start3A_1271] : memref<32768xf32, #tpu.memory_space<vmem>> -> memref<512xf32, #tpu.memory_space<vmem>>
      tpu.enqueue_dma source(%dma_start3A_1272 : memref<512xf32, #tpu.memory_space<vmem>>) target(%dma_start3A_1270 : memref<512xf32, #tpu.memory_space<hbm>>) target_semaphore(%run_scoped3A : memref<!tpu.dma_semaphore, #tpu.memory_space<semaphore_mem>>)
      %dma_wait3A_1273 = arith.constant 20480 : i32
      %dma_wait3A_1274 = tpu.memref_slice %arg9[%dma_wait3A_1273] : memref<32768xf32, #tpu.memory_space<vmem>> -> memref<512xf32, #tpu.memory_space<vmem>>
      %dma_wait3A_1275 = tpu.memref_slice %arg6[%add3A_1220] : memref<1048576xf32, #tpu.memory_space<hbm>> -> memref<512xf32, #tpu.memory_space<hbm>>
      %dma_wait3A_1276 = tpu.memref_slice %arg6[%add3A_1220] : memref<1048576xf32, #tpu.memory_space<hbm>> -> memref<512xf32, #tpu.memory_space<hbm>>
      %dma_wait3A_1277 = arith.constant 20480 : i32
      %dma_wait3A_1278 = tpu.memref_slice %arg9[%dma_wait3A_1277] : memref<32768xf32, #tpu.memory_space<vmem>> -> memref<512xf32, #tpu.memory_space<vmem>>
      tpu.wait_dma2 semaphore(%run_scoped3A : memref<!tpu.dma_semaphore, #tpu.memory_space<semaphore_mem>>) src(%dma_wait3A_1278 : memref<512xf32, #tpu.memory_space<vmem>>) dst(%dma_wait3A_1276 : memref<512xf32, #tpu.memory_space<hbm>>)
      tpu.yield
    }) : () -> ()
    %add3A_1221 = arith.constant 671744 : i32
    %add3A_1222 = arith.addi %add3A_1221, %mul3A_2 : i32
    "tpu.region"() ({
      %run_scoped3A = tpu.sem_alloc : memref<!tpu.dma_semaphore, #tpu.memory_space<semaphore_mem>>
      %dma_start3A_1267 = arith.constant 20992 : i32
      %dma_start3A_1268 = tpu.memref_slice %arg9[%dma_start3A_1267] : memref<32768xf32, #tpu.memory_space<vmem>> -> memref<512xf32, #tpu.memory_space<vmem>>
      %dma_start3A_1269 = tpu.memref_slice %arg6[%add3A_1222] : memref<1048576xf32, #tpu.memory_space<hbm>> -> memref<512xf32, #tpu.memory_space<hbm>>
      %dma_start3A_1270 = tpu.memref_slice %arg6[%add3A_1222] : memref<1048576xf32, #tpu.memory_space<hbm>> -> memref<512xf32, #tpu.memory_space<hbm>>
      %dma_start3A_1271 = arith.constant 20992 : i32
      %dma_start3A_1272 = tpu.memref_slice %arg9[%dma_start3A_1271] : memref<32768xf32, #tpu.memory_space<vmem>> -> memref<512xf32, #tpu.memory_space<vmem>>
      tpu.enqueue_dma source(%dma_start3A_1272 : memref<512xf32, #tpu.memory_space<vmem>>) target(%dma_start3A_1270 : memref<512xf32, #tpu.memory_space<hbm>>) target_semaphore(%run_scoped3A : memref<!tpu.dma_semaphore, #tpu.memory_space<semaphore_mem>>)
      %dma_wait3A_1273 = arith.constant 20992 : i32
      %dma_wait3A_1274 = tpu.memref_slice %arg9[%dma_wait3A_1273] : memref<32768xf32, #tpu.memory_space<vmem>> -> memref<512xf32, #tpu.memory_space<vmem>>
      %dma_wait3A_1275 = tpu.memref_slice %arg6[%add3A_1222] : memref<1048576xf32, #tpu.memory_space<hbm>> -> memref<512xf32, #tpu.memory_space<hbm>>
      %dma_wait3A_1276 = tpu.memref_slice %arg6[%add3A_1222] : memref<1048576xf32, #tpu.memory_space<hbm>> -> memref<512xf32, #tpu.memory_space<hbm>>
      %dma_wait3A_1277 = arith.constant 20992 : i32
      %dma_wait3A_1278 = tpu.memref_slice %arg9[%dma_wait3A_1277] : memref<32768xf32, #tpu.memory_space<vmem>> -> memref<512xf32, #tpu.memory_space<vmem>>
      tpu.wait_dma2 semaphore(%run_scoped3A : memref<!tpu.dma_semaphore, #tpu.memory_space<semaphore_mem>>) src(%dma_wait3A_1278 : memref<512xf32, #tpu.memory_space<vmem>>) dst(%dma_wait3A_1276 : memref<512xf32, #tpu.memory_space<hbm>>)
      tpu.yield
    }) : () -> ()
    %add3A_1223 = arith.constant 688128 : i32
    %add3A_1224 = arith.addi %add3A_1223, %mul3A_2 : i32
    "tpu.region"() ({
      %run_scoped3A = tpu.sem_alloc : memref<!tpu.dma_semaphore, #tpu.memory_space<semaphore_mem>>
      %dma_start3A_1267 = arith.constant 21504 : i32
      %dma_start3A_1268 = tpu.memref_slice %arg9[%dma_start3A_1267] : memref<32768xf32, #tpu.memory_space<vmem>> -> memref<512xf32, #tpu.memory_space<vmem>>
      %dma_start3A_1269 = tpu.memref_slice %arg6[%add3A_1224] : memref<1048576xf32, #tpu.memory_space<hbm>> -> memref<512xf32, #tpu.memory_space<hbm>>
      %dma_start3A_1270 = tpu.memref_slice %arg6[%add3A_1224] : memref<1048576xf32, #tpu.memory_space<hbm>> -> memref<512xf32, #tpu.memory_space<hbm>>
      %dma_start3A_1271 = arith.constant 21504 : i32
      %dma_start3A_1272 = tpu.memref_slice %arg9[%dma_start3A_1271] : memref<32768xf32, #tpu.memory_space<vmem>> -> memref<512xf32, #tpu.memory_space<vmem>>
      tpu.enqueue_dma source(%dma_start3A_1272 : memref<512xf32, #tpu.memory_space<vmem>>) target(%dma_start3A_1270 : memref<512xf32, #tpu.memory_space<hbm>>) target_semaphore(%run_scoped3A : memref<!tpu.dma_semaphore, #tpu.memory_space<semaphore_mem>>)
      %dma_wait3A_1273 = arith.constant 21504 : i32
      %dma_wait3A_1274 = tpu.memref_slice %arg9[%dma_wait3A_1273] : memref<32768xf32, #tpu.memory_space<vmem>> -> memref<512xf32, #tpu.memory_space<vmem>>
      %dma_wait3A_1275 = tpu.memref_slice %arg6[%add3A_1224] : memref<1048576xf32, #tpu.memory_space<hbm>> -> memref<512xf32, #tpu.memory_space<hbm>>
      %dma_wait3A_1276 = tpu.memref_slice %arg6[%add3A_1224] : memref<1048576xf32, #tpu.memory_space<hbm>> -> memref<512xf32, #tpu.memory_space<hbm>>
      %dma_wait3A_1277 = arith.constant 21504 : i32
      %dma_wait3A_1278 = tpu.memref_slice %arg9[%dma_wait3A_1277] : memref<32768xf32, #tpu.memory_space<vmem>> -> memref<512xf32, #tpu.memory_space<vmem>>
      tpu.wait_dma2 semaphore(%run_scoped3A : memref<!tpu.dma_semaphore, #tpu.memory_space<semaphore_mem>>) src(%dma_wait3A_1278 : memref<512xf32, #tpu.memory_space<vmem>>) dst(%dma_wait3A_1276 : memref<512xf32, #tpu.memory_space<hbm>>)
      tpu.yield
    }) : () -> ()
    %add3A_1225 = arith.constant 704512 : i32
    %add3A_1226 = arith.addi %add3A_1225, %mul3A_2 : i32
    "tpu.region"() ({
      %run_scoped3A = tpu.sem_alloc : memref<!tpu.dma_semaphore, #tpu.memory_space<semaphore_mem>>
      %dma_start3A_1267 = arith.constant 22016 : i32
      %dma_start3A_1268 = tpu.memref_slice %arg9[%dma_start3A_1267] : memref<32768xf32, #tpu.memory_space<vmem>> -> memref<512xf32, #tpu.memory_space<vmem>>
      %dma_start3A_1269 = tpu.memref_slice %arg6[%add3A_1226] : memref<1048576xf32, #tpu.memory_space<hbm>> -> memref<512xf32, #tpu.memory_space<hbm>>
      %dma_start3A_1270 = tpu.memref_slice %arg6[%add3A_1226] : memref<1048576xf32, #tpu.memory_space<hbm>> -> memref<512xf32, #tpu.memory_space<hbm>>
      %dma_start3A_1271 = arith.constant 22016 : i32
      %dma_start3A_1272 = tpu.memref_slice %arg9[%dma_start3A_1271] : memref<32768xf32, #tpu.memory_space<vmem>> -> memref<512xf32, #tpu.memory_space<vmem>>
      tpu.enqueue_dma source(%dma_start3A_1272 : memref<512xf32, #tpu.memory_space<vmem>>) target(%dma_start3A_1270 : memref<512xf32, #tpu.memory_space<hbm>>) target_semaphore(%run_scoped3A : memref<!tpu.dma_semaphore, #tpu.memory_space<semaphore_mem>>)
      %dma_wait3A_1273 = arith.constant 22016 : i32
      %dma_wait3A_1274 = tpu.memref_slice %arg9[%dma_wait3A_1273] : memref<32768xf32, #tpu.memory_space<vmem>> -> memref<512xf32, #tpu.memory_space<vmem>>
      %dma_wait3A_1275 = tpu.memref_slice %arg6[%add3A_1226] : memref<1048576xf32, #tpu.memory_space<hbm>> -> memref<512xf32, #tpu.memory_space<hbm>>
      %dma_wait3A_1276 = tpu.memref_slice %arg6[%add3A_1226] : memref<1048576xf32, #tpu.memory_space<hbm>> -> memref<512xf32, #tpu.memory_space<hbm>>
      %dma_wait3A_1277 = arith.constant 22016 : i32
      %dma_wait3A_1278 = tpu.memref_slice %arg9[%dma_wait3A_1277] : memref<32768xf32, #tpu.memory_space<vmem>> -> memref<512xf32, #tpu.memory_space<vmem>>
      tpu.wait_dma2 semaphore(%run_scoped3A : memref<!tpu.dma_semaphore, #tpu.memory_space<semaphore_mem>>) src(%dma_wait3A_1278 : memref<512xf32, #tpu.memory_space<vmem>>) dst(%dma_wait3A_1276 : memref<512xf32, #tpu.memory_space<hbm>>)
      tpu.yield
    }) : () -> ()
    %add3A_1227 = arith.constant 720896 : i32
    %add3A_1228 = arith.addi %add3A_1227, %mul3A_2 : i32
    "tpu.region"() ({
      %run_scoped3A = tpu.sem_alloc : memref<!tpu.dma_semaphore, #tpu.memory_space<semaphore_mem>>
      %dma_start3A_1267 = arith.constant 22528 : i32
      %dma_start3A_1268 = tpu.memref_slice %arg9[%dma_start3A_1267] : memref<32768xf32, #tpu.memory_space<vmem>> -> memref<512xf32, #tpu.memory_space<vmem>>
      %dma_start3A_1269 = tpu.memref_slice %arg6[%add3A_1228] : memref<1048576xf32, #tpu.memory_space<hbm>> -> memref<512xf32, #tpu.memory_space<hbm>>
      %dma_start3A_1270 = tpu.memref_slice %arg6[%add3A_1228] : memref<1048576xf32, #tpu.memory_space<hbm>> -> memref<512xf32, #tpu.memory_space<hbm>>
      %dma_start3A_1271 = arith.constant 22528 : i32
      %dma_start3A_1272 = tpu.memref_slice %arg9[%dma_start3A_1271] : memref<32768xf32, #tpu.memory_space<vmem>> -> memref<512xf32, #tpu.memory_space<vmem>>
      tpu.enqueue_dma source(%dma_start3A_1272 : memref<512xf32, #tpu.memory_space<vmem>>) target(%dma_start3A_1270 : memref<512xf32, #tpu.memory_space<hbm>>) target_semaphore(%run_scoped3A : memref<!tpu.dma_semaphore, #tpu.memory_space<semaphore_mem>>)
      %dma_wait3A_1273 = arith.constant 22528 : i32
      %dma_wait3A_1274 = tpu.memref_slice %arg9[%dma_wait3A_1273] : memref<32768xf32, #tpu.memory_space<vmem>> -> memref<512xf32, #tpu.memory_space<vmem>>
      %dma_wait3A_1275 = tpu.memref_slice %arg6[%add3A_1228] : memref<1048576xf32, #tpu.memory_space<hbm>> -> memref<512xf32, #tpu.memory_space<hbm>>
      %dma_wait3A_1276 = tpu.memref_slice %arg6[%add3A_1228] : memref<1048576xf32, #tpu.memory_space<hbm>> -> memref<512xf32, #tpu.memory_space<hbm>>
      %dma_wait3A_1277 = arith.constant 22528 : i32
      %dma_wait3A_1278 = tpu.memref_slice %arg9[%dma_wait3A_1277] : memref<32768xf32, #tpu.memory_space<vmem>> -> memref<512xf32, #tpu.memory_space<vmem>>
      tpu.wait_dma2 semaphore(%run_scoped3A : memref<!tpu.dma_semaphore, #tpu.memory_space<semaphore_mem>>) src(%dma_wait3A_1278 : memref<512xf32, #tpu.memory_space<vmem>>) dst(%dma_wait3A_1276 : memref<512xf32, #tpu.memory_space<hbm>>)
      tpu.yield
    }) : () -> ()
    %add3A_1229 = arith.constant 737280 : i32
    %add3A_1230 = arith.addi %add3A_1229, %mul3A_2 : i32
    "tpu.region"() ({
      %run_scoped3A = tpu.sem_alloc : memref<!tpu.dma_semaphore, #tpu.memory_space<semaphore_mem>>
      %dma_start3A_1267 = arith.constant 23040 : i32
      %dma_start3A_1268 = tpu.memref_slice %arg9[%dma_start3A_1267] : memref<32768xf32, #tpu.memory_space<vmem>> -> memref<512xf32, #tpu.memory_space<vmem>>
      %dma_start3A_1269 = tpu.memref_slice %arg6[%add3A_1230] : memref<1048576xf32, #tpu.memory_space<hbm>> -> memref<512xf32, #tpu.memory_space<hbm>>
      %dma_start3A_1270 = tpu.memref_slice %arg6[%add3A_1230] : memref<1048576xf32, #tpu.memory_space<hbm>> -> memref<512xf32, #tpu.memory_space<hbm>>
      %dma_start3A_1271 = arith.constant 23040 : i32
      %dma_start3A_1272 = tpu.memref_slice %arg9[%dma_start3A_1271] : memref<32768xf32, #tpu.memory_space<vmem>> -> memref<512xf32, #tpu.memory_space<vmem>>
      tpu.enqueue_dma source(%dma_start3A_1272 : memref<512xf32, #tpu.memory_space<vmem>>) target(%dma_start3A_1270 : memref<512xf32, #tpu.memory_space<hbm>>) target_semaphore(%run_scoped3A : memref<!tpu.dma_semaphore, #tpu.memory_space<semaphore_mem>>)
      %dma_wait3A_1273 = arith.constant 23040 : i32
      %dma_wait3A_1274 = tpu.memref_slice %arg9[%dma_wait3A_1273] : memref<32768xf32, #tpu.memory_space<vmem>> -> memref<512xf32, #tpu.memory_space<vmem>>
      %dma_wait3A_1275 = tpu.memref_slice %arg6[%add3A_1230] : memref<1048576xf32, #tpu.memory_space<hbm>> -> memref<512xf32, #tpu.memory_space<hbm>>
      %dma_wait3A_1276 = tpu.memref_slice %arg6[%add3A_1230] : memref<1048576xf32, #tpu.memory_space<hbm>> -> memref<512xf32, #tpu.memory_space<hbm>>
      %dma_wait3A_1277 = arith.constant 23040 : i32
      %dma_wait3A_1278 = tpu.memref_slice %arg9[%dma_wait3A_1277] : memref<32768xf32, #tpu.memory_space<vmem>> -> memref<512xf32, #tpu.memory_space<vmem>>
      tpu.wait_dma2 semaphore(%run_scoped3A : memref<!tpu.dma_semaphore, #tpu.memory_space<semaphore_mem>>) src(%dma_wait3A_1278 : memref<512xf32, #tpu.memory_space<vmem>>) dst(%dma_wait3A_1276 : memref<512xf32, #tpu.memory_space<hbm>>)
      tpu.yield
    }) : () -> ()
    %add3A_1231 = arith.constant 753664 : i32
    %add3A_1232 = arith.addi %add3A_1231, %mul3A_2 : i32
    "tpu.region"() ({
      %run_scoped3A = tpu.sem_alloc : memref<!tpu.dma_semaphore, #tpu.memory_space<semaphore_mem>>
      %dma_start3A_1267 = arith.constant 23552 : i32
      %dma_start3A_1268 = tpu.memref_slice %arg9[%dma_start3A_1267] : memref<32768xf32, #tpu.memory_space<vmem>> -> memref<512xf32, #tpu.memory_space<vmem>>
      %dma_start3A_1269 = tpu.memref_slice %arg6[%add3A_1232] : memref<1048576xf32, #tpu.memory_space<hbm>> -> memref<512xf32, #tpu.memory_space<hbm>>
      %dma_start3A_1270 = tpu.memref_slice %arg6[%add3A_1232] : memref<1048576xf32, #tpu.memory_space<hbm>> -> memref<512xf32, #tpu.memory_space<hbm>>
      %dma_start3A_1271 = arith.constant 23552 : i32
      %dma_start3A_1272 = tpu.memref_slice %arg9[%dma_start3A_1271] : memref<32768xf32, #tpu.memory_space<vmem>> -> memref<512xf32, #tpu.memory_space<vmem>>
      tpu.enqueue_dma source(%dma_start3A_1272 : memref<512xf32, #tpu.memory_space<vmem>>) target(%dma_start3A_1270 : memref<512xf32, #tpu.memory_space<hbm>>) target_semaphore(%run_scoped3A : memref<!tpu.dma_semaphore, #tpu.memory_space<semaphore_mem>>)
      %dma_wait3A_1273 = arith.constant 23552 : i32
      %dma_wait3A_1274 = tpu.memref_slice %arg9[%dma_wait3A_1273] : memref<32768xf32, #tpu.memory_space<vmem>> -> memref<512xf32, #tpu.memory_space<vmem>>
      %dma_wait3A_1275 = tpu.memref_slice %arg6[%add3A_1232] : memref<1048576xf32, #tpu.memory_space<hbm>> -> memref<512xf32, #tpu.memory_space<hbm>>
      %dma_wait3A_1276 = tpu.memref_slice %arg6[%add3A_1232] : memref<1048576xf32, #tpu.memory_space<hbm>> -> memref<512xf32, #tpu.memory_space<hbm>>
      %dma_wait3A_1277 = arith.constant 23552 : i32
      %dma_wait3A_1278 = tpu.memref_slice %arg9[%dma_wait3A_1277] : memref<32768xf32, #tpu.memory_space<vmem>> -> memref<512xf32, #tpu.memory_space<vmem>>
      tpu.wait_dma2 semaphore(%run_scoped3A : memref<!tpu.dma_semaphore, #tpu.memory_space<semaphore_mem>>) src(%dma_wait3A_1278 : memref<512xf32, #tpu.memory_space<vmem>>) dst(%dma_wait3A_1276 : memref<512xf32, #tpu.memory_space<hbm>>)
      tpu.yield
    }) : () -> ()
    %add3A_1233 = arith.constant 770048 : i32
    %add3A_1234 = arith.addi %add3A_1233, %mul3A_2 : i32
    "tpu.region"() ({
      %run_scoped3A = tpu.sem_alloc : memref<!tpu.dma_semaphore, #tpu.memory_space<semaphore_mem>>
      %dma_start3A_1267 = arith.constant 24064 : i32
      %dma_start3A_1268 = tpu.memref_slice %arg9[%dma_start3A_1267] : memref<32768xf32, #tpu.memory_space<vmem>> -> memref<512xf32, #tpu.memory_space<vmem>>
      %dma_start3A_1269 = tpu.memref_slice %arg6[%add3A_1234] : memref<1048576xf32, #tpu.memory_space<hbm>> -> memref<512xf32, #tpu.memory_space<hbm>>
      %dma_start3A_1270 = tpu.memref_slice %arg6[%add3A_1234] : memref<1048576xf32, #tpu.memory_space<hbm>> -> memref<512xf32, #tpu.memory_space<hbm>>
      %dma_start3A_1271 = arith.constant 24064 : i32
      %dma_start3A_1272 = tpu.memref_slice %arg9[%dma_start3A_1271] : memref<32768xf32, #tpu.memory_space<vmem>> -> memref<512xf32, #tpu.memory_space<vmem>>
      tpu.enqueue_dma source(%dma_start3A_1272 : memref<512xf32, #tpu.memory_space<vmem>>) target(%dma_start3A_1270 : memref<512xf32, #tpu.memory_space<hbm>>) target_semaphore(%run_scoped3A : memref<!tpu.dma_semaphore, #tpu.memory_space<semaphore_mem>>)
      %dma_wait3A_1273 = arith.constant 24064 : i32
      %dma_wait3A_1274 = tpu.memref_slice %arg9[%dma_wait3A_1273] : memref<32768xf32, #tpu.memory_space<vmem>> -> memref<512xf32, #tpu.memory_space<vmem>>
      %dma_wait3A_1275 = tpu.memref_slice %arg6[%add3A_1234] : memref<1048576xf32, #tpu.memory_space<hbm>> -> memref<512xf32, #tpu.memory_space<hbm>>
      %dma_wait3A_1276 = tpu.memref_slice %arg6[%add3A_1234] : memref<1048576xf32, #tpu.memory_space<hbm>> -> memref<512xf32, #tpu.memory_space<hbm>>
      %dma_wait3A_1277 = arith.constant 24064 : i32
      %dma_wait3A_1278 = tpu.memref_slice %arg9[%dma_wait3A_1277] : memref<32768xf32, #tpu.memory_space<vmem>> -> memref<512xf32, #tpu.memory_space<vmem>>
      tpu.wait_dma2 semaphore(%run_scoped3A : memref<!tpu.dma_semaphore, #tpu.memory_space<semaphore_mem>>) src(%dma_wait3A_1278 : memref<512xf32, #tpu.memory_space<vmem>>) dst(%dma_wait3A_1276 : memref<512xf32, #tpu.memory_space<hbm>>)
      tpu.yield
    }) : () -> ()
    %add3A_1235 = arith.constant 786432 : i32
    %add3A_1236 = arith.addi %add3A_1235, %mul3A_2 : i32
    "tpu.region"() ({
      %run_scoped3A = tpu.sem_alloc : memref<!tpu.dma_semaphore, #tpu.memory_space<semaphore_mem>>
      %dma_start3A_1267 = arith.constant 24576 : i32
      %dma_start3A_1268 = tpu.memref_slice %arg9[%dma_start3A_1267] : memref<32768xf32, #tpu.memory_space<vmem>> -> memref<512xf32, #tpu.memory_space<vmem>>
      %dma_start3A_1269 = tpu.memref_slice %arg6[%add3A_1236] : memref<1048576xf32, #tpu.memory_space<hbm>> -> memref<512xf32, #tpu.memory_space<hbm>>
      %dma_start3A_1270 = tpu.memref_slice %arg6[%add3A_1236] : memref<1048576xf32, #tpu.memory_space<hbm>> -> memref<512xf32, #tpu.memory_space<hbm>>
      %dma_start3A_1271 = arith.constant 24576 : i32
      %dma_start3A_1272 = tpu.memref_slice %arg9[%dma_start3A_1271] : memref<32768xf32, #tpu.memory_space<vmem>> -> memref<512xf32, #tpu.memory_space<vmem>>
      tpu.enqueue_dma source(%dma_start3A_1272 : memref<512xf32, #tpu.memory_space<vmem>>) target(%dma_start3A_1270 : memref<512xf32, #tpu.memory_space<hbm>>) target_semaphore(%run_scoped3A : memref<!tpu.dma_semaphore, #tpu.memory_space<semaphore_mem>>)
      %dma_wait3A_1273 = arith.constant 24576 : i32
      %dma_wait3A_1274 = tpu.memref_slice %arg9[%dma_wait3A_1273] : memref<32768xf32, #tpu.memory_space<vmem>> -> memref<512xf32, #tpu.memory_space<vmem>>
      %dma_wait3A_1275 = tpu.memref_slice %arg6[%add3A_1236] : memref<1048576xf32, #tpu.memory_space<hbm>> -> memref<512xf32, #tpu.memory_space<hbm>>
      %dma_wait3A_1276 = tpu.memref_slice %arg6[%add3A_1236] : memref<1048576xf32, #tpu.memory_space<hbm>> -> memref<512xf32, #tpu.memory_space<hbm>>
      %dma_wait3A_1277 = arith.constant 24576 : i32
      %dma_wait3A_1278 = tpu.memref_slice %arg9[%dma_wait3A_1277] : memref<32768xf32, #tpu.memory_space<vmem>> -> memref<512xf32, #tpu.memory_space<vmem>>
      tpu.wait_dma2 semaphore(%run_scoped3A : memref<!tpu.dma_semaphore, #tpu.memory_space<semaphore_mem>>) src(%dma_wait3A_1278 : memref<512xf32, #tpu.memory_space<vmem>>) dst(%dma_wait3A_1276 : memref<512xf32, #tpu.memory_space<hbm>>)
      tpu.yield
    }) : () -> ()
    %add3A_1237 = arith.constant 802816 : i32
    %add3A_1238 = arith.addi %add3A_1237, %mul3A_2 : i32
    "tpu.region"() ({
      %run_scoped3A = tpu.sem_alloc : memref<!tpu.dma_semaphore, #tpu.memory_space<semaphore_mem>>
      %dma_start3A_1267 = arith.constant 25088 : i32
      %dma_start3A_1268 = tpu.memref_slice %arg9[%dma_start3A_1267] : memref<32768xf32, #tpu.memory_space<vmem>> -> memref<512xf32, #tpu.memory_space<vmem>>
      %dma_start3A_1269 = tpu.memref_slice %arg6[%add3A_1238] : memref<1048576xf32, #tpu.memory_space<hbm>> -> memref<512xf32, #tpu.memory_space<hbm>>
      %dma_start3A_1270 = tpu.memref_slice %arg6[%add3A_1238] : memref<1048576xf32, #tpu.memory_space<hbm>> -> memref<512xf32, #tpu.memory_space<hbm>>
      %dma_start3A_1271 = arith.constant 25088 : i32
      %dma_start3A_1272 = tpu.memref_slice %arg9[%dma_start3A_1271] : memref<32768xf32, #tpu.memory_space<vmem>> -> memref<512xf32, #tpu.memory_space<vmem>>
      tpu.enqueue_dma source(%dma_start3A_1272 : memref<512xf32, #tpu.memory_space<vmem>>) target(%dma_start3A_1270 : memref<512xf32, #tpu.memory_space<hbm>>) target_semaphore(%run_scoped3A : memref<!tpu.dma_semaphore, #tpu.memory_space<semaphore_mem>>)
      %dma_wait3A_1273 = arith.constant 25088 : i32
      %dma_wait3A_1274 = tpu.memref_slice %arg9[%dma_wait3A_1273] : memref<32768xf32, #tpu.memory_space<vmem>> -> memref<512xf32, #tpu.memory_space<vmem>>
      %dma_wait3A_1275 = tpu.memref_slice %arg6[%add3A_1238] : memref<1048576xf32, #tpu.memory_space<hbm>> -> memref<512xf32, #tpu.memory_space<hbm>>
      %dma_wait3A_1276 = tpu.memref_slice %arg6[%add3A_1238] : memref<1048576xf32, #tpu.memory_space<hbm>> -> memref<512xf32, #tpu.memory_space<hbm>>
      %dma_wait3A_1277 = arith.constant 25088 : i32
      %dma_wait3A_1278 = tpu.memref_slice %arg9[%dma_wait3A_1277] : memref<32768xf32, #tpu.memory_space<vmem>> -> memref<512xf32, #tpu.memory_space<vmem>>
      tpu.wait_dma2 semaphore(%run_scoped3A : memref<!tpu.dma_semaphore, #tpu.memory_space<semaphore_mem>>) src(%dma_wait3A_1278 : memref<512xf32, #tpu.memory_space<vmem>>) dst(%dma_wait3A_1276 : memref<512xf32, #tpu.memory_space<hbm>>)
      tpu.yield
    }) : () -> ()
    %add3A_1239 = arith.constant 819200 : i32
    %add3A_1240 = arith.addi %add3A_1239, %mul3A_2 : i32
    "tpu.region"() ({
      %run_scoped3A = tpu.sem_alloc : memref<!tpu.dma_semaphore, #tpu.memory_space<semaphore_mem>>
      %dma_start3A_1267 = arith.constant 25600 : i32
      %dma_start3A_1268 = tpu.memref_slice %arg9[%dma_start3A_1267] : memref<32768xf32, #tpu.memory_space<vmem>> -> memref<512xf32, #tpu.memory_space<vmem>>
      %dma_start3A_1269 = tpu.memref_slice %arg6[%add3A_1240] : memref<1048576xf32, #tpu.memory_space<hbm>> -> memref<512xf32, #tpu.memory_space<hbm>>
      %dma_start3A_1270 = tpu.memref_slice %arg6[%add3A_1240] : memref<1048576xf32, #tpu.memory_space<hbm>> -> memref<512xf32, #tpu.memory_space<hbm>>
      %dma_start3A_1271 = arith.constant 25600 : i32
      %dma_start3A_1272 = tpu.memref_slice %arg9[%dma_start3A_1271] : memref<32768xf32, #tpu.memory_space<vmem>> -> memref<512xf32, #tpu.memory_space<vmem>>
      tpu.enqueue_dma source(%dma_start3A_1272 : memref<512xf32, #tpu.memory_space<vmem>>) target(%dma_start3A_1270 : memref<512xf32, #tpu.memory_space<hbm>>) target_semaphore(%run_scoped3A : memref<!tpu.dma_semaphore, #tpu.memory_space<semaphore_mem>>)
      %dma_wait3A_1273 = arith.constant 25600 : i32
      %dma_wait3A_1274 = tpu.memref_slice %arg9[%dma_wait3A_1273] : memref<32768xf32, #tpu.memory_space<vmem>> -> memref<512xf32, #tpu.memory_space<vmem>>
      %dma_wait3A_1275 = tpu.memref_slice %arg6[%add3A_1240] : memref<1048576xf32, #tpu.memory_space<hbm>> -> memref<512xf32, #tpu.memory_space<hbm>>
      %dma_wait3A_1276 = tpu.memref_slice %arg6[%add3A_1240] : memref<1048576xf32, #tpu.memory_space<hbm>> -> memref<512xf32, #tpu.memory_space<hbm>>
      %dma_wait3A_1277 = arith.constant 25600 : i32
      %dma_wait3A_1278 = tpu.memref_slice %arg9[%dma_wait3A_1277] : memref<32768xf32, #tpu.memory_space<vmem>> -> memref<512xf32, #tpu.memory_space<vmem>>
      tpu.wait_dma2 semaphore(%run_scoped3A : memref<!tpu.dma_semaphore, #tpu.memory_space<semaphore_mem>>) src(%dma_wait3A_1278 : memref<512xf32, #tpu.memory_space<vmem>>) dst(%dma_wait3A_1276 : memref<512xf32, #tpu.memory_space<hbm>>)
      tpu.yield
    }) : () -> ()
    %add3A_1241 = arith.constant 835584 : i32
    %add3A_1242 = arith.addi %add3A_1241, %mul3A_2 : i32
    "tpu.region"() ({
      %run_scoped3A = tpu.sem_alloc : memref<!tpu.dma_semaphore, #tpu.memory_space<semaphore_mem>>
      %dma_start3A_1267 = arith.constant 26112 : i32
      %dma_start3A_1268 = tpu.memref_slice %arg9[%dma_start3A_1267] : memref<32768xf32, #tpu.memory_space<vmem>> -> memref<512xf32, #tpu.memory_space<vmem>>
      %dma_start3A_1269 = tpu.memref_slice %arg6[%add3A_1242] : memref<1048576xf32, #tpu.memory_space<hbm>> -> memref<512xf32, #tpu.memory_space<hbm>>
      %dma_start3A_1270 = tpu.memref_slice %arg6[%add3A_1242] : memref<1048576xf32, #tpu.memory_space<hbm>> -> memref<512xf32, #tpu.memory_space<hbm>>
      %dma_start3A_1271 = arith.constant 26112 : i32
      %dma_start3A_1272 = tpu.memref_slice %arg9[%dma_start3A_1271] : memref<32768xf32, #tpu.memory_space<vmem>> -> memref<512xf32, #tpu.memory_space<vmem>>
      tpu.enqueue_dma source(%dma_start3A_1272 : memref<512xf32, #tpu.memory_space<vmem>>) target(%dma_start3A_1270 : memref<512xf32, #tpu.memory_space<hbm>>) target_semaphore(%run_scoped3A : memref<!tpu.dma_semaphore, #tpu.memory_space<semaphore_mem>>)
      %dma_wait3A_1273 = arith.constant 26112 : i32
      %dma_wait3A_1274 = tpu.memref_slice %arg9[%dma_wait3A_1273] : memref<32768xf32, #tpu.memory_space<vmem>> -> memref<512xf32, #tpu.memory_space<vmem>>
      %dma_wait3A_1275 = tpu.memref_slice %arg6[%add3A_1242] : memref<1048576xf32, #tpu.memory_space<hbm>> -> memref<512xf32, #tpu.memory_space<hbm>>
      %dma_wait3A_1276 = tpu.memref_slice %arg6[%add3A_1242] : memref<1048576xf32, #tpu.memory_space<hbm>> -> memref<512xf32, #tpu.memory_space<hbm>>
      %dma_wait3A_1277 = arith.constant 26112 : i32
      %dma_wait3A_1278 = tpu.memref_slice %arg9[%dma_wait3A_1277] : memref<32768xf32, #tpu.memory_space<vmem>> -> memref<512xf32, #tpu.memory_space<vmem>>
      tpu.wait_dma2 semaphore(%run_scoped3A : memref<!tpu.dma_semaphore, #tpu.memory_space<semaphore_mem>>) src(%dma_wait3A_1278 : memref<512xf32, #tpu.memory_space<vmem>>) dst(%dma_wait3A_1276 : memref<512xf32, #tpu.memory_space<hbm>>)
      tpu.yield
    }) : () -> ()
    %add3A_1243 = arith.constant 851968 : i32
    %add3A_1244 = arith.addi %add3A_1243, %mul3A_2 : i32
    "tpu.region"() ({
      %run_scoped3A = tpu.sem_alloc : memref<!tpu.dma_semaphore, #tpu.memory_space<semaphore_mem>>
      %dma_start3A_1267 = arith.constant 26624 : i32
      %dma_start3A_1268 = tpu.memref_slice %arg9[%dma_start3A_1267] : memref<32768xf32, #tpu.memory_space<vmem>> -> memref<512xf32, #tpu.memory_space<vmem>>
      %dma_start3A_1269 = tpu.memref_slice %arg6[%add3A_1244] : memref<1048576xf32, #tpu.memory_space<hbm>> -> memref<512xf32, #tpu.memory_space<hbm>>
      %dma_start3A_1270 = tpu.memref_slice %arg6[%add3A_1244] : memref<1048576xf32, #tpu.memory_space<hbm>> -> memref<512xf32, #tpu.memory_space<hbm>>
      %dma_start3A_1271 = arith.constant 26624 : i32
      %dma_start3A_1272 = tpu.memref_slice %arg9[%dma_start3A_1271] : memref<32768xf32, #tpu.memory_space<vmem>> -> memref<512xf32, #tpu.memory_space<vmem>>
      tpu.enqueue_dma source(%dma_start3A_1272 : memref<512xf32, #tpu.memory_space<vmem>>) target(%dma_start3A_1270 : memref<512xf32, #tpu.memory_space<hbm>>) target_semaphore(%run_scoped3A : memref<!tpu.dma_semaphore, #tpu.memory_space<semaphore_mem>>)
      %dma_wait3A_1273 = arith.constant 26624 : i32
      %dma_wait3A_1274 = tpu.memref_slice %arg9[%dma_wait3A_1273] : memref<32768xf32, #tpu.memory_space<vmem>> -> memref<512xf32, #tpu.memory_space<vmem>>
      %dma_wait3A_1275 = tpu.memref_slice %arg6[%add3A_1244] : memref<1048576xf32, #tpu.memory_space<hbm>> -> memref<512xf32, #tpu.memory_space<hbm>>
      %dma_wait3A_1276 = tpu.memref_slice %arg6[%add3A_1244] : memref<1048576xf32, #tpu.memory_space<hbm>> -> memref<512xf32, #tpu.memory_space<hbm>>
      %dma_wait3A_1277 = arith.constant 26624 : i32
      %dma_wait3A_1278 = tpu.memref_slice %arg9[%dma_wait3A_1277] : memref<32768xf32, #tpu.memory_space<vmem>> -> memref<512xf32, #tpu.memory_space<vmem>>
      tpu.wait_dma2 semaphore(%run_scoped3A : memref<!tpu.dma_semaphore, #tpu.memory_space<semaphore_mem>>) src(%dma_wait3A_1278 : memref<512xf32, #tpu.memory_space<vmem>>) dst(%dma_wait3A_1276 : memref<512xf32, #tpu.memory_space<hbm>>)
      tpu.yield
    }) : () -> ()
    %add3A_1245 = arith.constant 868352 : i32
    %add3A_1246 = arith.addi %add3A_1245, %mul3A_2 : i32
    "tpu.region"() ({
      %run_scoped3A = tpu.sem_alloc : memref<!tpu.dma_semaphore, #tpu.memory_space<semaphore_mem>>
      %dma_start3A_1267 = arith.constant 27136 : i32
      %dma_start3A_1268 = tpu.memref_slice %arg9[%dma_start3A_1267] : memref<32768xf32, #tpu.memory_space<vmem>> -> memref<512xf32, #tpu.memory_space<vmem>>
      %dma_start3A_1269 = tpu.memref_slice %arg6[%add3A_1246] : memref<1048576xf32, #tpu.memory_space<hbm>> -> memref<512xf32, #tpu.memory_space<hbm>>
      %dma_start3A_1270 = tpu.memref_slice %arg6[%add3A_1246] : memref<1048576xf32, #tpu.memory_space<hbm>> -> memref<512xf32, #tpu.memory_space<hbm>>
      %dma_start3A_1271 = arith.constant 27136 : i32
      %dma_start3A_1272 = tpu.memref_slice %arg9[%dma_start3A_1271] : memref<32768xf32, #tpu.memory_space<vmem>> -> memref<512xf32, #tpu.memory_space<vmem>>
      tpu.enqueue_dma source(%dma_start3A_1272 : memref<512xf32, #tpu.memory_space<vmem>>) target(%dma_start3A_1270 : memref<512xf32, #tpu.memory_space<hbm>>) target_semaphore(%run_scoped3A : memref<!tpu.dma_semaphore, #tpu.memory_space<semaphore_mem>>)
      %dma_wait3A_1273 = arith.constant 27136 : i32
      %dma_wait3A_1274 = tpu.memref_slice %arg9[%dma_wait3A_1273] : memref<32768xf32, #tpu.memory_space<vmem>> -> memref<512xf32, #tpu.memory_space<vmem>>
      %dma_wait3A_1275 = tpu.memref_slice %arg6[%add3A_1246] : memref<1048576xf32, #tpu.memory_space<hbm>> -> memref<512xf32, #tpu.memory_space<hbm>>
      %dma_wait3A_1276 = tpu.memref_slice %arg6[%add3A_1246] : memref<1048576xf32, #tpu.memory_space<hbm>> -> memref<512xf32, #tpu.memory_space<hbm>>
      %dma_wait3A_1277 = arith.constant 27136 : i32
      %dma_wait3A_1278 = tpu.memref_slice %arg9[%dma_wait3A_1277] : memref<32768xf32, #tpu.memory_space<vmem>> -> memref<512xf32, #tpu.memory_space<vmem>>
      tpu.wait_dma2 semaphore(%run_scoped3A : memref<!tpu.dma_semaphore, #tpu.memory_space<semaphore_mem>>) src(%dma_wait3A_1278 : memref<512xf32, #tpu.memory_space<vmem>>) dst(%dma_wait3A_1276 : memref<512xf32, #tpu.memory_space<hbm>>)
      tpu.yield
    }) : () -> ()
    %add3A_1247 = arith.constant 884736 : i32
    %add3A_1248 = arith.addi %add3A_1247, %mul3A_2 : i32
    "tpu.region"() ({
      %run_scoped3A = tpu.sem_alloc : memref<!tpu.dma_semaphore, #tpu.memory_space<semaphore_mem>>
      %dma_start3A_1267 = arith.constant 27648 : i32
      %dma_start3A_1268 = tpu.memref_slice %arg9[%dma_start3A_1267] : memref<32768xf32, #tpu.memory_space<vmem>> -> memref<512xf32, #tpu.memory_space<vmem>>
      %dma_start3A_1269 = tpu.memref_slice %arg6[%add3A_1248] : memref<1048576xf32, #tpu.memory_space<hbm>> -> memref<512xf32, #tpu.memory_space<hbm>>
      %dma_start3A_1270 = tpu.memref_slice %arg6[%add3A_1248] : memref<1048576xf32, #tpu.memory_space<hbm>> -> memref<512xf32, #tpu.memory_space<hbm>>
      %dma_start3A_1271 = arith.constant 27648 : i32
      %dma_start3A_1272 = tpu.memref_slice %arg9[%dma_start3A_1271] : memref<32768xf32, #tpu.memory_space<vmem>> -> memref<512xf32, #tpu.memory_space<vmem>>
      tpu.enqueue_dma source(%dma_start3A_1272 : memref<512xf32, #tpu.memory_space<vmem>>) target(%dma_start3A_1270 : memref<512xf32, #tpu.memory_space<hbm>>) target_semaphore(%run_scoped3A : memref<!tpu.dma_semaphore, #tpu.memory_space<semaphore_mem>>)
      %dma_wait3A_1273 = arith.constant 27648 : i32
      %dma_wait3A_1274 = tpu.memref_slice %arg9[%dma_wait3A_1273] : memref<32768xf32, #tpu.memory_space<vmem>> -> memref<512xf32, #tpu.memory_space<vmem>>
      %dma_wait3A_1275 = tpu.memref_slice %arg6[%add3A_1248] : memref<1048576xf32, #tpu.memory_space<hbm>> -> memref<512xf32, #tpu.memory_space<hbm>>
      %dma_wait3A_1276 = tpu.memref_slice %arg6[%add3A_1248] : memref<1048576xf32, #tpu.memory_space<hbm>> -> memref<512xf32, #tpu.memory_space<hbm>>
      %dma_wait3A_1277 = arith.constant 27648 : i32
      %dma_wait3A_1278 = tpu.memref_slice %arg9[%dma_wait3A_1277] : memref<32768xf32, #tpu.memory_space<vmem>> -> memref<512xf32, #tpu.memory_space<vmem>>
      tpu.wait_dma2 semaphore(%run_scoped3A : memref<!tpu.dma_semaphore, #tpu.memory_space<semaphore_mem>>) src(%dma_wait3A_1278 : memref<512xf32, #tpu.memory_space<vmem>>) dst(%dma_wait3A_1276 : memref<512xf32, #tpu.memory_space<hbm>>)
      tpu.yield
    }) : () -> ()
    %add3A_1249 = arith.constant 901120 : i32
    %add3A_1250 = arith.addi %add3A_1249, %mul3A_2 : i32
    "tpu.region"() ({
      %run_scoped3A = tpu.sem_alloc : memref<!tpu.dma_semaphore, #tpu.memory_space<semaphore_mem>>
      %dma_start3A_1267 = arith.constant 28160 : i32
      %dma_start3A_1268 = tpu.memref_slice %arg9[%dma_start3A_1267] : memref<32768xf32, #tpu.memory_space<vmem>> -> memref<512xf32, #tpu.memory_space<vmem>>
      %dma_start3A_1269 = tpu.memref_slice %arg6[%add3A_1250] : memref<1048576xf32, #tpu.memory_space<hbm>> -> memref<512xf32, #tpu.memory_space<hbm>>
      %dma_start3A_1270 = tpu.memref_slice %arg6[%add3A_1250] : memref<1048576xf32, #tpu.memory_space<hbm>> -> memref<512xf32, #tpu.memory_space<hbm>>
      %dma_start3A_1271 = arith.constant 28160 : i32
      %dma_start3A_1272 = tpu.memref_slice %arg9[%dma_start3A_1271] : memref<32768xf32, #tpu.memory_space<vmem>> -> memref<512xf32, #tpu.memory_space<vmem>>
      tpu.enqueue_dma source(%dma_start3A_1272 : memref<512xf32, #tpu.memory_space<vmem>>) target(%dma_start3A_1270 : memref<512xf32, #tpu.memory_space<hbm>>) target_semaphore(%run_scoped3A : memref<!tpu.dma_semaphore, #tpu.memory_space<semaphore_mem>>)
      %dma_wait3A_1273 = arith.constant 28160 : i32
      %dma_wait3A_1274 = tpu.memref_slice %arg9[%dma_wait3A_1273] : memref<32768xf32, #tpu.memory_space<vmem>> -> memref<512xf32, #tpu.memory_space<vmem>>
      %dma_wait3A_1275 = tpu.memref_slice %arg6[%add3A_1250] : memref<1048576xf32, #tpu.memory_space<hbm>> -> memref<512xf32, #tpu.memory_space<hbm>>
      %dma_wait3A_1276 = tpu.memref_slice %arg6[%add3A_1250] : memref<1048576xf32, #tpu.memory_space<hbm>> -> memref<512xf32, #tpu.memory_space<hbm>>
      %dma_wait3A_1277 = arith.constant 28160 : i32
      %dma_wait3A_1278 = tpu.memref_slice %arg9[%dma_wait3A_1277] : memref<32768xf32, #tpu.memory_space<vmem>> -> memref<512xf32, #tpu.memory_space<vmem>>
      tpu.wait_dma2 semaphore(%run_scoped3A : memref<!tpu.dma_semaphore, #tpu.memory_space<semaphore_mem>>) src(%dma_wait3A_1278 : memref<512xf32, #tpu.memory_space<vmem>>) dst(%dma_wait3A_1276 : memref<512xf32, #tpu.memory_space<hbm>>)
      tpu.yield
    }) : () -> ()
    %add3A_1251 = arith.constant 917504 : i32
    %add3A_1252 = arith.addi %add3A_1251, %mul3A_2 : i32
    "tpu.region"() ({
      %run_scoped3A = tpu.sem_alloc : memref<!tpu.dma_semaphore, #tpu.memory_space<semaphore_mem>>
      %dma_start3A_1267 = arith.constant 28672 : i32
      %dma_start3A_1268 = tpu.memref_slice %arg9[%dma_start3A_1267] : memref<32768xf32, #tpu.memory_space<vmem>> -> memref<512xf32, #tpu.memory_space<vmem>>
      %dma_start3A_1269 = tpu.memref_slice %arg6[%add3A_1252] : memref<1048576xf32, #tpu.memory_space<hbm>> -> memref<512xf32, #tpu.memory_space<hbm>>
      %dma_start3A_1270 = tpu.memref_slice %arg6[%add3A_1252] : memref<1048576xf32, #tpu.memory_space<hbm>> -> memref<512xf32, #tpu.memory_space<hbm>>
      %dma_start3A_1271 = arith.constant 28672 : i32
      %dma_start3A_1272 = tpu.memref_slice %arg9[%dma_start3A_1271] : memref<32768xf32, #tpu.memory_space<vmem>> -> memref<512xf32, #tpu.memory_space<vmem>>
      tpu.enqueue_dma source(%dma_start3A_1272 : memref<512xf32, #tpu.memory_space<vmem>>) target(%dma_start3A_1270 : memref<512xf32, #tpu.memory_space<hbm>>) target_semaphore(%run_scoped3A : memref<!tpu.dma_semaphore, #tpu.memory_space<semaphore_mem>>)
      %dma_wait3A_1273 = arith.constant 28672 : i32
      %dma_wait3A_1274 = tpu.memref_slice %arg9[%dma_wait3A_1273] : memref<32768xf32, #tpu.memory_space<vmem>> -> memref<512xf32, #tpu.memory_space<vmem>>
      %dma_wait3A_1275 = tpu.memref_slice %arg6[%add3A_1252] : memref<1048576xf32, #tpu.memory_space<hbm>> -> memref<512xf32, #tpu.memory_space<hbm>>
      %dma_wait3A_1276 = tpu.memref_slice %arg6[%add3A_1252] : memref<1048576xf32, #tpu.memory_space<hbm>> -> memref<512xf32, #tpu.memory_space<hbm>>
      %dma_wait3A_1277 = arith.constant 28672 : i32
      %dma_wait3A_1278 = tpu.memref_slice %arg9[%dma_wait3A_1277] : memref<32768xf32, #tpu.memory_space<vmem>> -> memref<512xf32, #tpu.memory_space<vmem>>
      tpu.wait_dma2 semaphore(%run_scoped3A : memref<!tpu.dma_semaphore, #tpu.memory_space<semaphore_mem>>) src(%dma_wait3A_1278 : memref<512xf32, #tpu.memory_space<vmem>>) dst(%dma_wait3A_1276 : memref<512xf32, #tpu.memory_space<hbm>>)
      tpu.yield
    }) : () -> ()
    %add3A_1253 = arith.constant 933888 : i32
    %add3A_1254 = arith.addi %add3A_1253, %mul3A_2 : i32
    "tpu.region"() ({
      %run_scoped3A = tpu.sem_alloc : memref<!tpu.dma_semaphore, #tpu.memory_space<semaphore_mem>>
      %dma_start3A_1267 = arith.constant 29184 : i32
      %dma_start3A_1268 = tpu.memref_slice %arg9[%dma_start3A_1267] : memref<32768xf32, #tpu.memory_space<vmem>> -> memref<512xf32, #tpu.memory_space<vmem>>
      %dma_start3A_1269 = tpu.memref_slice %arg6[%add3A_1254] : memref<1048576xf32, #tpu.memory_space<hbm>> -> memref<512xf32, #tpu.memory_space<hbm>>
      %dma_start3A_1270 = tpu.memref_slice %arg6[%add3A_1254] : memref<1048576xf32, #tpu.memory_space<hbm>> -> memref<512xf32, #tpu.memory_space<hbm>>
      %dma_start3A_1271 = arith.constant 29184 : i32
      %dma_start3A_1272 = tpu.memref_slice %arg9[%dma_start3A_1271] : memref<32768xf32, #tpu.memory_space<vmem>> -> memref<512xf32, #tpu.memory_space<vmem>>
      tpu.enqueue_dma source(%dma_start3A_1272 : memref<512xf32, #tpu.memory_space<vmem>>) target(%dma_start3A_1270 : memref<512xf32, #tpu.memory_space<hbm>>) target_semaphore(%run_scoped3A : memref<!tpu.dma_semaphore, #tpu.memory_space<semaphore_mem>>)
      %dma_wait3A_1273 = arith.constant 29184 : i32
      %dma_wait3A_1274 = tpu.memref_slice %arg9[%dma_wait3A_1273] : memref<32768xf32, #tpu.memory_space<vmem>> -> memref<512xf32, #tpu.memory_space<vmem>>
      %dma_wait3A_1275 = tpu.memref_slice %arg6[%add3A_1254] : memref<1048576xf32, #tpu.memory_space<hbm>> -> memref<512xf32, #tpu.memory_space<hbm>>
      %dma_wait3A_1276 = tpu.memref_slice %arg6[%add3A_1254] : memref<1048576xf32, #tpu.memory_space<hbm>> -> memref<512xf32, #tpu.memory_space<hbm>>
      %dma_wait3A_1277 = arith.constant 29184 : i32
      %dma_wait3A_1278 = tpu.memref_slice %arg9[%dma_wait3A_1277] : memref<32768xf32, #tpu.memory_space<vmem>> -> memref<512xf32, #tpu.memory_space<vmem>>
      tpu.wait_dma2 semaphore(%run_scoped3A : memref<!tpu.dma_semaphore, #tpu.memory_space<semaphore_mem>>) src(%dma_wait3A_1278 : memref<512xf32, #tpu.memory_space<vmem>>) dst(%dma_wait3A_1276 : memref<512xf32, #tpu.memory_space<hbm>>)
      tpu.yield
    }) : () -> ()
    %add3A_1255 = arith.constant 950272 : i32
    %add3A_1256 = arith.addi %add3A_1255, %mul3A_2 : i32
    "tpu.region"() ({
      %run_scoped3A = tpu.sem_alloc : memref<!tpu.dma_semaphore, #tpu.memory_space<semaphore_mem>>
      %dma_start3A_1267 = arith.constant 29696 : i32
      %dma_start3A_1268 = tpu.memref_slice %arg9[%dma_start3A_1267] : memref<32768xf32, #tpu.memory_space<vmem>> -> memref<512xf32, #tpu.memory_space<vmem>>
      %dma_start3A_1269 = tpu.memref_slice %arg6[%add3A_1256] : memref<1048576xf32, #tpu.memory_space<hbm>> -> memref<512xf32, #tpu.memory_space<hbm>>
      %dma_start3A_1270 = tpu.memref_slice %arg6[%add3A_1256] : memref<1048576xf32, #tpu.memory_space<hbm>> -> memref<512xf32, #tpu.memory_space<hbm>>
      %dma_start3A_1271 = arith.constant 29696 : i32
      %dma_start3A_1272 = tpu.memref_slice %arg9[%dma_start3A_1271] : memref<32768xf32, #tpu.memory_space<vmem>> -> memref<512xf32, #tpu.memory_space<vmem>>
      tpu.enqueue_dma source(%dma_start3A_1272 : memref<512xf32, #tpu.memory_space<vmem>>) target(%dma_start3A_1270 : memref<512xf32, #tpu.memory_space<hbm>>) target_semaphore(%run_scoped3A : memref<!tpu.dma_semaphore, #tpu.memory_space<semaphore_mem>>)
      %dma_wait3A_1273 = arith.constant 29696 : i32
      %dma_wait3A_1274 = tpu.memref_slice %arg9[%dma_wait3A_1273] : memref<32768xf32, #tpu.memory_space<vmem>> -> memref<512xf32, #tpu.memory_space<vmem>>
      %dma_wait3A_1275 = tpu.memref_slice %arg6[%add3A_1256] : memref<1048576xf32, #tpu.memory_space<hbm>> -> memref<512xf32, #tpu.memory_space<hbm>>
      %dma_wait3A_1276 = tpu.memref_slice %arg6[%add3A_1256] : memref<1048576xf32, #tpu.memory_space<hbm>> -> memref<512xf32, #tpu.memory_space<hbm>>
      %dma_wait3A_1277 = arith.constant 29696 : i32
      %dma_wait3A_1278 = tpu.memref_slice %arg9[%dma_wait3A_1277] : memref<32768xf32, #tpu.memory_space<vmem>> -> memref<512xf32, #tpu.memory_space<vmem>>
      tpu.wait_dma2 semaphore(%run_scoped3A : memref<!tpu.dma_semaphore, #tpu.memory_space<semaphore_mem>>) src(%dma_wait3A_1278 : memref<512xf32, #tpu.memory_space<vmem>>) dst(%dma_wait3A_1276 : memref<512xf32, #tpu.memory_space<hbm>>)
      tpu.yield
    }) : () -> ()
    %add3A_1257 = arith.constant 966656 : i32
    %add3A_1258 = arith.addi %add3A_1257, %mul3A_2 : i32
    "tpu.region"() ({
      %run_scoped3A = tpu.sem_alloc : memref<!tpu.dma_semaphore, #tpu.memory_space<semaphore_mem>>
      %dma_start3A_1267 = arith.constant 30208 : i32
      %dma_start3A_1268 = tpu.memref_slice %arg9[%dma_start3A_1267] : memref<32768xf32, #tpu.memory_space<vmem>> -> memref<512xf32, #tpu.memory_space<vmem>>
      %dma_start3A_1269 = tpu.memref_slice %arg6[%add3A_1258] : memref<1048576xf32, #tpu.memory_space<hbm>> -> memref<512xf32, #tpu.memory_space<hbm>>
      %dma_start3A_1270 = tpu.memref_slice %arg6[%add3A_1258] : memref<1048576xf32, #tpu.memory_space<hbm>> -> memref<512xf32, #tpu.memory_space<hbm>>
      %dma_start3A_1271 = arith.constant 30208 : i32
      %dma_start3A_1272 = tpu.memref_slice %arg9[%dma_start3A_1271] : memref<32768xf32, #tpu.memory_space<vmem>> -> memref<512xf32, #tpu.memory_space<vmem>>
      tpu.enqueue_dma source(%dma_start3A_1272 : memref<512xf32, #tpu.memory_space<vmem>>) target(%dma_start3A_1270 : memref<512xf32, #tpu.memory_space<hbm>>) target_semaphore(%run_scoped3A : memref<!tpu.dma_semaphore, #tpu.memory_space<semaphore_mem>>)
      %dma_wait3A_1273 = arith.constant 30208 : i32
      %dma_wait3A_1274 = tpu.memref_slice %arg9[%dma_wait3A_1273] : memref<32768xf32, #tpu.memory_space<vmem>> -> memref<512xf32, #tpu.memory_space<vmem>>
      %dma_wait3A_1275 = tpu.memref_slice %arg6[%add3A_1258] : memref<1048576xf32, #tpu.memory_space<hbm>> -> memref<512xf32, #tpu.memory_space<hbm>>
      %dma_wait3A_1276 = tpu.memref_slice %arg6[%add3A_1258] : memref<1048576xf32, #tpu.memory_space<hbm>> -> memref<512xf32, #tpu.memory_space<hbm>>
      %dma_wait3A_1277 = arith.constant 30208 : i32
      %dma_wait3A_1278 = tpu.memref_slice %arg9[%dma_wait3A_1277] : memref<32768xf32, #tpu.memory_space<vmem>> -> memref<512xf32, #tpu.memory_space<vmem>>
      tpu.wait_dma2 semaphore(%run_scoped3A : memref<!tpu.dma_semaphore, #tpu.memory_space<semaphore_mem>>) src(%dma_wait3A_1278 : memref<512xf32, #tpu.memory_space<vmem>>) dst(%dma_wait3A_1276 : memref<512xf32, #tpu.memory_space<hbm>>)
      tpu.yield
    }) : () -> ()
    %add3A_1259 = arith.constant 983040 : i32
    %add3A_1260 = arith.addi %add3A_1259, %mul3A_2 : i32
    "tpu.region"() ({
      %run_scoped3A = tpu.sem_alloc : memref<!tpu.dma_semaphore, #tpu.memory_space<semaphore_mem>>
      %dma_start3A_1267 = arith.constant 30720 : i32
      %dma_start3A_1268 = tpu.memref_slice %arg9[%dma_start3A_1267] : memref<32768xf32, #tpu.memory_space<vmem>> -> memref<512xf32, #tpu.memory_space<vmem>>
      %dma_start3A_1269 = tpu.memref_slice %arg6[%add3A_1260] : memref<1048576xf32, #tpu.memory_space<hbm>> -> memref<512xf32, #tpu.memory_space<hbm>>
      %dma_start3A_1270 = tpu.memref_slice %arg6[%add3A_1260] : memref<1048576xf32, #tpu.memory_space<hbm>> -> memref<512xf32, #tpu.memory_space<hbm>>
      %dma_start3A_1271 = arith.constant 30720 : i32
      %dma_start3A_1272 = tpu.memref_slice %arg9[%dma_start3A_1271] : memref<32768xf32, #tpu.memory_space<vmem>> -> memref<512xf32, #tpu.memory_space<vmem>>
      tpu.enqueue_dma source(%dma_start3A_1272 : memref<512xf32, #tpu.memory_space<vmem>>) target(%dma_start3A_1270 : memref<512xf32, #tpu.memory_space<hbm>>) target_semaphore(%run_scoped3A : memref<!tpu.dma_semaphore, #tpu.memory_space<semaphore_mem>>)
      %dma_wait3A_1273 = arith.constant 30720 : i32
      %dma_wait3A_1274 = tpu.memref_slice %arg9[%dma_wait3A_1273] : memref<32768xf32, #tpu.memory_space<vmem>> -> memref<512xf32, #tpu.memory_space<vmem>>
      %dma_wait3A_1275 = tpu.memref_slice %arg6[%add3A_1260] : memref<1048576xf32, #tpu.memory_space<hbm>> -> memref<512xf32, #tpu.memory_space<hbm>>
      %dma_wait3A_1276 = tpu.memref_slice %arg6[%add3A_1260] : memref<1048576xf32, #tpu.memory_space<hbm>> -> memref<512xf32, #tpu.memory_space<hbm>>
      %dma_wait3A_1277 = arith.constant 30720 : i32
      %dma_wait3A_1278 = tpu.memref_slice %arg9[%dma_wait3A_1277] : memref<32768xf32, #tpu.memory_space<vmem>> -> memref<512xf32, #tpu.memory_space<vmem>>
      tpu.wait_dma2 semaphore(%run_scoped3A : memref<!tpu.dma_semaphore, #tpu.memory_space<semaphore_mem>>) src(%dma_wait3A_1278 : memref<512xf32, #tpu.memory_space<vmem>>) dst(%dma_wait3A_1276 : memref<512xf32, #tpu.memory_space<hbm>>)
      tpu.yield
    }) : () -> ()
    %add3A_1261 = arith.constant 999424 : i32
    %add3A_1262 = arith.addi %add3A_1261, %mul3A_2 : i32
    "tpu.region"() ({
      %run_scoped3A = tpu.sem_alloc : memref<!tpu.dma_semaphore, #tpu.memory_space<semaphore_mem>>
      %dma_start3A_1267 = arith.constant 31232 : i32
      %dma_start3A_1268 = tpu.memref_slice %arg9[%dma_start3A_1267] : memref<32768xf32, #tpu.memory_space<vmem>> -> memref<512xf32, #tpu.memory_space<vmem>>
      %dma_start3A_1269 = tpu.memref_slice %arg6[%add3A_1262] : memref<1048576xf32, #tpu.memory_space<hbm>> -> memref<512xf32, #tpu.memory_space<hbm>>
      %dma_start3A_1270 = tpu.memref_slice %arg6[%add3A_1262] : memref<1048576xf32, #tpu.memory_space<hbm>> -> memref<512xf32, #tpu.memory_space<hbm>>
      %dma_start3A_1271 = arith.constant 31232 : i32
      %dma_start3A_1272 = tpu.memref_slice %arg9[%dma_start3A_1271] : memref<32768xf32, #tpu.memory_space<vmem>> -> memref<512xf32, #tpu.memory_space<vmem>>
      tpu.enqueue_dma source(%dma_start3A_1272 : memref<512xf32, #tpu.memory_space<vmem>>) target(%dma_start3A_1270 : memref<512xf32, #tpu.memory_space<hbm>>) target_semaphore(%run_scoped3A : memref<!tpu.dma_semaphore, #tpu.memory_space<semaphore_mem>>)
      %dma_wait3A_1273 = arith.constant 31232 : i32
      %dma_wait3A_1274 = tpu.memref_slice %arg9[%dma_wait3A_1273] : memref<32768xf32, #tpu.memory_space<vmem>> -> memref<512xf32, #tpu.memory_space<vmem>>
      %dma_wait3A_1275 = tpu.memref_slice %arg6[%add3A_1262] : memref<1048576xf32, #tpu.memory_space<hbm>> -> memref<512xf32, #tpu.memory_space<hbm>>
      %dma_wait3A_1276 = tpu.memref_slice %arg6[%add3A_1262] : memref<1048576xf32, #tpu.memory_space<hbm>> -> memref<512xf32, #tpu.memory_space<hbm>>
      %dma_wait3A_1277 = arith.constant 31232 : i32
      %dma_wait3A_1278 = tpu.memref_slice %arg9[%dma_wait3A_1277] : memref<32768xf32, #tpu.memory_space<vmem>> -> memref<512xf32, #tpu.memory_space<vmem>>
      tpu.wait_dma2 semaphore(%run_scoped3A : memref<!tpu.dma_semaphore, #tpu.memory_space<semaphore_mem>>) src(%dma_wait3A_1278 : memref<512xf32, #tpu.memory_space<vmem>>) dst(%dma_wait3A_1276 : memref<512xf32, #tpu.memory_space<hbm>>)
      tpu.yield
    }) : () -> ()
    %add3A_1263 = arith.constant 1015808 : i32
    %add3A_1264 = arith.addi %add3A_1263, %mul3A_2 : i32
    "tpu.region"() ({
      %run_scoped3A = tpu.sem_alloc : memref<!tpu.dma_semaphore, #tpu.memory_space<semaphore_mem>>
      %dma_start3A_1267 = arith.constant 31744 : i32
      %dma_start3A_1268 = tpu.memref_slice %arg9[%dma_start3A_1267] : memref<32768xf32, #tpu.memory_space<vmem>> -> memref<512xf32, #tpu.memory_space<vmem>>
      %dma_start3A_1269 = tpu.memref_slice %arg6[%add3A_1264] : memref<1048576xf32, #tpu.memory_space<hbm>> -> memref<512xf32, #tpu.memory_space<hbm>>
      %dma_start3A_1270 = tpu.memref_slice %arg6[%add3A_1264] : memref<1048576xf32, #tpu.memory_space<hbm>> -> memref<512xf32, #tpu.memory_space<hbm>>
      %dma_start3A_1271 = arith.constant 31744 : i32
      %dma_start3A_1272 = tpu.memref_slice %arg9[%dma_start3A_1271] : memref<32768xf32, #tpu.memory_space<vmem>> -> memref<512xf32, #tpu.memory_space<vmem>>
      tpu.enqueue_dma source(%dma_start3A_1272 : memref<512xf32, #tpu.memory_space<vmem>>) target(%dma_start3A_1270 : memref<512xf32, #tpu.memory_space<hbm>>) target_semaphore(%run_scoped3A : memref<!tpu.dma_semaphore, #tpu.memory_space<semaphore_mem>>)
      %dma_wait3A_1273 = arith.constant 31744 : i32
      %dma_wait3A_1274 = tpu.memref_slice %arg9[%dma_wait3A_1273] : memref<32768xf32, #tpu.memory_space<vmem>> -> memref<512xf32, #tpu.memory_space<vmem>>
      %dma_wait3A_1275 = tpu.memref_slice %arg6[%add3A_1264] : memref<1048576xf32, #tpu.memory_space<hbm>> -> memref<512xf32, #tpu.memory_space<hbm>>
      %dma_wait3A_1276 = tpu.memref_slice %arg6[%add3A_1264] : memref<1048576xf32, #tpu.memory_space<hbm>> -> memref<512xf32, #tpu.memory_space<hbm>>
      %dma_wait3A_1277 = arith.constant 31744 : i32
      %dma_wait3A_1278 = tpu.memref_slice %arg9[%dma_wait3A_1277] : memref<32768xf32, #tpu.memory_space<vmem>> -> memref<512xf32, #tpu.memory_space<vmem>>
      tpu.wait_dma2 semaphore(%run_scoped3A : memref<!tpu.dma_semaphore, #tpu.memory_space<semaphore_mem>>) src(%dma_wait3A_1278 : memref<512xf32, #tpu.memory_space<vmem>>) dst(%dma_wait3A_1276 : memref<512xf32, #tpu.memory_space<hbm>>)
      tpu.yield
    }) : () -> ()
    %add3A_1265 = arith.constant 1032192 : i32
    %add3A_1266 = arith.addi %add3A_1265, %mul3A_2 : i32
    "tpu.region"() ({
      %run_scoped3A = tpu.sem_alloc : memref<!tpu.dma_semaphore, #tpu.memory_space<semaphore_mem>>
      %dma_start3A_1267 = arith.constant 32256 : i32
      %dma_start3A_1268 = tpu.memref_slice %arg9[%dma_start3A_1267] : memref<32768xf32, #tpu.memory_space<vmem>> -> memref<512xf32, #tpu.memory_space<vmem>>
      %dma_start3A_1269 = tpu.memref_slice %arg6[%add3A_1266] : memref<1048576xf32, #tpu.memory_space<hbm>> -> memref<512xf32, #tpu.memory_space<hbm>>
      %dma_start3A_1270 = tpu.memref_slice %arg6[%add3A_1266] : memref<1048576xf32, #tpu.memory_space<hbm>> -> memref<512xf32, #tpu.memory_space<hbm>>
      %dma_start3A_1271 = arith.constant 32256 : i32
      %dma_start3A_1272 = tpu.memref_slice %arg9[%dma_start3A_1271] : memref<32768xf32, #tpu.memory_space<vmem>> -> memref<512xf32, #tpu.memory_space<vmem>>
      tpu.enqueue_dma source(%dma_start3A_1272 : memref<512xf32, #tpu.memory_space<vmem>>) target(%dma_start3A_1270 : memref<512xf32, #tpu.memory_space<hbm>>) target_semaphore(%run_scoped3A : memref<!tpu.dma_semaphore, #tpu.memory_space<semaphore_mem>>)
      %dma_wait3A_1273 = arith.constant 32256 : i32
      %dma_wait3A_1274 = tpu.memref_slice %arg9[%dma_wait3A_1273] : memref<32768xf32, #tpu.memory_space<vmem>> -> memref<512xf32, #tpu.memory_space<vmem>>
      %dma_wait3A_1275 = tpu.memref_slice %arg6[%add3A_1266] : memref<1048576xf32, #tpu.memory_space<hbm>> -> memref<512xf32, #tpu.memory_space<hbm>>
      %dma_wait3A_1276 = tpu.memref_slice %arg6[%add3A_1266] : memref<1048576xf32, #tpu.memory_space<hbm>> -> memref<512xf32, #tpu.memory_space<hbm>>
      %dma_wait3A_1277 = arith.constant 32256 : i32
      %dma_wait3A_1278 = tpu.memref_slice %arg9[%dma_wait3A_1277] : memref<32768xf32, #tpu.memory_space<vmem>> -> memref<512xf32, #tpu.memory_space<vmem>>
      tpu.wait_dma2 semaphore(%run_scoped3A : memref<!tpu.dma_semaphore, #tpu.memory_space<semaphore_mem>>) src(%dma_wait3A_1278 : memref<512xf32, #tpu.memory_space<vmem>>) dst(%dma_wait3A_1276 : memref<512xf32, #tpu.memory_space<hbm>>)
      tpu.yield
    }) : () -> ()
    return
  }
}

module attributes {stable_mosaic.version = 14 : i64} {
  func.func @_mlp_body(%arg0: i32, %arg1: memref<64x2048xf32, #tpu.memory_space<vmem>>, %arg2: memref<64x64xf32, #tpu.memory_space<vmem>>, %arg3: memref<64x1xf32, #tpu.memory_space<vmem>>, %arg4: memref<1x64xf32, #tpu.memory_space<vmem>>, %arg5: memref<1x1xf32, #tpu.memory_space<vmem>>, %arg6: memref<1x2048xf32, #tpu.memory_space<vmem>>) attributes {dimension_semantics = [#tpu.dimension_semantics<arbitrary>], iteration_bounds = array<i64: 8>, scalar_prefetch = 0 : i64, scratch_operands = 0 : i64, tpu.core_type = #tpu.core_type<tc>, window_params = [{transform_indices = @transform_0, window_bounds = array<i64: 64, 2048>}, {pipeline_mode = #tpu.pipeline_mode<synchronous>, transform_indices = @transform_1, window_bounds = array<i64: 64, 64>}, {pipeline_mode = #tpu.pipeline_mode<synchronous>, transform_indices = @transform_2, window_bounds = array<i64: 64, 1>}, {pipeline_mode = #tpu.pipeline_mode<synchronous>, transform_indices = @transform_3, window_bounds = array<i64: 1, 64>}, {pipeline_mode = #tpu.pipeline_mode<synchronous>, transform_indices = @transform_4, window_bounds = array<i64: 1, 1>}, {transform_indices = @transform_5, window_bounds = array<i64: 1, 2048>}]} {
    %get3A = arith.constant 0 : index
    %get3A_0 = arith.constant 0 : index
    %get3A_1 = vector.load %arg2[%get3A, %get3A_0] : memref<64x64xf32, #tpu.memory_space<vmem>>, vector<64x64xf32>
    %get3A_2 = arith.constant 0 : index
    %get3A_3 = arith.constant 0 : index
    %get3A_4 = vector.load %arg1[%get3A_2, %get3A_3] : memref<64x2048xf32, #tpu.memory_space<vmem>>, vector<64x2048xf32>
    %dot_general3A = arith.constant dense<0.000000e+00> : vector<64x2048xf32>
    %dot_general3A_5 = tpu.matmul %get3A_1, %get3A_4, %dot_general3A {dimension_numbers = #tpu.dot_dimension_numbers<[1], [0], [0], [1], [0, 0, 1, 1], [], []>, transpose_lhs_hint = false} : vector<64x64xf32>, vector<64x2048xf32>, vector<64x2048xf32> -> vector<64x2048xf32>
    %get3A_6 = arith.constant 0 : index
    %get3A_7 = arith.constant 0 : index
    %get3A_8 = vector.load %arg3[%get3A_6, %get3A_7] : memref<64x1xf32, #tpu.memory_space<vmem>>, vector<64x1xf32>
    %add3A = vector.broadcast %get3A_8 : vector<64x1xf32> to vector<64x2048xf32>
    %add3A_9 = arith.addf %dot_general3A_5, %add3A : vector<64x2048xf32>
    %max3A = arith.constant 0.000000e+00 : f32
    %max3A_10 = vector.broadcast %max3A : f32 to vector<64x2048xf32>
    %max3A_11 = arith.maximumf %add3A_9, %max3A_10 : vector<64x2048xf32>
    %get3A_12 = arith.constant 0 : index
    %get3A_13 = arith.constant 0 : index
    %get3A_14 = vector.load %arg4[%get3A_12, %get3A_13] : memref<1x64xf32, #tpu.memory_space<vmem>>, vector<1x64xf32>
    %dot_general3A_15 = arith.constant dense<0.000000e+00> : vector<1x2048xf32>
    %dot_general3A_16 = tpu.matmul %get3A_14, %max3A_11, %dot_general3A_15 {dimension_numbers = #tpu.dot_dimension_numbers<[1], [0], [0], [1], [0, 0, 1, 1], [], []>, transpose_lhs_hint = false} : vector<1x64xf32>, vector<64x2048xf32>, vector<1x2048xf32> -> vector<1x2048xf32>
    %get3A_17 = arith.constant 0 : index
    %get3A_18 = arith.constant 0 : index
    %get3A_19 = vector.load %arg5[%get3A_17, %get3A_18] : memref<1x1xf32, #tpu.memory_space<vmem>>, vector<1x1xf32>
    %get3A_20 = vector.extract %get3A_19[0, 0] : f32 from vector<1x1xf32>
    %add3A_21 = vector.broadcast %get3A_20 : f32 to vector<1x2048xf32>
    %add3A_22 = arith.addf %dot_general3A_16, %add3A_21 : vector<1x2048xf32>
    %swap3A = arith.constant 0 : index
    %swap3A_23 = arith.constant 0 : index
    %swap3A_24 = vector.load %arg6[%swap3A, %swap3A_23] : memref<1x2048xf32, #tpu.memory_space<vmem>>, vector<1x2048xf32>
    tpu.vector_store %arg6[%swap3A, %swap3A_23], %add3A_22 {strides = array<i32>} : memref<1x2048xf32, #tpu.memory_space<vmem>>, vector<1x2048xf32>,
    return
  }
  func.func @transform_0(%arg0: i32) -> (i32, i32) {
    %c0_i32 = arith.constant 0 : i32
    %c0_i32_0 = arith.constant 0 : i32
    return %c0_i32, %arg0 : i32, i32
  }
  func.func @transform_1(%arg0: i32) -> (i32, i32) {
    %c0_i32 = arith.constant 0 : i32
    %c0_i32_0 = arith.constant 0 : i32
    %c0_i32_1 = arith.constant 0 : i32
    return %c0_i32, %c0_i32_0 : i32, i32
  }
  func.func @transform_2(%arg0: i32) -> (i32, i32) {
    %c0_i32 = arith.constant 0 : i32
    %c0_i32_0 = arith.constant 0 : i32
    %c0_i32_1 = arith.constant 0 : i32
    return %c0_i32, %c0_i32_0 : i32, i32
  }
  func.func @transform_3(%arg0: i32) -> (i32, i32) {
    %c0_i32 = arith.constant 0 : i32
    %c0_i32_0 = arith.constant 0 : i32
    %c0_i32_1 = arith.constant 0 : i32
    return %c0_i32, %c0_i32_0 : i32, i32
  }
  func.func @transform_4(%arg0: i32) -> (i32, i32) {
    %c0_i32 = arith.constant 0 : i32
    %c0_i32_0 = arith.constant 0 : i32
    %c0_i32_1 = arith.constant 0 : i32
    return %c0_i32, %c0_i32_0 : i32, i32
  }
  func.func @transform_5(%arg0: i32) -> (i32, i32) {
    %c0_i32 = arith.constant 0 : i32
    %c0_i32_0 = arith.constant 0 : i32
    return %c0_i32, %arg0 : i32, i32
  }
}

</mosaic_0001>

<sc_bundles>
// kernel: kernel.4.cloned.1.call-start
scs
__scs_entry_jumppad:
0x0: {  	(pc) =	sbr.rel $0x88, $3  }
0x1: {  	(tag) =	ssettag $0x0;
	lr =	simm.s32 $0x1  }
0x2: {  	[smem:$0x3F99] =	sst lr;
	_ =	strace $0xD0000000  }
0x3: {  	_ = 	snop  }
0x4: {  	_ = 	snop  }
0x5: {  	_ = 	snop  }
0x6: {  	_ = 	snop  }
0x7: {  	_ = 	snop  }
__scs_overlays_trampoline_lowered:
0x8: {  	[smem:$0x3FA8] =	sst s0  }
0x9: {  	[smem:$0x3FA9] =	sst s1  }
0xa: {  	[smem:$0x3FAA] =	sst s2  }
0xb: {  	[smem:$0x3FAB] =	sst s3  }
0xc: {  	[smem:$0x3FAC] =	sst s4  }
0xd: {  	[smem:$0x3FAD] =	sst s5  }
0xe: {  	[smem:$0x3FAE] =	sst s6  }
0xf: {  	[smem:$0x3FAF] =	sst s7  }
0x10: {  	[smem:$0x3FB0] =	sst s8  }
0x11: {  	[smem:$0x3FB1] =	sst s9;
	s0 =	simm.s32 @!p0 $0x0  }
0x12: {  	s1 =	sld [smem:$0x3F97];
	s0 =	simm.s32 @p0 $0x1  }
0x13: {  	[smem:$0x3FB2] =	sst s0;
	s0 =	simm.s32 @!p1 $0x0  }
0x14: {  	s2 =	sld [smem:$0x3F96];
	s0 =	simm.s32 @p1 $0x1  }
0x15: {  	[smem:$0x3FB3] =	sst s0;
	s0 =	simm.s32 @!p2 $0x0  }
0x16: {  	s3 =	sld [smem:$0x3FDB];
	s0 =	simm.s32 @p2 $0x1  }
0x17: {  	s4 =	simm.s32 $0x1BF5;
	[smem:$0x3FB5] =	sst s0  }
0x18: {  	s0 =	sld [smem:$0x3F98];
	_ =	swait.ge [sflag:s4], $0x0  }
0x19: {  	s7 =	sld [smem:$0x3F99]  }
0x1a: {  	s8 =	sadd.s32 $0xFFFFE003, lr  }
0x1b: {  	s9 =	sadd.s32 $0xFFFFFEF7, lr;
	s5 =	simm.s32 $0xFFFFFFFF;
	p2 =	slt.u32 s8, $0xFFFFF086  }
0x1c: {  	p1 =	slt.u32 s9, $0xF7A;
	s5 =	simm.s32 @!p2 $0x0  }
0x1d: {  	s5 =	simm.s32 @p1 $0x1;
	p0 =	seq.s32 s7, s2  }
0x1e: {  	s7 =	smul.u32 @!p0 $0xF7A, s2;
	p2 =	seq.s32 @!p0 s5, $0x0  }
0x1f: {  	s9 =	smul.u32 $0xF7A, s1;
	s8 =	simm.s32 @!p0 $0x1BF5;
	p2 =	por !p2, p0  }
0x20: {  	[sflag:s8] =	ssyncset.s32 @!p0 $0xFFFFF086;
	s6 =	sadd.s32 @!p0 s3, s7;
	s7 =	simm.s32 @!p0 $0x108  }
0x21: {  	s3 =	sadd.s32 s3, s9;
	s6 =	sadd.s32 @!p0 $0x88, s6;
	s7 =	simm.s32 @p2 $0x1082  }
0x22: {  	[simem:s7], [sflag:s8] =	dma.local @!p0 [hbm:s6], $0xF7A  }
0x23: {  	s9 =	sor.u32 $0xD0000000, s2;
	s6 =	simm.s32 $0x108;
	_ =	swait.ge @!p0 [sflag:s8], $0x0  }
0x24: {  	s3 =	sadd.s32 $0x88, s3;
	s6 =	simm.s32 @!p1 $0x1082;
	[sflag:s4] =	ssyncset.s32 $0xFFFFF086  }
0x25: {  	[simem:s6], [sflag:s4] =	dma.local [hbm:s3], $0xF7A  }
0x26: {  	[smem:$0x3F99] =	sst s1;
	(tag) =	ssettag s2;
	_ =	strace s9  }
0x27: {  	s1 =	sld [smem:$0x3FA9]  }
0x28: {  	s2 =	sld [smem:$0x3FAA]  }
0x29: {  	s4 =	sld [smem:$0x3FAC]  }
0x2a: {  	p0 =	seq.s32 s5, $0x0;
	s5 =	sld [smem:$0x3FAD]  }
0x2b: {  	s6 =	sld [smem:$0x3FAE]  }
0x2c: {  	s7 =	sld [smem:$0x3FAF]  }
0x2d: {  	s3 =	simm.s32 $0x108;
	s8 =	sld [smem:$0x3FB0]  }
0x2e: {  	s3 =	simm.s32 @!p0 $0x1082;
	s9 =	sld [smem:$0x3FB1]  }
0x2f: {  	lr =	sadd.s32 s0, s3;
	s0 =	sld [smem:$0x3FA8]  }
0x30: {  	s3 =	sld [smem:$0x3FAB]  }
0x31: {  	[smem:$0x3FB4] =	sst s10  }
0x32: {  	s10 =	sld [smem:$0x3FB2];
	_ =	sdelay $0x3  }
0x33: {  	p0 =	seq.s32 s10, $0x1;
	s10 =	sld [smem:$0x3FB4];
	_ =	sdelay $0x3  }
0x34: {  	[smem:$0x3FB4] =	sst s10  }
0x35: {  	s10 =	sld [smem:$0x3FB3];
	_ =	sdelay $0x3  }
0x36: {  	p1 =	seq.s32 s10, $0x1;
	s10 =	sld [smem:$0x3FB4];
	_ =	sdelay $0x3  }
0x37: {  	[smem:$0x3FB4] =	sst s10  }
0x38: {  	s10 =	sld [smem:$0x3FB5]  }
0x39: {  	_ = 	snop;
	(pc) =	sbr.ind lr, $3  }
0x3a: {  	_ = 	snop  }
0x3b: {  	_ = 	snop  }
0x3c: {  	p2 =	seq.s32 s10, $0x1;
	s10 =	sld [smem:$0x3FB4]  }
0x3d: {  	_ =	shalt  }
0x3e: {  	_ =	shalt  }
0x3f: {  	_ =	shalt  }
0x40: {  	_ =	shalt  }
0x41: {  	_ =	shalt  }
0x42: {  	_ =	shalt  }
0x43: {  	_ =	shalt  }
0x44: {  	_ =	shalt  }
0x45: {  	_ =	shalt  }
0x46: {  	_ =	shalt  }
0x47: {  	_ =	shalt  }
0x48: {  	_ =	shalt  }
0x49: {  	_ =	shalt  }
0x4a: {  	_ =	shalt  }
0x4b: {  	_ =	shalt  }
0x4c: {  	_ =	shalt  }
0x4d: {  	_ =	shalt  }
0x4e: {  	_ =	shalt  }
0x4f: {  	_ =	shalt  }
0x50: {  	_ =	shalt  }
0x51: {  	_ =	shalt  }
0x52: {  	_ =	shalt  }
0x53: {  	_ =	shalt  }
0x54: {  	_ =	shalt  }
0x55: {  	_ =	shalt  }
0x56: {  	_ =	shalt  }
0x57: {  	_ =	shalt  }
0x58: {  	_ =	shalt  }
0x59: {  	_ =	shalt  }
0x5a: {  	_ =	shalt  }
0x5b: {  	_ =	shalt  }
0x5c: {  	_ =	shalt  }
0x5d: {  	_ =	shalt  }
0x5e: {  	_ =	shalt  }
0x5f: {  	_ =	shalt  }
0x60: {  	_ =	shalt  }
0x61: {  	_ =	shalt  }
0x62: {  	_ =	shalt  }
0x63: {  	_ =	shalt  }
0x64: {  	_ =	shalt  }
0x65: {  	_ =	shalt  }
0x66: {  	_ =	shalt  }
0x67: {  	_ =	shalt  }
0x68: {  	_ =	shalt  }
0x69: {  	_ =	shalt  }
0x6a: {  	_ =	shalt  }
0x6b: {  	_ =	shalt  }
0x6c: {  	_ =	shalt  }
0x6d: {  	_ =	shalt  }
0x6e: {  	_ =	shalt  }
0x6f: {  	_ =	shalt  }
0x70: {  	_ =	shalt  }
0x71: {  	_ =	shalt  }
0x72: {  	_ =	shalt  }
0x73: {  	_ =	shalt  }
0x74: {  	_ =	shalt  }
0x75: {  	_ =	shalt  }
0x76: {  	_ =	shalt  }
0x77: {  	_ =	shalt  }
0x78: {  	_ =	shalt  }
0x79: {  	_ =	shalt  }
0x7a: {  	_ =	shalt  }
0x7b: {  	_ =	shalt  }
0x7c: {  	_ =	shalt  }
0x7d: {  	_ =	shalt  }
0x7e: {  	_ =	shalt  }
0x7f: {  	_ =	shalt  }
0x80: {  	_ =	shalt  }
0x81: {  	_ =	shalt  }
0x82: {  	_ =	shalt  }
0x83: {  	_ =	shalt  }
0x84: {  	_ =	shalt  }
0x85: {  	_ =	shalt  }
0x86: {  	_ =	shalt  }
0x87: {  	_ =	shalt  }
.Lfunc_end0:
.L_simem_size_0:
called_computation_lowered:
.L_overlay_start_0:
0x88: {  	s2 =	sld [smem:$0x3FD9]  }
0x89: {  	s3 =	sld [smem:$0x3FFE];
	_ =	sdelay $0x1  }
0x8a: {  	s1 =	srdreg.scid  }
0x8b: {  	s0 =	sand.u32 $0x1, s1  }
0x8c: {  	s17 =	sshll.u32 s0, $0xA;
	s2 =	sadd.s32 s3, s2  }
0x8d: {  	s2 =	sadd.s32 s2, s17  }
0x8e: {  	[smem:$0x3FC0] =	sst s2  }
0x8f: {  	_ = 	snop  }
0x90: {  	s2 =	sld [smem:$0x3FC9]  }
0x91: {  	s18 =	sld [smem:$0x3FC8]  }
0x92: {  	s4 =	sld [smem:$0x3FC7]  }
0x93: {  	s5 =	sld [smem:$0x3FC6];
	(tm) =	ssettm $0x1  }
0x94: {  	s6 =	sld [smem:$0x3FFB];
	_ =	sdelay $0x3  }
0x95: {  	_ =	strace s6  }
0x96: {  	s6 =	sld [smem:$0x3FFC];
	_ =	sdelay $0x3  }
0x97: {  	_ =	strace s6  }
0x98: {  	s6 =	sld [smem:$0x3FFD];
	_ =	sdelay $0x3  }
0x99: {  	_ =	strace s6  }
0x9a: {  	_ =	strace $0x8FFFFFFF  }
0x9b: {  	s19 =	sld [smem:$0x3FDB];
	_ =	sdelay $0x1  }
0x9c: {  	s7 =	simm.s32 $_scs_section_size  }
0x9d: {  	s8 =	simm.s32 $_size__tile_overlayer_lowered;
	s9 =	simm.s32 $_tile_overlayer_lowered  }
0x9e: {  	s22 =	simm.s32 $0x1BFF;
	s21 =	sshll.u32 s9, $0x1;
	s6 =	sadd.s32 s7, s19  }
0x9f: {  	s10 =	simm.s32 $0x0;
	s20 =	sshll.u32 s8, $0x1;
	s8 =	sadd.s32 s21, s6  }
0xa0: {  	[timem:s10], [sflag:s22] =	dma.local [hbm:s8], s20  }
0xa1: {  	_ =	swait.ge [sflag:s22], s20  }
0xa2: {  	s7 =	ssub.s32 $0x0, s20;
	[sflag:s22] =	ssyncset.done $0x0  }
0xa3: {  	[sflag:s22] =	ssyncadd.s32 s7;
	_ =	sdelay $0x1  }
0xa4: {  	s23 =	simm.s32 $0x1B8B  }
0xa5: {  	_ =	swait.ge [sflag:s23], $0x1  }
0xa6: {  	[sflag:s23] =	ssyncset.done $0x0  }
0xa7: {  	s25 =	simm.s32 $0x1B8E;
	s24 =	sld [smem:$0x3FFE];
	[sflag:s23] =	ssyncadd.s32 $0xFFFFFFFF  }
0xa8: {  	s26 =	simm.s32 $execute0_lowered;
	[smem:$0x3FD2] =	sst s25  }
0xa9: {  	s8 =	sshll.u32 s26, $0x1;
	_ =	strace $0x80000046;
	[dreg:$0x1] =	wrdreg $0xFFFFFFFF  }
0xaa: {  	s28 =	simm.s32 $_size_execute0_lowered;
	s6 =	sadd.s32 s6, s8;
	[dreg:$0x0] =	wrdreg $0x0  }
0xab: {  	s8 =	sshll.u32 s28, $0x1;
	[dreg:$0x2] =	wrdreg s6  }
0xac: {  	[dreg:$0x3] =	wrdreg s8  }
0xad: {  	[dreg:$0x4] =	wrdreg $0xC0  }
0xae: {  	_ =	task [dreg:s10], $0x5FFFF  }
0xaf: {  	[dreg:$0x1] =	wrdreg $0xFFFFFFFF  }
0xb0: {  	[dreg:$0x0] =	wrdreg $0x60  }
0xb1: {  	[dreg:$0x2] =	wrdreg s2  }
0xb2: {  	[dreg:$0x3] =	wrdreg s18  }
0xb3: {  	[dreg:$0x4] =	wrdreg s4  }
0xb4: {  	[dreg:$0x5] =	wrdreg s5  }
0xb5: {  	[dreg:$0x6] =	wrdreg s24  }
0xb6: {  	[dreg:$0x7] =	wrdreg $0x9  }
0xb7: {  	_ =	task.clear_ibuf [dreg:s10], $0x8FFFF;
	_ =	strace $0x90000046  }
0xb8: {  	s29 =	simm.s32 $0x9;
	_ =	strace $0x80000048  }
0xb9: {  	_ =	swait.ge [sflag:s29], $0x1  }
0xba: {  	[sflag:s29] =	ssyncadd.s32 $0xFFFFFFFF  }
0xbb: {  	_ =	strace $0x90000048  }
0xbc: {  	_ =	sfence  }
0xbd: {  	s30 =	sld [smem:$0x0];
	_ =	sdelay $0x2  }
0xbe: {  	s31 =	sshll.u32 s1, $0xD;
	s1 =	sshrl.u32 s1, $0x2  }
0xbf: {  	s3 =	sand.u32 $0x4000, s31;
	s1 =	sadd.s32 s1, s30  }
0xc0: {  	s0 =	sor.u32 s3, s0;
	s1 =	sshll.u32 s1, $0x11  }
0xc1: {  	s0 =	sor.u32 s1, s0  }
0xc2: {  	s0 =	sadd.s32 $0x8F2B, s0  }
0xc3: {  	[sflag:s0] =	ssyncadd.remote.s32 $0x1  }
0xc4: {  	_ =	sfence.sel $0xFFFF  }
0xc5: {  	[dreg:$0x0] =	wrdreg $0xFFFFFFFF;
	(pc) =	sbr.abs _section_cstart, $3  }
0xc6: {  	[dreg:$0x1] =	wrdreg $0xFFFFFFFF  }
0xc7: {  	_ =	task.clear_ibuf [dreg:s10], $0x2FFFF;
	_ =	strace $0x9FFFFFFF  }
0xc8: {  	(tm) =	ssettm $0x7FFFFFFF  }
0xc9: {  	_ =	shalt  }
tec
execute0_lowered:
.L_overlay_start_1:
0x0: {  	(tag) =	ssettag $0x1  }
0x1: {  	s4 =	rddreg [dreg:$0x0];
	s2 =	srdreg.scid  }
0x2: {  	s5 =	rddreg [dreg:$0x1];
	s6 =	stileid.u32;
	s2 =	sand.u32 $0x1, s2  }
0x3: {  	s24 =	simm.s32 $0x0;
	s6 =	sshll.u32 s6, $0x7;
	s7 =	sshll.u32 s2, $0x6  }
0x4: {  	[smem:$0x7FF] =	sst s24;
	s6 =	sor.u32 s7, s6  }
0x5: {  	s0 =	rddreg [dreg:$0x4];
	_ =	strace $0x80000047;
	s4 =	sadd.s32 s4, s6  }
0x6: {  	s0 =	sadd.s32 s6, s0;
	s19 =	sadd.s32 s5, s6;
	[dreg:$0x6] =	wrdreg s4  }
0x7: {  	[dreg:$0x7] =	wrdreg s19;
	s20 =	sadd.s32 $0xA00, s0  }
0x8: {  	s21 =	sadd.s32 $0x1200, s0;
	[dreg:$0x8] =	wrdreg s20  }
0x9: {  	s22 =	sadd.s32 $0x1A00, s0;
	[dreg:$0x9] =	wrdreg s21  }
0xa: {  	s23 =	sadd.s32 $0x2200, s0;
	[dreg:$0xa] =	wrdreg s22  }
0xb: {  	s25 =	sadd.s32 $0x2A00, s0;
	[dreg:$0xb] =	wrdreg s23  }
0xc: {  	s26 =	sadd.s32 $0x3200, s0;
	[dreg:$0xc] =	wrdreg s25  }
0xd: {  	s28 =	sadd.s32 $0x3A00, s0;
	[dreg:$0xd] =	wrdreg s26  }
0xe: {  	s29 =	sadd.s32 $0x4200, s0;
	[dreg:$0xe] =	wrdreg s28  }
0xf: {  	s30 =	sadd.s32 $0x4A00, s0;
	[dreg:$0xf] =	wrdreg s29  }
0x10: {  	s31 =	sadd.s32 $0x5200, s0;
	[dreg:$0x10] =	wrdreg s30  }
0x11: {  	s1 =	sadd.s32 $0x5A00, s0;
	[dreg:$0x11] =	wrdreg s31  }
0x12: {  	s3 =	sadd.s32 $0x6200, s0;
	[dreg:$0x12] =	wrdreg s1  }
0x13: {  	s5 =	sadd.s32 $0x6A00, s0;
	[dreg:$0x13] =	wrdreg s3  }
0x14: {  	s6 =	sadd.s32 $0x7200, s0;
	[dreg:$0x14] =	wrdreg s5  }
0x15: {  	s7 =	sadd.s32 $0x7A00, s0;
	[dreg:$0x15] =	wrdreg s6  }
0x16: {  	s8 =	sadd.s32 $0x8200, s0;
	[dreg:$0x16] =	wrdreg s7  }
0x17: {  	s9 =	sadd.s32 $0x8A00, s0;
	[dreg:$0x17] =	wrdreg s8  }
0x18: {  	s10 =	sadd.s32 $0x9200, s0;
	[dreg:$0x18] =	wrdreg s9  }
0x19: {  	s11 =	sadd.s32 $0x9A00, s0;
	[dreg:$0x19] =	wrdreg s10  }
0x1a: {  	s12 =	sadd.s32 $0xA200, s0;
	[dreg:$0x1a] =	wrdreg s11  }
0x1b: {  	s13 =	sadd.s32 $0xAA00, s0;
	[dreg:$0x1b] =	wrdreg s12  }
0x1c: {  	s14 =	sadd.s32 $0xB200, s0;
	[dreg:$0x1c] =	wrdreg s13  }
0x1d: {  	s15 =	sadd.s32 $0xBA00, s0;
	[dreg:$0x1d] =	wrdreg s14  }
0x1e: {  	s2 =	ssub.s32 $0x2, s2;
	s16 =	sadd.s32 $0xC200, s0;
	[dreg:$0x1e] =	wrdreg s15  }
0x1f: {  	s18 =	sshrl.u32 s2, $0x1;
	s17 =	sadd.s32 $0xCA00, s0;
	[dreg:$0x1f] =	wrdreg s16  }
0x20: {  	s2 =	ssub.s32 s2, s18;
	s18 =	sadd.s32 $0xD200, s0;
	[smem:$0x7D5] =	sst s17  }
0x21: {  	s19 =	sadd.s32 $0xDA00, s0;
	[smem:$0x7D6] =	sst s18  }
0x22: {  	[smem:$0x7D7] =	sst s19;
	s20 =	sadd.s32 $0xE200, s0  }
0x23: {  	s21 =	sadd.s32 $0xEA00, s0;
	[smem:$0x7D8] =	sst s20  }
0x24: {  	s22 =	sadd.s32 $0xF200, s0;
	[smem:$0x7D9] =	sst s21  }
0x25: {  	s23 =	sadd.s32 $0xFA00, s0;
	[smem:$0x7DA] =	sst s22  }
0x26: {  	s25 =	sadd.s32 $0x10200, s0;
	[smem:$0x7DB] =	sst s23  }
0x27: {  	s26 =	sadd.s32 $0x10A00, s0;
	[smem:$0x7DC] =	sst s25  }
0x28: {  	s28 =	sadd.s32 $0x11200, s0;
	[smem:$0x7DD] =	sst s26  }
0x29: {  	s29 =	sadd.s32 $0x11A00, s0;
	[smem:$0x7DE] =	sst s28  }
0x2a: {  	s30 =	sadd.s32 $0x12200, s0;
	[smem:$0x7DF] =	sst s29  }
0x2b: {  	s31 =	sadd.s32 $0x12A00, s0;
	[smem:$0x7E0] =	sst s30  }
0x2c: {  	s1 =	sadd.s32 $0x13200, s0;
	[smem:$0x7E1] =	sst s31  }
0x2d: {  	s3 =	sadd.s32 $0x13A00, s0;
	[smem:$0x7E2] =	sst s1  }
0x2e: {  	s5 =	sadd.s32 $0x14200, s0;
	[smem:$0x7E3] =	sst s3  }
0x2f: {  	s6 =	sadd.s32 $0x14A00, s0;
	[smem:$0x7E4] =	sst s5  }
0x30: {  	s7 =	sadd.s32 $0x15200, s0;
	[smem:$0x7E5] =	sst s6  }
0x31: {  	s8 =	sadd.s32 $0x15A00, s0;
	[smem:$0x7E6] =	sst s7  }
0x32: {  	s9 =	sadd.s32 $0x16200, s0;
	[smem:$0x7E7] =	sst s8  }
0x33: {  	s10 =	sadd.s32 $0x16A00, s0;
	[smem:$0x7E8] =	sst s9  }
0x34: {  	s11 =	sadd.s32 $0x17200, s0;
	[smem:$0x7E9] =	sst s10  }
0x35: {  	s12 =	sadd.s32 $0x17A00, s0;
	[smem:$0x7EA] =	sst s11  }
0x36: {  	s13 =	sadd.s32 $0x18200, s0;
	[smem:$0x7EB] =	sst s12  }
0x37: {  	s14 =	sadd.s32 $0x18A00, s0;
	[smem:$0x7EC] =	sst s13  }
0x38: {  	s15 =	sadd.s32 $0x19200, s0;
	[smem:$0x7ED] =	sst s14  }
0x39: {  	s16 =	sadd.s32 $0x19A00, s0;
	[smem:$0x7EE] =	sst s15  }
0x3a: {  	s17 =	sadd.s32 $0x1A200, s0;
	[smem:$0x7EF] =	sst s16  }
0x3b: {  	s18 =	sadd.s32 $0x1AA00, s0;
	[smem:$0x7F0] =	sst s17  }
0x3c: {  	s19 =	sadd.s32 $0x1B200, s0;
	[smem:$0x7F1] =	sst s18  }
0x3d: {  	s4 =	simm.s32 $0x0;
	[smem:$0x7F2] =	sst s19;
	s20 =	sadd.s32 $0x1BA00, s0  }
0x3e: {  	s21 =	sadd.s32 $0x1C200, s0;
	s22 =	sadd.s32 $0x1CA00, s0;
	s23 =	sadd.s32 $0x1D200, s0  }
0x3f: {  	s25 =	sadd.s32 $0x1DA00, s0;
	s26 =	sadd.s32 $0x1E200, s0;
	[smem:$0x7F3] =	sst s20  }
0x40: {  	v1 =	vlaneseq.u32;
	s28 =	sadd.s32 $0x1EA00, s0;
	s29 =	sadd.s32 $0x1F200, s0;
	[smem:$0x7F4] =	sst s21  }
0x41: {  	v0 =	vmul.u32 $0x80, v1;
	v1 =	vmul.u32 $0x200, v1;
	s30 =	sadd.s32 $0x1FA00, s0;
	s0 =	sadd.s32 $0x20200, s0;
	[smem:$0x7F5] =	sst s22  }
0x42: {  	s31 =	smax.u32 s2, $0x1;
	s17 =	simm.s32 $0x400;
	[smem:$0x7F6] =	sst s23  }
0x43: {  	v2 =	vor.u32 $0x800, v0;
	v3 =	vor.u32 $0x2000, v1;
	v4 =	vor.u32 $0x4000, v1;
	s3 =	simm.s32 $0x8400;
	s18 =	simm.s32 $0xA400;
	[smem:$0x7F7] =	sst s25  }
0x44: {  	v5 =	vor.u32 $0x6000, v1;
	v6 =	vor.u32 $0x1F0, v1;
	v7 =	vor.u32 $0x21F0, v1;
	s5 =	simm.s32 $0x12400;
	s6 =	simm.s32 $0xB400;
	[smem:$0x7F8] =	sst s26  }
0x45: {  	v8 =	vor.u32 $0x41F0, v1;
	v9 =	vor.u32 $0x61F0, v1;
	v10 =	vor.u32 $0x1F1, v1;
	s7 =	simm.s32 $0x13400;
	s8 =	simm.s32 $0xC400;
	[smem:$0x7F9] =	sst s28  }
0x46: {  	v11 =	vor.u32 $0x21F1, v1;
	v12 =	vor.u32 $0x41F1, v1;
	v13 =	vor.u32 $0x61F1, v1;
	s9 =	simm.s32 $0x14400;
	s10 =	simm.s32 $0xD400;
	[smem:$0x7FA] =	sst s29  }
0x47: {  	v14 =	vor.u32 $0x1F2, v1;
	v15 =	vor.u32 $0x21F2, v1;
	v16 =	vor.u32 $0x41F2, v1;
	s11 =	simm.s32 $0x15400;
	s12 =	simm.s32 $0xE400;
	[smem:$0x7FB] =	sst s30  }
0x48: {  	v17 =	vor.u32 $0x61F2, v1;
	v18 =	vor.u32 $0x1F3, v1;
	v19 =	vor.u32 $0x21F3, v1;
	s13 =	simm.s32 $0x16400;
	s14 =	simm.s32 $0xF400;
	[smem:$0x7FC] =	sst s0  }
0x49: {  	v20 =	vor.u32 $0x41F3, v1;
	v21 =	vor.u32 $0x61F3, v1;
	v22 =	vor.u32 $0x1F4, v1;
	s15 =	simm.s32 $0x17400;
	[smem:$0x7FD] =	sst s31;
	s26 =	simm.s32 $0x11  }
.LBB2_1:
0x4a: {  	[smem:$0x7D4] =	sst s4  }
0x4b: {  	s25 =	rddreg [dreg:$0x6]  }
0x4c: {  	[tilespmem:s24], [sflag:$0x11] =	stream.linear.gather [hbm4b:s25+s24], $0x200, $0x38;
	[tilespmem:$0x18400] =	vst v63  }
0x4d: {  	_ =	swait.ge [sflag:s26], $0x200  }
0x4e: {  	[sflag:s26] =	ssyncset.done $0x0  }
0x4f: {  	s28 =	simm.s32 $0x200;
	s23 =	rddreg [dreg:$0x7];
	[sflag:s26] =	ssyncadd.s32 $0xFFFFFE00  }
0x50: {  	[tilespmem:s28], [sflag:$0x11] =	stream.linear.gather [hbm4b:s23+s24], $0x200, $0x38;
	[tilespmem:$0x18400] =	vst v63  }
0x51: {  	_ =	swait.ge [sflag:s26], $0x200  }
0x52: {  	[sflag:s26] =	ssyncset.done $0x0  }
0x53: {  	[sflag:s26] =	ssyncadd.s32 $0xFFFFFE00  }
0x54: {  	v23 =	vld [tilespmem:$0x0]  }
0x55: {  	v24 =	vld [tilespmem:$0x200];
	_ =	sdelay $0x3  }
0x56: {  	(v2sf) =	vpush v23, $0x0  }
0x57: {  	(v2sf) =	vpush v24, $0x0;
	_ =	sdelay $0x5  }
0x58: {  	(v2sf) =	vpush v23, $0x1;
	_ =	sdelay $0x1  }
0x59: {  	(v2sf) =	vpush v24, $0x1;
	_ =	sdelay $0x5  }
0x5a: {  	s26 =	spop (v2sf);
	(v2sf) =	vpush v23, $0x2  }
0x5b: {  	s28 =	spop (v2sf);
	(v2sf) =	vpush v24, $0x2;
	_ =	sdelay $0x1  }
0x5c: {  	s1 =	rddreg [dreg:$0x2];
	s24 =	sand.u32 $0xFFFFF80, s26  }
0x5d: {  	s4 =	simm.s32 $0x7A1400;
	s24 =	sadd.s32 s1, s24  }
0x5e: {  	[tilespmem:s3], [sflag:$0x1] =	stream.strided.gather [hbm4b:s24+s17], $0x1000, s4, s17, $0x38;
	[tilespmem:$0x18400] =	vst v63  }
0x5f: {  	s24 =	sand.u32 $0xFFFFF80, s28;
	s3 =	rddreg [dreg:$0x3]  }
0x60: {  	s16 =	simm.s32 $0x10400;
	s29 =	spop (v2sf);
	s24 =	sadd.s32 s3, s24  }
0x61: {  	(v2sf) =	vpush v23, $0x3;
	[tilespmem:s16], [sflag:$0x9] =	stream.strided.gather [hbm4b:s24+s17], $0x1000, s4, s17, $0x38;
	[tilespmem:$0x18400] =	vst v63  }
0x62: {  	s30 =	spop (v2sf);
	(v2sf) =	vpush v24, $0x3;
	s24 =	sand.u32 $0xFFFFF80, s29  }
0x63: {  	s0 =	simm.s32 $0x9400;
	s24 =	sadd.s32 s1, s24  }
0x64: {  	[tilespmem:s0], [sflag:$0x2] =	stream.strided.gather [hbm4b:s24+s17], $0x1000, s4, s17, $0x38;
	[tilespmem:$0x18400] =	vst v63  }
0x65: {  	s24 =	sand.u32 $0xFFFFF80, s30  }
0x66: {  	s31 =	simm.s32 $0x11400;
	s24 =	sadd.s32 s3, s24  }
0x67: {  	[tilespmem:s31], [sflag:$0xA] =	stream.strided.gather [hbm4b:s24+s17], $0x1000, s4, s17, $0x38;
	[tilespmem:$0x18400] =	vst v63  }
0x68: {  	s0 =	spop (v2sf);
	(v2sf) =	vpush v23, $0x4  }
0x69: {  	s2 =	spop (v2sf);
	(v2sf) =	vpush v24, $0x4  }
0x6a: {  	s24 =	sand.u32 $0xFFFFF80, s0  }
0x6b: {  	s24 =	sadd.s32 s1, s24;
	(v2sf) =	vpush v23, $0x5  }
0x6c: {  	[tilespmem:s18], [sflag:$0x3] =	stream.strided.gather [hbm4b:s24+s17], $0x1000, s4, s17, $0x38;
	[tilespmem:$0x18400] =	vst v63  }
0x6d: {  	s24 =	sand.u32 $0xFFFFF80, s2  }
0x6e: {  	s24 =	sadd.s32 s3, s24  }
0x6f: {  	[tilespmem:s5], [sflag:$0xB] =	stream.strided.gather [hbm4b:s24+s17], $0x1000, s4, s17, $0x38;
	[tilespmem:$0x18400] =	vst v63  }
0x70: {  	s5 =	spop (v2sf);
	(v2sf) =	vpush v24, $0x5  }
0x71: {  	s24 =	sand.u32 $0xFFFFF80, s5;
	s16 =	spop (v2sf);
	(v2sf) =	vpush v23, $0x6  }
0x72: {  	s24 =	sadd.s32 s1, s24  }
0x73: {  	[tilespmem:s6], [sflag:$0x4] =	stream.strided.gather [hbm4b:s24+s17], $0x1000, s4, s17, $0x38;
	[tilespmem:$0x18400] =	vst v63  }
0x74: {  	s24 =	sand.u32 $0xFFFFF80, s16  }
0x75: {  	s24 =	sadd.s32 s3, s24  }
0x76: {  	[tilespmem:s7], [sflag:$0xC] =	stream.strided.gather [hbm4b:s24+s17], $0x1000, s4, s17, $0x38;
	[tilespmem:$0x18400] =	vst v63  }
0x77: {  	s18 =	spop (v2sf);
	(v2sf) =	vpush v24, $0x6  }
0x78: {  	s19 =	spop (v2sf);
	(v2sf) =	vpush v23, $0x7  }
0x79: {  	s24 =	sand.u32 $0xFFFFF80, s18  }
0x7a: {  	s24 =	sadd.s32 s1, s24;
	s20 =	spop (v2sf)  }
0x7b: {  	(v2sf) =	vpush v24, $0x7;
	[tilespmem:s8], [sflag:$0x5] =	stream.strided.gather [hbm4b:s24+s17], $0x1000, s4, s17, $0x38;
	[tilespmem:$0x18400] =	vst v63  }
0x7c: {  	s24 =	sand.u32 $0xFFFFF80, s19  }
0x7d: {  	s24 =	sadd.s32 s3, s24  }
0x7e: {  	[tilespmem:s9], [sflag:$0xD] =	stream.strided.gather [hbm4b:s24+s17], $0x1000, s4, s17, $0x38;
	[tilespmem:$0x18400] =	vst v63  }
0x7f: {  	s24 =	sand.u32 $0xFFFFF80, s20;
	s21 =	spop (v2sf)  }
0x80: {  	s24 =	sadd.s32 s1, s24;
	s22 =	sand.u32 $0xFFFFF80, s21;
	s23 =	spop (v2sf)  }
0x81: {  	[tilespmem:s10], [sflag:$0x6] =	stream.strided.gather [hbm4b:s24+s17], $0x1000, s4, s17, $0x38;
	[tilespmem:$0x18400] =	vst v63  }
0x82: {  	s24 =	sadd.s32 s3, s22;
	s25 =	sand.u32 $0xFFFFF80, s23  }
0x83: {  	[tilespmem:s11], [sflag:$0xE] =	stream.strided.gather [hbm4b:s24+s17], $0x1000, s4, s17, $0x38;
	[tilespmem:$0x18400] =	vst v63  }
0x84: {  	s24 =	sadd.s32 s1, s25  }
0x85: {  	[tilespmem:s12], [sflag:$0x7] =	stream.strided.gather [hbm4b:s24+s17], $0x1000, s4, s17, $0x38;
	[tilespmem:$0x18400] =	vst v63  }
0x86: {  	s26 =	spop (v2sf)  }
0x87: {  	s28 =	sand.u32 $0xFFFFF80, s26;
	s29 =	spop (v2sf)  }
0x88: {  	s24 =	sadd.s32 s3, s28;
	s30 =	sand.u32 $0xFFFFF80, s29  }
0x89: {  	[tilespmem:s13], [sflag:$0xF] =	stream.strided.gather [hbm4b:s24+s17], $0x1000, s4, s17, $0x38;
	[tilespmem:$0x18400] =	vst v63  }
0x8a: {  	s31 =	spop (v2sf);
	s24 =	sadd.s32 s1, s30  }
0x8b: {  	[tilespmem:s14], [sflag:$0x8] =	stream.strided.gather [hbm4b:s24+s17], $0x1000, s4, s17, $0x38;
	[tilespmem:$0x18400] =	vst v63  }
0x8c: {  	s25 =	simm.s32 $0x10;
	s24 =	sand.u32 $0xFFFFF80, s31  }
0x8d: {  	s12 =	simm.s32 $0x210;
	s26 =	simm.s32 $0xF;
	s24 =	sadd.s32 s3, s24  }
0x8e: {  	[tilespmem:s15], [sflag:$0x10] =	stream.strided.gather [hbm4b:s24+s17], $0x1000, s4, s17, $0x38;
	[tilespmem:$0x18400] =	vst v63  }
.LBB2_2:
0x8f: {  	v28 =	vld [tilespmem:s25+$0xFFFFFFF0];
	_ =	sdelay $0x1  }
0x90: {  	v27 =	vld [tilespmem:s12+$0xFFFFFFF0]  }
0x91: {  	v24 =	vld [tilespmem:s25+$0x0];
	s0 =	simm.s32 $0x1  }
0x92: {  	v23 =	vld [tilespmem:s12+$0x0];
	_ =	swait.ge [sflag:s0], $0x1000  }
0x93: {  	(v2sf) =	vpush v28, $0x8;
	_ =	sdelay $0x2  }
0x94: {  	v25 =	vand.u32 $0x7F, v28  }
0x95: {  	v26 =	vbroadcast v25, $0x0;
	_ =	sdelay $0x1  }
0x96: {  	v29 =	vor.u32 v0, v26  }
0x97: {  	v26 =	vor.u32 v2, v26;
	_ =	sdelay $0x1  }
0x98: {  	[sflag:s0] =	ssyncset.done $0x0  }
0x99: {  	s28 =	sadd.s32 $0xFFFFFFF1, s26;
	s1 =	simm.s32 $0x8400;
	[sflag:s0] =	ssyncadd.s32 $0xFFFFF000  }
0x9a: {  	v30 =	vor.u32 s28, v1;
	v29 =	vld.idx.msk [tilespmem:v29+s1+$0x0], $0xffff  }
0x9b: {  	v31 =	vor.u32 s28, v3;
	v26 =	vld.idx.msk [tilespmem:v26+s1+$0x0], $0xffff;
	_ =	sdelay $0x2  }
0x9c: {  	s29 =	spop (v2sf)  }
0x9d: {  	s3 =	rddreg [dreg:$0x2];
	[tilespmem:v30+s17+$0x0] =	vst.idx.msk $0xffff, v29;
	s29 =	sand.u32 $0xFFFFF80, s29  }
0x9e: {  	s10 =	simm.s32 $0x9;
	s0 =	simm.s32 $0x7A1400;
	[tilespmem:v31+s17+$0x0] =	vst.idx.msk $0xffff, v26;
	s29 =	sadd.s32 s3, s29  }
0x9f: {  	[tilespmem:s1], [sflag:$0x1] =	stream.strided.gather [hbm4b:s29+s17], $0x1000, s0, s17, $0x38;
	[tilespmem:$0x18400] =	vst v63  }
0xa0: {  	_ =	swait.ge [sflag:s10], $0x1000  }
0xa1: {  	(v2sf) =	vpush v27, $0x8;
	_ =	sdelay $0x2  }
0xa2: {  	v26 =	vand.u32 $0x7F, v27  }
0xa3: {  	v61 =	vbroadcast v26, $0x0;
	_ =	sdelay $0x1  }
0xa4: {  	v62 =	vor.u32 v0, v61  }
0xa5: {  	v29 =	vor.u32 v2, v61;
	_ =	sdelay $0x1  }
0xa6: {  	[sflag:s10] =	ssyncset.done $0x0  }
0xa7: {  	s31 =	simm.s32 $0x10400;
	[sflag:s10] =	ssyncadd.s32 $0xFFFFF000  }
0xa8: {  	v63 =	vor.u32 s28, v4;
	v30 =	vld.idx.msk [tilespmem:v62+s31+$0x0], $0xffff  }
0xa9: {  	v32 =	vor.u32 s28, v5;
	v29 =	vld.idx.msk [tilespmem:v29+s31+$0x0], $0xffff;
	_ =	sdelay $0x2  }
0xaa: {  	s9 =	spop (v2sf)  }
0xab: {  	s18 =	rddreg [dreg:$0x3];
	[tilespmem:v63+s17+$0x0] =	vst.idx.msk $0xffff, v30;
	s28 =	sand.u32 $0xFFFFF80, s9  }
0xac: {  	[tilespmem:v32+s17+$0x0] =	vst.idx.msk $0xffff, v29;
	s9 =	simm.s32 $0x2;
	s28 =	sadd.s32 s18, s28  }
0xad: {  	[tilespmem:s31], [sflag:$0x9] =	stream.strided.gather [hbm4b:s28+s17], $0x1000, s0, s17, $0x38;
	[tilespmem:$0x18400] =	vst v63  }
0xae: {  	_ =	swait.ge [sflag:s9], $0x1000  }
0xaf: {  	(v2sf) =	vpush v28, $0x9;
	_ =	sdelay $0x3  }
0xb0: {  	v36 =	vbroadcast v25, $0x1;
	_ =	sdelay $0x1  }
0xb1: {  	v37 =	vor.u32 v0, v36  }
0xb2: {  	v29 =	vor.u32 v2, v36;
	_ =	sdelay $0x1  }
0xb3: {  	[sflag:s9] =	ssyncset.done $0x0  }
0xb4: {  	s11 =	sadd.s32 $0xFFFFFFF2, s26;
	s30 =	simm.s32 $0x9400;
	[sflag:s9] =	ssyncadd.s32 $0xFFFFF000  }
0xb5: {  	v38 =	vor.u32 s11, v1;
	v30 =	vld.idx.msk [tilespmem:v37+s30+$0x0], $0xffff  }
0xb6: {  	v39 =	vor.u32 s11, v3;
	v29 =	vld.idx.msk [tilespmem:v29+s30+$0x0], $0xffff;
	_ =	sdelay $0x2  }
0xb7: {  	s13 =	spop (v2sf)  }
0xb8: {  	[tilespmem:v38+s17+$0x0] =	vst.idx.msk $0xffff, v30;
	s29 =	sand.u32 $0xFFFFF80, s13  }
0xb9: {  	s5 =	simm.s32 $0xA;
	[tilespmem:v39+s17+$0x0] =	vst.idx.msk $0xffff, v29;
	s29 =	sadd.s32 s3, s29  }
0xba: {  	[tilespmem:s30], [sflag:$0x2] =	stream.strided.gather [hbm4b:s29+s17], $0x1000, s0, s17, $0x38;
	[tilespmem:$0x18400] =	vst v63  }
0xbb: {  	_ =	swait.ge [sflag:s5], $0x1000  }
0xbc: {  	(v2sf) =	vpush v27, $0x9;
	_ =	sdelay $0x3  }
0xbd: {  	v40 =	vbroadcast v26, $0x1;
	_ =	sdelay $0x1  }
0xbe: {  	v41 =	vor.u32 v0, v40  }
0xbf: {  	v29 =	vor.u32 v2, v40;
	_ =	sdelay $0x1  }
0xc0: {  	[sflag:s5] =	ssyncset.done $0x0  }
0xc1: {  	s14 =	simm.s32 $0x11400;
	[sflag:s5] =	ssyncadd.s32 $0xFFFFF000  }
0xc2: {  	v42 =	vor.u32 s11, v4;
	v30 =	vld.idx.msk [tilespmem:v41+s14+$0x0], $0xffff  }
0xc3: {  	v43 =	vor.u32 s11, v5;
	v29 =	vld.idx.msk [tilespmem:v29+s14+$0x0], $0xffff;
	_ =	sdelay $0x2  }
0xc4: {  	s15 =	spop (v2sf)  }
0xc5: {  	[tilespmem:v42+s17+$0x0] =	vst.idx.msk $0xffff, v30;
	s28 =	sand.u32 $0xFFFFF80, s15  }
0xc6: {  	s7 =	simm.s32 $0x3;
	[tilespmem:v43+s17+$0x0] =	vst.idx.msk $0xffff, v29;
	s28 =	sadd.s32 s18, s28  }
0xc7: {  	[tilespmem:s14], [sflag:$0xA] =	stream.strided.gather [hbm4b:s28+s17], $0x1000, s0, s17, $0x38;
	[tilespmem:$0x18400] =	vst v63  }
0xc8: {  	_ =	swait.ge [sflag:s7], $0x1000  }
0xc9: {  	(v2sf) =	vpush v28, $0xA;
	_ =	sdelay $0x3  }
0xca: {  	v44 =	vbroadcast v25, $0x2;
	_ =	sdelay $0x1  }
0xcb: {  	v45 =	vor.u32 v0, v44  }
0xcc: {  	v29 =	vor.u32 v2, v44;
	_ =	sdelay $0x1  }
0xcd: {  	[sflag:s7] =	ssyncset.done $0x0  }
0xce: {  	s16 =	sadd.s32 $0xFFFFFFF3, s26;
	s19 =	simm.s32 $0xA400;
	[sflag:s7] =	ssyncadd.s32 $0xFFFFF000  }
0xcf: {  	v46 =	vor.u32 s16, v1;
	v30 =	vld.idx.msk [tilespmem:v45+s19+$0x0], $0xffff  }
0xd0: {  	v47 =	vor.u32 s16, v3;
	v29 =	vld.idx.msk [tilespmem:v29+s19+$0x0], $0xffff;
	_ =	sdelay $0x2  }
0xd1: {  	s20 =	spop (v2sf)  }
0xd2: {  	[tilespmem:v46+s17+$0x0] =	vst.idx.msk $0xffff, v30;
	s29 =	sand.u32 $0xFFFFF80, s20  }
0xd3: {  	s4 =	simm.s32 $0xB;
	[tilespmem:v47+s17+$0x0] =	vst.idx.msk $0xffff, v29;
	s29 =	sadd.s32 s3, s29  }
0xd4: {  	[tilespmem:s19], [sflag:$0x3] =	stream.strided.gather [hbm4b:s29+s17], $0x1000, s0, s17, $0x38;
	[tilespmem:$0x18400] =	vst v63  }
0xd5: {  	_ =	swait.ge [sflag:s4], $0x1000  }
0xd6: {  	(v2sf) =	vpush v27, $0xA;
	_ =	sdelay $0x3  }
0xd7: {  	v48 =	vbroadcast v26, $0x2;
	_ =	sdelay $0x1  }
0xd8: {  	v49 =	vor.u32 v0, v48  }
0xd9: {  	v29 =	vor.u32 v2, v48;
	_ =	sdelay $0x1  }
0xda: {  	[sflag:s4] =	ssyncset.done $0x0  }
0xdb: {  	s21 =	simm.s32 $0x12400;
	[sflag:s4] =	ssyncadd.s32 $0xFFFFF000  }
0xdc: {  	v50 =	vor.u32 s16, v4;
	v30 =	vld.idx.msk [tilespmem:v49+s21+$0x0], $0xffff  }
0xdd: {  	v51 =	vor.u32 s16, v5;
	v29 =	vld.idx.msk [tilespmem:v29+s21+$0x0], $0xffff;
	_ =	sdelay $0x2  }
0xde: {  	s22 =	spop (v2sf)  }
0xdf: {  	[tilespmem:v50+s17+$0x0] =	vst.idx.msk $0xffff, v30;
	s28 =	sand.u32 $0xFFFFF80, s22  }
0xe0: {  	s8 =	simm.s32 $0x4;
	[tilespmem:v51+s17+$0x0] =	vst.idx.msk $0xffff, v29;
	s28 =	sadd.s32 s18, s28  }
0xe1: {  	[tilespmem:s21], [sflag:$0xB] =	stream.strided.gather [hbm4b:s28+s17], $0x1000, s0, s17, $0x38;
	[tilespmem:$0x18400] =	vst v63  }
0xe2: {  	_ =	swait.ge [sflag:s8], $0x1000  }
0xe3: {  	(v2sf) =	vpush v28, $0xB;
	_ =	sdelay $0x3  }
0xe4: {  	v52 =	vbroadcast v25, $0x3;
	_ =	sdelay $0x1  }
0xe5: {  	v53 =	vor.u32 v0, v52  }
0xe6: {  	v29 =	vor.u32 v2, v52;
	_ =	sdelay $0x1  }
0xe7: {  	[sflag:s8] =	ssyncset.done $0x0  }
0xe8: {  	s23 =	sadd.s32 $0xFFFFFFF4, s26;
	s6 =	simm.s32 $0xB400;
	[sflag:s8] =	ssyncadd.s32 $0xFFFFF000  }
0xe9: {  	v54 =	vor.u32 s23, v1;
	v30 =	vld.idx.msk [tilespmem:v53+s6+$0x0], $0xffff  }
0xea: {  	v55 =	vor.u32 s23, v3;
	v29 =	vld.idx.msk [tilespmem:v29+s6+$0x0], $0xffff;
	_ =	sdelay $0x2  }
0xeb: {  	s11 =	spop (v2sf)  }
0xec: {  	[tilespmem:v54+s17+$0x0] =	vst.idx.msk $0xffff, v30;
	s29 =	sand.u32 $0xFFFFF80, s11  }
0xed: {  	s2 =	simm.s32 $0xC;
	[tilespmem:v55+s17+$0x0] =	vst.idx.msk $0xffff, v29;
	s29 =	sadd.s32 s3, s29  }
0xee: {  	[tilespmem:s6], [sflag:$0x4] =	stream.strided.gather [hbm4b:s29+s17], $0x1000, s0, s17, $0x38;
	[tilespmem:$0x18400] =	vst v63  }
0xef: {  	_ =	swait.ge [sflag:s2], $0x1000  }
0xf0: {  	(v2sf) =	vpush v27, $0xB;
	_ =	sdelay $0x3  }
0xf1: {  	v56 =	vbroadcast v26, $0x3;
	_ =	sdelay $0x1  }
0xf2: {  	v57 =	vor.u32 v0, v56  }
0xf3: {  	v29 =	vor.u32 v2, v56;
	_ =	sdelay $0x1  }
0xf4: {  	[sflag:s2] =	ssyncset.done $0x0  }
0xf5: {  	s13 =	simm.s32 $0x13400;
	[sflag:s2] =	ssyncadd.s32 $0xFFFFF000  }
0xf6: {  	v58 =	vor.u32 s23, v4;
	v30 =	vld.idx.msk [tilespmem:v57+s13+$0x0], $0xffff  }
0xf7: {  	v59 =	vor.u32 s23, v5;
	v29 =	vld.idx.msk [tilespmem:v29+s13+$0x0], $0xffff;
	_ =	sdelay $0x2  }
0xf8: {  	s14 =	spop (v2sf)  }
0xf9: {  	[tilespmem:v58+s17+$0x0] =	vst.idx.msk $0xffff, v30;
	s28 =	sand.u32 $0xFFFFF80, s14  }
0xfa: {  	s6 =	simm.s32 $0x5;
	[tilespmem:v59+s17+$0x0] =	vst.idx.msk $0xffff, v29;
	s28 =	sadd.s32 s18, s28  }
0xfb: {  	[tilespmem:s13], [sflag:$0xC] =	stream.strided.gather [hbm4b:s28+s17], $0x1000, s0, s17, $0x38;
	[tilespmem:$0x18400] =	vst v63  }
0xfc: {  	_ =	swait.ge [sflag:s6], $0x1000  }
0xfd: {  	(v2sf) =	vpush v28, $0xC;
	_ =	sdelay $0x3  }
0xfe: {  	v60 =	vbroadcast v25, $0x4;
	_ =	sdelay $0x1  }
0xff: {  	v61 =	vor.u32 v0, v60  }
0x100: {  	v29 =	vor.u32 v2, v60;
	_ =	sdelay $0x1  }
0x101: {  	[sflag:s6] =	ssyncset.done $0x0  }
0x102: {  	s16 =	simm.s32 $0xC400;
	s15 =	sadd.s32 $0xFFFFFFF5, s26;
	[sflag:s6] =	ssyncadd.s32 $0xFFFFF000  }
0x103: {  	v62 =	vor.u32 s15, v1;
	v30 =	vld.idx.msk [tilespmem:v61+s16+$0x0], $0xffff  }
0x104: {  	v63 =	vor.u32 s15, v3;
	v29 =	vld.idx.msk [tilespmem:v29+s16+$0x0], $0xffff;
	_ =	sdelay $0x2  }
0x105: {  	s19 =	spop (v2sf)  }
0x106: {  	[tilespmem:v62+s17+$0x0] =	vst.idx.msk $0xffff, v30;
	s29 =	sand.u32 $0xFFFFF80, s19  }
0x107: {  	s1 =	simm.s32 $0xD;
	[tilespmem:v63+s17+$0x0] =	vst.idx.msk $0xffff, v29;
	s29 =	sadd.s32 s3, s29  }
0x108: {  	[tilespmem:s16], [sflag:$0x5] =	stream.strided.gather [hbm4b:s29+s17], $0x1000, s0, s17, $0x38;
	[tilespmem:$0x18400] =	vst v63  }
0x109: {  	_ =	swait.ge [sflag:s1], $0x1000  }
0x10a: {  	(v2sf) =	vpush v27, $0xC;
	_ =	sdelay $0x3  }
0x10b: {  	v36 =	vbroadcast v26, $0x4;
	_ =	sdelay $0x1  }
0x10c: {  	v37 =	vor.u32 v0, v36  }
0x10d: {  	v29 =	vor.u32 v2, v36;
	_ =	sdelay $0x1  }
0x10e: {  	[sflag:s1] =	ssyncset.done $0x0  }
0x10f: {  	s11 =	simm.s32 $0x14400;
	[sflag:s1] =	ssyncadd.s32 $0xFFFFF000  }
0x110: {  	v38 =	vor.u32 s15, v4;
	v30 =	vld.idx.msk [tilespmem:v37+s11+$0x0], $0xffff  }
0x111: {  	v39 =	vor.u32 s15, v5;
	v29 =	vld.idx.msk [tilespmem:v29+s11+$0x0], $0xffff;
	_ =	sdelay $0x2  }
0x112: {  	s20 =	spop (v2sf)  }
0x113: {  	[tilespmem:v38+s17+$0x0] =	vst.idx.msk $0xffff, v30;
	s28 =	sand.u32 $0xFFFFF80, s20  }
0x114: {  	s16 =	simm.s32 $0x6;
	[tilespmem:v39+s17+$0x0] =	vst.idx.msk $0xffff, v29;
	s28 =	sadd.s32 s18, s28  }
0x115: {  	[tilespmem:s11], [sflag:$0xD] =	stream.strided.gather [hbm4b:s28+s17], $0x1000, s0, s17, $0x38;
	[tilespmem:$0x18400] =	vst v63  }
0x116: {  	_ =	swait.ge [sflag:s16], $0x1000  }
0x117: {  	(v2sf) =	vpush v28, $0xD;
	_ =	sdelay $0x3  }
0x118: {  	v40 =	vbroadcast v25, $0x5;
	_ =	sdelay $0x1  }
0x119: {  	v41 =	vor.u32 v0, v40  }
0x11a: {  	v29 =	vor.u32 v2, v40;
	_ =	sdelay $0x1  }
0x11b: {  	[sflag:s16] =	ssyncset.done $0x0  }
0x11c: {  	s22 =	simm.s32 $0xD400;
	s21 =	sadd.s32 $0xFFFFFFF6, s26;
	[sflag:s16] =	ssyncadd.s32 $0xFFFFF000  }
0x11d: {  	v42 =	vor.u32 s21, v1;
	v30 =	vld.idx.msk [tilespmem:v41+s22+$0x0], $0xffff  }
0x11e: {  	v43 =	vor.u32 s21, v3;
	v29 =	vld.idx.msk [tilespmem:v29+s22+$0x0], $0xffff;
	_ =	sdelay $0x2  }
0x11f: {  	s23 =	spop (v2sf)  }
0x120: {  	[tilespmem:v42+s17+$0x0] =	vst.idx.msk $0xffff, v30;
	s29 =	sand.u32 $0xFFFFF80, s23  }
0x121: {  	s19 =	simm.s32 $0xE;
	[tilespmem:v43+s17+$0x0] =	vst.idx.msk $0xffff, v29;
	s29 =	sadd.s32 s3, s29  }
0x122: {  	[tilespmem:s22], [sflag:$0x6] =	stream.strided.gather [hbm4b:s29+s17], $0x1000, s0, s17, $0x38;
	[tilespmem:$0x18400] =	vst v63  }
0x123: {  	_ =	swait.ge [sflag:s19], $0x1000  }
0x124: {  	(v2sf) =	vpush v27, $0xD;
	_ =	sdelay $0x3  }
0x125: {  	v44 =	vbroadcast v26, $0x5;
	_ =	sdelay $0x1  }
0x126: {  	v45 =	vor.u32 v0, v44  }
0x127: {  	v29 =	vor.u32 v2, v44;
	_ =	sdelay $0x1  }
0x128: {  	[sflag:s19] =	ssyncset.done $0x0  }
0x129: {  	s13 =	simm.s32 $0x15400;
	[sflag:s19] =	ssyncadd.s32 $0xFFFFF000  }
0x12a: {  	v46 =	vor.u32 s21, v4;
	v30 =	vld.idx.msk [tilespmem:v45+s13+$0x0], $0xffff  }
0x12b: {  	v47 =	vor.u32 s21, v5;
	v29 =	vld.idx.msk [tilespmem:v29+s13+$0x0], $0xffff;
	_ =	sdelay $0x2  }
0x12c: {  	s14 =	spop (v2sf)  }
0x12d: {  	[tilespmem:v46+s17+$0x0] =	vst.idx.msk $0xffff, v30;
	s28 =	sand.u32 $0xFFFFF80, s14  }
0x12e: {  	s20 =	simm.s32 $0x7;
	[tilespmem:v47+s17+$0x0] =	vst.idx.msk $0xffff, v29;
	s28 =	sadd.s32 s18, s28  }
0x12f: {  	[tilespmem:s13], [sflag:$0xE] =	stream.strided.gather [hbm4b:s28+s17], $0x1000, s0, s17, $0x38;
	[tilespmem:$0x18400] =	vst v63  }
0x130: {  	_ =	swait.ge [sflag:s20], $0x1000  }
0x131: {  	(v2sf) =	vpush v28, $0xE;
	_ =	sdelay $0x3  }
0x132: {  	v48 =	vbroadcast v25, $0x6;
	_ =	sdelay $0x1  }
0x133: {  	v49 =	vor.u32 v0, v48  }
0x134: {  	v29 =	vor.u32 v2, v48;
	_ =	sdelay $0x1  }
0x135: {  	[sflag:s20] =	ssyncset.done $0x0  }
0x136: {  	s15 =	sadd.s32 $0xFFFFFFF7, s26;
	s13 =	simm.s32 $0xE400;
	[sflag:s20] =	ssyncadd.s32 $0xFFFFF000  }
0x137: {  	v50 =	vor.u32 s15, v1;
	v30 =	vld.idx.msk [tilespmem:v49+s13+$0x0], $0xffff  }
0x138: {  	v51 =	vor.u32 s15, v3;
	v29 =	vld.idx.msk [tilespmem:v29+s13+$0x0], $0xffff;
	_ =	sdelay $0x2  }
0x139: {  	s21 =	spop (v2sf)  }
0x13a: {  	[tilespmem:v50+s17+$0x0] =	vst.idx.msk $0xffff, v30;
	s29 =	sand.u32 $0xFFFFF80, s21  }
0x13b: {  	[tilespmem:v51+s17+$0x0] =	vst.idx.msk $0xffff, v29;
	s21 =	simm.s32 $0xF;
	s29 =	sadd.s32 s3, s29  }
0x13c: {  	[tilespmem:s13], [sflag:$0x7] =	stream.strided.gather [hbm4b:s29+s17], $0x1000, s0, s17, $0x38;
	[tilespmem:$0x18400] =	vst v63  }
0x13d: {  	_ =	swait.ge [sflag:s21], $0x1000  }
0x13e: {  	(v2sf) =	vpush v27, $0xE;
	_ =	sdelay $0x3  }
0x13f: {  	v52 =	vbroadcast v26, $0x6;
	_ =	sdelay $0x1  }
0x140: {  	v53 =	vor.u32 v0, v52  }
0x141: {  	v29 =	vor.u32 v2, v52;
	_ =	sdelay $0x1  }
0x142: {  	[sflag:s21] =	ssyncset.done $0x0  }
0x143: {  	s14 =	simm.s32 $0x16400;
	[sflag:s21] =	ssyncadd.s32 $0xFFFFF000  }
0x144: {  	v54 =	vor.u32 s15, v4;
	v30 =	vld.idx.msk [tilespmem:v53+s14+$0x0], $0xffff  }
0x145: {  	v55 =	vor.u32 s15, v5;
	v29 =	vld.idx.msk [tilespmem:v29+s14+$0x0], $0xffff;
	_ =	sdelay $0x2  }
0x146: {  	s22 =	spop (v2sf)  }
0x147: {  	[tilespmem:v54+s17+$0x0] =	vst.idx.msk $0xffff, v30;
	s28 =	sand.u32 $0xFFFFF80, s22  }
0x148: {  	[tilespmem:v55+s17+$0x0] =	vst.idx.msk $0xffff, v29;
	s22 =	simm.s32 $0x8;
	s28 =	sadd.s32 s18, s28  }
0x149: {  	[tilespmem:s14], [sflag:$0xF] =	stream.strided.gather [hbm4b:s28+s17], $0x1000, s0, s17, $0x38;
	[tilespmem:$0x18400] =	vst v63  }
0x14a: {  	_ =	swait.ge [sflag:s22], $0x1000  }
0x14b: {  	(v2sf) =	vpush v28, $0xF;
	_ =	sdelay $0x3  }
0x14c: {  	v56 =	vbroadcast v25, $0x7;
	_ =	sdelay $0x1  }
0x14d: {  	v57 =	vor.u32 v0, v56  }
0x14e: {  	v28 =	vor.u32 v2, v56;
	_ =	sdelay $0x1  }
0x14f: {  	[sflag:s22] =	ssyncset.done $0x0  }
0x150: {  	s15 =	simm.s32 $0xF400;
	s28 =	sadd.s32 $0xFFFFFFF8, s26;
	[sflag:s22] =	ssyncadd.s32 $0xFFFFF000  }
0x151: {  	v58 =	vor.u32 s28, v1;
	v29 =	vld.idx.msk [tilespmem:v57+s15+$0x0], $0xffff  }
0x152: {  	v59 =	vor.u32 s28, v3;
	v28 =	vld.idx.msk [tilespmem:v28+s15+$0x0], $0xffff;
	_ =	sdelay $0x2  }
0x153: {  	s23 =	spop (v2sf)  }
0x154: {  	[tilespmem:v58+s17+$0x0] =	vst.idx.msk $0xffff, v29;
	s29 =	sand.u32 $0xFFFFF80, s23  }
0x155: {  	[tilespmem:v59+s17+$0x0] =	vst.idx.msk $0xffff, v28;
	s23 =	simm.s32 $0x10;
	s29 =	sadd.s32 s3, s29  }
0x156: {  	[tilespmem:s15], [sflag:$0x8] =	stream.strided.gather [hbm4b:s29+s17], $0x1000, s0, s17, $0x38;
	[tilespmem:$0x18400] =	vst v63  }
0x157: {  	_ =	swait.ge [sflag:s23], $0x1000  }
0x158: {  	(v2sf) =	vpush v27, $0xF;
	_ =	sdelay $0x3  }
0x159: {  	v60 =	vbroadcast v26, $0x7;
	_ =	sdelay $0x1  }
0x15a: {  	v61 =	vor.u32 v0, v60  }
0x15b: {  	v27 =	vor.u32 v2, v60;
	_ =	sdelay $0x1  }
0x15c: {  	[sflag:s23] =	ssyncset.done $0x0  }
0x15d: {  	s11 =	simm.s32 $0x17400;
	[sflag:s23] =	ssyncadd.s32 $0xFFFFF000  }
0x15e: {  	v62 =	vor.u32 s28, v4;
	v28 =	vld.idx.msk [tilespmem:v61+s11+$0x0], $0xffff  }
0x15f: {  	v63 =	vor.u32 s28, v5;
	v27 =	vld.idx.msk [tilespmem:v27+s11+$0x0], $0xffff;
	_ =	sdelay $0x2  }
0x160: {  	s29 =	spop (v2sf)  }
0x161: {  	[tilespmem:v62+s17+$0x0] =	vst.idx.msk $0xffff, v28;
	s28 =	sand.u32 $0xFFFFF80, s29  }
0x162: {  	s24 =	simm.s32 $0x1;
	[tilespmem:v63+s17+$0x0] =	vst.idx.msk $0xffff, v27;
	s28 =	sadd.s32 s18, s28  }
0x163: {  	[tilespmem:s11], [sflag:$0x10] =	stream.strided.gather [hbm4b:s28+s17], $0x1000, s0, s17, $0x38;
	[tilespmem:$0x18400] =	vst v63  }
0x164: {  	_ =	swait.ge [sflag:s24], $0x1000  }
0x165: {  	(v2sf) =	vpush v24, $0x0;
	_ =	sdelay $0x3  }
0x166: {  	v33 =	vbroadcast v25, $0x8;
	_ =	sdelay $0x1  }
0x167: {  	v34 =	vor.u32 v0, v33  }
0x168: {  	v27 =	vor.u32 v2, v33;
	_ =	sdelay $0x1  }
0x169: {  	[sflag:s24] =	ssyncset.done $0x0  }
0x16a: {  	s28 =	sadd.s32 $0xFFFFFFF9, s26;
	[sflag:s24] =	ssyncadd.s32 $0xFFFFF000;
	s24 =	simm.s32 $0x8400  }
0x16b: {  	v35 =	vor.u32 s28, v1;
	v28 =	vld.idx.msk [tilespmem:v34+s24+$0x0], $0xffff  }
0x16c: {  	v36 =	vor.u32 s28, v3;
	v27 =	vld.idx.msk [tilespmem:v27+s24+$0x0], $0xffff;
	_ =	sdelay $0x2  }
0x16d: {  	s29 =	spop (v2sf)  }
0x16e: {  	[tilespmem:v35+s17+$0x0] =	vst.idx.msk $0xffff, v28;
	s29 =	sand.u32 $0xFFFFF80, s29  }
0x16f: {  	s24 =	simm.s32 $0x8400;
	[tilespmem:v36+s17+$0x0] =	vst.idx.msk $0xffff, v27;
	s29 =	sadd.s32 s3, s29  }
0x170: {  	[tilespmem:s24], [sflag:$0x1] =	stream.strided.gather [hbm4b:s29+s17], $0x1000, s0, s17, $0x38;
	[tilespmem:$0x18400] =	vst v63  }
0x171: {  	_ =	swait.ge [sflag:s10], $0x1000  }
0x172: {  	(v2sf) =	vpush v23, $0x0;
	_ =	sdelay $0x3  }
0x173: {  	v37 =	vbroadcast v26, $0x8;
	_ =	sdelay $0x1  }
0x174: {  	v38 =	vor.u32 v0, v37  }
0x175: {  	v27 =	vor.u32 v2, v37;
	_ =	sdelay $0x1  }
0x176: {  	[sflag:s10] =	ssyncset.done $0x0  }
0x177: {  	[sflag:s10] =	ssyncadd.s32 $0xFFFFF000  }
0x178: {  	v39 =	vor.u32 s28, v4;
	v28 =	vld.idx.msk [tilespmem:v38+s31+$0x0], $0xffff  }
0x179: {  	v40 =	vor.u32 s28, v5;
	v27 =	vld.idx.msk [tilespmem:v27+s31+$0x0], $0xffff;
	_ =	sdelay $0x2  }
0x17a: {  	s29 =	spop (v2sf)  }
0x17b: {  	[tilespmem:v39+s17+$0x0] =	vst.idx.msk $0xffff, v28;
	s28 =	sand.u32 $0xFFFFF80, s29  }
0x17c: {  	[tilespmem:v40+s17+$0x0] =	vst.idx.msk $0xffff, v27;
	s28 =	sadd.s32 s18, s28  }
0x17d: {  	[tilespmem:s31], [sflag:$0x9] =	stream.strided.gather [hbm4b:s28+s17], $0x1000, s0, s17, $0x38;
	[tilespmem:$0x18400] =	vst v63  }
0x17e: {  	_ =	swait.ge [sflag:s9], $0x1000  }
0x17f: {  	(v2sf) =	vpush v24, $0x1;
	_ =	sdelay $0x3  }
0x180: {  	v41 =	vbroadcast v25, $0x9;
	_ =	sdelay $0x1  }
0x181: {  	v42 =	vor.u32 v0, v41  }
0x182: {  	v27 =	vor.u32 v2, v41;
	_ =	sdelay $0x1  }
0x183: {  	[sflag:s9] =	ssyncset.done $0x0  }
0x184: {  	s10 =	sadd.s32 $0xFFFFFFFA, s26;
	[sflag:s9] =	ssyncadd.s32 $0xFFFFF000  }
0x185: {  	v43 =	vor.u32 s10, v1;
	v28 =	vld.idx.msk [tilespmem:v42+s30+$0x0], $0xffff  }
0x186: {  	v44 =	vor.u32 s10, v3;
	v27 =	vld.idx.msk [tilespmem:v27+s30+$0x0], $0xffff;
	_ =	sdelay $0x2  }
0x187: {  	s24 =	spop (v2sf)  }
0x188: {  	[tilespmem:v43+s17+$0x0] =	vst.idx.msk $0xffff, v28;
	s29 =	sand.u32 $0xFFFFF80, s24  }
0x189: {  	[tilespmem:v44+s17+$0x0] =	vst.idx.msk $0xffff, v27;
	s29 =	sadd.s32 s3, s29  }
0x18a: {  	[tilespmem:s30], [sflag:$0x2] =	stream.strided.gather [hbm4b:s29+s17], $0x1000, s0, s17, $0x38;
	[tilespmem:$0x18400] =	vst v63  }
0x18b: {  	_ =	swait.ge [sflag:s5], $0x1000  }
0x18c: {  	(v2sf) =	vpush v23, $0x1;
	_ =	sdelay $0x3  }
0x18d: {  	v45 =	vbroadcast v26, $0x9;
	_ =	sdelay $0x1  }
0x18e: {  	v46 =	vor.u32 v0, v45  }
0x18f: {  	v27 =	vor.u32 v2, v45;
	_ =	sdelay $0x1  }
0x190: {  	[sflag:s5] =	ssyncset.done $0x0  }
0x191: {  	s31 =	simm.s32 $0x11400;
	[sflag:s5] =	ssyncadd.s32 $0xFFFFF000  }
0x192: {  	v47 =	vor.u32 s10, v4;
	v28 =	vld.idx.msk [tilespmem:v46+s31+$0x0], $0xffff  }
0x193: {  	v48 =	vor.u32 s10, v5;
	v27 =	vld.idx.msk [tilespmem:v27+s31+$0x0], $0xffff;
	_ =	sdelay $0x2  }
0x194: {  	s10 =	spop (v2sf)  }
0x195: {  	[tilespmem:v47+s17+$0x0] =	vst.idx.msk $0xffff, v28;
	s28 =	sand.u32 $0xFFFFF80, s10  }
0x196: {  	s9 =	simm.s32 $0x11400;
	[tilespmem:v48+s17+$0x0] =	vst.idx.msk $0xffff, v27;
	s28 =	sadd.s32 s18, s28  }
0x197: {  	[tilespmem:s9], [sflag:$0xA] =	stream.strided.gather [hbm4b:s28+s17], $0x1000, s0, s17, $0x38;
	[tilespmem:$0x18400] =	vst v63  }
0x198: {  	_ =	swait.ge [sflag:s7], $0x1000  }
0x199: {  	(v2sf) =	vpush v24, $0x2;
	_ =	sdelay $0x3  }
0x19a: {  	v49 =	vbroadcast v25, $0xA;
	_ =	sdelay $0x1  }
0x19b: {  	v50 =	vor.u32 v0, v49  }
0x19c: {  	v27 =	vor.u32 v2, v49;
	_ =	sdelay $0x1  }
0x19d: {  	[sflag:s7] =	ssyncset.done $0x0  }
0x19e: {  	s24 =	sadd.s32 $0xFFFFFFFB, s26;
	s29 =	simm.s32 $0xA400;
	[sflag:s7] =	ssyncadd.s32 $0xFFFFF000  }
0x19f: {  	v51 =	vor.u32 s24, v1;
	v28 =	vld.idx.msk [tilespmem:v50+s29+$0x0], $0xffff  }
0x1a0: {  	v52 =	vor.u32 s24, v3;
	v27 =	vld.idx.msk [tilespmem:v27+s29+$0x0], $0xffff;
	_ =	sdelay $0x2  }
0x1a1: {  	s31 =	spop (v2sf)  }
0x1a2: {  	[tilespmem:v51+s17+$0x0] =	vst.idx.msk $0xffff, v28;
	s29 =	sand.u32 $0xFFFFF80, s31  }
0x1a3: {  	s30 =	simm.s32 $0xA400;
	[tilespmem:v52+s17+$0x0] =	vst.idx.msk $0xffff, v27;
	s29 =	sadd.s32 s3, s29  }
0x1a4: {  	[tilespmem:s30], [sflag:$0x3] =	stream.strided.gather [hbm4b:s29+s17], $0x1000, s0, s17, $0x38;
	[tilespmem:$0x18400] =	vst v63  }
0x1a5: {  	_ =	swait.ge [sflag:s4], $0x1000  }
0x1a6: {  	(v2sf) =	vpush v23, $0x2;
	_ =	sdelay $0x3  }
0x1a7: {  	v53 =	vbroadcast v26, $0xA;
	_ =	sdelay $0x1  }
0x1a8: {  	v54 =	vor.u32 v0, v53  }
0x1a9: {  	v27 =	vor.u32 v2, v53;
	_ =	sdelay $0x1  }
0x1aa: {  	[sflag:s4] =	ssyncset.done $0x0  }
0x1ab: {  	s7 =	simm.s32 $0x12400;
	[sflag:s4] =	ssyncadd.s32 $0xFFFFF000  }
0x1ac: {  	v55 =	vor.u32 s24, v4;
	v28 =	vld.idx.msk [tilespmem:v54+s7+$0x0], $0xffff  }
0x1ad: {  	v56 =	vor.u32 s24, v5;
	v27 =	vld.idx.msk [tilespmem:v27+s7+$0x0], $0xffff;
	_ =	sdelay $0x2  }
0x1ae: {  	s10 =	spop (v2sf)  }
0x1af: {  	[tilespmem:v55+s17+$0x0] =	vst.idx.msk $0xffff, v28;
	s28 =	sand.u32 $0xFFFFF80, s10  }
0x1b0: {  	s9 =	simm.s32 $0x12400;
	[tilespmem:v56+s17+$0x0] =	vst.idx.msk $0xffff, v27;
	s28 =	sadd.s32 s18, s28  }
0x1b1: {  	[tilespmem:s9], [sflag:$0xB] =	stream.strided.gather [hbm4b:s28+s17], $0x1000, s0, s17, $0x38;
	[tilespmem:$0x18400] =	vst v63  }
0x1b2: {  	_ =	swait.ge [sflag:s8], $0x1000  }
0x1b3: {  	(v2sf) =	vpush v24, $0x3;
	_ =	sdelay $0x3  }
0x1b4: {  	v57 =	vbroadcast v25, $0xB;
	_ =	sdelay $0x1  }
0x1b5: {  	v58 =	vor.u32 v0, v57  }
0x1b6: {  	v27 =	vor.u32 v2, v57;
	_ =	sdelay $0x1  }
0x1b7: {  	[sflag:s8] =	ssyncset.done $0x0  }
0x1b8: {  	s24 =	sadd.s32 $0xFFFFFFFC, s26;
	s29 =	simm.s32 $0xB400;
	[sflag:s8] =	ssyncadd.s32 $0xFFFFF000  }
0x1b9: {  	v59 =	vor.u32 s24, v1;
	v28 =	vld.idx.msk [tilespmem:v58+s29+$0x0], $0xffff  }
0x1ba: {  	v60 =	vor.u32 s24, v3;
	v27 =	vld.idx.msk [tilespmem:v27+s29+$0x0], $0xffff;
	_ =	sdelay $0x2  }
0x1bb: {  	s31 =	spop (v2sf)  }
0x1bc: {  	[tilespmem:v59+s17+$0x0] =	vst.idx.msk $0xffff, v28;
	s29 =	sand.u32 $0xFFFFF80, s31  }
0x1bd: {  	s30 =	simm.s32 $0xB400;
	[tilespmem:v60+s17+$0x0] =	vst.idx.msk $0xffff, v27;
	s29 =	sadd.s32 s3, s29  }
0x1be: {  	[tilespmem:s30], [sflag:$0x4] =	stream.strided.gather [hbm4b:s29+s17], $0x1000, s0, s17, $0x38;
	[tilespmem:$0x18400] =	vst v63  }
0x1bf: {  	_ =	swait.ge [sflag:s2], $0x1000  }
0x1c0: {  	(v2sf) =	vpush v23, $0x3;
	_ =	sdelay $0x3  }
0x1c1: {  	v61 =	vbroadcast v26, $0xB;
	_ =	sdelay $0x1  }
0x1c2: {  	v62 =	vor.u32 v0, v61  }
0x1c3: {  	v27 =	vor.u32 v2, v61;
	_ =	sdelay $0x1  }
0x1c4: {  	[sflag:s2] =	ssyncset.done $0x0  }
0x1c5: {  	s5 =	simm.s32 $0x13400;
	[sflag:s2] =	ssyncadd.s32 $0xFFFFF000  }
0x1c6: {  	v63 =	vor.u32 s24, v4;
	v28 =	vld.idx.msk [tilespmem:v62+s5+$0x0], $0xffff  }
0x1c7: {  	v33 =	vor.u32 s24, v5;
	v27 =	vld.idx.msk [tilespmem:v27+s5+$0x0], $0xffff;
	_ =	sdelay $0x2  }
0x1c8: {  	s8 =	spop (v2sf)  }
0x1c9: {  	[tilespmem:v63+s17+$0x0] =	vst.idx.msk $0xffff, v28;
	s28 =	sand.u32 $0xFFFFF80, s8  }
0x1ca: {  	s7 =	simm.s32 $0x13400;
	[tilespmem:v33+s17+$0x0] =	vst.idx.msk $0xffff, v27;
	s28 =	sadd.s32 s18, s28  }
0x1cb: {  	[tilespmem:s7], [sflag:$0xC] =	stream.strided.gather [hbm4b:s28+s17], $0x1000, s0, s17, $0x38;
	[tilespmem:$0x18400] =	vst v63  }
0x1cc: {  	_ =	swait.ge [sflag:s6], $0x1000  }
0x1cd: {  	(v2sf) =	vpush v24, $0x4;
	_ =	sdelay $0x3  }
0x1ce: {  	v34 =	vbroadcast v25, $0xC;
	_ =	sdelay $0x1  }
0x1cf: {  	v35 =	vor.u32 v0, v34  }
0x1d0: {  	v27 =	vor.u32 v2, v34;
	_ =	sdelay $0x1  }
0x1d1: {  	[sflag:s6] =	ssyncset.done $0x0  }
0x1d2: {  	s10 =	simm.s32 $0xC400;
	s9 =	sadd.s32 $0xFFFFFFFD, s26;
	[sflag:s6] =	ssyncadd.s32 $0xFFFFF000  }
0x1d3: {  	v36 =	vor.u32 s9, v1;
	v28 =	vld.idx.msk [tilespmem:v35+s10+$0x0], $0xffff  }
0x1d4: {  	v37 =	vor.u32 s9, v3;
	v27 =	vld.idx.msk [tilespmem:v27+s10+$0x0], $0xffff;
	_ =	sdelay $0x2  }
0x1d5: {  	s30 =	spop (v2sf)  }
0x1d6: {  	[tilespmem:v36+s17+$0x0] =	vst.idx.msk $0xffff, v28;
	s29 =	sand.u32 $0xFFFFF80, s30  }
0x1d7: {  	s24 =	simm.s32 $0xC400;
	[tilespmem:v37+s17+$0x0] =	vst.idx.msk $0xffff, v27;
	s29 =	sadd.s32 s3, s29  }
0x1d8: {  	[tilespmem:s24], [sflag:$0x5] =	stream.strided.gather [hbm4b:s29+s17], $0x1000, s0, s17, $0x38;
	[tilespmem:$0x18400] =	vst v63  }
0x1d9: {  	_ =	swait.ge [sflag:s1], $0x1000  }
0x1da: {  	(v2sf) =	vpush v23, $0x4;
	_ =	sdelay $0x3  }
0x1db: {  	v38 =	vbroadcast v26, $0xC;
	_ =	sdelay $0x1  }
0x1dc: {  	v39 =	vor.u32 v0, v38  }
0x1dd: {  	v27 =	vor.u32 v2, v38;
	_ =	sdelay $0x1  }
0x1de: {  	[sflag:s1] =	ssyncset.done $0x0  }
0x1df: {  	s31 =	simm.s32 $0x14400;
	[sflag:s1] =	ssyncadd.s32 $0xFFFFF000  }
0x1e0: {  	v40 =	vor.u32 s9, v4;
	v28 =	vld.idx.msk [tilespmem:v39+s31+$0x0], $0xffff  }
0x1e1: {  	v41 =	vor.u32 s9, v5;
	v27 =	vld.idx.msk [tilespmem:v27+s31+$0x0], $0xffff;
	_ =	sdelay $0x2  }
0x1e2: {  	s4 =	spop (v2sf)  }
0x1e3: {  	[tilespmem:v40+s17+$0x0] =	vst.idx.msk $0xffff, v28;
	s28 =	sand.u32 $0xFFFFF80, s4  }
0x1e4: {  	s2 =	simm.s32 $0x14400;
	[tilespmem:v41+s17+$0x0] =	vst.idx.msk $0xffff, v27;
	s28 =	sadd.s32 s18, s28  }
0x1e5: {  	[tilespmem:s2], [sflag:$0xD] =	stream.strided.gather [hbm4b:s28+s17], $0x1000, s0, s17, $0x38;
	[tilespmem:$0x18400] =	vst v63  }
0x1e6: {  	_ =	swait.ge [sflag:s16], $0x1000  }
0x1e7: {  	(v2sf) =	vpush v24, $0x5;
	_ =	sdelay $0x3  }
0x1e8: {  	v42 =	vbroadcast v25, $0xD;
	_ =	sdelay $0x1  }
0x1e9: {  	v43 =	vor.u32 v0, v42  }
0x1ea: {  	v27 =	vor.u32 v2, v42;
	_ =	sdelay $0x1  }
0x1eb: {  	[sflag:s16] =	ssyncset.done $0x0  }
0x1ec: {  	s5 =	sadd.s32 $0xFFFFFFFE, s26;
	s6 =	simm.s32 $0xD400;
	[sflag:s16] =	ssyncadd.s32 $0xFFFFF000  }
0x1ed: {  	v44 =	vor.u32 s5, v1;
	v28 =	vld.idx.msk [tilespmem:v43+s6+$0x0], $0xffff  }
0x1ee: {  	v45 =	vor.u32 s5, v3;
	v27 =	vld.idx.msk [tilespmem:v27+s6+$0x0], $0xffff;
	_ =	sdelay $0x2  }
0x1ef: {  	s8 =	spop (v2sf)  }
0x1f0: {  	[tilespmem:v44+s17+$0x0] =	vst.idx.msk $0xffff, v28;
	s29 =	sand.u32 $0xFFFFF80, s8  }
0x1f1: {  	s7 =	simm.s32 $0xD400;
	[tilespmem:v45+s17+$0x0] =	vst.idx.msk $0xffff, v27;
	s29 =	sadd.s32 s3, s29  }
0x1f2: {  	[tilespmem:s7], [sflag:$0x6] =	stream.strided.gather [hbm4b:s29+s17], $0x1000, s0, s17, $0x38;
	[tilespmem:$0x18400] =	vst v63  }
0x1f3: {  	_ =	swait.ge [sflag:s19], $0x1000  }
0x1f4: {  	(v2sf) =	vpush v23, $0x5;
	_ =	sdelay $0x3  }
0x1f5: {  	v46 =	vbroadcast v26, $0xD;
	_ =	sdelay $0x1  }
0x1f6: {  	v47 =	vor.u32 v0, v46  }
0x1f7: {  	v27 =	vor.u32 v2, v46;
	_ =	sdelay $0x1  }
0x1f8: {  	[sflag:s19] =	ssyncset.done $0x0  }
0x1f9: {  	s9 =	simm.s32 $0x15400;
	[sflag:s19] =	ssyncadd.s32 $0xFFFFF000  }
0x1fa: {  	v48 =	vor.u32 s5, v4;
	v28 =	vld.idx.msk [tilespmem:v47+s9+$0x0], $0xffff  }
0x1fb: {  	v49 =	vor.u32 s5, v5;
	v27 =	vld.idx.msk [tilespmem:v27+s9+$0x0], $0xffff;
	_ =	sdelay $0x2  }
0x1fc: {  	s16 =	spop (v2sf)  }
0x1fd: {  	[tilespmem:v48+s17+$0x0] =	vst.idx.msk $0xffff, v28;
	s28 =	sand.u32 $0xFFFFF80, s16  }
0x1fe: {  	s10 =	simm.s32 $0x15400;
	[tilespmem:v49+s17+$0x0] =	vst.idx.msk $0xffff, v27;
	s28 =	sadd.s32 s18, s28  }
0x1ff: {  	[tilespmem:s10], [sflag:$0xE] =	stream.strided.gather [hbm4b:s28+s17], $0x1000, s0, s17, $0x38;
	[tilespmem:$0x18400] =	vst v63  }
0x200: {  	_ =	swait.ge [sflag:s20], $0x1000  }
0x201: {  	(v2sf) =	vpush v24, $0x6;
	_ =	sdelay $0x3  }
0x202: {  	v50 =	vbroadcast v25, $0xE;
	_ =	sdelay $0x1  }
0x203: {  	v51 =	vor.u32 v0, v50  }
0x204: {  	v27 =	vor.u32 v2, v50;
	_ =	sdelay $0x1  }
0x205: {  	[sflag:s20] =	ssyncset.done $0x0  }
0x206: {  	s19 =	sadd.s32 $0xFFFFFFFF, s26;
	[sflag:s20] =	ssyncadd.s32 $0xFFFFF000  }
0x207: {  	v52 =	vor.u32 s19, v1;
	v28 =	vld.idx.msk [tilespmem:v51+s13+$0x0], $0xffff  }
0x208: {  	v53 =	vor.u32 s19, v3;
	v27 =	vld.idx.msk [tilespmem:v27+s13+$0x0], $0xffff;
	_ =	sdelay $0x2  }
0x209: {  	s24 =	spop (v2sf)  }
0x20a: {  	[tilespmem:v52+s17+$0x0] =	vst.idx.msk $0xffff, v28;
	s29 =	sand.u32 $0xFFFFF80, s24  }
0x20b: {  	[tilespmem:v53+s17+$0x0] =	vst.idx.msk $0xffff, v27;
	s29 =	sadd.s32 s3, s29  }
0x20c: {  	[tilespmem:s13], [sflag:$0x7] =	stream.strided.gather [hbm4b:s29+s17], $0x1000, s0, s17, $0x38;
	[tilespmem:$0x18400] =	vst v63  }
0x20d: {  	_ =	swait.ge [sflag:s21], $0x1000  }
0x20e: {  	(v2sf) =	vpush v23, $0x6;
	_ =	sdelay $0x3  }
0x20f: {  	v54 =	vbroadcast v26, $0xE;
	_ =	sdelay $0x1  }
0x210: {  	v55 =	vor.u32 v0, v54  }
0x211: {  	v27 =	vor.u32 v2, v54;
	_ =	sdelay $0x1  }
0x212: {  	[sflag:s21] =	ssyncset.done $0x0  }
0x213: {  	[sflag:s21] =	ssyncadd.s32 $0xFFFFF000  }
0x214: {  	v56 =	vor.u32 s19, v4;
	v28 =	vld.idx.msk [tilespmem:v55+s14+$0x0], $0xffff  }
0x215: {  	v57 =	vor.u32 s19, v5;
	v27 =	vld.idx.msk [tilespmem:v27+s14+$0x0], $0xffff;
	_ =	sdelay $0x2  }
0x216: {  	s29 =	spop (v2sf)  }
0x217: {  	[tilespmem:v56+s17+$0x0] =	vst.idx.msk $0xffff, v28;
	s28 =	sand.u32 $0xFFFFF80, s29  }
0x218: {  	[tilespmem:v57+s17+$0x0] =	vst.idx.msk $0xffff, v27;
	s28 =	sadd.s32 s18, s28  }
0x219: {  	[tilespmem:s14], [sflag:$0xF] =	stream.strided.gather [hbm4b:s28+s17], $0x1000, s0, s17, $0x38;
	[tilespmem:$0x18400] =	vst v63  }
0x21a: {  	_ =	swait.ge [sflag:s22], $0x1000  }
0x21b: {  	(v2sf) =	vpush v24, $0x7;
	_ =	sdelay $0x3  }
0x21c: {  	v58 =	vbroadcast v25, $0xF;
	_ =	sdelay $0x1  }
0x21d: {  	v25 =	vor.u32 v0, v58  }
0x21e: {  	v24 =	vor.u32 v2, v58;
	_ =	sdelay $0x1  }
0x21f: {  	[sflag:s22] =	ssyncset.done $0x0  }
0x220: {  	[sflag:s22] =	ssyncadd.s32 $0xFFFFF000  }
0x221: {  	v59 =	vor.u32 s26, v1;
	v25 =	vld.idx.msk [tilespmem:v25+s15+$0x0], $0xffff  }
0x222: {  	v60 =	vor.u32 s26, v3;
	v24 =	vld.idx.msk [tilespmem:v24+s15+$0x0], $0xffff;
	_ =	sdelay $0x2  }
0x223: {  	s30 =	spop (v2sf)  }
0x224: {  	[tilespmem:v59+s17+$0x0] =	vst.idx.msk $0xffff, v25;
	s28 =	sand.u32 $0xFFFFF80, s30  }
0x225: {  	[tilespmem:v60+s17+$0x0] =	vst.idx.msk $0xffff, v24;
	s28 =	sadd.s32 s3, s28  }
0x226: {  	[tilespmem:s15], [sflag:$0x8] =	stream.strided.gather [hbm4b:s28+s17], $0x1000, s0, s17, $0x38;
	[tilespmem:$0x18400] =	vst v63  }
0x227: {  	_ =	swait.ge [sflag:s23], $0x1000  }
0x228: {  	(v2sf) =	vpush v23, $0x7;
	_ =	sdelay $0x3  }
0x229: {  	v23 =	vbroadcast v26, $0xF;
	_ =	sdelay $0x1  }
0x22a: {  	v61 =	vor.u32 v0, v23  }
0x22b: {  	v23 =	vor.u32 v2, v23;
	_ =	sdelay $0x1  }
0x22c: {  	[sflag:s23] =	ssyncset.done $0x0  }
0x22d: {  	[sflag:s23] =	ssyncadd.s32 $0xFFFFF000  }
0x22e: {  	v62 =	vor.u32 s26, v4;
	v24 =	vld.idx.msk [tilespmem:v61+s11+$0x0], $0xffff  }
0x22f: {  	v63 =	vor.u32 s26, v5;
	v23 =	vld.idx.msk [tilespmem:v23+s11+$0x0], $0xffff  }
0x230: {  	p0 =	sne.s32 s26, $0x1EF  }
.Ltmp0:
0x231: {  	_ = 	snop;
	(pc) =	sbr.rel @p0 .LBB2_2-.Ltmp0, $4  }
0x232: {  	s31 =	spop (v2sf)  }
0x233: {  	s12 =	sadd.s32 $0x10, s12;
	[tilespmem:v62+s17+$0x0] =	vst.idx.msk $0xffff, v24;
	s28 =	sand.u32 $0xFFFFF80, s31  }
0x234: {  	s25 =	sadd.s32 $0x10, s25;
	s26 =	sadd.s32 $0x10, s26;
	[tilespmem:v63+s17+$0x0] =	vst.idx.msk $0xffff, v23;
	s28 =	sadd.s32 s18, s28  }
0x235: {  	[tilespmem:s11], [sflag:$0x10] =	stream.strided.gather [hbm4b:s28+s17], $0x1000, s0, s17, $0x38;
	[tilespmem:$0x18400] =	vst v63  }
0x236: {  	v25 =	vld [tilespmem:$0x1F0];
	_ =	sdelay $0x4  }
0x237: {  	v23 =	vand.u32 $0x7F, v25  }
0x238: {  	v24 =	vbroadcast v23, $0x0;
	_ =	sdelay $0x1  }
0x239: {  	v27 =	vor.u32 v0, v24  }
0x23a: {  	s7 =	simm.s32 $0x1;
	v24 =	vor.u32 v2, v24  }
0x23b: {  	v26 =	vld [tilespmem:$0x3F0];
	_ =	swait.ge [sflag:s7], $0x1000  }
0x23c: {  	[sflag:s7] =	ssyncset.done $0x0  }
0x23d: {  	s0 =	simm.s32 $0x8400;
	[sflag:s7] =	ssyncadd.s32 $0xFFFFF000  }
0x23e: {  	v27 =	vld.idx.msk [tilespmem:v27+s0+$0x0], $0xffff  }
0x23f: {  	v24 =	vld.idx.msk [tilespmem:v24+s0+$0x0], $0xffff;
	_ =	sdelay $0x3  }
0x240: {  	[tilespmem:v6+s17+$0x0] =	vst.idx.msk $0xffff, v27  }
0x241: {  	s8 =	simm.s32 $0x9;
	[tilespmem:v7+s17+$0x0] =	vst.idx.msk $0xffff, v24  }
0x242: {  	_ =	swait.ge [sflag:s8], $0x1000  }
0x243: {  	(v2sf) =	vpush v25, $0x8;
	_ =	sdelay $0x1  }
0x244: {  	(v2sf) =	vpush v26, $0x8  }
0x245: {  	v24 =	vand.u32 $0x7F, v26  }
0x246: {  	v41 =	vbroadcast v24, $0x0;
	_ =	sdelay $0x1  }
0x247: {  	v28 =	vor.u32 v0, v41  }
0x248: {  	v27 =	vor.u32 v2, v41;
	_ =	sdelay $0x1  }
0x249: {  	[sflag:s8] =	ssyncset.done $0x0  }
0x24a: {  	s22 =	simm.s32 $0x10400;
	[sflag:s8] =	ssyncadd.s32 $0xFFFFF000  }
0x24b: {  	v28 =	vld.idx.msk [tilespmem:v28+s22+$0x0], $0xffff  }
0x24c: {  	v27 =	vld.idx.msk [tilespmem:v27+s22+$0x0], $0xffff;
	_ =	sdelay $0x2  }
0x24d: {  	s24 =	spop (v2sf)  }
0x24e: {  	s1 =	simm.s32 $0x8400;
	s3 =	rddreg [dreg:$0x2];
	[tilespmem:v8+s17+$0x0] =	vst.idx.msk $0xffff, v28;
	s24 =	sand.u32 $0xFFFFF80, s24  }
0x24f: {  	s28 =	simm.s32 $0x7A1400;
	[tilespmem:v9+s17+$0x0] =	vst.idx.msk $0xffff, v27;
	s25 =	spop (v2sf);
	s24 =	sadd.s32 s3, s24  }
0x250: {  	v42 =	vbroadcast v23, $0x1;
	[tilespmem:s1], [sflag:$0x1] =	stream.strided.gather [hbm4b:s24+s17], $0x1000, s28, s17, $0x38;
	[tilespmem:$0x18400] =	vst v63  }
0x251: {  	s18 =	rddreg [dreg:$0x3];
	s24 =	sand.u32 $0xFFFFF80, s25  }
0x252: {  	s23 =	simm.s32 $0x10400;
	s5 =	simm.s32 $0x2;
	v43 =	vor.u32 v0, v42;
	s24 =	sadd.s32 s18, s24  }
0x253: {  	v27 =	vor.u32 v2, v42;
	[tilespmem:s23], [sflag:$0x9] =	stream.strided.gather [hbm4b:s24+s17], $0x1000, s28, s17, $0x38;
	[tilespmem:$0x18400] =	vst v63  }
0x254: {  	_ =	swait.ge [sflag:s5], $0x1000  }
0x255: {  	[sflag:s5] =	ssyncset.done $0x0  }
0x256: {  	s26 =	simm.s32 $0x9400;
	[sflag:s5] =	ssyncadd.s32 $0xFFFFF000  }
0x257: {  	v28 =	vld.idx.msk [tilespmem:v43+s26+$0x0], $0xffff  }
0x258: {  	v27 =	vld.idx.msk [tilespmem:v27+s26+$0x0], $0xffff;
	_ =	sdelay $0x3  }
0x259: {  	[tilespmem:v10+s17+$0x0] =	vst.idx.msk $0xffff, v28  }
0x25a: {  	s6 =	simm.s32 $0xA;
	[tilespmem:v11+s17+$0x0] =	vst.idx.msk $0xffff, v27  }
0x25b: {  	_ =	swait.ge [sflag:s6], $0x1000  }
0x25c: {  	(v2sf) =	vpush v25, $0x9;
	_ =	sdelay $0x1  }
0x25d: {  	(v2sf) =	vpush v26, $0x9;
	_ =	sdelay $0x1  }
0x25e: {  	v44 =	vbroadcast v24, $0x1;
	_ =	sdelay $0x1  }
0x25f: {  	v45 =	vor.u32 v0, v44  }
0x260: {  	v27 =	vor.u32 v2, v44;
	_ =	sdelay $0x1  }
0x261: {  	[sflag:s6] =	ssyncset.done $0x0  }
0x262: {  	s30 =	simm.s32 $0x11400;
	[sflag:s6] =	ssyncadd.s32 $0xFFFFF000  }
0x263: {  	v28 =	vld.idx.msk [tilespmem:v45+s30+$0x0], $0xffff  }
0x264: {  	v27 =	vld.idx.msk [tilespmem:v27+s30+$0x0], $0xffff;
	_ =	sdelay $0x2  }
0x265: {  	s2 =	spop (v2sf)  }
0x266: {  	[tilespmem:v12+s17+$0x0] =	vst.idx.msk $0xffff, v28;
	s24 =	sand.u32 $0xFFFFF80, s2  }
0x267: {  	s29 =	simm.s32 $0x9400;
	[tilespmem:v13+s17+$0x0] =	vst.idx.msk $0xffff, v27;
	s4 =	spop (v2sf);
	s24 =	sadd.s32 s3, s24  }
0x268: {  	v46 =	vbroadcast v23, $0x2;
	[tilespmem:s29], [sflag:$0x2] =	stream.strided.gather [hbm4b:s24+s17], $0x1000, s28, s17, $0x38;
	[tilespmem:$0x18400] =	vst v63  }
0x269: {  	s24 =	sand.u32 $0xFFFFF80, s4  }
0x26a: {  	s31 =	simm.s32 $0x11400;
	v47 =	vor.u32 v0, v46;
	s0 =	simm.s32 $0x3;
	s24 =	sadd.s32 s18, s24  }
0x26b: {  	v27 =	vor.u32 v2, v46;
	[tilespmem:s31], [sflag:$0xA] =	stream.strided.gather [hbm4b:s24+s17], $0x1000, s28, s17, $0x38;
	[tilespmem:$0x18400] =	vst v63  }
0x26c: {  	_ =	swait.ge [sflag:s0], $0x1000  }
0x26d: {  	[sflag:s0] =	ssyncset.done $0x0  }
0x26e: {  	s9 =	simm.s32 $0xA400;
	[sflag:s0] =	ssyncadd.s32 $0xFFFFF000  }
0x26f: {  	v28 =	vld.idx.msk [tilespmem:v47+s9+$0x0], $0xffff  }
0x270: {  	v27 =	vld.idx.msk [tilespmem:v27+s9+$0x0], $0xffff;
	_ =	sdelay $0x3  }
0x271: {  	[tilespmem:v14+s17+$0x0] =	vst.idx.msk $0xffff, v28  }
0x272: {  	s2 =	simm.s32 $0xB;
	[tilespmem:v15+s17+$0x0] =	vst.idx.msk $0xffff, v27  }
0x273: {  	_ =	swait.ge [sflag:s2], $0x1000  }
0x274: {  	(v2sf) =	vpush v25, $0xA;
	_ =	sdelay $0x1  }
0x275: {  	(v2sf) =	vpush v26, $0xA;
	_ =	sdelay $0x1  }
0x276: {  	v48 =	vbroadcast v24, $0x2;
	_ =	sdelay $0x1  }
0x277: {  	v49 =	vor.u32 v0, v48  }
0x278: {  	v27 =	vor.u32 v2, v48;
	_ =	sdelay $0x1  }
0x279: {  	[sflag:s2] =	ssyncset.done $0x0  }
0x27a: {  	s10 =	simm.s32 $0x12400;
	[sflag:s2] =	ssyncadd.s32 $0xFFFFF000  }
0x27b: {  	v28 =	vld.idx.msk [tilespmem:v49+s10+$0x0], $0xffff  }
0x27c: {  	v27 =	vld.idx.msk [tilespmem:v27+s10+$0x0], $0xffff;
	_ =	sdelay $0x2  }
0x27d: {  	s12 =	spop (v2sf)  }
0x27e: {  	[tilespmem:v16+s17+$0x0] =	vst.idx.msk $0xffff, v28;
	s24 =	sand.u32 $0xFFFFF80, s12  }
0x27f: {  	s4 =	simm.s32 $0xA400;
	[tilespmem:v17+s17+$0x0] =	vst.idx.msk $0xffff, v27;
	s13 =	spop (v2sf);
	s24 =	sadd.s32 s3, s24  }
0x280: {  	v50 =	vbroadcast v23, $0x3;
	[tilespmem:s4], [sflag:$0x3] =	stream.strided.gather [hbm4b:s24+s17], $0x1000, s28, s17, $0x38;
	[tilespmem:$0x18400] =	vst v63  }
0x281: {  	s24 =	sand.u32 $0xFFFFF80, s13  }
0x282: {  	s11 =	simm.s32 $0x12400;
	v51 =	vor.u32 v0, v50;
	s31 =	simm.s32 $0x4;
	s24 =	sadd.s32 s18, s24  }
0x283: {  	v27 =	vor.u32 v2, v50;
	[tilespmem:s11], [sflag:$0xB] =	stream.strided.gather [hbm4b:s24+s17], $0x1000, s28, s17, $0x38;
	[tilespmem:$0x18400] =	vst v63  }
0x284: {  	_ =	swait.ge [sflag:s31], $0x1000  }
0x285: {  	[sflag:s31] =	ssyncset.done $0x0  }
0x286: {  	s25 =	simm.s32 $0xB400;
	[sflag:s31] =	ssyncadd.s32 $0xFFFFF000  }
0x287: {  	v28 =	vld.idx.msk [tilespmem:v51+s25+$0x0], $0xffff  }
0x288: {  	v27 =	vld.idx.msk [tilespmem:v27+s25+$0x0], $0xffff;
	_ =	sdelay $0x3  }
0x289: {  	[tilespmem:v18+s17+$0x0] =	vst.idx.msk $0xffff, v28  }
0x28a: {  	s30 =	simm.s32 $0xC;
	[tilespmem:v19+s17+$0x0] =	vst.idx.msk $0xffff, v27  }
0x28b: {  	_ =	swait.ge [sflag:s30], $0x1000  }
0x28c: {  	(v2sf) =	vpush v25, $0xB;
	_ =	sdelay $0x1  }
0x28d: {  	(v2sf) =	vpush v26, $0xB;
	_ =	sdelay $0x1  }
0x28e: {  	v52 =	vbroadcast v24, $0x3;
	_ =	sdelay $0x1  }
0x28f: {  	v53 =	vor.u32 v0, v52  }
0x290: {  	v27 =	vor.u32 v2, v52;
	_ =	sdelay $0x1  }
0x291: {  	[sflag:s30] =	ssyncset.done $0x0  }
0x292: {  	s26 =	simm.s32 $0x13400;
	[sflag:s30] =	ssyncadd.s32 $0xFFFFF000  }
0x293: {  	v28 =	vld.idx.msk [tilespmem:v53+s26+$0x0], $0xffff  }
0x294: {  	v27 =	vld.idx.msk [tilespmem:v27+s26+$0x0], $0xffff;
	_ =	sdelay $0x2  }
0x295: {  	s14 =	spop (v2sf)  }
0x296: {  	[tilespmem:v20+s17+$0x0] =	vst.idx.msk $0xffff, v28;
	s24 =	sand.u32 $0xFFFFF80, s14  }
0x297: {  	[tilespmem:v21+s17+$0x0] =	vst.idx.msk $0xffff, v27;
	s15 =	spop (v2sf);
	s24 =	sadd.s32 s3, s24  }
0x298: {  	v54 =	vbroadcast v23, $0x4;
	[tilespmem:s25], [sflag:$0x4] =	stream.strided.gather [hbm4b:s24+s17], $0x1000, s28, s17, $0x38;
	[tilespmem:$0x18400] =	vst v63  }
0x299: {  	s24 =	sand.u32 $0xFFFFF80, s15  }
0x29a: {  	v55 =	vor.u32 v0, v54;
	s29 =	simm.s32 $0x5;
	s24 =	sadd.s32 s18, s24  }
0x29b: {  	v27 =	vor.u32 v2, v54;
	[tilespmem:s26], [sflag:$0xC] =	stream.strided.gather [hbm4b:s24+s17], $0x1000, s28, s17, $0x38;
	[tilespmem:$0x18400] =	vst v63  }
0x29c: {  	_ =	swait.ge [sflag:s29], $0x1000  }
0x29d: {  	[sflag:s29] =	ssyncset.done $0x0  }
0x29e: {  	s9 =	simm.s32 $0xC400;
	[sflag:s29] =	ssyncadd.s32 $0xFFFFF000  }
0x29f: {  	v28 =	vld.idx.msk [tilespmem:v55+s9+$0x0], $0xffff  }
0x2a0: {  	v29 =	vor.u32 $0x21F4, v1;
	v27 =	vld.idx.msk [tilespmem:v27+s9+$0x0], $0xffff;
	_ =	sdelay $0x3  }
0x2a1: {  	[tilespmem:v22+s17+$0x0] =	vst.idx.msk $0xffff, v28  }
0x2a2: {  	s1 =	simm.s32 $0xD;
	[tilespmem:v29+s17+$0x0] =	vst.idx.msk $0xffff, v27  }
0x2a3: {  	_ =	swait.ge [sflag:s1], $0x1000  }
0x2a4: {  	(v2sf) =	vpush v25, $0xC;
	_ =	sdelay $0x1  }
0x2a5: {  	(v2sf) =	vpush v26, $0xC;
	_ =	sdelay $0x1  }
0x2a6: {  	v56 =	vbroadcast v24, $0x4;
	_ =	sdelay $0x1  }
0x2a7: {  	v57 =	vor.u32 v0, v56  }
0x2a8: {  	v27 =	vor.u32 v2, v56;
	_ =	sdelay $0x1  }
0x2a9: {  	[sflag:s1] =	ssyncset.done $0x0  }
0x2aa: {  	s10 =	simm.s32 $0x14400;
	[sflag:s1] =	ssyncadd.s32 $0xFFFFF000  }
0x2ab: {  	v58 =	vor.u32 $0x41F4, v1;
	v28 =	vld.idx.msk [tilespmem:v57+s10+$0x0], $0xffff  }
0x2ac: {  	v30 =	vor.u32 $0x61F4, v1;
	v27 =	vld.idx.msk [tilespmem:v27+s10+$0x0], $0xffff;
	_ =	sdelay $0x2  }
0x2ad: {  	s16 =	spop (v2sf)  }
0x2ae: {  	[tilespmem:v58+s17+$0x0] =	vst.idx.msk $0xffff, v28;
	s24 =	sand.u32 $0xFFFFF80, s16  }
0x2af: {  	[tilespmem:v30+s17+$0x0] =	vst.idx.msk $0xffff, v27;
	s19 =	spop (v2sf);
	s24 =	sadd.s32 s3, s24  }
0x2b0: {  	v59 =	vbroadcast v23, $0x5;
	[tilespmem:s9], [sflag:$0x5] =	stream.strided.gather [hbm4b:s24+s17], $0x1000, s28, s17, $0x38;
	[tilespmem:$0x18400] =	vst v63  }
0x2b1: {  	s24 =	sand.u32 $0xFFFFF80, s19  }
0x2b2: {  	v60 =	vor.u32 v0, v59;
	s16 =	simm.s32 $0x6;
	s24 =	sadd.s32 s18, s24  }
0x2b3: {  	v27 =	vor.u32 v2, v59;
	[tilespmem:s10], [sflag:$0xD] =	stream.strided.gather [hbm4b:s24+s17], $0x1000, s28, s17, $0x38;
	[tilespmem:$0x18400] =	vst v63  }
0x2b4: {  	_ =	swait.ge [sflag:s16], $0x1000  }
0x2b5: {  	[sflag:s16] =	ssyncset.done $0x0  }
0x2b6: {  	s11 =	simm.s32 $0xD400;
	[sflag:s16] =	ssyncadd.s32 $0xFFFFF000  }
0x2b7: {  	v61 =	vor.u32 $0x1F5, v1;
	v28 =	vld.idx.msk [tilespmem:v60+s11+$0x0], $0xffff  }
0x2b8: {  	v62 =	vor.u32 $0x21F5, v1;
	v27 =	vld.idx.msk [tilespmem:v27+s11+$0x0], $0xffff;
	_ =	sdelay $0x3  }
0x2b9: {  	[tilespmem:v61+s17+$0x0] =	vst.idx.msk $0xffff, v28  }
0x2ba: {  	s19 =	simm.s32 $0xE;
	[tilespmem:v62+s17+$0x0] =	vst.idx.msk $0xffff, v27  }
0x2bb: {  	_ =	swait.ge [sflag:s19], $0x1000  }
0x2bc: {  	(v2sf) =	vpush v25, $0xD;
	_ =	sdelay $0x1  }
0x2bd: {  	(v2sf) =	vpush v26, $0xD;
	_ =	sdelay $0x1  }
0x2be: {  	v63 =	vbroadcast v24, $0x5;
	_ =	sdelay $0x1  }
0x2bf: {  	v32 =	vor.u32 v0, v63  }
0x2c0: {  	v27 =	vor.u32 v2, v63;
	_ =	sdelay $0x1  }
0x2c1: {  	[sflag:s19] =	ssyncset.done $0x0  }
0x2c2: {  	s12 =	simm.s32 $0x15400;
	[sflag:s19] =	ssyncadd.s32 $0xFFFFF000  }
0x2c3: {  	v33 =	vor.u32 $0x41F5, v1;
	v28 =	vld.idx.msk [tilespmem:v32+s12+$0x0], $0xffff  }
0x2c4: {  	v34 =	vor.u32 $0x61F5, v1;
	v27 =	vld.idx.msk [tilespmem:v27+s12+$0x0], $0xffff;
	_ =	sdelay $0x2  }
0x2c5: {  	s20 =	spop (v2sf)  }
0x2c6: {  	[tilespmem:v33+s17+$0x0] =	vst.idx.msk $0xffff, v28;
	s24 =	sand.u32 $0xFFFFF80, s20  }
0x2c7: {  	[tilespmem:v34+s17+$0x0] =	vst.idx.msk $0xffff, v27;
	s21 =	spop (v2sf);
	s24 =	sadd.s32 s3, s24  }
0x2c8: {  	v35 =	vbroadcast v23, $0x6;
	[tilespmem:s11], [sflag:$0x6] =	stream.strided.gather [hbm4b:s24+s17], $0x1000, s28, s17, $0x38;
	[tilespmem:$0x18400] =	vst v63  }
0x2c9: {  	s24 =	sand.u32 $0xFFFFF80, s21  }
0x2ca: {  	v36 =	vor.u32 v0, v35;
	s20 =	simm.s32 $0x7;
	s24 =	sadd.s32 s18, s24  }
0x2cb: {  	v27 =	vor.u32 v2, v35;
	[tilespmem:s12], [sflag:$0xE] =	stream.strided.gather [hbm4b:s24+s17], $0x1000, s28, s17, $0x38;
	[tilespmem:$0x18400] =	vst v63  }
0x2cc: {  	_ =	swait.ge [sflag:s20], $0x1000  }
0x2cd: {  	[sflag:s20] =	ssyncset.done $0x0  }
0x2ce: {  	s13 =	simm.s32 $0xE400;
	[sflag:s20] =	ssyncadd.s32 $0xFFFFF000  }
0x2cf: {  	v37 =	vor.u32 $0x1F6, v1;
	v28 =	vld.idx.msk [tilespmem:v36+s13+$0x0], $0xffff  }
0x2d0: {  	v38 =	vor.u32 $0x21F6, v1;
	v27 =	vld.idx.msk [tilespmem:v27+s13+$0x0], $0xffff;
	_ =	sdelay $0x3  }
0x2d1: {  	[tilespmem:v37+s17+$0x0] =	vst.idx.msk $0xffff, v28  }
0x2d2: {  	s21 =	simm.s32 $0xF;
	[tilespmem:v38+s17+$0x0] =	vst.idx.msk $0xffff, v27  }
0x2d3: {  	_ =	swait.ge [sflag:s21], $0x1000  }
0x2d4: {  	(v2sf) =	vpush v25, $0xE;
	_ =	sdelay $0x1  }
0x2d5: {  	(v2sf) =	vpush v26, $0xE;
	_ =	sdelay $0x1  }
0x2d6: {  	v39 =	vbroadcast v24, $0x6;
	_ =	sdelay $0x1  }
0x2d7: {  	v40 =	vor.u32 v0, v39  }
0x2d8: {  	v27 =	vor.u32 v2, v39;
	_ =	sdelay $0x1  }
0x2d9: {  	[sflag:s21] =	ssyncset.done $0x0  }
0x2da: {  	s14 =	simm.s32 $0x16400;
	[sflag:s21] =	ssyncadd.s32 $0xFFFFF000  }
0x2db: {  	v41 =	vor.u32 $0x41F6, v1;
	v28 =	vld.idx.msk [tilespmem:v40+s14+$0x0], $0xffff  }
0x2dc: {  	v42 =	vor.u32 $0x61F6, v1;
	v27 =	vld.idx.msk [tilespmem:v27+s14+$0x0], $0xffff;
	_ =	sdelay $0x2  }
0x2dd: {  	s22 =	spop (v2sf)  }
0x2de: {  	[tilespmem:v41+s17+$0x0] =	vst.idx.msk $0xffff, v28;
	s24 =	sand.u32 $0xFFFFF80, s22  }
0x2df: {  	[tilespmem:v42+s17+$0x0] =	vst.idx.msk $0xffff, v27;
	s23 =	spop (v2sf);
	s24 =	sadd.s32 s3, s24  }
0x2e0: {  	v43 =	vbroadcast v23, $0x7;
	[tilespmem:s13], [sflag:$0x7] =	stream.strided.gather [hbm4b:s24+s17], $0x1000, s28, s17, $0x38;
	[tilespmem:$0x18400] =	vst v63  }
0x2e1: {  	s24 =	sand.u32 $0xFFFFF80, s23  }
0x2e2: {  	v44 =	vor.u32 v0, v43;
	s22 =	simm.s32 $0x8;
	s24 =	sadd.s32 s18, s24  }
0x2e3: {  	v27 =	vor.u32 v2, v43;
	[tilespmem:s14], [sflag:$0xF] =	stream.strided.gather [hbm4b:s24+s17], $0x1000, s28, s17, $0x38;
	[tilespmem:$0x18400] =	vst v63  }
0x2e4: {  	_ =	swait.ge [sflag:s22], $0x1000  }
0x2e5: {  	[sflag:s22] =	ssyncset.done $0x0  }
0x2e6: {  	s15 =	simm.s32 $0xF400;
	[sflag:s22] =	ssyncadd.s32 $0xFFFFF000  }
0x2e7: {  	v45 =	vor.u32 $0x1F7, v1;
	v28 =	vld.idx.msk [tilespmem:v44+s15+$0x0], $0xffff  }
0x2e8: {  	v46 =	vor.u32 $0x21F7, v1;
	v27 =	vld.idx.msk [tilespmem:v27+s15+$0x0], $0xffff;
	_ =	sdelay $0x3  }
0x2e9: {  	[tilespmem:v45+s17+$0x0] =	vst.idx.msk $0xffff, v28  }
0x2ea: {  	s23 =	simm.s32 $0x10;
	[tilespmem:v46+s17+$0x0] =	vst.idx.msk $0xffff, v27  }
0x2eb: {  	_ =	swait.ge [sflag:s23], $0x1000  }
0x2ec: {  	(v2sf) =	vpush v25, $0xF;
	_ =	sdelay $0x1  }
0x2ed: {  	(v2sf) =	vpush v26, $0xF;
	_ =	sdelay $0x1  }
0x2ee: {  	v47 =	vbroadcast v24, $0x7;
	_ =	sdelay $0x1  }
0x2ef: {  	v48 =	vor.u32 v0, v47  }
0x2f0: {  	v25 =	vor.u32 v2, v47;
	_ =	sdelay $0x1  }
0x2f1: {  	[sflag:s23] =	ssyncset.done $0x0  }
0x2f2: {  	s4 =	simm.s32 $0x17400;
	[sflag:s23] =	ssyncadd.s32 $0xFFFFF000  }
0x2f3: {  	v49 =	vor.u32 $0x41F7, v1;
	v26 =	vld.idx.msk [tilespmem:v48+s4+$0x0], $0xffff  }
0x2f4: {  	v50 =	vor.u32 $0x61F7, v1;
	v25 =	vld.idx.msk [tilespmem:v25+s4+$0x0], $0xffff;
	_ =	sdelay $0x2  }
0x2f5: {  	s24 =	spop (v2sf)  }
0x2f6: {  	[tilespmem:v49+s17+$0x0] =	vst.idx.msk $0xffff, v26;
	s24 =	sand.u32 $0xFFFFF80, s24  }
0x2f7: {  	[tilespmem:v50+s17+$0x0] =	vst.idx.msk $0xffff, v25;
	s24 =	sadd.s32 s3, s24;
	s3 =	spop (v2sf)  }
0x2f8: {  	v51 =	vbroadcast v23, $0x8;
	[tilespmem:s15], [sflag:$0x8] =	stream.strided.gather [hbm4b:s24+s17], $0x1000, s28, s17, $0x38;
	[tilespmem:$0x18400] =	vst v63  }
0x2f9: {  	s24 =	sand.u32 $0xFFFFF80, s3  }
0x2fa: {  	v52 =	vor.u32 v0, v51;
	s24 =	sadd.s32 s18, s24  }
0x2fb: {  	v25 =	vor.u32 v2, v51;
	[tilespmem:s4], [sflag:$0x10] =	stream.strided.gather [hbm4b:s24+s17], $0x1000, s28, s17, $0x38;
	[tilespmem:$0x18400] =	vst v63  }
0x2fc: {  	_ =	swait.ge [sflag:s7], $0x1000  }
0x2fd: {  	[sflag:s7] =	ssyncset.done $0x0  }
0x2fe: {  	s18 =	simm.s32 $0x8400;
	[sflag:s7] =	ssyncadd.s32 $0xFFFFF000  }
0x2ff: {  	v53 =	vor.u32 $0x1F8, v1;
	v26 =	vld.idx.msk [tilespmem:v52+s18+$0x0], $0xffff  }
0x300: {  	v54 =	vor.u32 $0x21F8, v1;
	v25 =	vld.idx.msk [tilespmem:v25+s18+$0x0], $0xffff;
	_ =	sdelay $0x1  }
0x301: {  	v55 =	vbroadcast v24, $0x8;
	_ =	sdelay $0x1  }
0x302: {  	v56 =	vor.u32 v0, v55;
	[tilespmem:v53+s17+$0x0] =	vst.idx.msk $0xffff, v26  }
0x303: {  	v57 =	vor.u32 v2, v55;
	[tilespmem:v54+s17+$0x0] =	vst.idx.msk $0xffff, v25  }
0x304: {  	_ =	swait.ge [sflag:s8], $0x1000  }
0x305: {  	[sflag:s8] =	ssyncset.done $0x0  }
0x306: {  	s24 =	simm.s32 $0x10400;
	[sflag:s8] =	ssyncadd.s32 $0xFFFFF000  }
0x307: {  	v58 =	vor.u32 $0x41F8, v1;
	v26 =	vld.idx.msk [tilespmem:v56+s24+$0x0], $0xffff  }
0x308: {  	v59 =	vor.u32 $0x61F8, v1;
	v25 =	vld.idx.msk [tilespmem:v57+s24+$0x0], $0xffff;
	_ =	sdelay $0x1  }
0x309: {  	v60 =	vbroadcast v23, $0x9;
	_ =	sdelay $0x1  }
0x30a: {  	v61 =	vor.u32 v0, v60;
	[tilespmem:v58+s17+$0x0] =	vst.idx.msk $0xffff, v26  }
0x30b: {  	v62 =	vor.u32 v2, v60;
	[tilespmem:v59+s17+$0x0] =	vst.idx.msk $0xffff, v25  }
0x30c: {  	_ =	swait.ge [sflag:s5], $0x1000  }
0x30d: {  	[sflag:s5] =	ssyncset.done $0x0  }
0x30e: {  	s28 =	simm.s32 $0x9400;
	[sflag:s5] =	ssyncadd.s32 $0xFFFFF000  }
0x30f: {  	v63 =	vor.u32 $0x1F9, v1;
	v26 =	vld.idx.msk [tilespmem:v61+s28+$0x0], $0xffff  }
0x310: {  	v32 =	vor.u32 $0x21F9, v1;
	v25 =	vld.idx.msk [tilespmem:v62+s28+$0x0], $0xffff;
	_ =	sdelay $0x1  }
0x311: {  	v33 =	vbroadcast v24, $0x9;
	_ =	sdelay $0x1  }
0x312: {  	v34 =	vor.u32 v0, v33;
	[tilespmem:v63+s17+$0x0] =	vst.idx.msk $0xffff, v26  }
0x313: {  	v35 =	vor.u32 v2, v33;
	[tilespmem:v32+s17+$0x0] =	vst.idx.msk $0xffff, v25  }
0x314: {  	_ =	swait.ge [sflag:s6], $0x1000  }
0x315: {  	[sflag:s6] =	ssyncset.done $0x0  }
0x316: {  	s7 =	simm.s32 $0x11400;
	[sflag:s6] =	ssyncadd.s32 $0xFFFFF000  }
0x317: {  	v36 =	vor.u32 $0x41F9, v1;
	v26 =	vld.idx.msk [tilespmem:v34+s7+$0x0], $0xffff  }
0x318: {  	v37 =	vor.u32 $0x61F9, v1;
	v25 =	vld.idx.msk [tilespmem:v35+s7+$0x0], $0xffff;
	_ =	sdelay $0x1  }
0x319: {  	v38 =	vbroadcast v23, $0xA;
	_ =	sdelay $0x1  }
0x31a: {  	v39 =	vor.u32 v0, v38;
	[tilespmem:v36+s17+$0x0] =	vst.idx.msk $0xffff, v26  }
0x31b: {  	v40 =	vor.u32 v2, v38;
	[tilespmem:v37+s17+$0x0] =	vst.idx.msk $0xffff, v25  }
0x31c: {  	_ =	swait.ge [sflag:s0], $0x1000  }
0x31d: {  	[sflag:s0] =	ssyncset.done $0x0  }
0x31e: {  	s8 =	simm.s32 $0xA400;
	[sflag:s0] =	ssyncadd.s32 $0xFFFFF000  }
0x31f: {  	v41 =	vor.u32 $0x1FA, v1;
	v26 =	vld.idx.msk [tilespmem:v39+s8+$0x0], $0xffff  }
0x320: {  	v42 =	vor.u32 $0x21FA, v1;
	v25 =	vld.idx.msk [tilespmem:v40+s8+$0x0], $0xffff;
	_ =	sdelay $0x1  }
0x321: {  	v43 =	vbroadcast v24, $0xA;
	_ =	sdelay $0x1  }
0x322: {  	v44 =	vor.u32 v0, v43;
	[tilespmem:v41+s17+$0x0] =	vst.idx.msk $0xffff, v26  }
0x323: {  	v45 =	vor.u32 v2, v43;
	[tilespmem:v42+s17+$0x0] =	vst.idx.msk $0xffff, v25  }
0x324: {  	_ =	swait.ge [sflag:s2], $0x1000  }
0x325: {  	[sflag:s2] =	ssyncset.done $0x0  }
0x326: {  	s24 =	simm.s32 $0x12400;
	[sflag:s2] =	ssyncadd.s32 $0xFFFFF000  }
0x327: {  	v46 =	vor.u32 $0x41FA, v1;
	v26 =	vld.idx.msk [tilespmem:v44+s24+$0x0], $0xffff  }
0x328: {  	v47 =	vor.u32 $0x61FA, v1;
	v25 =	vld.idx.msk [tilespmem:v45+s24+$0x0], $0xffff;
	_ =	sdelay $0x1  }
0x329: {  	v48 =	vbroadcast v23, $0xB;
	_ =	sdelay $0x1  }
0x32a: {  	v49 =	vor.u32 v0, v48;
	[tilespmem:v46+s17+$0x0] =	vst.idx.msk $0xffff, v26  }
0x32b: {  	v50 =	vor.u32 v2, v48;
	[tilespmem:v47+s17+$0x0] =	vst.idx.msk $0xffff, v25  }
0x32c: {  	_ =	swait.ge [sflag:s31], $0x1000  }
0x32d: {  	[sflag:s31] =	ssyncset.done $0x0  }
0x32e: {  	[sflag:s31] =	ssyncadd.s32 $0xFFFFF000  }
0x32f: {  	v51 =	vor.u32 $0x1FB, v1;
	v26 =	vld.idx.msk [tilespmem:v49+s25+$0x0], $0xffff  }
0x330: {  	v52 =	vor.u32 $0x21FB, v1;
	v25 =	vld.idx.msk [tilespmem:v50+s25+$0x0], $0xffff;
	_ =	sdelay $0x1  }
0x331: {  	v53 =	vbroadcast v24, $0xB;
	_ =	sdelay $0x1  }
0x332: {  	v54 =	vor.u32 v0, v53;
	[tilespmem:v51+s17+$0x0] =	vst.idx.msk $0xffff, v26  }
0x333: {  	v55 =	vor.u32 v2, v53;
	[tilespmem:v52+s17+$0x0] =	vst.idx.msk $0xffff, v25  }
0x334: {  	_ =	swait.ge [sflag:s30], $0x1000  }
0x335: {  	[sflag:s30] =	ssyncset.done $0x0  }
0x336: {  	[sflag:s30] =	ssyncadd.s32 $0xFFFFF000  }
0x337: {  	v56 =	vor.u32 $0x41FB, v1;
	v26 =	vld.idx.msk [tilespmem:v54+s26+$0x0], $0xffff  }
0x338: {  	v57 =	vor.u32 $0x61FB, v1;
	v25 =	vld.idx.msk [tilespmem:v55+s26+$0x0], $0xffff;
	_ =	sdelay $0x1  }
0x339: {  	v58 =	vbroadcast v23, $0xC;
	_ =	sdelay $0x1  }
0x33a: {  	v59 =	vor.u32 v0, v58;
	[tilespmem:v56+s17+$0x0] =	vst.idx.msk $0xffff, v26  }
0x33b: {  	v60 =	vor.u32 v2, v58;
	[tilespmem:v57+s17+$0x0] =	vst.idx.msk $0xffff, v25  }
0x33c: {  	_ =	swait.ge [sflag:s29], $0x1000  }
0x33d: {  	[sflag:s29] =	ssyncset.done $0x0  }
0x33e: {  	[sflag:s29] =	ssyncadd.s32 $0xFFFFF000  }
0x33f: {  	v61 =	vor.u32 $0x1FC, v1;
	v26 =	vld.idx.msk [tilespmem:v59+s9+$0x0], $0xffff  }
0x340: {  	v62 =	vor.u32 $0x21FC, v1;
	v25 =	vld.idx.msk [tilespmem:v60+s9+$0x0], $0xffff;
	_ =	sdelay $0x1  }
0x341: {  	v63 =	vbroadcast v24, $0xC;
	_ =	sdelay $0x1  }
0x342: {  	v32 =	vor.u32 v0, v63;
	[tilespmem:v61+s17+$0x0] =	vst.idx.msk $0xffff, v26  }
0x343: {  	v33 =	vor.u32 v2, v63;
	[tilespmem:v62+s17+$0x0] =	vst.idx.msk $0xffff, v25  }
0x344: {  	_ =	swait.ge [sflag:s1], $0x1000  }
0x345: {  	[sflag:s1] =	ssyncset.done $0x0  }
0x346: {  	[sflag:s1] =	ssyncadd.s32 $0xFFFFF000  }
0x347: {  	v34 =	vor.u32 $0x41FC, v1;
	v26 =	vld.idx.msk [tilespmem:v32+s10+$0x0], $0xffff  }
0x348: {  	v35 =	vor.u32 $0x61FC, v1;
	v25 =	vld.idx.msk [tilespmem:v33+s10+$0x0], $0xffff;
	_ =	sdelay $0x1  }
0x349: {  	v36 =	vbroadcast v23, $0xD;
	_ =	sdelay $0x1  }
0x34a: {  	v37 =	vor.u32 v0, v36;
	[tilespmem:v34+s17+$0x0] =	vst.idx.msk $0xffff, v26  }
0x34b: {  	v38 =	vor.u32 v2, v36;
	[tilespmem:v35+s17+$0x0] =	vst.idx.msk $0xffff, v25  }
0x34c: {  	_ =	swait.ge [sflag:s16], $0x1000  }
0x34d: {  	[sflag:s16] =	ssyncset.done $0x0  }
0x34e: {  	[sflag:s16] =	ssyncadd.s32 $0xFFFFF000  }
0x34f: {  	v39 =	vor.u32 $0x1FD, v1;
	v26 =	vld.idx.msk [tilespmem:v37+s11+$0x0], $0xffff  }
0x350: {  	v40 =	vor.u32 $0x21FD, v1;
	v25 =	vld.idx.msk [tilespmem:v38+s11+$0x0], $0xffff;
	_ =	sdelay $0x1  }
0x351: {  	v41 =	vbroadcast v24, $0xD;
	_ =	sdelay $0x1  }
0x352: {  	v42 =	vor.u32 v0, v41;
	[tilespmem:v39+s17+$0x0] =	vst.idx.msk $0xffff, v26  }
0x353: {  	v43 =	vor.u32 v2, v41;
	[tilespmem:v40+s17+$0x0] =	vst.idx.msk $0xffff, v25  }
0x354: {  	_ =	swait.ge [sflag:s19], $0x1000  }
0x355: {  	[sflag:s19] =	ssyncset.done $0x0  }
0x356: {  	[sflag:s19] =	ssyncadd.s32 $0xFFFFF000  }
0x357: {  	v44 =	vor.u32 $0x41FD, v1;
	v26 =	vld.idx.msk [tilespmem:v42+s12+$0x0], $0xffff  }
0x358: {  	v45 =	vor.u32 $0x61FD, v1;
	v25 =	vld.idx.msk [tilespmem:v43+s12+$0x0], $0xffff;
	_ =	sdelay $0x1  }
0x359: {  	v46 =	vbroadcast v23, $0xE;
	_ =	sdelay $0x1  }
0x35a: {  	v47 =	vor.u32 v0, v46;
	[tilespmem:v44+s17+$0x0] =	vst.idx.msk $0xffff, v26  }
0x35b: {  	v48 =	vor.u32 v2, v46;
	[tilespmem:v45+s17+$0x0] =	vst.idx.msk $0xffff, v25  }
0x35c: {  	_ =	swait.ge [sflag:s20], $0x1000  }
0x35d: {  	[sflag:s20] =	ssyncset.done $0x0  }
0x35e: {  	[sflag:s20] =	ssyncadd.s32 $0xFFFFF000  }
0x35f: {  	v49 =	vor.u32 $0x1FE, v1;
	v26 =	vld.idx.msk [tilespmem:v47+s13+$0x0], $0xffff  }
0x360: {  	v50 =	vor.u32 $0x21FE, v1;
	v25 =	vld.idx.msk [tilespmem:v48+s13+$0x0], $0xffff;
	_ =	sdelay $0x1  }
0x361: {  	v51 =	vbroadcast v24, $0xE;
	_ =	sdelay $0x1  }
0x362: {  	v52 =	vor.u32 v0, v51;
	[tilespmem:v49+s17+$0x0] =	vst.idx.msk $0xffff, v26  }
0x363: {  	v53 =	vor.u32 v2, v51;
	[tilespmem:v50+s17+$0x0] =	vst.idx.msk $0xffff, v25  }
0x364: {  	_ =	swait.ge [sflag:s21], $0x1000  }
0x365: {  	[sflag:s21] =	ssyncset.done $0x0  }
0x366: {  	[sflag:s21] =	ssyncadd.s32 $0xFFFFF000  }
0x367: {  	v54 =	vor.u32 $0x41FE, v1;
	v26 =	vld.idx.msk [tilespmem:v52+s14+$0x0], $0xffff  }
0x368: {  	v55 =	vor.u32 $0x61FE, v1;
	v25 =	vld.idx.msk [tilespmem:v53+s14+$0x0], $0xffff;
	_ =	sdelay $0x1  }
0x369: {  	v23 =	vbroadcast v23, $0xF;
	_ =	sdelay $0x1  }
0x36a: {  	v56 =	vor.u32 v0, v23;
	[tilespmem:v54+s17+$0x0] =	vst.idx.msk $0xffff, v26  }
0x36b: {  	v23 =	vor.u32 v2, v23;
	[tilespmem:v55+s17+$0x0] =	vst.idx.msk $0xffff, v25  }
0x36c: {  	_ =	swait.ge [sflag:s22], $0x1000  }
0x36d: {  	[sflag:s22] =	ssyncset.done $0x0  }
0x36e: {  	[sflag:s22] =	ssyncadd.s32 $0xFFFFF000  }
0x36f: {  	v58 =	vor.u32 $0x1FF, v1;
	v57 =	vld.idx.msk [tilespmem:v56+s15+$0x0], $0xffff  }
0x370: {  	v59 =	vor.u32 $0x21FF, v1;
	v23 =	vld.idx.msk [tilespmem:v23+s15+$0x0], $0xffff;
	_ =	sdelay $0x1  }
0x371: {  	v24 =	vbroadcast v24, $0xF;
	_ =	sdelay $0x1  }
0x372: {  	v60 =	vor.u32 v0, v24;
	[tilespmem:v58+s17+$0x0] =	vst.idx.msk $0xffff, v57  }
0x373: {  	[tilespmem:v59+s17+$0x0] =	vst.idx.msk $0xffff, v23;
	v23 =	vor.u32 v2, v24  }
0x374: {  	_ =	swait.ge [sflag:s23], $0x1000  }
0x375: {  	[sflag:s23] =	ssyncset.done $0x0  }
0x376: {  	[sflag:s23] =	ssyncadd.s32 $0xFFFFF000  }
0x377: {  	v62 =	vor.u32 $0x41FF, v1;
	v61 =	vld.idx.msk [tilespmem:v60+s4+$0x0], $0xffff  }
0x378: {  	v63 =	vor.u32 $0x61FF, v1;
	v23 =	vld.idx.msk [tilespmem:v23+s4+$0x0], $0xffff;
	_ =	sdelay $0x3  }
0x379: {  	[tilespmem:v62+s17+$0x0] =	vst.idx.msk $0xffff, v61  }
0x37a: {  	s24 =	simm.s32 $0x0;
	s26 =	simm.s32 $0x11;
	s28 =	rddreg [dreg:$0x8];
	[tilespmem:v63+s17+$0x0] =	vst.idx.msk $0xffff, v23  }
0x37b: {  	[hbm4b:s28+s24] =	stream.linear.scatter [tilespmem:s17], [sflag:$0x11], $0x200, $0x38;
	[tilespmem:$0x18400] =	vst v63  }
0x37c: {  	_ =	swait.ge [sflag:s26], $0x200  }
0x37d: {  	[sflag:s26] =	ssyncset.done $0x0  }
0x37e: {  	s30 =	simm.s32 $0x600;
	s29 =	rddreg [dreg:$0x9];
	[sflag:s26] =	ssyncadd.s32 $0xFFFFFE00  }
0x37f: {  	[hbm4b:s29+s24] =	stream.linear.scatter [tilespmem:s30], [sflag:$0x11], $0x200, $0x38;
	[tilespmem:$0x18400] =	vst v63  }
0x380: {  	_ =	swait.ge [sflag:s26], $0x200  }
0x381: {  	[sflag:s26] =	ssyncset.done $0x0  }
0x382: {  	s0 =	simm.s32 $0x800;
	s31 =	rddreg [dreg:$0xa];
	[sflag:s26] =	ssyncadd.s32 $0xFFFFFE00  }
0x383: {  	[hbm4b:s31+s24] =	stream.linear.scatter [tilespmem:s0], [sflag:$0x11], $0x200, $0x38;
	[tilespmem:$0x18400] =	vst v63  }
0x384: {  	_ =	swait.ge [sflag:s26], $0x200  }
0x385: {  	[sflag:s26] =	ssyncset.done $0x0  }
0x386: {  	s2 =	simm.s32 $0xA00;
	s1 =	rddreg [dreg:$0xb];
	[sflag:s26] =	ssyncadd.s32 $0xFFFFFE00  }
0x387: {  	[hbm4b:s1+s24] =	stream.linear.scatter [tilespmem:s2], [sflag:$0x11], $0x200, $0x38;
	[tilespmem:$0x18400] =	vst v63  }
0x388: {  	_ =	swait.ge [sflag:s26], $0x200  }
0x389: {  	[sflag:s26] =	ssyncset.done $0x0  }
0x38a: {  	s16 =	simm.s32 $0xC00;
	s4 =	rddreg [dreg:$0xc];
	[sflag:s26] =	ssyncadd.s32 $0xFFFFFE00  }
0x38b: {  	[hbm4b:s4+s24] =	stream.linear.scatter [tilespmem:s16], [sflag:$0x11], $0x200, $0x38;
	[tilespmem:$0x18400] =	vst v63  }
0x38c: {  	_ =	swait.ge [sflag:s26], $0x200  }
0x38d: {  	[sflag:s26] =	ssyncset.done $0x0  }
0x38e: {  	s20 =	simm.s32 $0xE00;
	s19 =	rddreg [dreg:$0xd];
	[sflag:s26] =	ssyncadd.s32 $0xFFFFFE00  }
0x38f: {  	[hbm4b:s19+s24] =	stream.linear.scatter [tilespmem:s20], [sflag:$0x11], $0x200, $0x38;
	[tilespmem:$0x18400] =	vst v63  }
0x390: {  	_ =	swait.ge [sflag:s26], $0x200  }
0x391: {  	[sflag:s26] =	ssyncset.done $0x0  }
0x392: {  	s22 =	simm.s32 $0x1000;
	s21 =	rddreg [dreg:$0xe];
	[sflag:s26] =	ssyncadd.s32 $0xFFFFFE00  }
0x393: {  	[hbm4b:s21+s24] =	stream.linear.scatter [tilespmem:s22], [sflag:$0x11], $0x200, $0x38;
	[tilespmem:$0x18400] =	vst v63  }
0x394: {  	_ =	swait.ge [sflag:s26], $0x200  }
0x395: {  	[sflag:s26] =	ssyncset.done $0x0  }
0x396: {  	s28 =	simm.s32 $0x1200;
	s23 =	rddreg [dreg:$0xf];
	[sflag:s26] =	ssyncadd.s32 $0xFFFFFE00  }
0x397: {  	[hbm4b:s23+s24] =	stream.linear.scatter [tilespmem:s28], [sflag:$0x11], $0x200, $0x38;
	[tilespmem:$0x18400] =	vst v63  }
0x398: {  	_ =	swait.ge [sflag:s26], $0x200  }
0x399: {  	[sflag:s26] =	ssyncset.done $0x0  }
0x39a: {  	s30 =	simm.s32 $0x1400;
	s29 =	rddreg [dreg:$0x10];
	[sflag:s26] =	ssyncadd.s32 $0xFFFFFE00  }
0x39b: {  	[hbm4b:s29+s24] =	stream.linear.scatter [tilespmem:s30], [sflag:$0x11], $0x200, $0x38;
	[tilespmem:$0x18400] =	vst v63  }
0x39c: {  	_ =	swait.ge [sflag:s26], $0x200  }
0x39d: {  	[sflag:s26] =	ssyncset.done $0x0  }
0x39e: {  	s0 =	simm.s32 $0x1600;
	s31 =	rddreg [dreg:$0x11];
	[sflag:s26] =	ssyncadd.s32 $0xFFFFFE00  }
0x39f: {  	[hbm4b:s31+s24] =	stream.linear.scatter [tilespmem:s0], [sflag:$0x11], $0x200, $0x38;
	[tilespmem:$0x18400] =	vst v63  }
0x3a0: {  	_ =	swait.ge [sflag:s26], $0x200  }
0x3a1: {  	[sflag:s26] =	ssyncset.done $0x0  }
0x3a2: {  	s2 =	simm.s32 $0x1800;
	s1 =	rddreg [dreg:$0x12];
	[sflag:s26] =	ssyncadd.s32 $0xFFFFFE00  }
0x3a3: {  	[hbm4b:s1+s24] =	stream.linear.scatter [tilespmem:s2], [sflag:$0x11], $0x200, $0x38;
	[tilespmem:$0x18400] =	vst v63  }
0x3a4: {  	_ =	swait.ge [sflag:s26], $0x200  }
0x3a5: {  	[sflag:s26] =	ssyncset.done $0x0  }
0x3a6: {  	s16 =	simm.s32 $0x1A00;
	s4 =	rddreg [dreg:$0x13];
	[sflag:s26] =	ssyncadd.s32 $0xFFFFFE00  }
0x3a7: {  	[hbm4b:s4+s24] =	stream.linear.scatter [tilespmem:s16], [sflag:$0x11], $0x200, $0x38;
	[tilespmem:$0x18400] =	vst v63  }
0x3a8: {  	_ =	swait.ge [sflag:s26], $0x200  }
0x3a9: {  	[sflag:s26] =	ssyncset.done $0x0  }
0x3aa: {  	s20 =	simm.s32 $0x1C00;
	s19 =	rddreg [dreg:$0x14];
	[sflag:s26] =	ssyncadd.s32 $0xFFFFFE00  }
0x3ab: {  	[hbm4b:s19+s24] =	stream.linear.scatter [tilespmem:s20], [sflag:$0x11], $0x200, $0x38;
	[tilespmem:$0x18400] =	vst v63  }
0x3ac: {  	_ =	swait.ge [sflag:s26], $0x200  }
0x3ad: {  	[sflag:s26] =	ssyncset.done $0x0  }
0x3ae: {  	s22 =	simm.s32 $0x1E00;
	s21 =	rddreg [dreg:$0x15];
	[sflag:s26] =	ssyncadd.s32 $0xFFFFFE00  }
0x3af: {  	[hbm4b:s21+s24] =	stream.linear.scatter [tilespmem:s22], [sflag:$0x11], $0x200, $0x38;
	[tilespmem:$0x18400] =	vst v63  }
0x3b0: {  	_ =	swait.ge [sflag:s26], $0x200  }
0x3b1: {  	[sflag:s26] =	ssyncset.done $0x0  }
0x3b2: {  	s28 =	simm.s32 $0x2000;
	s23 =	rddreg [dreg:$0x16];
	[sflag:s26] =	ssyncadd.s32 $0xFFFFFE00  }
0x3b3: {  	[hbm4b:s23+s24] =	stream.linear.scatter [tilespmem:s28], [sflag:$0x11], $0x200, $0x38;
	[tilespmem:$0x18400] =	vst v63  }
0x3b4: {  	_ =	swait.ge [sflag:s26], $0x200  }
0x3b5: {  	[sflag:s26] =	ssyncset.done $0x0  }
0x3b6: {  	s30 =	simm.s32 $0x2200;
	s29 =	rddreg [dreg:$0x17];
	[sflag:s26] =	ssyncadd.s32 $0xFFFFFE00  }
0x3b7: {  	[hbm4b:s29+s24] =	stream.linear.scatter [tilespmem:s30], [sflag:$0x11], $0x200, $0x38;
	[tilespmem:$0x18400] =	vst v63  }
0x3b8: {  	_ =	swait.ge [sflag:s26], $0x200  }
0x3b9: {  	[sflag:s26] =	ssyncset.done $0x0  }
0x3ba: {  	s0 =	simm.s32 $0x2400;
	s31 =	rddreg [dreg:$0x18];
	[sflag:s26] =	ssyncadd.s32 $0xFFFFFE00  }
0x3bb: {  	[hbm4b:s31+s24] =	stream.linear.scatter [tilespmem:s0], [sflag:$0x11], $0x200, $0x38;
	[tilespmem:$0x18400] =	vst v63  }
0x3bc: {  	_ =	swait.ge [sflag:s26], $0x200  }
0x3bd: {  	[sflag:s26] =	ssyncset.done $0x0  }
0x3be: {  	s2 =	simm.s32 $0x2600;
	s1 =	rddreg [dreg:$0x19];
	[sflag:s26] =	ssyncadd.s32 $0xFFFFFE00  }
0x3bf: {  	[hbm4b:s1+s24] =	stream.linear.scatter [tilespmem:s2], [sflag:$0x11], $0x200, $0x38;
	[tilespmem:$0x18400] =	vst v63  }
0x3c0: {  	_ =	swait.ge [sflag:s26], $0x200  }
0x3c1: {  	[sflag:s26] =	ssyncset.done $0x0  }
0x3c2: {  	s16 =	simm.s32 $0x2800;
	s4 =	rddreg [dreg:$0x1a];
	[sflag:s26] =	ssyncadd.s32 $0xFFFFFE00  }
0x3c3: {  	[hbm4b:s4+s24] =	stream.linear.scatter [tilespmem:s16], [sflag:$0x11], $0x200, $0x38;
	[tilespmem:$0x18400] =	vst v63  }
0x3c4: {  	_ =	swait.ge [sflag:s26], $0x200  }
0x3c5: {  	[sflag:s26] =	ssyncset.done $0x0  }
0x3c6: {  	s20 =	simm.s32 $0x2A00;
	s19 =	rddreg [dreg:$0x1b];
	[sflag:s26] =	ssyncadd.s32 $0xFFFFFE00  }
0x3c7: {  	[hbm4b:s19+s24] =	stream.linear.scatter [tilespmem:s20], [sflag:$0x11], $0x200, $0x38;
	[tilespmem:$0x18400] =	vst v63  }
0x3c8: {  	_ =	swait.ge [sflag:s26], $0x200  }
0x3c9: {  	[sflag:s26] =	ssyncset.done $0x0  }
0x3ca: {  	s22 =	simm.s32 $0x2C00;
	s21 =	rddreg [dreg:$0x1c];
	[sflag:s26] =	ssyncadd.s32 $0xFFFFFE00  }
0x3cb: {  	[hbm4b:s21+s24] =	stream.linear.scatter [tilespmem:s22], [sflag:$0x11], $0x200, $0x38;
	[tilespmem:$0x18400] =	vst v63  }
0x3cc: {  	_ =	swait.ge [sflag:s26], $0x200  }
0x3cd: {  	[sflag:s26] =	ssyncset.done $0x0  }
0x3ce: {  	s28 =	simm.s32 $0x2E00;
	s23 =	rddreg [dreg:$0x1d];
	[sflag:s26] =	ssyncadd.s32 $0xFFFFFE00  }
0x3cf: {  	[hbm4b:s23+s24] =	stream.linear.scatter [tilespmem:s28], [sflag:$0x11], $0x200, $0x38;
	[tilespmem:$0x18400] =	vst v63  }
0x3d0: {  	_ =	swait.ge [sflag:s26], $0x200  }
0x3d1: {  	[sflag:s26] =	ssyncset.done $0x0  }
0x3d2: {  	s30 =	simm.s32 $0x3000;
	s29 =	rddreg [dreg:$0x1e];
	[sflag:s26] =	ssyncadd.s32 $0xFFFFFE00  }
0x3d3: {  	[hbm4b:s29+s24] =	stream.linear.scatter [tilespmem:s30], [sflag:$0x11], $0x200, $0x38;
	[tilespmem:$0x18400] =	vst v63  }
0x3d4: {  	_ =	swait.ge [sflag:s26], $0x200  }
0x3d5: {  	[sflag:s26] =	ssyncset.done $0x0  }
0x3d6: {  	s0 =	simm.s32 $0x3200;
	s31 =	rddreg [dreg:$0x1f];
	[sflag:s26] =	ssyncadd.s32 $0xFFFFFE00  }
0x3d7: {  	[hbm4b:s31+s24] =	stream.linear.scatter [tilespmem:s0], [sflag:$0x11], $0x200, $0x38;
	[tilespmem:$0x18400] =	vst v63  }
0x3d8: {  	_ =	swait.ge [sflag:s26], $0x200  }
0x3d9: {  	s1 =	sld [smem:$0x7D5]  }
0x3da: {  	[sflag:s26] =	ssyncset.done $0x0  }
0x3db: {  	s2 =	simm.s32 $0x3400;
	[sflag:s26] =	ssyncadd.s32 $0xFFFFFE00  }
0x3dc: {  	[hbm4b:s1+s24] =	stream.linear.scatter [tilespmem:s2], [sflag:$0x11], $0x200, $0x38;
	[tilespmem:$0x18400] =	vst v63  }
0x3dd: {  	_ =	swait.ge [sflag:s26], $0x200  }
0x3de: {  	s4 =	sld [smem:$0x7D6]  }
0x3df: {  	[sflag:s26] =	ssyncset.done $0x0  }
0x3e0: {  	s16 =	simm.s32 $0x3600;
	[sflag:s26] =	ssyncadd.s32 $0xFFFFFE00  }
0x3e1: {  	[hbm4b:s4+s24] =	stream.linear.scatter [tilespmem:s16], [sflag:$0x11], $0x200, $0x38;
	[tilespmem:$0x18400] =	vst v63  }
0x3e2: {  	_ =	swait.ge [sflag:s26], $0x200  }
0x3e3: {  	s19 =	sld [smem:$0x7D7]  }
0x3e4: {  	[sflag:s26] =	ssyncset.done $0x0  }
0x3e5: {  	s20 =	simm.s32 $0x3800;
	[sflag:s26] =	ssyncadd.s32 $0xFFFFFE00  }
0x3e6: {  	[hbm4b:s19+s24] =	stream.linear.scatter [tilespmem:s20], [sflag:$0x11], $0x200, $0x38;
	[tilespmem:$0x18400] =	vst v63  }
0x3e7: {  	_ =	swait.ge [sflag:s26], $0x200  }
0x3e8: {  	s21 =	sld [smem:$0x7D8]  }
0x3e9: {  	[sflag:s26] =	ssyncset.done $0x0  }
0x3ea: {  	s22 =	simm.s32 $0x3A00;
	[sflag:s26] =	ssyncadd.s32 $0xFFFFFE00  }
0x3eb: {  	[hbm4b:s21+s24] =	stream.linear.scatter [tilespmem:s22], [sflag:$0x11], $0x200, $0x38;
	[tilespmem:$0x18400] =	vst v63  }
0x3ec: {  	_ =	swait.ge [sflag:s26], $0x200  }
0x3ed: {  	s23 =	sld [smem:$0x7D9]  }
0x3ee: {  	[sflag:s26] =	ssyncset.done $0x0  }
0x3ef: {  	s28 =	simm.s32 $0x3C00;
	[sflag:s26] =	ssyncadd.s32 $0xFFFFFE00  }
0x3f0: {  	[hbm4b:s23+s24] =	stream.linear.scatter [tilespmem:s28], [sflag:$0x11], $0x200, $0x38;
	[tilespmem:$0x18400] =	vst v63  }
0x3f1: {  	_ =	swait.ge [sflag:s26], $0x200  }
0x3f2: {  	s29 =	sld [smem:$0x7DA]  }
0x3f3: {  	[sflag:s26] =	ssyncset.done $0x0  }
0x3f4: {  	s30 =	simm.s32 $0x3E00;
	[sflag:s26] =	ssyncadd.s32 $0xFFFFFE00  }
0x3f5: {  	[hbm4b:s29+s24] =	stream.linear.scatter [tilespmem:s30], [sflag:$0x11], $0x200, $0x38;
	[tilespmem:$0x18400] =	vst v63  }
0x3f6: {  	_ =	swait.ge [sflag:s26], $0x200  }
0x3f7: {  	s31 =	sld [smem:$0x7DB]  }
0x3f8: {  	[sflag:s26] =	ssyncset.done $0x0  }
0x3f9: {  	s0 =	simm.s32 $0x4000;
	[sflag:s26] =	ssyncadd.s32 $0xFFFFFE00  }
0x3fa: {  	[hbm4b:s31+s24] =	stream.linear.scatter [tilespmem:s0], [sflag:$0x11], $0x200, $0x38;
	[tilespmem:$0x18400] =	vst v63  }
0x3fb: {  	_ =	swait.ge [sflag:s26], $0x200  }
0x3fc: {  	s1 =	sld [smem:$0x7DC]  }
0x3fd: {  	[sflag:s26] =	ssyncset.done $0x0  }
0x3fe: {  	s2 =	simm.s32 $0x4200;
	[sflag:s26] =	ssyncadd.s32 $0xFFFFFE00  }
0x3ff: {  	[hbm4b:s1+s24] =	stream.linear.scatter [tilespmem:s2], [sflag:$0x11], $0x200, $0x38;
	[tilespmem:$0x18400] =	vst v63  }
0x400: {  	_ =	swait.ge [sflag:s26], $0x200  }
0x401: {  	s4 =	sld [smem:$0x7DD]  }
0x402: {  	[sflag:s26] =	ssyncset.done $0x0  }
0x403: {  	s16 =	simm.s32 $0x4400;
	[sflag:s26] =	ssyncadd.s32 $0xFFFFFE00  }
0x404: {  	[hbm4b:s4+s24] =	stream.linear.scatter [tilespmem:s16], [sflag:$0x11], $0x200, $0x38;
	[tilespmem:$0x18400] =	vst v63  }
0x405: {  	_ =	swait.ge [sflag:s26], $0x200  }
0x406: {  	s19 =	sld [smem:$0x7DE]  }
0x407: {  	[sflag:s26] =	ssyncset.done $0x0  }
0x408: {  	s20 =	simm.s32 $0x4600;
	[sflag:s26] =	ssyncadd.s32 $0xFFFFFE00  }
0x409: {  	[hbm4b:s19+s24] =	stream.linear.scatter [tilespmem:s20], [sflag:$0x11], $0x200, $0x38;
	[tilespmem:$0x18400] =	vst v63  }
0x40a: {  	_ =	swait.ge [sflag:s26], $0x200  }
0x40b: {  	s21 =	sld [smem:$0x7DF]  }
0x40c: {  	[sflag:s26] =	ssyncset.done $0x0  }
0x40d: {  	s22 =	simm.s32 $0x4800;
	[sflag:s26] =	ssyncadd.s32 $0xFFFFFE00  }
0x40e: {  	[hbm4b:s21+s24] =	stream.linear.scatter [tilespmem:s22], [sflag:$0x11], $0x200, $0x38;
	[tilespmem:$0x18400] =	vst v63  }
0x40f: {  	_ =	swait.ge [sflag:s26], $0x200  }
0x410: {  	s23 =	sld [smem:$0x7E0]  }
0x411: {  	[sflag:s26] =	ssyncset.done $0x0  }
0x412: {  	s28 =	simm.s32 $0x4A00;
	[sflag:s26] =	ssyncadd.s32 $0xFFFFFE00  }
0x413: {  	[hbm4b:s23+s24] =	stream.linear.scatter [tilespmem:s28], [sflag:$0x11], $0x200, $0x38;
	[tilespmem:$0x18400] =	vst v63  }
0x414: {  	_ =	swait.ge [sflag:s26], $0x200  }
0x415: {  	s29 =	sld [smem:$0x7E1]  }
0x416: {  	[sflag:s26] =	ssyncset.done $0x0  }
0x417: {  	s30 =	simm.s32 $0x4C00;
	[sflag:s26] =	ssyncadd.s32 $0xFFFFFE00  }
0x418: {  	[hbm4b:s29+s24] =	stream.linear.scatter [tilespmem:s30], [sflag:$0x11], $0x200, $0x38;
	[tilespmem:$0x18400] =	vst v63  }
0x419: {  	_ =	swait.ge [sflag:s26], $0x200  }
0x41a: {  	s31 =	sld [smem:$0x7E2]  }
0x41b: {  	[sflag:s26] =	ssyncset.done $0x0  }
0x41c: {  	s0 =	simm.s32 $0x4E00;
	[sflag:s26] =	ssyncadd.s32 $0xFFFFFE00  }
0x41d: {  	[hbm4b:s31+s24] =	stream.linear.scatter [tilespmem:s0], [sflag:$0x11], $0x200, $0x38;
	[tilespmem:$0x18400] =	vst v63  }
0x41e: {  	_ =	swait.ge [sflag:s26], $0x200  }
0x41f: {  	s1 =	sld [smem:$0x7E3]  }
0x420: {  	[sflag:s26] =	ssyncset.done $0x0  }
0x421: {  	s2 =	simm.s32 $0x5000;
	[sflag:s26] =	ssyncadd.s32 $0xFFFFFE00  }
0x422: {  	[hbm4b:s1+s24] =	stream.linear.scatter [tilespmem:s2], [sflag:$0x11], $0x200, $0x38;
	[tilespmem:$0x18400] =	vst v63  }
0x423: {  	_ =	swait.ge [sflag:s26], $0x200  }
0x424: {  	s4 =	sld [smem:$0x7E4]  }
0x425: {  	[sflag:s26] =	ssyncset.done $0x0  }
0x426: {  	s16 =	simm.s32 $0x5200;
	[sflag:s26] =	ssyncadd.s32 $0xFFFFFE00  }
0x427: {  	[hbm4b:s4+s24] =	stream.linear.scatter [tilespmem:s16], [sflag:$0x11], $0x200, $0x38;
	[tilespmem:$0x18400] =	vst v63  }
0x428: {  	_ =	swait.ge [sflag:s26], $0x200  }
0x429: {  	s19 =	sld [smem:$0x7E5]  }
0x42a: {  	[sflag:s26] =	ssyncset.done $0x0  }
0x42b: {  	s20 =	simm.s32 $0x5400;
	[sflag:s26] =	ssyncadd.s32 $0xFFFFFE00  }
0x42c: {  	[hbm4b:s19+s24] =	stream.linear.scatter [tilespmem:s20], [sflag:$0x11], $0x200, $0x38;
	[tilespmem:$0x18400] =	vst v63  }
0x42d: {  	_ =	swait.ge [sflag:s26], $0x200  }
0x42e: {  	s21 =	sld [smem:$0x7E6]  }
0x42f: {  	[sflag:s26] =	ssyncset.done $0x0  }
0x430: {  	s22 =	simm.s32 $0x5600;
	[sflag:s26] =	ssyncadd.s32 $0xFFFFFE00  }
0x431: {  	[hbm4b:s21+s24] =	stream.linear.scatter [tilespmem:s22], [sflag:$0x11], $0x200, $0x38;
	[tilespmem:$0x18400] =	vst v63  }
0x432: {  	_ =	swait.ge [sflag:s26], $0x200  }
0x433: {  	s23 =	sld [smem:$0x7E7]  }
0x434: {  	[sflag:s26] =	ssyncset.done $0x0  }
0x435: {  	s28 =	simm.s32 $0x5800;
	[sflag:s26] =	ssyncadd.s32 $0xFFFFFE00  }
0x436: {  	[hbm4b:s23+s24] =	stream.linear.scatter [tilespmem:s28], [sflag:$0x11], $0x200, $0x38;
	[tilespmem:$0x18400] =	vst v63  }
0x437: {  	_ =	swait.ge [sflag:s26], $0x200  }
0x438: {  	s29 =	sld [smem:$0x7E8]  }
0x439: {  	[sflag:s26] =	ssyncset.done $0x0  }
0x43a: {  	s30 =	simm.s32 $0x5A00;
	[sflag:s26] =	ssyncadd.s32 $0xFFFFFE00  }
0x43b: {  	[hbm4b:s29+s24] =	stream.linear.scatter [tilespmem:s30], [sflag:$0x11], $0x200, $0x38;
	[tilespmem:$0x18400] =	vst v63  }
0x43c: {  	_ =	swait.ge [sflag:s26], $0x200  }
0x43d: {  	s31 =	sld [smem:$0x7E9]  }
0x43e: {  	[sflag:s26] =	ssyncset.done $0x0  }
0x43f: {  	s0 =	simm.s32 $0x5C00;
	[sflag:s26] =	ssyncadd.s32 $0xFFFFFE00  }
0x440: {  	[hbm4b:s31+s24] =	stream.linear.scatter [tilespmem:s0], [sflag:$0x11], $0x200, $0x38;
	[tilespmem:$0x18400] =	vst v63  }
0x441: {  	_ =	swait.ge [sflag:s26], $0x200  }
0x442: {  	s1 =	sld [smem:$0x7EA]  }
0x443: {  	[sflag:s26] =	ssyncset.done $0x0  }
0x444: {  	s2 =	simm.s32 $0x5E00;
	[sflag:s26] =	ssyncadd.s32 $0xFFFFFE00  }
0x445: {  	[hbm4b:s1+s24] =	stream.linear.scatter [tilespmem:s2], [sflag:$0x11], $0x200, $0x38;
	[tilespmem:$0x18400] =	vst v63  }
0x446: {  	_ =	swait.ge [sflag:s26], $0x200  }
0x447: {  	s4 =	sld [smem:$0x7EB]  }
0x448: {  	[sflag:s26] =	ssyncset.done $0x0  }
0x449: {  	s16 =	simm.s32 $0x6000;
	[sflag:s26] =	ssyncadd.s32 $0xFFFFFE00  }
0x44a: {  	[hbm4b:s4+s24] =	stream.linear.scatter [tilespmem:s16], [sflag:$0x11], $0x200, $0x38;
	[tilespmem:$0x18400] =	vst v63  }
0x44b: {  	_ =	swait.ge [sflag:s26], $0x200  }
0x44c: {  	s19 =	sld [smem:$0x7EC]  }
0x44d: {  	[sflag:s26] =	ssyncset.done $0x0  }
0x44e: {  	s20 =	simm.s32 $0x6200;
	[sflag:s26] =	ssyncadd.s32 $0xFFFFFE00  }
0x44f: {  	[hbm4b:s19+s24] =	stream.linear.scatter [tilespmem:s20], [sflag:$0x11], $0x200, $0x38;
	[tilespmem:$0x18400] =	vst v63  }
0x450: {  	_ =	swait.ge [sflag:s26], $0x200  }
0x451: {  	s21 =	sld [smem:$0x7ED]  }
0x452: {  	[sflag:s26] =	ssyncset.done $0x0  }
0x453: {  	s22 =	simm.s32 $0x6400;
	[sflag:s26] =	ssyncadd.s32 $0xFFFFFE00  }
0x454: {  	[hbm4b:s21+s24] =	stream.linear.scatter [tilespmem:s22], [sflag:$0x11], $0x200, $0x38;
	[tilespmem:$0x18400] =	vst v63  }
0x455: {  	_ =	swait.ge [sflag:s26], $0x200  }
0x456: {  	s23 =	sld [smem:$0x7EE]  }
0x457: {  	[sflag:s26] =	ssyncset.done $0x0  }
0x458: {  	s28 =	simm.s32 $0x6600;
	[sflag:s26] =	ssyncadd.s32 $0xFFFFFE00  }
0x459: {  	[hbm4b:s23+s24] =	stream.linear.scatter [tilespmem:s28], [sflag:$0x11], $0x200, $0x38;
	[tilespmem:$0x18400] =	vst v63  }
0x45a: {  	_ =	swait.ge [sflag:s26], $0x200  }
0x45b: {  	s29 =	sld [smem:$0x7EF]  }
0x45c: {  	[sflag:s26] =	ssyncset.done $0x0  }
0x45d: {  	s30 =	simm.s32 $0x6800;
	[sflag:s26] =	ssyncadd.s32 $0xFFFFFE00  }
0x45e: {  	[hbm4b:s29+s24] =	stream.linear.scatter [tilespmem:s30], [sflag:$0x11], $0x200, $0x38;
	[tilespmem:$0x18400] =	vst v63  }
0x45f: {  	_ =	swait.ge [sflag:s26], $0x200  }
0x460: {  	s31 =	sld [smem:$0x7F0]  }
0x461: {  	[sflag:s26] =	ssyncset.done $0x0  }
0x462: {  	s0 =	simm.s32 $0x6A00;
	[sflag:s26] =	ssyncadd.s32 $0xFFFFFE00  }
0x463: {  	[hbm4b:s31+s24] =	stream.linear.scatter [tilespmem:s0], [sflag:$0x11], $0x200, $0x38;
	[tilespmem:$0x18400] =	vst v63  }
0x464: {  	_ =	swait.ge [sflag:s26], $0x200  }
0x465: {  	s1 =	sld [smem:$0x7F1]  }
0x466: {  	[sflag:s26] =	ssyncset.done $0x0  }
0x467: {  	s2 =	simm.s32 $0x6C00;
	[sflag:s26] =	ssyncadd.s32 $0xFFFFFE00  }
0x468: {  	[hbm4b:s1+s24] =	stream.linear.scatter [tilespmem:s2], [sflag:$0x11], $0x200, $0x38;
	[tilespmem:$0x18400] =	vst v63  }
0x469: {  	_ =	swait.ge [sflag:s26], $0x200  }
0x46a: {  	s4 =	sld [smem:$0x7F2]  }
0x46b: {  	[sflag:s26] =	ssyncset.done $0x0  }
0x46c: {  	s16 =	simm.s32 $0x6E00;
	[sflag:s26] =	ssyncadd.s32 $0xFFFFFE00  }
0x46d: {  	[hbm4b:s4+s24] =	stream.linear.scatter [tilespmem:s16], [sflag:$0x11], $0x200, $0x38;
	[tilespmem:$0x18400] =	vst v63  }
0x46e: {  	_ =	swait.ge [sflag:s26], $0x200  }
0x46f: {  	s19 =	sld [smem:$0x7F3]  }
0x470: {  	[sflag:s26] =	ssyncset.done $0x0  }
0x471: {  	s20 =	simm.s32 $0x7000;
	[sflag:s26] =	ssyncadd.s32 $0xFFFFFE00  }
0x472: {  	[hbm4b:s19+s24] =	stream.linear.scatter [tilespmem:s20], [sflag:$0x11], $0x200, $0x38;
	[tilespmem:$0x18400] =	vst v63  }
0x473: {  	_ =	swait.ge [sflag:s26], $0x200  }
0x474: {  	s21 =	sld [smem:$0x7F4]  }
0x475: {  	[sflag:s26] =	ssyncset.done $0x0  }
0x476: {  	s22 =	simm.s32 $0x7200;
	[sflag:s26] =	ssyncadd.s32 $0xFFFFFE00  }
0x477: {  	[hbm4b:s21+s24] =	stream.linear.scatter [tilespmem:s22], [sflag:$0x11], $0x200, $0x38;
	[tilespmem:$0x18400] =	vst v63  }
0x478: {  	_ =	swait.ge [sflag:s26], $0x200  }
0x479: {  	s23 =	sld [smem:$0x7F5]  }
0x47a: {  	[sflag:s26] =	ssyncset.done $0x0  }
0x47b: {  	s28 =	simm.s32 $0x7400;
	[sflag:s26] =	ssyncadd.s32 $0xFFFFFE00  }
0x47c: {  	[hbm4b:s23+s24] =	stream.linear.scatter [tilespmem:s28], [sflag:$0x11], $0x200, $0x38;
	[tilespmem:$0x18400] =	vst v63  }
0x47d: {  	_ =	swait.ge [sflag:s26], $0x200  }
0x47e: {  	s29 =	sld [smem:$0x7F6]  }
0x47f: {  	[sflag:s26] =	ssyncset.done $0x0  }
0x480: {  	s30 =	simm.s32 $0x7600;
	[sflag:s26] =	ssyncadd.s32 $0xFFFFFE00  }
0x481: {  	[hbm4b:s29+s24] =	stream.linear.scatter [tilespmem:s30], [sflag:$0x11], $0x200, $0x38;
	[tilespmem:$0x18400] =	vst v63  }
0x482: {  	_ =	swait.ge [sflag:s26], $0x200  }
0x483: {  	s31 =	sld [smem:$0x7F7]  }
0x484: {  	[sflag:s26] =	ssyncset.done $0x0  }
0x485: {  	s0 =	simm.s32 $0x7800;
	[sflag:s26] =	ssyncadd.s32 $0xFFFFFE00  }
0x486: {  	[hbm4b:s31+s24] =	stream.linear.scatter [tilespmem:s0], [sflag:$0x11], $0x200, $0x38;
	[tilespmem:$0x18400] =	vst v63  }
0x487: {  	_ =	swait.ge [sflag:s26], $0x200  }
0x488: {  	s1 =	sld [smem:$0x7F8]  }
0x489: {  	[sflag:s26] =	ssyncset.done $0x0  }
0x48a: {  	s2 =	simm.s32 $0x7A00;
	[sflag:s26] =	ssyncadd.s32 $0xFFFFFE00  }
0x48b: {  	[hbm4b:s1+s24] =	stream.linear.scatter [tilespmem:s2], [sflag:$0x11], $0x200, $0x38;
	[tilespmem:$0x18400] =	vst v63  }
0x48c: {  	_ =	swait.ge [sflag:s26], $0x200  }
0x48d: {  	s16 =	sld [smem:$0x7F9]  }
0x48e: {  	[sflag:s26] =	ssyncset.done $0x0  }
0x48f: {  	s19 =	simm.s32 $0x7C00;
	[sflag:s26] =	ssyncadd.s32 $0xFFFFFE00  }
0x490: {  	[hbm4b:s16+s24] =	stream.linear.scatter [tilespmem:s19], [sflag:$0x11], $0x200, $0x38;
	[tilespmem:$0x18400] =	vst v63  }
0x491: {  	_ =	swait.ge [sflag:s26], $0x200  }
0x492: {  	s20 =	sld [smem:$0x7FA]  }
0x493: {  	[sflag:s26] =	ssyncset.done $0x0  }
0x494: {  	s21 =	simm.s32 $0x7E00;
	[sflag:s26] =	ssyncadd.s32 $0xFFFFFE00  }
0x495: {  	[hbm4b:s20+s24] =	stream.linear.scatter [tilespmem:s21], [sflag:$0x11], $0x200, $0x38;
	[tilespmem:$0x18400] =	vst v63  }
0x496: {  	_ =	swait.ge [sflag:s26], $0x200  }
0x497: {  	s22 =	sld [smem:$0x7FB]  }
0x498: {  	[sflag:s26] =	ssyncset.done $0x0  }
0x499: {  	s23 =	simm.s32 $0x8000;
	[sflag:s26] =	ssyncadd.s32 $0xFFFFFE00  }
0x49a: {  	[hbm4b:s22+s24] =	stream.linear.scatter [tilespmem:s23], [sflag:$0x11], $0x200, $0x38;
	[tilespmem:$0x18400] =	vst v63  }
0x49b: {  	_ =	swait.ge [sflag:s26], $0x200  }
0x49c: {  	s28 =	sld [smem:$0x7FC]  }
0x49d: {  	[sflag:s26] =	ssyncset.done $0x0  }
0x49e: {  	s29 =	simm.s32 $0x8200;
	[sflag:s26] =	ssyncadd.s32 $0xFFFFFE00  }
0x49f: {  	[hbm4b:s28+s24] =	stream.linear.scatter [tilespmem:s29], [sflag:$0x11], $0x200, $0x38;
	[tilespmem:$0x18400] =	vst v63  }
0x4a0: {  	_ =	swait.ge [sflag:s26], $0x200  }
0x4a1: {  	s30 =	sld [smem:$0x7D4]  }
0x4a2: {  	s31 =	sld [smem:$0x7FD];
	_ =	sdelay $0x1  }
0x4a3: {  	s4 =	sadd.s32 $0x1, s30  }
0x4a4: {  	s3 =	simm.s32 $0x8400;
	p0 =	sne.s32 s4, s31  }
.Ltmp1:
0x4a5: {  	s18 =	simm.s32 $0xA400;
	s5 =	simm.s32 $0x12400;
	(pc) =	sbr.rel @p0 .LBB2_1-.Ltmp1, $4  }
0x4a6: {  	s6 =	simm.s32 $0xB400;
	s7 =	simm.s32 $0x13400;
	s8 =	simm.s32 $0xC400  }
0x4a7: {  	s9 =	simm.s32 $0x14400;
	s10 =	simm.s32 $0xD400;
	s11 =	simm.s32 $0x15400  }
0x4a8: {  	s12 =	simm.s32 $0xE400;
	s13 =	simm.s32 $0x16400;
	[sflag:s26] =	ssyncset.done $0x0  }
0x4a9: {  	s14 =	simm.s32 $0xF400;
	s15 =	simm.s32 $0x17400;
	[sflag:s26] =	ssyncadd.s32 $0xFFFFFE00  }
0x4aa: {  	_ =	sfence.sel $0x180000  }
0x4ab: {  	[bflag:$0x0] =	sbarrier.arrive $0xFFFF  }
0x4ac: {  	_ =	strace $0x90000047  }
0x4ad: {  	s0 =	stileid.u32;
	[bflag:$0x2] =	sbarrier.arrive $0xFFFF  }
0x4ae: {  	p0 =	sne.s32 s0, $0x0;
	s0 =	rddreg [dreg:$0x5]  }
0x4af: {  	s0 =	sadd.s32 @!p0 $0x100000, s0  }
0x4b0: {  	[sflag:s0] =	ssyncadd.tile.s32 @!p0 $0x1;
	_ =	shalt  }
.Lfunc_end2:
_tile_overlayer_lowered:
.L_overlay_start_2:
0x4b1: {  	(tag) =	ssettag $0x2  }
0x4b2: {  	s0 =	rddreg [dreg:$0x0];
	s2 =	stileid.u32  }
0x4b3: {  	s1 =	rddreg [dreg:$0x1];
	p0 =	sne.s32 s2, $0x0  }
0x4b4: {  	s3 =	rddreg [dreg:$0x2];
	[bflag:$0x3] =	sbarrier.arrive $0xFFFF;
	s2 =	simm.s32 @!p0 $0x1C11  }
0x4b5: {  	[timem:s3], [sflag:s2] =	dma.local @!p0 [hbm:s0], s1  }
0x4b6: {  	s0 =	simm.s32 @!p0 $0x11  }
0x4b7: {  	_ =	swait.ge @!p0 [sflag:s0], s1  }
0x4b8: {  	s1 =	ssub.s32 @!p0 $0x0, s1;
	[sflag:s0] =	ssyncset.done @!p0 $0x0  }
0x4b9: {  	[sflag:s0] =	ssyncadd.s32 @!p0 s1  }
0x4ba: {  	[bflag:$0x3] =	sbarrier.arrive $0xFFFF  }
0x4bb: {  	_ =	shalt  }

</sc_bundles>
